<compile_context>
chip_gen: v7x
topology: tpu7x:2x2x1
jax: 0.10.2.dev20260603
libtpu: 0.0.44.dev20260713+nightly
codegen_flags: <defaults>
</compile_context>

<pallas_src>
import functools

import jax
import jax.numpy as jnp
from jax import lax
from jax.experimental import pallas as pl
from jax.experimental.pallas import tpu as pltpu
from jax.experimental.pallas import tpu_sc as plsc

NNODE = 10000
NPAD = 10240
NEDGE = 320000
CH = 128
CPT = 80
NTILES = 32
EP = CH * CPT * NTILES
RPT = NPAD // 16
HW = 8
BLK = 1280
GRID = NPAD // BLK
F_IN = 128
HID = 64
C = 40

_MESH = plsc.VectorSubcoreMesh(core_axis_name="c", subcore_axis_name="s")


def _f32(shape):
    return jax.ShapeDtypeStruct(shape, jnp.float32)


@functools.partial(
    pl.kernel,
    out_type=(_f32((2, NPAD, HW)), _f32((2, NPAD, HW)), _f32((2, NPAD, HW))),
    mesh=_MESH,
    scratch_types=[
        pltpu.VMEM((CPT, CH), jnp.int32),
        pltpu.VMEM((CH, HW), jnp.float32),
        pltpu.VMEM_SHARED((NPAD, HW), jnp.float32),
        pltpu.VMEM_SHARED((NPAD, HW), jnp.float32),
        pltpu.VMEM_SHARED((NPAD, HW), jnp.float32),
    ],
    compiler_params=pltpu.CompilerParams(use_tc_tiling_on_sc=False),
)
def _sc_hist(col_h, nid_h, hid_h, ones_h, zeros_h, deg_o, d_o, b_o,
             idx_v, ones_v, acc0, acc1, acc2):
    core = lax.axis_index("c")
    sid = lax.axis_index("s")
    wid = core * 16 + sid
    r0 = sid * RPT
    pltpu.sync_copy(ones_h, ones_v)
    pltpu.sync_copy(zeros_h.at[pl.ds(r0, RPT)], acc0.at[pl.ds(r0, RPT)])
    pltpu.sync_copy(zeros_h.at[pl.ds(r0, RPT)], acc1.at[pl.ds(r0, RPT)])
    pltpu.sync_copy(zeros_h.at[pl.ds(r0, RPT)], acc2.at[pl.ds(r0, RPT)])
    plsc.subcore_barrier()
    for ih, acc in ((col_h, acc0), (nid_h, acc1), (hid_h, acc2)):
        pltpu.sync_copy(ih.at[pl.ds(wid * CPT, CPT)], idx_v)

        def body(c, carry, acc=acc):
            pltpu.sync_copy(ones_v, acc.at[idx_v.at[c]], add=True)
            return carry

        lax.fori_loop(0, CPT, body, 0)
    plsc.subcore_barrier()
    for acc, out in ((acc0, deg_o), (acc1, d_o), (acc2, b_o)):
        pltpu.sync_copy(acc.at[pl.ds(r0, RPT)], out.at[core, pl.ds(r0, RPT)])


def _edge_pass(src_h, dst_h, tbl_h, acc, is_v, id_v, rb0, rb1, sem0, sem1, wid):
    pltpu.sync_copy(src_h.at[pl.ds(wid * CPT, CPT)], is_v)
    pltpu.sync_copy(dst_h.at[pl.ds(wid * CPT, CPT)], id_v)
    pltpu.async_copy(tbl_h.at[is_v.at[0]], rb0, sem0)
    pltpu.async_copy(tbl_h.at[is_v.at[1]], rb1, sem1)
    npair = CPT // 2

    def body(p, carry):
        c0 = 2 * p
        pltpu.make_async_copy(tbl_h.at[is_v.at[c0]], rb0, sem0).wait()
        pltpu.sync_copy(rb0, acc.at[id_v.at[c0]], add=True)

        @pl.when(p + 1 < npair)
        def _():
            pltpu.async_copy(tbl_h.at[is_v.at[c0 + 2]], rb0, sem0)

        pltpu.make_async_copy(tbl_h.at[is_v.at[c0 + 1]], rb1, sem1).wait()
        pltpu.sync_copy(rb1, acc.at[id_v.at[c0 + 1]], add=True)

        @pl.when(p + 1 < npair)
        def _():
            pltpu.async_copy(tbl_h.at[is_v.at[c0 + 3]], rb1, sem1)

        return carry

    lax.fori_loop(0, npair, body, 0)


def _make_sc_scatter(fs):
    n = len(fs)
    widths = sorted(set(fs))
    scratch = []
    for f in fs:
        scratch += [
            pltpu.VMEM((CPT, CH), jnp.int32),
            pltpu.VMEM((CPT, CH), jnp.int32),
            pltpu.VMEM((CH, f), jnp.float32),
            pltpu.VMEM((CH, f), jnp.float32),
        ]
    for f in widths:
        scratch.append(pltpu.VMEM_SHARED((NPAD, f), jnp.float32))
    scratch += [pltpu.SemaphoreType.DMA, pltpu.SemaphoreType.DMA]

    def body(*refs):
        ins = refs[: 4 * n]
        outs = refs[4 * n: 5 * n]
        scr = refs[5 * n:]
        sem0, sem1 = scr[-2], scr[-1]
        accs = {f: scr[4 * n + j] for j, f in enumerate(widths)}
        core = lax.axis_index("c")
        sid = lax.axis_index("s")
        wid = core * 16 + sid
        r0 = sid * RPT
        seen = set()
        for i in range(n):
            f = fs[i]
            if f in seen:
                continue
            seen.add(f)
            zeros_h = ins[4 * i + 3]
            pltpu.sync_copy(zeros_h.at[pl.ds(r0, RPT)],
                            accs[f].at[pl.ds(r0, RPT)])
        plsc.subcore_barrier()
        for i in range(n):
            src_h, dst_h, tbl_h, zeros_h = ins[4 * i: 4 * i + 4]
            is_v, id_v, rb0, rb1 = scr[4 * i: 4 * i + 4]
            acc = accs[fs[i]]
            _edge_pass(src_h, dst_h, tbl_h, acc, is_v, id_v, rb0, rb1,
                       sem0, sem1, wid)
            plsc.subcore_barrier()
            pltpu.sync_copy(acc.at[pl.ds(r0, RPT)],
                            outs[i].at[core, pl.ds(r0, RPT)])
            if fs[i] in [fj for fj in fs[i + 1:]]:
                pltpu.sync_copy(zeros_h.at[pl.ds(r0, RPT)],
                                acc.at[pl.ds(r0, RPT)])
            if i + 1 < n:
                plsc.subcore_barrier()

    return pl.kernel(
        body,
        out_type=tuple(_f32((2, NPAD, f)) for f in fs),
        mesh=_MESH,
        scratch_types=scratch,
        compiler_params=pltpu.CompilerParams(use_tc_tiling_on_sc=False),
    )


_sc_pass_64 = _make_sc_scatter((HID,))
_sc_pass_40 = _make_sc_scatter((C,))


def _row_spec(f):
    return pl.BlockSpec((BLK, f), lambda i: (i, 0))


def _part_spec(f):
    return pl.BlockSpec((2, BLK, f), lambda i: (0, i, 0))


def _full_spec(shape):
    return pl.BlockSpec(shape, lambda i: tuple(0 for _ in shape))


def _tc1_body(x_ref, wg_ref, wh_ref, deg_ref, d_ref, b_ref,
              y1_ref, xh1_ref, dinv_ref, dinvh_ref, binv_ref):
    x = x_ref[...]
    deg = deg_ref[0, :, 0:1] + deg_ref[1, :, 0:1] + 1.0
    dinv = lax.rsqrt(deg)
    dd = d_ref[0, :, 0:1] + d_ref[1, :, 0:1]
    bb = b_ref[0, :, 0:1] + b_ref[1, :, 0:1]
    y1_ref[...] = dinv * jnp.dot(x, wg_ref[...], preferred_element_type=jnp.float32)
    xh1_ref[...] = jnp.dot(x, wh_ref[...], preferred_element_type=jnp.float32)
    dinv_ref[...] = dinv
    dinvh_ref[...] = jnp.where(dd > 0, 1.0 / dd, 0.0)
    binv_ref[...] = jnp.where(bb > 0, 1.0 / bb, 0.0)


def _tc1(x_pad, wg1, wh1, deg_p, d_p, b_p):
    return pl.pallas_call(
        _tc1_body,
        grid=(GRID,),
        in_specs=[_row_spec(F_IN), _full_spec((F_IN, HID)), _full_spec((F_IN, HID)),
                  _part_spec(1), _part_spec(1), _part_spec(1)],
        out_specs=[_row_spec(HID), _row_spec(HID), _row_spec(1), _row_spec(1), _row_spec(1)],
        out_shape=[_f32((NPAD, HID)), _f32((NPAD, HID)), _f32((NPAD, 1)),
                   _f32((NPAD, 1)), _f32((NPAD, 1))],
    )(x_pad, wg1, wh1, deg_p, d_p, b_p)


def _tc2_body(s1_ref, t1_ref, y1_ref, dinv_ref, binv_ref, bg1_ref, wg2_ref,
              y2_ref, ef1_ref):
    dinv = dinv_ref[...]
    xg1 = jnp.maximum(dinv * (s1_ref[0] + s1_ref[1] + y1_ref[...]) + bg1_ref[...], 0.0)
    y2_ref[...] = dinv * jnp.dot(xg1, wg2_ref[...], preferred_element_type=jnp.float32)
    ef1_ref[...] = binv_ref[...] * (t1_ref[0] + t1_ref[1])


def _tc2(s1_p, t1_p, y1, dinv, binv, bg1, wg2):
    return pl.pallas_call(
        _tc2_body,
        grid=(GRID,),
        in_specs=[_part_spec(HID), _part_spec(HID), _row_spec(HID), _row_spec(1),
                  _row_spec(1), _full_spec((1, HID)), _full_spec((HID, C))],
        out_specs=[_row_spec(C), _row_spec(HID)],
        out_shape=[_f32((NPAD, C)), _f32((NPAD, HID))],
    )(s1_p, t1_p, y1, dinv, binv, bg1, wg2)


def _tc3_body(u1_ref, s2_ref, y2_ref, dinv_ref, dinvh_ref, bh1_ref, wh2_ref,
              bg2_ref, xh2_ref, xg2_ref):
    xhyp1 = jnp.maximum(dinvh_ref[...] * (u1_ref[0] + u1_ref[1]) + bh1_ref[...], 0.0)
    xh2_ref[...] = jnp.dot(xhyp1, wh2_ref[...], preferred_element_type=jnp.float32)
    xg2_ref[...] = dinv_ref[...] * (s2_ref[0] + s2_ref[1] + y2_ref[...]) + bg2_ref[...]


def _tc3(u1_p, s2_p, y2, dinv, dinvh, bh1, wh2, bg2):
    return pl.pallas_call(
        _tc3_body,
        grid=(GRID,),
        in_specs=[_part_spec(HID), _part_spec(C), _row_spec(C), _row_spec(1),
                  _row_spec(1), _full_spec((1, HID)), _full_spec((HID, C)),
                  _full_spec((1, C))],
        out_specs=[_row_spec(C), _row_spec(C)],
        out_shape=[_f32((NPAD, C)), _f32((NPAD, C))],
    )(u1_p, s2_p, y2, dinv, dinvh, bh1, wh2, bg2)


def _tc4_body(t2_ref, binv_ref, ef2_ref):
    ef2_ref[...] = binv_ref[...] * (t2_ref[0] + t2_ref[1])


def _tc4(t2_p, binv):
    return pl.pallas_call(
        _tc4_body,
        grid=(GRID,),
        in_specs=[_part_spec(C), _row_spec(1)],
        out_specs=[_row_spec(C)],
        out_shape=[_f32((NPAD, C))],
    )(t2_p, binv)[0]


def _tc5_body(u2_ref, dinvh_ref, bh2_ref, xg2_ref, wlp_ref, blp_ref, out_ref):
    xhyp2 = dinvh_ref[...] * (u2_ref[0] + u2_ref[1]) + bh2_ref[...]
    cat = jnp.concatenate([xg2_ref[...], xhyp2], axis=1)
    o = jnp.dot(cat, wlp_ref[...], preferred_element_type=jnp.float32) + blp_ref[...]
    m = jnp.max(o, axis=1, keepdims=True)
    s = o - m
    out_ref[...] = s - jnp.log(jnp.sum(jnp.exp(s), axis=1, keepdims=True))


def _tc5(u2_p, dinvh, bh2, xg2, wlp, blp):
    blk5 = NNODE // 5
    return pl.pallas_call(
        _tc5_body,
        grid=(5,),
        in_specs=[pl.BlockSpec((2, blk5, C), lambda i: (0, i, 0)),
                  pl.BlockSpec((blk5, 1), lambda i: (i, 0)),
                  _full_spec((1, C)),
                  pl.BlockSpec((blk5, C), lambda i: (i, 0)),
                  _full_spec((2 * C, C)), _full_spec((1, C))],
        out_specs=[pl.BlockSpec((blk5, C), lambda i: (i, 0))],
        out_shape=[_f32((NNODE, C))],
    )(u2_p, dinvh, bh2, xg2, wlp, blp)[0]


def kernel(x, edge_index, hyperedge_index, W_gcn1, b_gcn1, W_hyp1, b_hyp1,
           W_gcn2, b_gcn2, W_hyp2, b_hyp2, W_lp, b_lp):
    f32 = jnp.float32
    pad = NNODE + (jnp.arange(EP - NEDGE, dtype=jnp.int32) % (NPAD - NNODE))

    def prep(a):
        return jnp.concatenate([a.astype(jnp.int32), pad]).reshape(NTILES * CPT, CH)

    row_p = prep(edge_index[0])
    col_p = prep(edge_index[1])
    nid_p = prep(hyperedge_index[0])
    hid_p = prep(hyperedge_index[1])
    x_pad = jnp.zeros((NPAD, F_IN), f32).at[:NNODE].set(x)
    ones8 = jnp.ones((CH, HW), f32)
    zeros8 = jnp.zeros((NPAD, HW), f32)
    z64 = jnp.zeros((NPAD, HID), f32)
    z40 = jnp.zeros((NPAD, C), f32)
    bg1 = b_gcn1.reshape(1, HID)
    bh1 = b_hyp1.reshape(1, HID)
    bg2 = b_gcn2.reshape(1, C)
    bh2 = b_hyp2.reshape(1, C)
    blp = b_lp.reshape(1, C)

    deg_p, d_p, b_p = _sc_hist(col_p, nid_p, hid_p, ones8, zeros8)
    deg_p, d_p, b_p = deg_p[:, :, :1], d_p[:, :, :1], b_p[:, :, :1]
    y1, xh1, dinv, dinvh, binv = _tc1(x_pad, W_gcn1, W_hyp1, deg_p, d_p, b_p)
    (s1_p,) = _sc_pass_64(row_p, col_p, y1, z64)
    (t1_p,) = _sc_pass_64(nid_p, hid_p, xh1, z64)
    y2, ef1 = _tc2(s1_p, t1_p, y1, dinv, binv, bg1, W_gcn2)
    (u1_p,) = _sc_pass_64(hid_p, nid_p, ef1, z64)
    (s2_p,) = _sc_pass_40(row_p, col_p, y2, z40)
    xh2, xg2 = _tc3(u1_p, s2_p, y2, dinv, dinvh, bh1, W_hyp2, bg2)
    (t2_p,) = _sc_pass_40(nid_p, hid_p, xh2, z40)
    ef2 = _tc4(t2_p, binv)
    (u2_p,) = _sc_pass_40(hid_p, nid_p, ef2, z40)
    return _tc5(u2_p, dinvh, bh2, xg2, W_lp, blp)

# --- scband reference (transcript-rebuilt; emitter-appended) ---
"""Pipeline reference for scband-lpgcnhyper-gcn-37838661877980 (READ-ONLY COPY).

The authoritative reference and input builder live on the scoring server;
editing this copy changes nothing except your own understanding.
"""

import jax, jax.numpy as jnp
import numpy as np

N = 10000
E = 320000
F_IN = 128
HID = 64
C = 40


def gcn_conv(x, edge_index, W, b, num_nodes):
    # PyG GCNConv: add self loops, symmetric normalization, scatter-add aggregation
    loop = jnp.arange(num_nodes)
    row = jnp.concatenate([edge_index[0], loop])
    col = jnp.concatenate([edge_index[1], loop])
    xw = x @ W
    deg = jnp.zeros((num_nodes,), dtype=x.dtype).at[col].add(1.0)
    dinv = jnp.where(deg > 0, deg ** -0.5, 0.0)
    norm = dinv[row] * dinv[col]
    out = jnp.zeros_like(xw).at[col].add(norm[:, None] * xw[row])
    return out + b


def hypergraph_conv(x, hyperedge_index, W, b, num_nodes, num_hyperedges):
    # PyG HypergraphConv: X' = D^-1 H W B H^T X Theta + bias (hyperedge_weight = ones)
    xw = x @ W
    node_idx = hyperedge_index[0]
    edge_idx = hyperedge_index[1]
    D = jnp.zeros((num_nodes,), dtype=x.dtype).at[node_idx].add(1.0)
    Dinv = jnp.where(D > 0, 1.0 / D, 0.0)
    B = jnp.zeros((num_hyperedges,), dtype=x.dtype).at[edge_idx].add(1.0)
    Binv = jnp.where(B > 0, 1.0 / B, 0.0)
    # node -> hyperedge aggregation with norm B at target hyperedge
    edge_feat = jnp.zeros((num_hyperedges, xw.shape[1]), dtype=x.dtype).at[edge_idx].add(Binv[edge_idx][:, None] * xw[node_idx])
    # hyperedge -> node aggregation with norm D at target node
    out = jnp.zeros((num_nodes, xw.shape[1]), dtype=x.dtype).at[node_idx].add(Dinv[node_idx][:, None] * edge_feat[edge_idx])
    return out + b


def glorot(key, shape):
    fan_in, fan_out = shape[0], shape[1]
    limit = np.sqrt(6.0 / (fan_in + fan_out))
    return jax.random.uniform(key, shape, dtype=jnp.float32, minval=-limit, maxval=limit)


def setup_inputs(seed: int = 0) -> dict:
    key = jax.random.key(seed)
    ks = jax.random.split(key, 16)
    x = jax.random.normal(ks[0], (N, F_IN), dtype=jnp.float32)
    edge_index = jax.random.randint(ks[1], (2, E), 0, N, dtype=jnp.int64)
    hyperedge_index = jax.random.randint(ks[2], (2, E), 0, N, dtype=jnp.int64)
    return {
        'x': x,
        'edge_index': edge_index,
        'hyperedge_index': hyperedge_index,
        'W_gcn1': glorot(ks[3], (F_IN, HID)),
        'b_gcn1': jnp.zeros((HID,), dtype=jnp.float32),
        'W_hyp1': glorot(ks[4], (F_IN, HID)),
        'b_hyp1': jnp.zeros((HID,), dtype=jnp.float32),
        'W_gcn2': glorot(ks[5], (HID, C)),
        'b_gcn2': jnp.zeros((C,), dtype=jnp.float32),
        'W_hyp2': glorot(ks[6], (HID, C)),
        'b_hyp2': jnp.zeros((C,), dtype=jnp.float32),
        'W_lp': glorot(ks[7], (2 * C, C)),
        'b_lp': jnp.zeros((C,), dtype=jnp.float32),
    }


def reference(x, edge_index, hyperedge_index, W_gcn1, b_gcn1, W_hyp1, b_hyp1, W_gcn2, b_gcn2, W_hyp2, b_hyp2, W_lp, b_lp):
    x_gcn = jax.nn.relu(gcn_conv(x, edge_index, W_gcn1, b_gcn1, N))
    x_hyp = jax.nn.relu(hypergraph_conv(x, hyperedge_index, W_hyp1, b_hyp1, N, N))
    # dropout is identity in eval mode
    x_gcn = gcn_conv(x_gcn, edge_index, W_gcn2, b_gcn2, N)
    x_hyp = hypergraph_conv(x_hyp, hyperedge_index, W_hyp2, b_hyp2, N, N)
    cat = jnp.concatenate([x_gcn, x_hyp], axis=1)
    out = cat @ W_lp + b_lp
    return jax.nn.log_softmax(out, axis=1)

if __name__ == "__main__":
    import jax
    _d = setup_inputs()
    print(jax.jit(kernel)(*tuple(_d.values())))

</pallas_src>

<mosaic_0001>
#map = affine_map<(d0, d1) -> (0, 0)>
#map1 = affine_map<(d0, d1) -> (0, 0, 0)>
module attributes {stable_mosaic.version = 14 : i64} {
  func.func @body(%arg0: i32, %arg1: i32, %arg2: memref<2560x128xi32, #tpu.memory_space<hbm>>, %arg3: memref<2560x128xi32, #tpu.memory_space<hbm>>, %arg4: memref<10240x64xf32, #tpu.memory_space<hbm>>, %arg5: memref<10240x64xf32, #tpu.memory_space<hbm>>, %arg6: memref<2x10240x64xf32, #tpu.memory_space<hbm>>, %arg7: memref<80x128xi32, #tpu.memory_space<vmem>>, %arg8: memref<80x128xi32, #tpu.memory_space<vmem>>, %arg9: memref<128x64xf32, #tpu.memory_space<vmem>>, %arg10: memref<128x64xf32, #tpu.memory_space<vmem>>, %arg11: memref<10240x64xf32, #tpu.memory_space<vmem_shared>>, %arg12: memref<!tpu.dma_semaphore, #tpu.memory_space<semaphore_mem>>, %arg13: memref<!tpu.dma_semaphore, #tpu.memory_space<semaphore_mem>>) attributes {dimension_semantics = [#tpu.dimension_semantics<core_parallel>, #tpu.dimension_semantics<subcore_parallel>], iteration_bounds = array<i64: 2, 16>, scalar_prefetch = 0 : i64, scratch_operands = 7 : i64, tpu.core_type = #tpu.core_type<sc_vector_subcore>, window_params = [{transform_indices = #map}, {transform_indices = #map}, {transform_indices = #map}, {transform_indices = #map}, {transform_indices = #map1}]} {
    %mul3A = arith.constant 16 : i32
    %mul3A_0 = arith.muli %arg0, %mul3A : i32
    %add3A = arith.addi %mul3A_0, %arg1 : i32
    %mul3A_1 = arith.constant 640 : i32
    %mul3A_2 = arith.muli %arg1, %mul3A_1 : i32
    "tpu.region"() ({
      %run_scoped3A = tpu.sem_alloc : memref<!tpu.dma_semaphore, #tpu.memory_space<semaphore_mem>>
      %dma_start3A_26 = arith.constant 0 : i32
      %dma_start3A_27 = tpu.memref_slice %arg11[%mul3A_2, %dma_start3A_26] : memref<10240x64xf32, #tpu.memory_space<vmem_shared>> -> memref<640x64xf32, #tpu.memory_space<vmem_shared>>
      %dma_start3A_28 = arith.constant 0 : i32
      %dma_start3A_29 = tpu.memref_slice %arg5[%mul3A_2, %dma_start3A_28] : memref<10240x64xf32, #tpu.memory_space<hbm>> -> memref<640x64xf32, #tpu.memory_space<hbm>>
      tpu.enqueue_dma source(%dma_start3A_29 : memref<640x64xf32, #tpu.memory_space<hbm>>) target(%dma_start3A_27 : memref<640x64xf32, #tpu.memory_space<vmem_shared>>) target_semaphore(%run_scoped3A : memref<!tpu.dma_semaphore, #tpu.memory_space<semaphore_mem>>)
      %dma_wait3A = arith.constant 0 : i32
      %dma_wait3A_30 = tpu.memref_slice %arg11[%mul3A_2, %dma_wait3A] : memref<10240x64xf32, #tpu.memory_space<vmem_shared>> -> memref<640x64xf32, #tpu.memory_space<vmem_shared>>
      %dma_wait3A_31 = arith.constant 0 : i32
      %dma_wait3A_32 = tpu.memref_slice %arg5[%mul3A_2, %dma_wait3A_31] : memref<10240x64xf32, #tpu.memory_space<hbm>> -> memref<640x64xf32, #tpu.memory_space<hbm>>
      tpu.wait_dma2 semaphore(%run_scoped3A : memref<!tpu.dma_semaphore, #tpu.memory_space<semaphore_mem>>) src(%dma_wait3A_32 : memref<640x64xf32, #tpu.memory_space<hbm>>) dst(%dma_wait3A_30 : memref<640x64xf32, #tpu.memory_space<vmem_shared>>)
      tpu.yield
    }) : () -> ()
    %barrier3A = arith.constant 0 : index
    tpu.barrier barrier_id(%barrier3A)
    %mul3A_3 = arith.constant 80 : i32
    %mul3A_4 = arith.muli %add3A, %mul3A_3 : i32
    "tpu.region"() ({
      %run_scoped3A = tpu.sem_alloc : memref<!tpu.dma_semaphore, #tpu.memory_space<semaphore_mem>>
      %dma_start3A_26 = arith.constant 0 : i32
      %dma_start3A_27 = tpu.memref_slice %arg2[%mul3A_4, %dma_start3A_26] : memref<2560x128xi32, #tpu.memory_space<hbm>> -> memref<80x128xi32, #tpu.memory_space<hbm>>
      %dma_start3A_28 = arith.constant 0 : i32
      %dma_start3A_29 = tpu.memref_slice %arg2[%mul3A_4, %dma_start3A_28] : memref<2560x128xi32, #tpu.memory_space<hbm>> -> memref<80x128xi32, #tpu.memory_space<hbm>>
      tpu.enqueue_dma source(%dma_start3A_29 : memref<80x128xi32, #tpu.memory_space<hbm>>) target(%arg7 : memref<80x128xi32, #tpu.memory_space<vmem>>) target_semaphore(%run_scoped3A : memref<!tpu.dma_semaphore, #tpu.memory_space<semaphore_mem>>)
      %dma_wait3A = arith.constant 0 : i32
      %dma_wait3A_30 = tpu.memref_slice %arg2[%mul3A_4, %dma_wait3A] : memref<2560x128xi32, #tpu.memory_space<hbm>> -> memref<80x128xi32, #tpu.memory_space<hbm>>
      %dma_wait3A_31 = arith.constant 0 : i32
      %dma_wait3A_32 = tpu.memref_slice %arg2[%mul3A_4, %dma_wait3A_31] : memref<2560x128xi32, #tpu.memory_space<hbm>> -> memref<80x128xi32, #tpu.memory_space<hbm>>
      tpu.wait_dma2 semaphore(%run_scoped3A : memref<!tpu.dma_semaphore, #tpu.memory_space<semaphore_mem>>) src(%dma_wait3A_32 : memref<80x128xi32, #tpu.memory_space<hbm>>) dst(%arg7 : memref<80x128xi32, #tpu.memory_space<vmem>>)
      tpu.yield
    }) : () -> ()
    %mul3A_5 = arith.constant 80 : i32
    %mul3A_6 = arith.muli %add3A, %mul3A_5 : i32
    "tpu.region"() ({
      %run_scoped3A = tpu.sem_alloc : memref<!tpu.dma_semaphore, #tpu.memory_space<semaphore_mem>>
      %dma_start3A_26 = arith.constant 0 : i32
      %dma_start3A_27 = tpu.memref_slice %arg3[%mul3A_6, %dma_start3A_26] : memref<2560x128xi32, #tpu.memory_space<hbm>> -> memref<80x128xi32, #tpu.memory_space<hbm>>
      %dma_start3A_28 = arith.constant 0 : i32
      %dma_start3A_29 = tpu.memref_slice %arg3[%mul3A_6, %dma_start3A_28] : memref<2560x128xi32, #tpu.memory_space<hbm>> -> memref<80x128xi32, #tpu.memory_space<hbm>>
      tpu.enqueue_dma source(%dma_start3A_29 : memref<80x128xi32, #tpu.memory_space<hbm>>) target(%arg8 : memref<80x128xi32, #tpu.memory_space<vmem>>) target_semaphore(%run_scoped3A : memref<!tpu.dma_semaphore, #tpu.memory_space<semaphore_mem>>)
      %dma_wait3A = arith.constant 0 : i32
      %dma_wait3A_30 = tpu.memref_slice %arg3[%mul3A_6, %dma_wait3A] : memref<2560x128xi32, #tpu.memory_space<hbm>> -> memref<80x128xi32, #tpu.memory_space<hbm>>
      %dma_wait3A_31 = arith.constant 0 : i32
      %dma_wait3A_32 = tpu.memref_slice %arg3[%mul3A_6, %dma_wait3A_31] : memref<2560x128xi32, #tpu.memory_space<hbm>> -> memref<80x128xi32, #tpu.memory_space<hbm>>
      tpu.wait_dma2 semaphore(%run_scoped3A : memref<!tpu.dma_semaphore, #tpu.memory_space<semaphore_mem>>) src(%dma_wait3A_32 : memref<80x128xi32, #tpu.memory_space<hbm>>) dst(%arg8 : memref<80x128xi32, #tpu.memory_space<vmem>>)
      tpu.yield
    }) : () -> ()
    %dma_start3A = arith.constant 0 : i32
    %dma_start3A_7 = arith.constant 0 : i32
    %dma_start3A_8 = tpu.memref_slice %arg7[%dma_start3A, %dma_start3A_7] : memref<80x128xi32, #tpu.memory_space<vmem>> -> memref<1x128xi32, #tpu.memory_space<vmem>>
    %dma_start3A_9 = tpu.memref_squeeze %dma_start3A_8 : memref<1x128xi32, #tpu.memory_space<vmem>> -> memref<128xi32, #tpu.memory_space<vmem>>
    %dma_start3A_10 = arith.constant 0 : i32
    %dma_start3A_11 = arith.constant 0 : i32
    %dma_start3A_12 = tpu.memref_slice %arg4[%dma_start3A_10, %dma_start3A_11] : memref<10240x64xf32, #tpu.memory_space<hbm>> -> memref<10240x64xf32, #tpu.memory_space<hbm>>
    tpu.enqueue_indirect_dma source(%dma_start3A_12 : memref<10240x64xf32, #tpu.memory_space<hbm>>) target(%arg9 : memref<128x64xf32, #tpu.memory_space<vmem>>) offsets(%dma_start3A_9 : memref<128xi32, #tpu.memory_space<vmem>>) semaphore(%arg12 : memref<!tpu.dma_semaphore, #tpu.memory_space<semaphore_mem>>)
    %dma_start3A_13 = arith.constant 1 : i32
    %dma_start3A_14 = arith.constant 0 : i32
    %dma_start3A_15 = tpu.memref_slice %arg7[%dma_start3A_13, %dma_start3A_14] : memref<80x128xi32, #tpu.memory_space<vmem>> -> memref<1x128xi32, #tpu.memory_space<vmem>>
    %dma_start3A_16 = tpu.memref_squeeze %dma_start3A_15 : memref<1x128xi32, #tpu.memory_space<vmem>> -> memref<128xi32, #tpu.memory_space<vmem>>
    %dma_start3A_17 = arith.constant 0 : i32
    %dma_start3A_18 = arith.constant 0 : i32
    %dma_start3A_19 = tpu.memref_slice %arg4[%dma_start3A_17, %dma_start3A_18] : memref<10240x64xf32, #tpu.memory_space<hbm>> -> memref<10240x64xf32, #tpu.memory_space<hbm>>
    tpu.enqueue_indirect_dma source(%dma_start3A_19 : memref<10240x64xf32, #tpu.memory_space<hbm>>) target(%arg10 : memref<128x64xf32, #tpu.memory_space<vmem>>) offsets(%dma_start3A_16 : memref<128xi32, #tpu.memory_space<vmem>>) semaphore(%arg13 : memref<!tpu.dma_semaphore, #tpu.memory_space<semaphore_mem>>)
    %scan3A = arith.constant 0 : i32
    %scan3A_20 = arith.constant 0 : i32
    %scan3A_21 = arith.constant 40 : i32
    %scan3A_22 = arith.addi %scan3A_20, %scan3A_21 : i32
    %scan3A_23 = arith.constant 1 : i32
    scf.for %scan3A_26 = %scan3A_20 to %scan3A_22 step %scan3A_23  : i32 {
      %mul3A_27 = arith.constant 2 : i32
      %mul3A_28 = arith.muli %mul3A_27, %scan3A_26 : i32
      %dma_wait3A = arith.constant 0 : i32
      %dma_wait3A_29 = tpu.memref_slice %arg7[%mul3A_28, %dma_wait3A] : memref<80x128xi32, #tpu.memory_space<vmem>> -> memref<1x128xi32, #tpu.memory_space<vmem>>
      %dma_wait3A_30 = tpu.memref_squeeze %dma_wait3A_29 : memref<1x128xi32, #tpu.memory_space<vmem>> -> memref<128xi32, #tpu.memory_space<vmem>>
      %dma_wait3A_31 = arith.constant 0 : i32
      %dma_wait3A_32 = arith.constant 0 : i32
      %dma_wait3A_33 = tpu.memref_slice %arg4[%dma_wait3A_31, %dma_wait3A_32] : memref<10240x64xf32, #tpu.memory_space<hbm>> -> memref<10240x64xf32, #tpu.memory_space<hbm>>
      tpu.wait_indirect_dma semaphore(%arg12 : memref<!tpu.dma_semaphore, #tpu.memory_space<semaphore_mem>>) src(%dma_wait3A_33 : memref<10240x64xf32, #tpu.memory_space<hbm>>) dst(%arg9 : memref<128x64xf32, #tpu.memory_space<vmem>>)
      "tpu.region"() ({
        %run_scoped3A = tpu.sem_alloc : memref<!tpu.dma_semaphore, #tpu.memory_space<semaphore_mem>>
        %dma_start3A_55 = arith.constant 0 : i32
        %dma_start3A_56 = tpu.memref_slice %arg8[%mul3A_28, %dma_start3A_55] : memref<80x128xi32, #tpu.memory_space<vmem>> -> memref<1x128xi32, #tpu.memory_space<vmem>>
        %dma_start3A_57 = tpu.memref_squeeze %dma_start3A_56 : memref<1x128xi32, #tpu.memory_space<vmem>> -> memref<128xi32, #tpu.memory_space<vmem>>
        %dma_start3A_58 = arith.constant 0 : i32
        %dma_start3A_59 = arith.constant 0 : i32
        %dma_start3A_60 = tpu.memref_slice %arg11[%dma_start3A_58, %dma_start3A_59] : memref<10240x64xf32, #tpu.memory_space<vmem_shared>> -> memref<10240x64xf32, #tpu.memory_space<vmem_shared>>
        tpu.enqueue_indirect_dma source(%arg9 : memref<128x64xf32, #tpu.memory_space<vmem>>) target(%dma_start3A_60 : memref<10240x64xf32, #tpu.memory_space<vmem_shared>>) offsets(%dma_start3A_57 : memref<128xi32, #tpu.memory_space<vmem>>) semaphore(%run_scoped3A : memref<!tpu.dma_semaphore, #tpu.memory_space<semaphore_mem>>) {add = true}
        %dma_wait3A_61 = arith.constant 0 : i32
        %dma_wait3A_62 = tpu.memref_slice %arg8[%mul3A_28, %dma_wait3A_61] : memref<80x128xi32, #tpu.memory_space<vmem>> -> memref<1x128xi32, #tpu.memory_space<vmem>>
        %dma_wait3A_63 = tpu.memref_squeeze %dma_wait3A_62 : memref<1x128xi32, #tpu.memory_space<vmem>> -> memref<128xi32, #tpu.memory_space<vmem>>
        %dma_wait3A_64 = arith.constant 0 : i32
        %dma_wait3A_65 = arith.constant 0 : i32
        %dma_wait3A_66 = tpu.memref_slice %arg11[%dma_wait3A_64, %dma_wait3A_65] : memref<10240x64xf32, #tpu.memory_space<vmem_shared>> -> memref<10240x64xf32, #tpu.memory_space<vmem_shared>>
        tpu.wait_indirect_dma semaphore(%run_scoped3A : memref<!tpu.dma_semaphore, #tpu.memory_space<semaphore_mem>>) src(%arg9 : memref<128x64xf32, #tpu.memory_space<vmem>>) dst(%dma_wait3A_66 : memref<10240x64xf32, #tpu.memory_space<vmem_shared>>)
        tpu.yield
      }) : () -> ()
      %add3A_34 = arith.constant 1 : i32
      %add3A_35 = arith.addi %scan3A_26, %add3A_34 : i32
      %lt3A = arith.constant 40 : i32
      %lt3A_36 = arith.cmpi slt, %add3A_35, %lt3A : i32
      %convert_element_type3A = arith.extui %lt3A_36 : i1 to i32
      %cond3A = arith.constant 0 : i32
      %cond3A_37 = arith.cmpi ne, %convert_element_type3A, %cond3A : i32
      scf.if %cond3A_37 {
        %add3A_55 = arith.constant 2 : i32
        %add3A_56 = arith.addi %mul3A_28, %add3A_55 : i32
        %dma_start3A_57 = arith.constant 0 : i32
        %dma_start3A_58 = tpu.memref_slice %arg7[%add3A_56, %dma_start3A_57] : memref<80x128xi32, #tpu.memory_space<vmem>> -> memref<1x128xi32, #tpu.memory_space<vmem>>
        %dma_start3A_59 = tpu.memref_squeeze %dma_start3A_58 : memref<1x128xi32, #tpu.memory_space<vmem>> -> memref<128xi32, #tpu.memory_space<vmem>>
        %dma_start3A_60 = arith.constant 0 : i32
        %dma_start3A_61 = arith.constant 0 : i32
        %dma_start3A_62 = tpu.memref_slice %arg4[%dma_start3A_60, %dma_start3A_61] : memref<10240x64xf32, #tpu.memory_space<hbm>> -> memref<10240x64xf32, #tpu.memory_space<hbm>>
        tpu.enqueue_indirect_dma source(%dma_start3A_62 : memref<10240x64xf32, #tpu.memory_space<hbm>>) target(%arg9 : memref<128x64xf32, #tpu.memory_space<vmem>>) offsets(%dma_start3A_59 : memref<128xi32, #tpu.memory_space<vmem>>) semaphore(%arg12 : memref<!tpu.dma_semaphore, #tpu.memory_space<semaphore_mem>>)
      } else {
      }
      %add3A_38 = arith.constant 1 : i32
      %add3A_39 = arith.addi %mul3A_28, %add3A_38 : i32
      %dma_wait3A_40 = arith.constant 0 : i32
      %dma_wait3A_41 = tpu.memref_slice %arg7[%add3A_39, %dma_wait3A_40] : memref<80x128xi32, #tpu.memory_space<vmem>> -> memref<1x128xi32, #tpu.memory_space<vmem>>
      %dma_wait3A_42 = tpu.memref_squeeze %dma_wait3A_41 : memref<1x128xi32, #tpu.memory_space<vmem>> -> memref<128xi32, #tpu.memory_space<vmem>>
      %dma_wait3A_43 = arith.constant 0 : i32
      %dma_wait3A_44 = arith.constant 0 : i32
      %dma_wait3A_45 = tpu.memref_slice %arg4[%dma_wait3A_43, %dma_wait3A_44] : memref<10240x64xf32, #tpu.memory_space<hbm>> -> memref<10240x64xf32, #tpu.memory_space<hbm>>
      tpu.wait_indirect_dma semaphore(%arg13 : memref<!tpu.dma_semaphore, #tpu.memory_space<semaphore_mem>>) src(%dma_wait3A_45 : memref<10240x64xf32, #tpu.memory_space<hbm>>) dst(%arg10 : memref<128x64xf32, #tpu.memory_space<vmem>>)
      %add3A_46 = arith.constant 1 : i32
      %add3A_47 = arith.addi %mul3A_28, %add3A_46 : i32
      "tpu.region"() ({
        %run_scoped3A = tpu.sem_alloc : memref<!tpu.dma_semaphore, #tpu.memory_space<semaphore_mem>>
        %dma_start3A_55 = arith.constant 0 : i32
        %dma_start3A_56 = tpu.memref_slice %arg8[%add3A_47, %dma_start3A_55] : memref<80x128xi32, #tpu.memory_space<vmem>> -> memref<1x128xi32, #tpu.memory_space<vmem>>
        %dma_start3A_57 = tpu.memref_squeeze %dma_start3A_56 : memref<1x128xi32, #tpu.memory_space<vmem>> -> memref<128xi32, #tpu.memory_space<vmem>>
        %dma_start3A_58 = arith.constant 0 : i32
        %dma_start3A_59 = arith.constant 0 : i32
        %dma_start3A_60 = tpu.memref_slice %arg11[%dma_start3A_58, %dma_start3A_59] : memref<10240x64xf32, #tpu.memory_space<vmem_shared>> -> memref<10240x64xf32, #tpu.memory_space<vmem_shared>>
        tpu.enqueue_indirect_dma source(%arg10 : memref<128x64xf32, #tpu.memory_space<vmem>>) target(%dma_start3A_60 : memref<10240x64xf32, #tpu.memory_space<vmem_shared>>) offsets(%dma_start3A_57 : memref<128xi32, #tpu.memory_space<vmem>>) semaphore(%run_scoped3A : memref<!tpu.dma_semaphore, #tpu.memory_space<semaphore_mem>>) {add = true}
        %dma_wait3A_61 = arith.constant 0 : i32
        %dma_wait3A_62 = tpu.memref_slice %arg8[%add3A_47, %dma_wait3A_61] : memref<80x128xi32, #tpu.memory_space<vmem>> -> memref<1x128xi32, #tpu.memory_space<vmem>>
        %dma_wait3A_63 = tpu.memref_squeeze %dma_wait3A_62 : memref<1x128xi32, #tpu.memory_space<vmem>> -> memref<128xi32, #tpu.memory_space<vmem>>
        %dma_wait3A_64 = arith.constant 0 : i32
        %dma_wait3A_65 = arith.constant 0 : i32
        %dma_wait3A_66 = tpu.memref_slice %arg11[%dma_wait3A_64, %dma_wait3A_65] : memref<10240x64xf32, #tpu.memory_space<vmem_shared>> -> memref<10240x64xf32, #tpu.memory_space<vmem_shared>>
        tpu.wait_indirect_dma semaphore(%run_scoped3A : memref<!tpu.dma_semaphore, #tpu.memory_space<semaphore_mem>>) src(%arg10 : memref<128x64xf32, #tpu.memory_space<vmem>>) dst(%dma_wait3A_66 : memref<10240x64xf32, #tpu.memory_space<vmem_shared>>)
        tpu.yield
      }) : () -> ()
      %add3A_48 = arith.constant 1 : i32
      %add3A_49 = arith.addi %scan3A_26, %add3A_48 : i32
      %lt3A_50 = arith.constant 40 : i32
      %lt3A_51 = arith.cmpi slt, %add3A_49, %lt3A_50 : i32
      %convert_element_type3A_52 = arith.extui %lt3A_51 : i1 to i32
      %cond3A_53 = arith.constant 0 : i32
      %cond3A_54 = arith.cmpi ne, %convert_element_type3A_52, %cond3A_53 : i32
      scf.if %cond3A_54 {
        %add3A_55 = arith.constant 3 : i32
        %add3A_56 = arith.addi %mul3A_28, %add3A_55 : i32
        %dma_start3A_57 = arith.constant 0 : i32
        %dma_start3A_58 = tpu.memref_slice %arg7[%add3A_56, %dma_start3A_57] : memref<80x128xi32, #tpu.memory_space<vmem>> -> memref<1x128xi32, #tpu.memory_space<vmem>>
        %dma_start3A_59 = tpu.memref_squeeze %dma_start3A_58 : memref<1x128xi32, #tpu.memory_space<vmem>> -> memref<128xi32, #tpu.memory_space<vmem>>
        %dma_start3A_60 = arith.constant 0 : i32
        %dma_start3A_61 = arith.constant 0 : i32
        %dma_start3A_62 = tpu.memref_slice %arg4[%dma_start3A_60, %dma_start3A_61] : memref<10240x64xf32, #tpu.memory_space<hbm>> -> memref<10240x64xf32, #tpu.memory_space<hbm>>
        tpu.enqueue_indirect_dma source(%dma_start3A_62 : memref<10240x64xf32, #tpu.memory_space<hbm>>) target(%arg10 : memref<128x64xf32, #tpu.memory_space<vmem>>) offsets(%dma_start3A_59 : memref<128xi32, #tpu.memory_space<vmem>>) semaphore(%arg13 : memref<!tpu.dma_semaphore, #tpu.memory_space<semaphore_mem>>)
      } else {
      }
    }
    %scan3A_24 = arith.constant 40 : i32
    %barrier3A_25 = arith.constant 0 : index
    tpu.barrier barrier_id(%barrier3A_25)
    "tpu.region"() ({
      %run_scoped3A = tpu.sem_alloc : memref<!tpu.dma_semaphore, #tpu.memory_space<semaphore_mem>>
      %dma_start3A_26 = arith.constant 0 : i32
      %dma_start3A_27 = tpu.memref_slice %arg6[%arg0, %mul3A_2, %dma_start3A_26] : memref<2x10240x64xf32, #tpu.memory_space<hbm>> -> memref<1x640x64xf32, #tpu.memory_space<hbm>>
      %dma_start3A_28 = tpu.memref_squeeze %dma_start3A_27 : memref<1x640x64xf32, #tpu.memory_space<hbm>> -> memref<640x64xf32, #tpu.memory_space<hbm>>
      %dma_start3A_29 = arith.constant 0 : i32
      %dma_start3A_30 = tpu.memref_slice %arg11[%mul3A_2, %dma_start3A_29] : memref<10240x64xf32, #tpu.memory_space<vmem_shared>> -> memref<640x64xf32, #tpu.memory_space<vmem_shared>>
      tpu.enqueue_dma source(%dma_start3A_30 : memref<640x64xf32, #tpu.memory_space<vmem_shared>>) target(%dma_start3A_28 : memref<640x64xf32, #tpu.memory_space<hbm>>) target_semaphore(%run_scoped3A : memref<!tpu.dma_semaphore, #tpu.memory_space<semaphore_mem>>)
      %dma_wait3A = arith.constant 0 : i32
      %dma_wait3A_31 = tpu.memref_slice %arg6[%arg0, %mul3A_2, %dma_wait3A] : memref<2x10240x64xf32, #tpu.memory_space<hbm>> -> memref<1x640x64xf32, #tpu.memory_space<hbm>>
      %dma_wait3A_32 = tpu.memref_squeeze %dma_wait3A_31 : memref<1x640x64xf32, #tpu.memory_space<hbm>> -> memref<640x64xf32, #tpu.memory_space<hbm>>
      %dma_wait3A_33 = arith.constant 0 : i32
      %dma_wait3A_34 = tpu.memref_slice %arg11[%mul3A_2, %dma_wait3A_33] : memref<10240x64xf32, #tpu.memory_space<vmem_shared>> -> memref<640x64xf32, #tpu.memory_space<vmem_shared>>
      tpu.wait_dma2 semaphore(%run_scoped3A : memref<!tpu.dma_semaphore, #tpu.memory_space<semaphore_mem>>) src(%dma_wait3A_34 : memref<640x64xf32, #tpu.memory_space<vmem_shared>>) dst(%dma_wait3A_32 : memref<640x64xf32, #tpu.memory_space<hbm>>)
      tpu.yield
    }) : () -> ()
    return
  }
}

#map = affine_map<(d0, d1) -> (0, 0)>
#map1 = affine_map<(d0, d1) -> (0, 0, 0)>
module attributes {stable_mosaic.version = 14 : i64} {
  func.func @_sc_hist(%arg0: i32, %arg1: i32, %arg2: memref<2560x128xi32, #tpu.memory_space<hbm>>, %arg3: memref<2560x128xi32, #tpu.memory_space<hbm>>, %arg4: memref<2560x128xi32, #tpu.memory_space<hbm>>, %arg5: memref<128x8xf32, #tpu.memory_space<hbm>>, %arg6: memref<10240x8xf32, #tpu.memory_space<hbm>>, %arg7: memref<2x10240x8xf32, #tpu.memory_space<hbm>>, %arg8: memref<2x10240x8xf32, #tpu.memory_space<hbm>>, %arg9: memref<2x10240x8xf32, #tpu.memory_space<hbm>>, %arg10: memref<80x128xi32, #tpu.memory_space<vmem>>, %arg11: memref<128x8xf32, #tpu.memory_space<vmem>>, %arg12: memref<10240x8xf32, #tpu.memory_space<vmem_shared>>, %arg13: memref<10240x8xf32, #tpu.memory_space<vmem_shared>>, %arg14: memref<10240x8xf32, #tpu.memory_space<vmem_shared>>) attributes {dimension_semantics = [#tpu.dimension_semantics<core_parallel>, #tpu.dimension_semantics<subcore_parallel>], iteration_bounds = array<i64: 2, 16>, scalar_prefetch = 0 : i64, scratch_operands = 5 : i64, tpu.core_type = #tpu.core_type<sc_vector_subcore>, window_params = [{transform_indices = #map}, {transform_indices = #map}, {transform_indices = #map}, {transform_indices = #map}, {transform_indices = #map}, {transform_indices = #map1}, {transform_indices = #map1}, {transform_indices = #map1}]} {
    %mul3A = arith.constant 16 : i32
    %mul3A_0 = arith.muli %arg0, %mul3A : i32
    %add3A = arith.addi %mul3A_0, %arg1 : i32
    %mul3A_1 = arith.constant 640 : i32
    %mul3A_2 = arith.muli %arg1, %mul3A_1 : i32
    "tpu.region"() ({
      %run_scoped3A = tpu.sem_alloc : memref<!tpu.dma_semaphore, #tpu.memory_space<semaphore_mem>>
      tpu.enqueue_dma source(%arg5 : memref<128x8xf32, #tpu.memory_space<hbm>>) target(%arg11 : memref<128x8xf32, #tpu.memory_space<vmem>>) target_semaphore(%run_scoped3A : memref<!tpu.dma_semaphore, #tpu.memory_space<semaphore_mem>>)
      tpu.wait_dma2 semaphore(%run_scoped3A : memref<!tpu.dma_semaphore, #tpu.memory_space<semaphore_mem>>) src(%arg5 : memref<128x8xf32, #tpu.memory_space<hbm>>) dst(%arg11 : memref<128x8xf32, #tpu.memory_space<vmem>>)
      tpu.yield
    }) : () -> ()
    "tpu.region"() ({
      %run_scoped3A = tpu.sem_alloc : memref<!tpu.dma_semaphore, #tpu.memory_space<semaphore_mem>>
      %dma_start3A = arith.constant 0 : i32
      %dma_start3A_27 = tpu.memref_slice %arg12[%mul3A_2, %dma_start3A] : memref<10240x8xf32, #tpu.memory_space<vmem_shared>> -> memref<640x8xf32, #tpu.memory_space<vmem_shared>>
      %dma_start3A_28 = arith.constant 0 : i32
      %dma_start3A_29 = tpu.memref_slice %arg6[%mul3A_2, %dma_start3A_28] : memref<10240x8xf32, #tpu.memory_space<hbm>> -> memref<640x8xf32, #tpu.memory_space<hbm>>
      tpu.enqueue_dma source(%dma_start3A_29 : memref<640x8xf32, #tpu.memory_space<hbm>>) target(%dma_start3A_27 : memref<640x8xf32, #tpu.memory_space<vmem_shared>>) target_semaphore(%run_scoped3A : memref<!tpu.dma_semaphore, #tpu.memory_space<semaphore_mem>>)
      %dma_wait3A = arith.constant 0 : i32
      %dma_wait3A_30 = tpu.memref_slice %arg12[%mul3A_2, %dma_wait3A] : memref<10240x8xf32, #tpu.memory_space<vmem_shared>> -> memref<640x8xf32, #tpu.memory_space<vmem_shared>>
      %dma_wait3A_31 = arith.constant 0 : i32
      %dma_wait3A_32 = tpu.memref_slice %arg6[%mul3A_2, %dma_wait3A_31] : memref<10240x8xf32, #tpu.memory_space<hbm>> -> memref<640x8xf32, #tpu.memory_space<hbm>>
      tpu.wait_dma2 semaphore(%run_scoped3A : memref<!tpu.dma_semaphore, #tpu.memory_space<semaphore_mem>>) src(%dma_wait3A_32 : memref<640x8xf32, #tpu.memory_space<hbm>>) dst(%dma_wait3A_30 : memref<640x8xf32, #tpu.memory_space<vmem_shared>>)
      tpu.yield
    }) : () -> ()
    "tpu.region"() ({
      %run_scoped3A = tpu.sem_alloc : memref<!tpu.dma_semaphore, #tpu.memory_space<semaphore_mem>>
      %dma_start3A = arith.constant 0 : i32
      %dma_start3A_27 = tpu.memref_slice %arg13[%mul3A_2, %dma_start3A] : memref<10240x8xf32, #tpu.memory_space<vmem_shared>> -> memref<640x8xf32, #tpu.memory_space<vmem_shared>>
      %dma_start3A_28 = arith.constant 0 : i32
      %dma_start3A_29 = tpu.memref_slice %arg6[%mul3A_2, %dma_start3A_28] : memref<10240x8xf32, #tpu.memory_space<hbm>> -> memref<640x8xf32, #tpu.memory_space<hbm>>
      tpu.enqueue_dma source(%dma_start3A_29 : memref<640x8xf32, #tpu.memory_space<hbm>>) target(%dma_start3A_27 : memref<640x8xf32, #tpu.memory_space<vmem_shared>>) target_semaphore(%run_scoped3A : memref<!tpu.dma_semaphore, #tpu.memory_space<semaphore_mem>>)
      %dma_wait3A = arith.constant 0 : i32
      %dma_wait3A_30 = tpu.memref_slice %arg13[%mul3A_2, %dma_wait3A] : memref<10240x8xf32, #tpu.memory_space<vmem_shared>> -> memref<640x8xf32, #tpu.memory_space<vmem_shared>>
      %dma_wait3A_31 = arith.constant 0 : i32
      %dma_wait3A_32 = tpu.memref_slice %arg6[%mul3A_2, %dma_wait3A_31] : memref<10240x8xf32, #tpu.memory_space<hbm>> -> memref<640x8xf32, #tpu.memory_space<hbm>>
      tpu.wait_dma2 semaphore(%run_scoped3A : memref<!tpu.dma_semaphore, #tpu.memory_space<semaphore_mem>>) src(%dma_wait3A_32 : memref<640x8xf32, #tpu.memory_space<hbm>>) dst(%dma_wait3A_30 : memref<640x8xf32, #tpu.memory_space<vmem_shared>>)
      tpu.yield
    }) : () -> ()
    "tpu.region"() ({
      %run_scoped3A = tpu.sem_alloc : memref<!tpu.dma_semaphore, #tpu.memory_space<semaphore_mem>>
      %dma_start3A = arith.constant 0 : i32
      %dma_start3A_27 = tpu.memref_slice %arg14[%mul3A_2, %dma_start3A] : memref<10240x8xf32, #tpu.memory_space<vmem_shared>> -> memref<640x8xf32, #tpu.memory_space<vmem_shared>>
      %dma_start3A_28 = arith.constant 0 : i32
      %dma_start3A_29 = tpu.memref_slice %arg6[%mul3A_2, %dma_start3A_28] : memref<10240x8xf32, #tpu.memory_space<hbm>> -> memref<640x8xf32, #tpu.memory_space<hbm>>
      tpu.enqueue_dma source(%dma_start3A_29 : memref<640x8xf32, #tpu.memory_space<hbm>>) target(%dma_start3A_27 : memref<640x8xf32, #tpu.memory_space<vmem_shared>>) target_semaphore(%run_scoped3A : memref<!tpu.dma_semaphore, #tpu.memory_space<semaphore_mem>>)
      %dma_wait3A = arith.constant 0 : i32
      %dma_wait3A_30 = tpu.memref_slice %arg14[%mul3A_2, %dma_wait3A] : memref<10240x8xf32, #tpu.memory_space<vmem_shared>> -> memref<640x8xf32, #tpu.memory_space<vmem_shared>>
      %dma_wait3A_31 = arith.constant 0 : i32
      %dma_wait3A_32 = tpu.memref_slice %arg6[%mul3A_2, %dma_wait3A_31] : memref<10240x8xf32, #tpu.memory_space<hbm>> -> memref<640x8xf32, #tpu.memory_space<hbm>>
      tpu.wait_dma2 semaphore(%run_scoped3A : memref<!tpu.dma_semaphore, #tpu.memory_space<semaphore_mem>>) src(%dma_wait3A_32 : memref<640x8xf32, #tpu.memory_space<hbm>>) dst(%dma_wait3A_30 : memref<640x8xf32, #tpu.memory_space<vmem_shared>>)
      tpu.yield
    }) : () -> ()
    %barrier3A = arith.constant 0 : index
    tpu.barrier barrier_id(%barrier3A)
    %mul3A_3 = arith.constant 80 : i32
    %mul3A_4 = arith.muli %add3A, %mul3A_3 : i32
    "tpu.region"() ({
      %run_scoped3A = tpu.sem_alloc : memref<!tpu.dma_semaphore, #tpu.memory_space<semaphore_mem>>
      %dma_start3A = arith.constant 0 : i32
      %dma_start3A_27 = tpu.memref_slice %arg2[%mul3A_4, %dma_start3A] : memref<2560x128xi32, #tpu.memory_space<hbm>> -> memref<80x128xi32, #tpu.memory_space<hbm>>
      %dma_start3A_28 = arith.constant 0 : i32
      %dma_start3A_29 = tpu.memref_slice %arg2[%mul3A_4, %dma_start3A_28] : memref<2560x128xi32, #tpu.memory_space<hbm>> -> memref<80x128xi32, #tpu.memory_space<hbm>>
      tpu.enqueue_dma source(%dma_start3A_29 : memref<80x128xi32, #tpu.memory_space<hbm>>) target(%arg10 : memref<80x128xi32, #tpu.memory_space<vmem>>) target_semaphore(%run_scoped3A : memref<!tpu.dma_semaphore, #tpu.memory_space<semaphore_mem>>)
      %dma_wait3A = arith.constant 0 : i32
      %dma_wait3A_30 = tpu.memref_slice %arg2[%mul3A_4, %dma_wait3A] : memref<2560x128xi32, #tpu.memory_space<hbm>> -> memref<80x128xi32, #tpu.memory_space<hbm>>
      %dma_wait3A_31 = arith.constant 0 : i32
      %dma_wait3A_32 = tpu.memref_slice %arg2[%mul3A_4, %dma_wait3A_31] : memref<2560x128xi32, #tpu.memory_space<hbm>> -> memref<80x128xi32, #tpu.memory_space<hbm>>
      tpu.wait_dma2 semaphore(%run_scoped3A : memref<!tpu.dma_semaphore, #tpu.memory_space<semaphore_mem>>) src(%dma_wait3A_32 : memref<80x128xi32, #tpu.memory_space<hbm>>) dst(%arg10 : memref<80x128xi32, #tpu.memory_space<vmem>>)
      tpu.yield
    }) : () -> ()
    %scan3A = arith.constant 0 : i32
    %scan3A_5 = arith.constant 0 : i32
    %scan3A_6 = arith.constant 80 : i32
    %scan3A_7 = arith.addi %scan3A_5, %scan3A_6 : i32
    %scan3A_8 = arith.constant 1 : i32
    scf.for %scan3A_27 = %scan3A_5 to %scan3A_7 step %scan3A_8  : i32 {
      "tpu.region"() ({
        %run_scoped3A = tpu.sem_alloc : memref<!tpu.dma_semaphore, #tpu.memory_space<semaphore_mem>>
        %dma_start3A = arith.constant 0 : i32
        %dma_start3A_28 = tpu.memref_slice %arg10[%scan3A_27, %dma_start3A] : memref<80x128xi32, #tpu.memory_space<vmem>> -> memref<1x128xi32, #tpu.memory_space<vmem>>
        %dma_start3A_29 = tpu.memref_squeeze %dma_start3A_28 : memref<1x128xi32, #tpu.memory_space<vmem>> -> memref<128xi32, #tpu.memory_space<vmem>>
        %dma_start3A_30 = arith.constant 0 : i32
        %dma_start3A_31 = arith.constant 0 : i32
        %dma_start3A_32 = tpu.memref_slice %arg12[%dma_start3A_30, %dma_start3A_31] : memref<10240x8xf32, #tpu.memory_space<vmem_shared>> -> memref<10240x8xf32, #tpu.memory_space<vmem_shared>>
        tpu.enqueue_indirect_dma source(%arg11 : memref<128x8xf32, #tpu.memory_space<vmem>>) target(%dma_start3A_32 : memref<10240x8xf32, #tpu.memory_space<vmem_shared>>) offsets(%dma_start3A_29 : memref<128xi32, #tpu.memory_space<vmem>>) semaphore(%run_scoped3A : memref<!tpu.dma_semaphore, #tpu.memory_space<semaphore_mem>>) {add = true}
        %dma_wait3A = arith.constant 0 : i32
        %dma_wait3A_33 = tpu.memref_slice %arg10[%scan3A_27, %dma_wait3A] : memref<80x128xi32, #tpu.memory_space<vmem>> -> memref<1x128xi32, #tpu.memory_space<vmem>>
        %dma_wait3A_34 = tpu.memref_squeeze %dma_wait3A_33 : memref<1x128xi32, #tpu.memory_space<vmem>> -> memref<128xi32, #tpu.memory_space<vmem>>
        %dma_wait3A_35 = arith.constant 0 : i32
        %dma_wait3A_36 = arith.constant 0 : i32
        %dma_wait3A_37 = tpu.memref_slice %arg12[%dma_wait3A_35, %dma_wait3A_36] : memref<10240x8xf32, #tpu.memory_space<vmem_shared>> -> memref<10240x8xf32, #tpu.memory_space<vmem_shared>>
        tpu.wait_indirect_dma semaphore(%run_scoped3A : memref<!tpu.dma_semaphore, #tpu.memory_space<semaphore_mem>>) src(%arg11 : memref<128x8xf32, #tpu.memory_space<vmem>>) dst(%dma_wait3A_37 : memref<10240x8xf32, #tpu.memory_space<vmem_shared>>)
        tpu.yield
      }) : () -> ()
    }
    %scan3A_9 = arith.constant 80 : i32
    %mul3A_10 = arith.constant 80 : i32
    %mul3A_11 = arith.muli %add3A, %mul3A_10 : i32
    "tpu.region"() ({
      %run_scoped3A = tpu.sem_alloc : memref<!tpu.dma_semaphore, #tpu.memory_space<semaphore_mem>>
      %dma_start3A = arith.constant 0 : i32
      %dma_start3A_27 = tpu.memref_slice %arg3[%mul3A_11, %dma_start3A] : memref<2560x128xi32, #tpu.memory_space<hbm>> -> memref<80x128xi32, #tpu.memory_space<hbm>>
      %dma_start3A_28 = arith.constant 0 : i32
      %dma_start3A_29 = tpu.memref_slice %arg3[%mul3A_11, %dma_start3A_28] : memref<2560x128xi32, #tpu.memory_space<hbm>> -> memref<80x128xi32, #tpu.memory_space<hbm>>
      tpu.enqueue_dma source(%dma_start3A_29 : memref<80x128xi32, #tpu.memory_space<hbm>>) target(%arg10 : memref<80x128xi32, #tpu.memory_space<vmem>>) target_semaphore(%run_scoped3A : memref<!tpu.dma_semaphore, #tpu.memory_space<semaphore_mem>>)
      %dma_wait3A = arith.constant 0 : i32
      %dma_wait3A_30 = tpu.memref_slice %arg3[%mul3A_11, %dma_wait3A] : memref<2560x128xi32, #tpu.memory_space<hbm>> -> memref<80x128xi32, #tpu.memory_space<hbm>>
      %dma_wait3A_31 = arith.constant 0 : i32
      %dma_wait3A_32 = tpu.memref_slice %arg3[%mul3A_11, %dma_wait3A_31] : memref<2560x128xi32, #tpu.memory_space<hbm>> -> memref<80x128xi32, #tpu.memory_space<hbm>>
      tpu.wait_dma2 semaphore(%run_scoped3A : memref<!tpu.dma_semaphore, #tpu.memory_space<semaphore_mem>>) src(%dma_wait3A_32 : memref<80x128xi32, #tpu.memory_space<hbm>>) dst(%arg10 : memref<80x128xi32, #tpu.memory_space<vmem>>)
      tpu.yield
    }) : () -> ()
    %scan3A_12 = arith.constant 0 : i32
    %scan3A_13 = arith.constant 0 : i32
    %scan3A_14 = arith.constant 80 : i32
    %scan3A_15 = arith.addi %scan3A_13, %scan3A_14 : i32
    %scan3A_16 = arith.constant 1 : i32
    scf.for %scan3A_27 = %scan3A_13 to %scan3A_15 step %scan3A_16  : i32 {
      "tpu.region"() ({
        %run_scoped3A = tpu.sem_alloc : memref<!tpu.dma_semaphore, #tpu.memory_space<semaphore_mem>>
        %dma_start3A = arith.constant 0 : i32
        %dma_start3A_28 = tpu.memref_slice %arg10[%scan3A_27, %dma_start3A] : memref<80x128xi32, #tpu.memory_space<vmem>> -> memref<1x128xi32, #tpu.memory_space<vmem>>
        %dma_start3A_29 = tpu.memref_squeeze %dma_start3A_28 : memref<1x128xi32, #tpu.memory_space<vmem>> -> memref<128xi32, #tpu.memory_space<vmem>>
        %dma_start3A_30 = arith.constant 0 : i32
        %dma_start3A_31 = arith.constant 0 : i32
        %dma_start3A_32 = tpu.memref_slice %arg13[%dma_start3A_30, %dma_start3A_31] : memref<10240x8xf32, #tpu.memory_space<vmem_shared>> -> memref<10240x8xf32, #tpu.memory_space<vmem_shared>>
        tpu.enqueue_indirect_dma source(%arg11 : memref<128x8xf32, #tpu.memory_space<vmem>>) target(%dma_start3A_32 : memref<10240x8xf32, #tpu.memory_space<vmem_shared>>) offsets(%dma_start3A_29 : memref<128xi32, #tpu.memory_space<vmem>>) semaphore(%run_scoped3A : memref<!tpu.dma_semaphore, #tpu.memory_space<semaphore_mem>>) {add = true}
        %dma_wait3A = arith.constant 0 : i32
        %dma_wait3A_33 = tpu.memref_slice %arg10[%scan3A_27, %dma_wait3A] : memref<80x128xi32, #tpu.memory_space<vmem>> -> memref<1x128xi32, #tpu.memory_space<vmem>>
        %dma_wait3A_34 = tpu.memref_squeeze %dma_wait3A_33 : memref<1x128xi32, #tpu.memory_space<vmem>> -> memref<128xi32, #tpu.memory_space<vmem>>
        %dma_wait3A_35 = arith.constant 0 : i32
        %dma_wait3A_36 = arith.constant 0 : i32
        %dma_wait3A_37 = tpu.memref_slice %arg13[%dma_wait3A_35, %dma_wait3A_36] : memref<10240x8xf32, #tpu.memory_space<vmem_shared>> -> memref<10240x8xf32, #tpu.memory_space<vmem_shared>>
        tpu.wait_indirect_dma semaphore(%run_scoped3A : memref<!tpu.dma_semaphore, #tpu.memory_space<semaphore_mem>>) src(%arg11 : memref<128x8xf32, #tpu.memory_space<vmem>>) dst(%dma_wait3A_37 : memref<10240x8xf32, #tpu.memory_space<vmem_shared>>)
        tpu.yield
      }) : () -> ()
    }
    %scan3A_17 = arith.constant 80 : i32
    %mul3A_18 = arith.constant 80 : i32
    %mul3A_19 = arith.muli %add3A, %mul3A_18 : i32
    "tpu.region"() ({
      %run_scoped3A = tpu.sem_alloc : memref<!tpu.dma_semaphore, #tpu.memory_space<semaphore_mem>>
      %dma_start3A = arith.constant 0 : i32
      %dma_start3A_27 = tpu.memref_slice %arg4[%mul3A_19, %dma_start3A] : memref<2560x128xi32, #tpu.memory_space<hbm>> -> memref<80x128xi32, #tpu.memory_space<hbm>>
      %dma_start3A_28 = arith.constant 0 : i32
      %dma_start3A_29 = tpu.memref_slice %arg4[%mul3A_19, %dma_start3A_28] : memref<2560x128xi32, #tpu.memory_space<hbm>> -> memref<80x128xi32, #tpu.memory_space<hbm>>
      tpu.enqueue_dma source(%dma_start3A_29 : memref<80x128xi32, #tpu.memory_space<hbm>>) target(%arg10 : memref<80x128xi32, #tpu.memory_space<vmem>>) target_semaphore(%run_scoped3A : memref<!tpu.dma_semaphore, #tpu.memory_space<semaphore_mem>>)
      %dma_wait3A = arith.constant 0 : i32
      %dma_wait3A_30 = tpu.memref_slice %arg4[%mul3A_19, %dma_wait3A] : memref<2560x128xi32, #tpu.memory_space<hbm>> -> memref<80x128xi32, #tpu.memory_space<hbm>>
      %dma_wait3A_31 = arith.constant 0 : i32
      %dma_wait3A_32 = tpu.memref_slice %arg4[%mul3A_19, %dma_wait3A_31] : memref<2560x128xi32, #tpu.memory_space<hbm>> -> memref<80x128xi32, #tpu.memory_space<hbm>>
      tpu.wait_dma2 semaphore(%run_scoped3A : memref<!tpu.dma_semaphore, #tpu.memory_space<semaphore_mem>>) src(%dma_wait3A_32 : memref<80x128xi32, #tpu.memory_space<hbm>>) dst(%arg10 : memref<80x128xi32, #tpu.memory_space<vmem>>)
      tpu.yield
    }) : () -> ()
    %scan3A_20 = arith.constant 0 : i32
    %scan3A_21 = arith.constant 0 : i32
    %scan3A_22 = arith.constant 80 : i32
    %scan3A_23 = arith.addi %scan3A_21, %scan3A_22 : i32
    %scan3A_24 = arith.constant 1 : i32
    scf.for %scan3A_27 = %scan3A_21 to %scan3A_23 step %scan3A_24  : i32 {
      "tpu.region"() ({
        %run_scoped3A = tpu.sem_alloc : memref<!tpu.dma_semaphore, #tpu.memory_space<semaphore_mem>>
        %dma_start3A = arith.constant 0 : i32
        %dma_start3A_28 = tpu.memref_slice %arg10[%scan3A_27, %dma_start3A] : memref<80x128xi32, #tpu.memory_space<vmem>> -> memref<1x128xi32, #tpu.memory_space<vmem>>
        %dma_start3A_29 = tpu.memref_squeeze %dma_start3A_28 : memref<1x128xi32, #tpu.memory_space<vmem>> -> memref<128xi32, #tpu.memory_space<vmem>>
        %dma_start3A_30 = arith.constant 0 : i32
        %dma_start3A_31 = arith.constant 0 : i32
        %dma_start3A_32 = tpu.memref_slice %arg14[%dma_start3A_30, %dma_start3A_31] : memref<10240x8xf32, #tpu.memory_space<vmem_shared>> -> memref<10240x8xf32, #tpu.memory_space<vmem_shared>>
        tpu.enqueue_indirect_dma source(%arg11 : memref<128x8xf32, #tpu.memory_space<vmem>>) target(%dma_start3A_32 : memref<10240x8xf32, #tpu.memory_space<vmem_shared>>) offsets(%dma_start3A_29 : memref<128xi32, #tpu.memory_space<vmem>>) semaphore(%run_scoped3A : memref<!tpu.dma_semaphore, #tpu.memory_space<semaphore_mem>>) {add = true}
        %dma_wait3A = arith.constant 0 : i32
        %dma_wait3A_33 = tpu.memref_slice %arg10[%scan3A_27, %dma_wait3A] : memref<80x128xi32, #tpu.memory_space<vmem>> -> memref<1x128xi32, #tpu.memory_space<vmem>>
        %dma_wait3A_34 = tpu.memref_squeeze %dma_wait3A_33 : memref<1x128xi32, #tpu.memory_space<vmem>> -> memref<128xi32, #tpu.memory_space<vmem>>
        %dma_wait3A_35 = arith.constant 0 : i32
        %dma_wait3A_36 = arith.constant 0 : i32
        %dma_wait3A_37 = tpu.memref_slice %arg14[%dma_wait3A_35, %dma_wait3A_36] : memref<10240x8xf32, #tpu.memory_space<vmem_shared>> -> memref<10240x8xf32, #tpu.memory_space<vmem_shared>>
        tpu.wait_indirect_dma semaphore(%run_scoped3A : memref<!tpu.dma_semaphore, #tpu.memory_space<semaphore_mem>>) src(%arg11 : memref<128x8xf32, #tpu.memory_space<vmem>>) dst(%dma_wait3A_37 : memref<10240x8xf32, #tpu.memory_space<vmem_shared>>)
        tpu.yield
      }) : () -> ()
    }
    %scan3A_25 = arith.constant 80 : i32
    %barrier3A_26 = arith.constant 0 : index
    tpu.barrier barrier_id(%barrier3A_26)
    "tpu.region"() ({
      %run_scoped3A = tpu.sem_alloc : memref<!tpu.dma_semaphore, #tpu.memory_space<semaphore_mem>>
      %dma_start3A = arith.constant 0 : i32
      %dma_start3A_27 = tpu.memref_slice %arg7[%arg0, %mul3A_2, %dma_start3A] : memref<2x10240x8xf32, #tpu.memory_space<hbm>> -> memref<1x640x8xf32, #tpu.memory_space<hbm>>
      %dma_start3A_28 = tpu.memref_squeeze %dma_start3A_27 : memref<1x640x8xf32, #tpu.memory_space<hbm>> -> memref<640x8xf32, #tpu.memory_space<hbm>>
      %dma_start3A_29 = arith.constant 0 : i32
      %dma_start3A_30 = tpu.memref_slice %arg12[%mul3A_2, %dma_start3A_29] : memref<10240x8xf32, #tpu.memory_space<vmem_shared>> -> memref<640x8xf32, #tpu.memory_space<vmem_shared>>
      tpu.enqueue_dma source(%dma_start3A_30 : memref<640x8xf32, #tpu.memory_space<vmem_shared>>) target(%dma_start3A_28 : memref<640x8xf32, #tpu.memory_space<hbm>>) target_semaphore(%run_scoped3A : memref<!tpu.dma_semaphore, #tpu.memory_space<semaphore_mem>>)
      %dma_wait3A = arith.constant 0 : i32
      %dma_wait3A_31 = tpu.memref_slice %arg7[%arg0, %mul3A_2, %dma_wait3A] : memref<2x10240x8xf32, #tpu.memory_space<hbm>> -> memref<1x640x8xf32, #tpu.memory_space<hbm>>
      %dma_wait3A_32 = tpu.memref_squeeze %dma_wait3A_31 : memref<1x640x8xf32, #tpu.memory_space<hbm>> -> memref<640x8xf32, #tpu.memory_space<hbm>>
      %dma_wait3A_33 = arith.constant 0 : i32
      %dma_wait3A_34 = tpu.memref_slice %arg12[%mul3A_2, %dma_wait3A_33] : memref<10240x8xf32, #tpu.memory_space<vmem_shared>> -> memref<640x8xf32, #tpu.memory_space<vmem_shared>>
      tpu.wait_dma2 semaphore(%run_scoped3A : memref<!tpu.dma_semaphore, #tpu.memory_space<semaphore_mem>>) src(%dma_wait3A_34 : memref<640x8xf32, #tpu.memory_space<vmem_shared>>) dst(%dma_wait3A_32 : memref<640x8xf32, #tpu.memory_space<hbm>>)
      tpu.yield
    }) : () -> ()
    "tpu.region"() ({
      %run_scoped3A = tpu.sem_alloc : memref<!tpu.dma_semaphore, #tpu.memory_space<semaphore_mem>>
      %dma_start3A = arith.constant 0 : i32
      %dma_start3A_27 = tpu.memref_slice %arg8[%arg0, %mul3A_2, %dma_start3A] : memref<2x10240x8xf32, #tpu.memory_space<hbm>> -> memref<1x640x8xf32, #tpu.memory_space<hbm>>
      %dma_start3A_28 = tpu.memref_squeeze %dma_start3A_27 : memref<1x640x8xf32, #tpu.memory_space<hbm>> -> memref<640x8xf32, #tpu.memory_space<hbm>>
      %dma_start3A_29 = arith.constant 0 : i32
      %dma_start3A_30 = tpu.memref_slice %arg13[%mul3A_2, %dma_start3A_29] : memref<10240x8xf32, #tpu.memory_space<vmem_shared>> -> memref<640x8xf32, #tpu.memory_space<vmem_shared>>
      tpu.enqueue_dma source(%dma_start3A_30 : memref<640x8xf32, #tpu.memory_space<vmem_shared>>) target(%dma_start3A_28 : memref<640x8xf32, #tpu.memory_space<hbm>>) target_semaphore(%run_scoped3A : memref<!tpu.dma_semaphore, #tpu.memory_space<semaphore_mem>>)
      %dma_wait3A = arith.constant 0 : i32
      %dma_wait3A_31 = tpu.memref_slice %arg8[%arg0, %mul3A_2, %dma_wait3A] : memref<2x10240x8xf32, #tpu.memory_space<hbm>> -> memref<1x640x8xf32, #tpu.memory_space<hbm>>
      %dma_wait3A_32 = tpu.memref_squeeze %dma_wait3A_31 : memref<1x640x8xf32, #tpu.memory_space<hbm>> -> memref<640x8xf32, #tpu.memory_space<hbm>>
      %dma_wait3A_33 = arith.constant 0 : i32
      %dma_wait3A_34 = tpu.memref_slice %arg13[%mul3A_2, %dma_wait3A_33] : memref<10240x8xf32, #tpu.memory_space<vmem_shared>> -> memref<640x8xf32, #tpu.memory_space<vmem_shared>>
      tpu.wait_dma2 semaphore(%run_scoped3A : memref<!tpu.dma_semaphore, #tpu.memory_space<semaphore_mem>>) src(%dma_wait3A_34 : memref<640x8xf32, #tpu.memory_space<vmem_shared>>) dst(%dma_wait3A_32 : memref<640x8xf32, #tpu.memory_space<hbm>>)
      tpu.yield
    }) : () -> ()
    "tpu.region"() ({
      %run_scoped3A = tpu.sem_alloc : memref<!tpu.dma_semaphore, #tpu.memory_space<semaphore_mem>>
      %dma_start3A = arith.constant 0 : i32
      %dma_start3A_27 = tpu.memref_slice %arg9[%arg0, %mul3A_2, %dma_start3A] : memref<2x10240x8xf32, #tpu.memory_space<hbm>> -> memref<1x640x8xf32, #tpu.memory_space<hbm>>
      %dma_start3A_28 = tpu.memref_squeeze %dma_start3A_27 : memref<1x640x8xf32, #tpu.memory_space<hbm>> -> memref<640x8xf32, #tpu.memory_space<hbm>>
      %dma_start3A_29 = arith.constant 0 : i32
      %dma_start3A_30 = tpu.memref_slice %arg14[%mul3A_2, %dma_start3A_29] : memref<10240x8xf32, #tpu.memory_space<vmem_shared>> -> memref<640x8xf32, #tpu.memory_space<vmem_shared>>
      tpu.enqueue_dma source(%dma_start3A_30 : memref<640x8xf32, #tpu.memory_space<vmem_shared>>) target(%dma_start3A_28 : memref<640x8xf32, #tpu.memory_space<hbm>>) target_semaphore(%run_scoped3A : memref<!tpu.dma_semaphore, #tpu.memory_space<semaphore_mem>>)
      %dma_wait3A = arith.constant 0 : i32
      %dma_wait3A_31 = tpu.memref_slice %arg9[%arg0, %mul3A_2, %dma_wait3A] : memref<2x10240x8xf32, #tpu.memory_space<hbm>> -> memref<1x640x8xf32, #tpu.memory_space<hbm>>
      %dma_wait3A_32 = tpu.memref_squeeze %dma_wait3A_31 : memref<1x640x8xf32, #tpu.memory_space<hbm>> -> memref<640x8xf32, #tpu.memory_space<hbm>>
      %dma_wait3A_33 = arith.constant 0 : i32
      %dma_wait3A_34 = tpu.memref_slice %arg14[%mul3A_2, %dma_wait3A_33] : memref<10240x8xf32, #tpu.memory_space<vmem_shared>> -> memref<640x8xf32, #tpu.memory_space<vmem_shared>>
      tpu.wait_dma2 semaphore(%run_scoped3A : memref<!tpu.dma_semaphore, #tpu.memory_space<semaphore_mem>>) src(%dma_wait3A_34 : memref<640x8xf32, #tpu.memory_space<vmem_shared>>) dst(%dma_wait3A_32 : memref<640x8xf32, #tpu.memory_space<hbm>>)
      tpu.yield
    }) : () -> ()
    return
  }
}

#map = affine_map<(d0, d1) -> (0, 0)>
#map1 = affine_map<(d0, d1) -> (0, 0, 0)>
module attributes {stable_mosaic.version = 14 : i64} {
  func.func @body(%arg0: i32, %arg1: i32, %arg2: memref<2560x128xi32, #tpu.memory_space<hbm>>, %arg3: memref<2560x128xi32, #tpu.memory_space<hbm>>, %arg4: memref<10240x64xf32, #tpu.memory_space<hbm>>, %arg5: memref<10240x64xf32, #tpu.memory_space<hbm>>, %arg6: memref<2x10240x64xf32, #tpu.memory_space<hbm>>, %arg7: memref<80x128xi32, #tpu.memory_space<vmem>>, %arg8: memref<80x128xi32, #tpu.memory_space<vmem>>, %arg9: memref<128x64xf32, #tpu.memory_space<vmem>>, %arg10: memref<128x64xf32, #tpu.memory_space<vmem>>, %arg11: memref<10240x64xf32, #tpu.memory_space<vmem_shared>>, %arg12: memref<!tpu.dma_semaphore, #tpu.memory_space<semaphore_mem>>, %arg13: memref<!tpu.dma_semaphore, #tpu.memory_space<semaphore_mem>>) attributes {dimension_semantics = [#tpu.dimension_semantics<core_parallel>, #tpu.dimension_semantics<subcore_parallel>], iteration_bounds = array<i64: 2, 16>, scalar_prefetch = 0 : i64, scratch_operands = 7 : i64, tpu.core_type = #tpu.core_type<sc_vector_subcore>, window_params = [{transform_indices = #map}, {transform_indices = #map}, {transform_indices = #map}, {transform_indices = #map}, {transform_indices = #map1}]} {
    %mul3A = arith.constant 16 : i32
    %mul3A_0 = arith.muli %arg0, %mul3A : i32
    %add3A = arith.addi %mul3A_0, %arg1 : i32
    %mul3A_1 = arith.constant 640 : i32
    %mul3A_2 = arith.muli %arg1, %mul3A_1 : i32
    "tpu.region"() ({
      %run_scoped3A = tpu.sem_alloc : memref<!tpu.dma_semaphore, #tpu.memory_space<semaphore_mem>>
      %dma_start3A_26 = arith.constant 0 : i32
      %dma_start3A_27 = tpu.memref_slice %arg11[%mul3A_2, %dma_start3A_26] : memref<10240x64xf32, #tpu.memory_space<vmem_shared>> -> memref<640x64xf32, #tpu.memory_space<vmem_shared>>
      %dma_start3A_28 = arith.constant 0 : i32
      %dma_start3A_29 = tpu.memref_slice %arg5[%mul3A_2, %dma_start3A_28] : memref<10240x64xf32, #tpu.memory_space<hbm>> -> memref<640x64xf32, #tpu.memory_space<hbm>>
      tpu.enqueue_dma source(%dma_start3A_29 : memref<640x64xf32, #tpu.memory_space<hbm>>) target(%dma_start3A_27 : memref<640x64xf32, #tpu.memory_space<vmem_shared>>) target_semaphore(%run_scoped3A : memref<!tpu.dma_semaphore, #tpu.memory_space<semaphore_mem>>)
      %dma_wait3A = arith.constant 0 : i32
      %dma_wait3A_30 = tpu.memref_slice %arg11[%mul3A_2, %dma_wait3A] : memref<10240x64xf32, #tpu.memory_space<vmem_shared>> -> memref<640x64xf32, #tpu.memory_space<vmem_shared>>
      %dma_wait3A_31 = arith.constant 0 : i32
      %dma_wait3A_32 = tpu.memref_slice %arg5[%mul3A_2, %dma_wait3A_31] : memref<10240x64xf32, #tpu.memory_space<hbm>> -> memref<640x64xf32, #tpu.memory_space<hbm>>
      tpu.wait_dma2 semaphore(%run_scoped3A : memref<!tpu.dma_semaphore, #tpu.memory_space<semaphore_mem>>) src(%dma_wait3A_32 : memref<640x64xf32, #tpu.memory_space<hbm>>) dst(%dma_wait3A_30 : memref<640x64xf32, #tpu.memory_space<vmem_shared>>)
      tpu.yield
    }) : () -> ()
    %barrier3A = arith.constant 0 : index
    tpu.barrier barrier_id(%barrier3A)
    %mul3A_3 = arith.constant 80 : i32
    %mul3A_4 = arith.muli %add3A, %mul3A_3 : i32
    "tpu.region"() ({
      %run_scoped3A = tpu.sem_alloc : memref<!tpu.dma_semaphore, #tpu.memory_space<semaphore_mem>>
      %dma_start3A_26 = arith.constant 0 : i32
      %dma_start3A_27 = tpu.memref_slice %arg2[%mul3A_4, %dma_start3A_26] : memref<2560x128xi32, #tpu.memory_space<hbm>> -> memref<80x128xi32, #tpu.memory_space<hbm>>
      %dma_start3A_28 = arith.constant 0 : i32
      %dma_start3A_29 = tpu.memref_slice %arg2[%mul3A_4, %dma_start3A_28] : memref<2560x128xi32, #tpu.memory_space<hbm>> -> memref<80x128xi32, #tpu.memory_space<hbm>>
      tpu.enqueue_dma source(%dma_start3A_29 : memref<80x128xi32, #tpu.memory_space<hbm>>) target(%arg7 : memref<80x128xi32, #tpu.memory_space<vmem>>) target_semaphore(%run_scoped3A : memref<!tpu.dma_semaphore, #tpu.memory_space<semaphore_mem>>)
      %dma_wait3A = arith.constant 0 : i32
      %dma_wait3A_30 = tpu.memref_slice %arg2[%mul3A_4, %dma_wait3A] : memref<2560x128xi32, #tpu.memory_space<hbm>> -> memref<80x128xi32, #tpu.memory_space<hbm>>
      %dma_wait3A_31 = arith.constant 0 : i32
      %dma_wait3A_32 = tpu.memref_slice %arg2[%mul3A_4, %dma_wait3A_31] : memref<2560x128xi32, #tpu.memory_space<hbm>> -> memref<80x128xi32, #tpu.memory_space<hbm>>
      tpu.wait_dma2 semaphore(%run_scoped3A : memref<!tpu.dma_semaphore, #tpu.memory_space<semaphore_mem>>) src(%dma_wait3A_32 : memref<80x128xi32, #tpu.memory_space<hbm>>) dst(%arg7 : memref<80x128xi32, #tpu.memory_space<vmem>>)
      tpu.yield
    }) : () -> ()
    %mul3A_5 = arith.constant 80 : i32
    %mul3A_6 = arith.muli %add3A, %mul3A_5 : i32
    "tpu.region"() ({
      %run_scoped3A = tpu.sem_alloc : memref<!tpu.dma_semaphore, #tpu.memory_space<semaphore_mem>>
      %dma_start3A_26 = arith.constant 0 : i32
      %dma_start3A_27 = tpu.memref_slice %arg3[%mul3A_6, %dma_start3A_26] : memref<2560x128xi32, #tpu.memory_space<hbm>> -> memref<80x128xi32, #tpu.memory_space<hbm>>
      %dma_start3A_28 = arith.constant 0 : i32
      %dma_start3A_29 = tpu.memref_slice %arg3[%mul3A_6, %dma_start3A_28] : memref<2560x128xi32, #tpu.memory_space<hbm>> -> memref<80x128xi32, #tpu.memory_space<hbm>>
      tpu.enqueue_dma source(%dma_start3A_29 : memref<80x128xi32, #tpu.memory_space<hbm>>) target(%arg8 : memref<80x128xi32, #tpu.memory_space<vmem>>) target_semaphore(%run_scoped3A : memref<!tpu.dma_semaphore, #tpu.memory_space<semaphore_mem>>)
      %dma_wait3A = arith.constant 0 : i32
      %dma_wait3A_30 = tpu.memref_slice %arg3[%mul3A_6, %dma_wait3A] : memref<2560x128xi32, #tpu.memory_space<hbm>> -> memref<80x128xi32, #tpu.memory_space<hbm>>
      %dma_wait3A_31 = arith.constant 0 : i32
      %dma_wait3A_32 = tpu.memref_slice %arg3[%mul3A_6, %dma_wait3A_31] : memref<2560x128xi32, #tpu.memory_space<hbm>> -> memref<80x128xi32, #tpu.memory_space<hbm>>
      tpu.wait_dma2 semaphore(%run_scoped3A : memref<!tpu.dma_semaphore, #tpu.memory_space<semaphore_mem>>) src(%dma_wait3A_32 : memref<80x128xi32, #tpu.memory_space<hbm>>) dst(%arg8 : memref<80x128xi32, #tpu.memory_space<vmem>>)
      tpu.yield
    }) : () -> ()
    %dma_start3A = arith.constant 0 : i32
    %dma_start3A_7 = arith.constant 0 : i32
    %dma_start3A_8 = tpu.memref_slice %arg7[%dma_start3A, %dma_start3A_7] : memref<80x128xi32, #tpu.memory_space<vmem>> -> memref<1x128xi32, #tpu.memory_space<vmem>>
    %dma_start3A_9 = tpu.memref_squeeze %dma_start3A_8 : memref<1x128xi32, #tpu.memory_space<vmem>> -> memref<128xi32, #tpu.memory_space<vmem>>
    %dma_start3A_10 = arith.constant 0 : i32
    %dma_start3A_11 = arith.constant 0 : i32
    %dma_start3A_12 = tpu.memref_slice %arg4[%dma_start3A_10, %dma_start3A_11] : memref<10240x64xf32, #tpu.memory_space<hbm>> -> memref<10240x64xf32, #tpu.memory_space<hbm>>
    tpu.enqueue_indirect_dma source(%dma_start3A_12 : memref<10240x64xf32, #tpu.memory_space<hbm>>) target(%arg9 : memref<128x64xf32, #tpu.memory_space<vmem>>) offsets(%dma_start3A_9 : memref<128xi32, #tpu.memory_space<vmem>>) semaphore(%arg12 : memref<!tpu.dma_semaphore, #tpu.memory_space<semaphore_mem>>)
    %dma_start3A_13 = arith.constant 1 : i32
    %dma_start3A_14 = arith.constant 0 : i32
    %dma_start3A_15 = tpu.memref_slice %arg7[%dma_start3A_13, %dma_start3A_14] : memref<80x128xi32, #tpu.memory_space<vmem>> -> memref<1x128xi32, #tpu.memory_space<vmem>>
    %dma_start3A_16 = tpu.memref_squeeze %dma_start3A_15 : memref<1x128xi32, #tpu.memory_space<vmem>> -> memref<128xi32, #tpu.memory_space<vmem>>
    %dma_start3A_17 = arith.constant 0 : i32
    %dma_start3A_18 = arith.constant 0 : i32
    %dma_start3A_19 = tpu.memref_slice %arg4[%dma_start3A_17, %dma_start3A_18] : memref<10240x64xf32, #tpu.memory_space<hbm>> -> memref<10240x64xf32, #tpu.memory_space<hbm>>
    tpu.enqueue_indirect_dma source(%dma_start3A_19 : memref<10240x64xf32, #tpu.memory_space<hbm>>) target(%arg10 : memref<128x64xf32, #tpu.memory_space<vmem>>) offsets(%dma_start3A_16 : memref<128xi32, #tpu.memory_space<vmem>>) semaphore(%arg13 : memref<!tpu.dma_semaphore, #tpu.memory_space<semaphore_mem>>)
    %scan3A = arith.constant 0 : i32
    %scan3A_20 = arith.constant 0 : i32
    %scan3A_21 = arith.constant 40 : i32
    %scan3A_22 = arith.addi %scan3A_20, %scan3A_21 : i32
    %scan3A_23 = arith.constant 1 : i32
    scf.for %scan3A_26 = %scan3A_20 to %scan3A_22 step %scan3A_23  : i32 {
      %mul3A_27 = arith.constant 2 : i32
      %mul3A_28 = arith.muli %mul3A_27, %scan3A_26 : i32
      %dma_wait3A = arith.constant 0 : i32
      %dma_wait3A_29 = tpu.memref_slice %arg7[%mul3A_28, %dma_wait3A] : memref<80x128xi32, #tpu.memory_space<vmem>> -> memref<1x128xi32, #tpu.memory_space<vmem>>
      %dma_wait3A_30 = tpu.memref_squeeze %dma_wait3A_29 : memref<1x128xi32, #tpu.memory_space<vmem>> -> memref<128xi32, #tpu.memory_space<vmem>>
      %dma_wait3A_31 = arith.constant 0 : i32
      %dma_wait3A_32 = arith.constant 0 : i32
      %dma_wait3A_33 = tpu.memref_slice %arg4[%dma_wait3A_31, %dma_wait3A_32] : memref<10240x64xf32, #tpu.memory_space<hbm>> -> memref<10240x64xf32, #tpu.memory_space<hbm>>
      tpu.wait_indirect_dma semaphore(%arg12 : memref<!tpu.dma_semaphore, #tpu.memory_space<semaphore_mem>>) src(%dma_wait3A_33 : memref<10240x64xf32, #tpu.memory_space<hbm>>) dst(%arg9 : memref<128x64xf32, #tpu.memory_space<vmem>>)
      "tpu.region"() ({
        %run_scoped3A = tpu.sem_alloc : memref<!tpu.dma_semaphore, #tpu.memory_space<semaphore_mem>>
        %dma_start3A_55 = arith.constant 0 : i32
        %dma_start3A_56 = tpu.memref_slice %arg8[%mul3A_28, %dma_start3A_55] : memref<80x128xi32, #tpu.memory_space<vmem>> -> memref<1x128xi32, #tpu.memory_space<vmem>>
        %dma_start3A_57 = tpu.memref_squeeze %dma_start3A_56 : memref<1x128xi32, #tpu.memory_space<vmem>> -> memref<128xi32, #tpu.memory_space<vmem>>
        %dma_start3A_58 = arith.constant 0 : i32
        %dma_start3A_59 = arith.constant 0 : i32
        %dma_start3A_60 = tpu.memref_slice %arg11[%dma_start3A_58, %dma_start3A_59] : memref<10240x64xf32, #tpu.memory_space<vmem_shared>> -> memref<10240x64xf32, #tpu.memory_space<vmem_shared>>
        tpu.enqueue_indirect_dma source(%arg9 : memref<128x64xf32, #tpu.memory_space<vmem>>) target(%dma_start3A_60 : memref<10240x64xf32, #tpu.memory_space<vmem_shared>>) offsets(%dma_start3A_57 : memref<128xi32, #tpu.memory_space<vmem>>) semaphore(%run_scoped3A : memref<!tpu.dma_semaphore, #tpu.memory_space<semaphore_mem>>) {add = true}
        %dma_wait3A_61 = arith.constant 0 : i32
        %dma_wait3A_62 = tpu.memref_slice %arg8[%mul3A_28, %dma_wait3A_61] : memref<80x128xi32, #tpu.memory_space<vmem>> -> memref<1x128xi32, #tpu.memory_space<vmem>>
        %dma_wait3A_63 = tpu.memref_squeeze %dma_wait3A_62 : memref<1x128xi32, #tpu.memory_space<vmem>> -> memref<128xi32, #tpu.memory_space<vmem>>
        %dma_wait3A_64 = arith.constant 0 : i32
        %dma_wait3A_65 = arith.constant 0 : i32
        %dma_wait3A_66 = tpu.memref_slice %arg11[%dma_wait3A_64, %dma_wait3A_65] : memref<10240x64xf32, #tpu.memory_space<vmem_shared>> -> memref<10240x64xf32, #tpu.memory_space<vmem_shared>>
        tpu.wait_indirect_dma semaphore(%run_scoped3A : memref<!tpu.dma_semaphore, #tpu.memory_space<semaphore_mem>>) src(%arg9 : memref<128x64xf32, #tpu.memory_space<vmem>>) dst(%dma_wait3A_66 : memref<10240x64xf32, #tpu.memory_space<vmem_shared>>)
        tpu.yield
      }) : () -> ()
      %add3A_34 = arith.constant 1 : i32
      %add3A_35 = arith.addi %scan3A_26, %add3A_34 : i32
      %lt3A = arith.constant 40 : i32
      %lt3A_36 = arith.cmpi slt, %add3A_35, %lt3A : i32
      %convert_element_type3A = arith.extui %lt3A_36 : i1 to i32
      %cond3A = arith.constant 0 : i32
      %cond3A_37 = arith.cmpi ne, %convert_element_type3A, %cond3A : i32
      scf.if %cond3A_37 {
        %add3A_55 = arith.constant 2 : i32
        %add3A_56 = arith.addi %mul3A_28, %add3A_55 : i32
        %dma_start3A_57 = arith.constant 0 : i32
        %dma_start3A_58 = tpu.memref_slice %arg7[%add3A_56, %dma_start3A_57] : memref<80x128xi32, #tpu.memory_space<vmem>> -> memref<1x128xi32, #tpu.memory_space<vmem>>
        %dma_start3A_59 = tpu.memref_squeeze %dma_start3A_58 : memref<1x128xi32, #tpu.memory_space<vmem>> -> memref<128xi32, #tpu.memory_space<vmem>>
        %dma_start3A_60 = arith.constant 0 : i32
        %dma_start3A_61 = arith.constant 0 : i32
        %dma_start3A_62 = tpu.memref_slice %arg4[%dma_start3A_60, %dma_start3A_61] : memref<10240x64xf32, #tpu.memory_space<hbm>> -> memref<10240x64xf32, #tpu.memory_space<hbm>>
        tpu.enqueue_indirect_dma source(%dma_start3A_62 : memref<10240x64xf32, #tpu.memory_space<hbm>>) target(%arg9 : memref<128x64xf32, #tpu.memory_space<vmem>>) offsets(%dma_start3A_59 : memref<128xi32, #tpu.memory_space<vmem>>) semaphore(%arg12 : memref<!tpu.dma_semaphore, #tpu.memory_space<semaphore_mem>>)
      } else {
      }
      %add3A_38 = arith.constant 1 : i32
      %add3A_39 = arith.addi %mul3A_28, %add3A_38 : i32
      %dma_wait3A_40 = arith.constant 0 : i32
      %dma_wait3A_41 = tpu.memref_slice %arg7[%add3A_39, %dma_wait3A_40] : memref<80x128xi32, #tpu.memory_space<vmem>> -> memref<1x128xi32, #tpu.memory_space<vmem>>
      %dma_wait3A_42 = tpu.memref_squeeze %dma_wait3A_41 : memref<1x128xi32, #tpu.memory_space<vmem>> -> memref<128xi32, #tpu.memory_space<vmem>>
      %dma_wait3A_43 = arith.constant 0 : i32
      %dma_wait3A_44 = arith.constant 0 : i32
      %dma_wait3A_45 = tpu.memref_slice %arg4[%dma_wait3A_43, %dma_wait3A_44] : memref<10240x64xf32, #tpu.memory_space<hbm>> -> memref<10240x64xf32, #tpu.memory_space<hbm>>
      tpu.wait_indirect_dma semaphore(%arg13 : memref<!tpu.dma_semaphore, #tpu.memory_space<semaphore_mem>>) src(%dma_wait3A_45 : memref<10240x64xf32, #tpu.memory_space<hbm>>) dst(%arg10 : memref<128x64xf32, #tpu.memory_space<vmem>>)
      %add3A_46 = arith.constant 1 : i32
      %add3A_47 = arith.addi %mul3A_28, %add3A_46 : i32
      "tpu.region"() ({
        %run_scoped3A = tpu.sem_alloc : memref<!tpu.dma_semaphore, #tpu.memory_space<semaphore_mem>>
        %dma_start3A_55 = arith.constant 0 : i32
        %dma_start3A_56 = tpu.memref_slice %arg8[%add3A_47, %dma_start3A_55] : memref<80x128xi32, #tpu.memory_space<vmem>> -> memref<1x128xi32, #tpu.memory_space<vmem>>
        %dma_start3A_57 = tpu.memref_squeeze %dma_start3A_56 : memref<1x128xi32, #tpu.memory_space<vmem>> -> memref<128xi32, #tpu.memory_space<vmem>>
        %dma_start3A_58 = arith.constant 0 : i32
        %dma_start3A_59 = arith.constant 0 : i32
        %dma_start3A_60 = tpu.memref_slice %arg11[%dma_start3A_58, %dma_start3A_59] : memref<10240x64xf32, #tpu.memory_space<vmem_shared>> -> memref<10240x64xf32, #tpu.memory_space<vmem_shared>>
        tpu.enqueue_indirect_dma source(%arg10 : memref<128x64xf32, #tpu.memory_space<vmem>>) target(%dma_start3A_60 : memref<10240x64xf32, #tpu.memory_space<vmem_shared>>) offsets(%dma_start3A_57 : memref<128xi32, #tpu.memory_space<vmem>>) semaphore(%run_scoped3A : memref<!tpu.dma_semaphore, #tpu.memory_space<semaphore_mem>>) {add = true}
        %dma_wait3A_61 = arith.constant 0 : i32
        %dma_wait3A_62 = tpu.memref_slice %arg8[%add3A_47, %dma_wait3A_61] : memref<80x128xi32, #tpu.memory_space<vmem>> -> memref<1x128xi32, #tpu.memory_space<vmem>>
        %dma_wait3A_63 = tpu.memref_squeeze %dma_wait3A_62 : memref<1x128xi32, #tpu.memory_space<vmem>> -> memref<128xi32, #tpu.memory_space<vmem>>
        %dma_wait3A_64 = arith.constant 0 : i32
        %dma_wait3A_65 = arith.constant 0 : i32
        %dma_wait3A_66 = tpu.memref_slice %arg11[%dma_wait3A_64, %dma_wait3A_65] : memref<10240x64xf32, #tpu.memory_space<vmem_shared>> -> memref<10240x64xf32, #tpu.memory_space<vmem_shared>>
        tpu.wait_indirect_dma semaphore(%run_scoped3A : memref<!tpu.dma_semaphore, #tpu.memory_space<semaphore_mem>>) src(%arg10 : memref<128x64xf32, #tpu.memory_space<vmem>>) dst(%dma_wait3A_66 : memref<10240x64xf32, #tpu.memory_space<vmem_shared>>)
        tpu.yield
      }) : () -> ()
      %add3A_48 = arith.constant 1 : i32
      %add3A_49 = arith.addi %scan3A_26, %add3A_48 : i32
      %lt3A_50 = arith.constant 40 : i32
      %lt3A_51 = arith.cmpi slt, %add3A_49, %lt3A_50 : i32
      %convert_element_type3A_52 = arith.extui %lt3A_51 : i1 to i32
      %cond3A_53 = arith.constant 0 : i32
      %cond3A_54 = arith.cmpi ne, %convert_element_type3A_52, %cond3A_53 : i32
      scf.if %cond3A_54 {
        %add3A_55 = arith.constant 3 : i32
        %add3A_56 = arith.addi %mul3A_28, %add3A_55 : i32
        %dma_start3A_57 = arith.constant 0 : i32
        %dma_start3A_58 = tpu.memref_slice %arg7[%add3A_56, %dma_start3A_57] : memref<80x128xi32, #tpu.memory_space<vmem>> -> memref<1x128xi32, #tpu.memory_space<vmem>>
        %dma_start3A_59 = tpu.memref_squeeze %dma_start3A_58 : memref<1x128xi32, #tpu.memory_space<vmem>> -> memref<128xi32, #tpu.memory_space<vmem>>
        %dma_start3A_60 = arith.constant 0 : i32
        %dma_start3A_61 = arith.constant 0 : i32
        %dma_start3A_62 = tpu.memref_slice %arg4[%dma_start3A_60, %dma_start3A_61] : memref<10240x64xf32, #tpu.memory_space<hbm>> -> memref<10240x64xf32, #tpu.memory_space<hbm>>
        tpu.enqueue_indirect_dma source(%dma_start3A_62 : memref<10240x64xf32, #tpu.memory_space<hbm>>) target(%arg10 : memref<128x64xf32, #tpu.memory_space<vmem>>) offsets(%dma_start3A_59 : memref<128xi32, #tpu.memory_space<vmem>>) semaphore(%arg13 : memref<!tpu.dma_semaphore, #tpu.memory_space<semaphore_mem>>)
      } else {
      }
    }
    %scan3A_24 = arith.constant 40 : i32
    %barrier3A_25 = arith.constant 0 : index
    tpu.barrier barrier_id(%barrier3A_25)
    "tpu.region"() ({
      %run_scoped3A = tpu.sem_alloc : memref<!tpu.dma_semaphore, #tpu.memory_space<semaphore_mem>>
      %dma_start3A_26 = arith.constant 0 : i32
      %dma_start3A_27 = tpu.memref_slice %arg6[%arg0, %mul3A_2, %dma_start3A_26] : memref<2x10240x64xf32, #tpu.memory_space<hbm>> -> memref<1x640x64xf32, #tpu.memory_space<hbm>>
      %dma_start3A_28 = tpu.memref_squeeze %dma_start3A_27 : memref<1x640x64xf32, #tpu.memory_space<hbm>> -> memref<640x64xf32, #tpu.memory_space<hbm>>
      %dma_start3A_29 = arith.constant 0 : i32
      %dma_start3A_30 = tpu.memref_slice %arg11[%mul3A_2, %dma_start3A_29] : memref<10240x64xf32, #tpu.memory_space<vmem_shared>> -> memref<640x64xf32, #tpu.memory_space<vmem_shared>>
      tpu.enqueue_dma source(%dma_start3A_30 : memref<640x64xf32, #tpu.memory_space<vmem_shared>>) target(%dma_start3A_28 : memref<640x64xf32, #tpu.memory_space<hbm>>) target_semaphore(%run_scoped3A : memref<!tpu.dma_semaphore, #tpu.memory_space<semaphore_mem>>)
      %dma_wait3A = arith.constant 0 : i32
      %dma_wait3A_31 = tpu.memref_slice %arg6[%arg0, %mul3A_2, %dma_wait3A] : memref<2x10240x64xf32, #tpu.memory_space<hbm>> -> memref<1x640x64xf32, #tpu.memory_space<hbm>>
      %dma_wait3A_32 = tpu.memref_squeeze %dma_wait3A_31 : memref<1x640x64xf32, #tpu.memory_space<hbm>> -> memref<640x64xf32, #tpu.memory_space<hbm>>
      %dma_wait3A_33 = arith.constant 0 : i32
      %dma_wait3A_34 = tpu.memref_slice %arg11[%mul3A_2, %dma_wait3A_33] : memref<10240x64xf32, #tpu.memory_space<vmem_shared>> -> memref<640x64xf32, #tpu.memory_space<vmem_shared>>
      tpu.wait_dma2 semaphore(%run_scoped3A : memref<!tpu.dma_semaphore, #tpu.memory_space<semaphore_mem>>) src(%dma_wait3A_34 : memref<640x64xf32, #tpu.memory_space<vmem_shared>>) dst(%dma_wait3A_32 : memref<640x64xf32, #tpu.memory_space<hbm>>)
      tpu.yield
    }) : () -> ()
    return
  }
}

#map = affine_map<(d0, d1) -> (0, 0)>
#map1 = affine_map<(d0, d1) -> (0, 0, 0)>
module attributes {stable_mosaic.version = 14 : i64} {
  func.func @body(%arg0: i32, %arg1: i32, %arg2: memref<2560x128xi32, #tpu.memory_space<hbm>>, %arg3: memref<2560x128xi32, #tpu.memory_space<hbm>>, %arg4: memref<10240x64xf32, #tpu.memory_space<hbm>>, %arg5: memref<10240x64xf32, #tpu.memory_space<hbm>>, %arg6: memref<2x10240x64xf32, #tpu.memory_space<hbm>>, %arg7: memref<80x128xi32, #tpu.memory_space<vmem>>, %arg8: memref<80x128xi32, #tpu.memory_space<vmem>>, %arg9: memref<128x64xf32, #tpu.memory_space<vmem>>, %arg10: memref<128x64xf32, #tpu.memory_space<vmem>>, %arg11: memref<10240x64xf32, #tpu.memory_space<vmem_shared>>, %arg12: memref<!tpu.dma_semaphore, #tpu.memory_space<semaphore_mem>>, %arg13: memref<!tpu.dma_semaphore, #tpu.memory_space<semaphore_mem>>) attributes {dimension_semantics = [#tpu.dimension_semantics<core_parallel>, #tpu.dimension_semantics<subcore_parallel>], iteration_bounds = array<i64: 2, 16>, scalar_prefetch = 0 : i64, scratch_operands = 7 : i64, tpu.core_type = #tpu.core_type<sc_vector_subcore>, window_params = [{transform_indices = #map}, {transform_indices = #map}, {transform_indices = #map}, {transform_indices = #map}, {transform_indices = #map1}]} {
    %mul3A = arith.constant 16 : i32
    %mul3A_0 = arith.muli %arg0, %mul3A : i32
    %add3A = arith.addi %mul3A_0, %arg1 : i32
    %mul3A_1 = arith.constant 640 : i32
    %mul3A_2 = arith.muli %arg1, %mul3A_1 : i32
    "tpu.region"() ({
      %run_scoped3A = tpu.sem_alloc : memref<!tpu.dma_semaphore, #tpu.memory_space<semaphore_mem>>
      %dma_start3A_26 = arith.constant 0 : i32
      %dma_start3A_27 = tpu.memref_slice %arg11[%mul3A_2, %dma_start3A_26] : memref<10240x64xf32, #tpu.memory_space<vmem_shared>> -> memref<640x64xf32, #tpu.memory_space<vmem_shared>>
      %dma_start3A_28 = arith.constant 0 : i32
      %dma_start3A_29 = tpu.memref_slice %arg5[%mul3A_2, %dma_start3A_28] : memref<10240x64xf32, #tpu.memory_space<hbm>> -> memref<640x64xf32, #tpu.memory_space<hbm>>
      tpu.enqueue_dma source(%dma_start3A_29 : memref<640x64xf32, #tpu.memory_space<hbm>>) target(%dma_start3A_27 : memref<640x64xf32, #tpu.memory_space<vmem_shared>>) target_semaphore(%run_scoped3A : memref<!tpu.dma_semaphore, #tpu.memory_space<semaphore_mem>>)
      %dma_wait3A = arith.constant 0 : i32
      %dma_wait3A_30 = tpu.memref_slice %arg11[%mul3A_2, %dma_wait3A] : memref<10240x64xf32, #tpu.memory_space<vmem_shared>> -> memref<640x64xf32, #tpu.memory_space<vmem_shared>>
      %dma_wait3A_31 = arith.constant 0 : i32
      %dma_wait3A_32 = tpu.memref_slice %arg5[%mul3A_2, %dma_wait3A_31] : memref<10240x64xf32, #tpu.memory_space<hbm>> -> memref<640x64xf32, #tpu.memory_space<hbm>>
      tpu.wait_dma2 semaphore(%run_scoped3A : memref<!tpu.dma_semaphore, #tpu.memory_space<semaphore_mem>>) src(%dma_wait3A_32 : memref<640x64xf32, #tpu.memory_space<hbm>>) dst(%dma_wait3A_30 : memref<640x64xf32, #tpu.memory_space<vmem_shared>>)
      tpu.yield
    }) : () -> ()
    %barrier3A = arith.constant 0 : index
    tpu.barrier barrier_id(%barrier3A)
    %mul3A_3 = arith.constant 80 : i32
    %mul3A_4 = arith.muli %add3A, %mul3A_3 : i32
    "tpu.region"() ({
      %run_scoped3A = tpu.sem_alloc : memref<!tpu.dma_semaphore, #tpu.memory_space<semaphore_mem>>
      %dma_start3A_26 = arith.constant 0 : i32
      %dma_start3A_27 = tpu.memref_slice %arg2[%mul3A_4, %dma_start3A_26] : memref<2560x128xi32, #tpu.memory_space<hbm>> -> memref<80x128xi32, #tpu.memory_space<hbm>>
      %dma_start3A_28 = arith.constant 0 : i32
      %dma_start3A_29 = tpu.memref_slice %arg2[%mul3A_4, %dma_start3A_28] : memref<2560x128xi32, #tpu.memory_space<hbm>> -> memref<80x128xi32, #tpu.memory_space<hbm>>
      tpu.enqueue_dma source(%dma_start3A_29 : memref<80x128xi32, #tpu.memory_space<hbm>>) target(%arg7 : memref<80x128xi32, #tpu.memory_space<vmem>>) target_semaphore(%run_scoped3A : memref<!tpu.dma_semaphore, #tpu.memory_space<semaphore_mem>>)
      %dma_wait3A = arith.constant 0 : i32
      %dma_wait3A_30 = tpu.memref_slice %arg2[%mul3A_4, %dma_wait3A] : memref<2560x128xi32, #tpu.memory_space<hbm>> -> memref<80x128xi32, #tpu.memory_space<hbm>>
      %dma_wait3A_31 = arith.constant 0 : i32
      %dma_wait3A_32 = tpu.memref_slice %arg2[%mul3A_4, %dma_wait3A_31] : memref<2560x128xi32, #tpu.memory_space<hbm>> -> memref<80x128xi32, #tpu.memory_space<hbm>>
      tpu.wait_dma2 semaphore(%run_scoped3A : memref<!tpu.dma_semaphore, #tpu.memory_space<semaphore_mem>>) src(%dma_wait3A_32 : memref<80x128xi32, #tpu.memory_space<hbm>>) dst(%arg7 : memref<80x128xi32, #tpu.memory_space<vmem>>)
      tpu.yield
    }) : () -> ()
    %mul3A_5 = arith.constant 80 : i32
    %mul3A_6 = arith.muli %add3A, %mul3A_5 : i32
    "tpu.region"() ({
      %run_scoped3A = tpu.sem_alloc : memref<!tpu.dma_semaphore, #tpu.memory_space<semaphore_mem>>
      %dma_start3A_26 = arith.constant 0 : i32
      %dma_start3A_27 = tpu.memref_slice %arg3[%mul3A_6, %dma_start3A_26] : memref<2560x128xi32, #tpu.memory_space<hbm>> -> memref<80x128xi32, #tpu.memory_space<hbm>>
      %dma_start3A_28 = arith.constant 0 : i32
      %dma_start3A_29 = tpu.memref_slice %arg3[%mul3A_6, %dma_start3A_28] : memref<2560x128xi32, #tpu.memory_space<hbm>> -> memref<80x128xi32, #tpu.memory_space<hbm>>
      tpu.enqueue_dma source(%dma_start3A_29 : memref<80x128xi32, #tpu.memory_space<hbm>>) target(%arg8 : memref<80x128xi32, #tpu.memory_space<vmem>>) target_semaphore(%run_scoped3A : memref<!tpu.dma_semaphore, #tpu.memory_space<semaphore_mem>>)
      %dma_wait3A = arith.constant 0 : i32
      %dma_wait3A_30 = tpu.memref_slice %arg3[%mul3A_6, %dma_wait3A] : memref<2560x128xi32, #tpu.memory_space<hbm>> -> memref<80x128xi32, #tpu.memory_space<hbm>>
      %dma_wait3A_31 = arith.constant 0 : i32
      %dma_wait3A_32 = tpu.memref_slice %arg3[%mul3A_6, %dma_wait3A_31] : memref<2560x128xi32, #tpu.memory_space<hbm>> -> memref<80x128xi32, #tpu.memory_space<hbm>>
      tpu.wait_dma2 semaphore(%run_scoped3A : memref<!tpu.dma_semaphore, #tpu.memory_space<semaphore_mem>>) src(%dma_wait3A_32 : memref<80x128xi32, #tpu.memory_space<hbm>>) dst(%arg8 : memref<80x128xi32, #tpu.memory_space<vmem>>)
      tpu.yield
    }) : () -> ()
    %dma_start3A = arith.constant 0 : i32
    %dma_start3A_7 = arith.constant 0 : i32
    %dma_start3A_8 = tpu.memref_slice %arg7[%dma_start3A, %dma_start3A_7] : memref<80x128xi32, #tpu.memory_space<vmem>> -> memref<1x128xi32, #tpu.memory_space<vmem>>
    %dma_start3A_9 = tpu.memref_squeeze %dma_start3A_8 : memref<1x128xi32, #tpu.memory_space<vmem>> -> memref<128xi32, #tpu.memory_space<vmem>>
    %dma_start3A_10 = arith.constant 0 : i32
    %dma_start3A_11 = arith.constant 0 : i32
    %dma_start3A_12 = tpu.memref_slice %arg4[%dma_start3A_10, %dma_start3A_11] : memref<10240x64xf32, #tpu.memory_space<hbm>> -> memref<10240x64xf32, #tpu.memory_space<hbm>>
    tpu.enqueue_indirect_dma source(%dma_start3A_12 : memref<10240x64xf32, #tpu.memory_space<hbm>>) target(%arg9 : memref<128x64xf32, #tpu.memory_space<vmem>>) offsets(%dma_start3A_9 : memref<128xi32, #tpu.memory_space<vmem>>) semaphore(%arg12 : memref<!tpu.dma_semaphore, #tpu.memory_space<semaphore_mem>>)
    %dma_start3A_13 = arith.constant 1 : i32
    %dma_start3A_14 = arith.constant 0 : i32
    %dma_start3A_15 = tpu.memref_slice %arg7[%dma_start3A_13, %dma_start3A_14] : memref<80x128xi32, #tpu.memory_space<vmem>> -> memref<1x128xi32, #tpu.memory_space<vmem>>
    %dma_start3A_16 = tpu.memref_squeeze %dma_start3A_15 : memref<1x128xi32, #tpu.memory_space<vmem>> -> memref<128xi32, #tpu.memory_space<vmem>>
    %dma_start3A_17 = arith.constant 0 : i32
    %dma_start3A_18 = arith.constant 0 : i32
    %dma_start3A_19 = tpu.memref_slice %arg4[%dma_start3A_17, %dma_start3A_18] : memref<10240x64xf32, #tpu.memory_space<hbm>> -> memref<10240x64xf32, #tpu.memory_space<hbm>>
    tpu.enqueue_indirect_dma source(%dma_start3A_19 : memref<10240x64xf32, #tpu.memory_space<hbm>>) target(%arg10 : memref<128x64xf32, #tpu.memory_space<vmem>>) offsets(%dma_start3A_16 : memref<128xi32, #tpu.memory_space<vmem>>) semaphore(%arg13 : memref<!tpu.dma_semaphore, #tpu.memory_space<semaphore_mem>>)
    %scan3A = arith.constant 0 : i32
    %scan3A_20 = arith.constant 0 : i32
    %scan3A_21 = arith.constant 40 : i32
    %scan3A_22 = arith.addi %scan3A_20, %scan3A_21 : i32
    %scan3A_23 = arith.constant 1 : i32
    scf.for %scan3A_26 = %scan3A_20 to %scan3A_22 step %scan3A_23  : i32 {
      %mul3A_27 = arith.constant 2 : i32
      %mul3A_28 = arith.muli %mul3A_27, %scan3A_26 : i32
      %dma_wait3A = arith.constant 0 : i32
      %dma_wait3A_29 = tpu.memref_slice %arg7[%mul3A_28, %dma_wait3A] : memref<80x128xi32, #tpu.memory_space<vmem>> -> memref<1x128xi32, #tpu.memory_space<vmem>>
      %dma_wait3A_30 = tpu.memref_squeeze %dma_wait3A_29 : memref<1x128xi32, #tpu.memory_space<vmem>> -> memref<128xi32, #tpu.memory_space<vmem>>
      %dma_wait3A_31 = arith.constant 0 : i32
      %dma_wait3A_32 = arith.constant 0 : i32
      %dma_wait3A_33 = tpu.memref_slice %arg4[%dma_wait3A_31, %dma_wait3A_32] : memref<10240x64xf32, #tpu.memory_space<hbm>> -> memref<10240x64xf32, #tpu.memory_space<hbm>>
      tpu.wait_indirect_dma semaphore(%arg12 : memref<!tpu.dma_semaphore, #tpu.memory_space<semaphore_mem>>) src(%dma_wait3A_33 : memref<10240x64xf32, #tpu.memory_space<hbm>>) dst(%arg9 : memref<128x64xf32, #tpu.memory_space<vmem>>)
      "tpu.region"() ({
        %run_scoped3A = tpu.sem_alloc : memref<!tpu.dma_semaphore, #tpu.memory_space<semaphore_mem>>
        %dma_start3A_55 = arith.constant 0 : i32
        %dma_start3A_56 = tpu.memref_slice %arg8[%mul3A_28, %dma_start3A_55] : memref<80x128xi32, #tpu.memory_space<vmem>> -> memref<1x128xi32, #tpu.memory_space<vmem>>
        %dma_start3A_57 = tpu.memref_squeeze %dma_start3A_56 : memref<1x128xi32, #tpu.memory_space<vmem>> -> memref<128xi32, #tpu.memory_space<vmem>>
        %dma_start3A_58 = arith.constant 0 : i32
        %dma_start3A_59 = arith.constant 0 : i32
        %dma_start3A_60 = tpu.memref_slice %arg11[%dma_start3A_58, %dma_start3A_59] : memref<10240x64xf32, #tpu.memory_space<vmem_shared>> -> memref<10240x64xf32, #tpu.memory_space<vmem_shared>>
        tpu.enqueue_indirect_dma source(%arg9 : memref<128x64xf32, #tpu.memory_space<vmem>>) target(%dma_start3A_60 : memref<10240x64xf32, #tpu.memory_space<vmem_shared>>) offsets(%dma_start3A_57 : memref<128xi32, #tpu.memory_space<vmem>>) semaphore(%run_scoped3A : memref<!tpu.dma_semaphore, #tpu.memory_space<semaphore_mem>>) {add = true}
        %dma_wait3A_61 = arith.constant 0 : i32
        %dma_wait3A_62 = tpu.memref_slice %arg8[%mul3A_28, %dma_wait3A_61] : memref<80x128xi32, #tpu.memory_space<vmem>> -> memref<1x128xi32, #tpu.memory_space<vmem>>
        %dma_wait3A_63 = tpu.memref_squeeze %dma_wait3A_62 : memref<1x128xi32, #tpu.memory_space<vmem>> -> memref<128xi32, #tpu.memory_space<vmem>>
        %dma_wait3A_64 = arith.constant 0 : i32
        %dma_wait3A_65 = arith.constant 0 : i32
        %dma_wait3A_66 = tpu.memref_slice %arg11[%dma_wait3A_64, %dma_wait3A_65] : memref<10240x64xf32, #tpu.memory_space<vmem_shared>> -> memref<10240x64xf32, #tpu.memory_space<vmem_shared>>
        tpu.wait_indirect_dma semaphore(%run_scoped3A : memref<!tpu.dma_semaphore, #tpu.memory_space<semaphore_mem>>) src(%arg9 : memref<128x64xf32, #tpu.memory_space<vmem>>) dst(%dma_wait3A_66 : memref<10240x64xf32, #tpu.memory_space<vmem_shared>>)
        tpu.yield
      }) : () -> ()
      %add3A_34 = arith.constant 1 : i32
      %add3A_35 = arith.addi %scan3A_26, %add3A_34 : i32
      %lt3A = arith.constant 40 : i32
      %lt3A_36 = arith.cmpi slt, %add3A_35, %lt3A : i32
      %convert_element_type3A = arith.extui %lt3A_36 : i1 to i32
      %cond3A = arith.constant 0 : i32
      %cond3A_37 = arith.cmpi ne, %convert_element_type3A, %cond3A : i32
      scf.if %cond3A_37 {
        %add3A_55 = arith.constant 2 : i32
        %add3A_56 = arith.addi %mul3A_28, %add3A_55 : i32
        %dma_start3A_57 = arith.constant 0 : i32
        %dma_start3A_58 = tpu.memref_slice %arg7[%add3A_56, %dma_start3A_57] : memref<80x128xi32, #tpu.memory_space<vmem>> -> memref<1x128xi32, #tpu.memory_space<vmem>>
        %dma_start3A_59 = tpu.memref_squeeze %dma_start3A_58 : memref<1x128xi32, #tpu.memory_space<vmem>> -> memref<128xi32, #tpu.memory_space<vmem>>
        %dma_start3A_60 = arith.constant 0 : i32
        %dma_start3A_61 = arith.constant 0 : i32
        %dma_start3A_62 = tpu.memref_slice %arg4[%dma_start3A_60, %dma_start3A_61] : memref<10240x64xf32, #tpu.memory_space<hbm>> -> memref<10240x64xf32, #tpu.memory_space<hbm>>
        tpu.enqueue_indirect_dma source(%dma_start3A_62 : memref<10240x64xf32, #tpu.memory_space<hbm>>) target(%arg9 : memref<128x64xf32, #tpu.memory_space<vmem>>) offsets(%dma_start3A_59 : memref<128xi32, #tpu.memory_space<vmem>>) semaphore(%arg12 : memref<!tpu.dma_semaphore, #tpu.memory_space<semaphore_mem>>)
      } else {
      }
      %add3A_38 = arith.constant 1 : i32
      %add3A_39 = arith.addi %mul3A_28, %add3A_38 : i32
      %dma_wait3A_40 = arith.constant 0 : i32
      %dma_wait3A_41 = tpu.memref_slice %arg7[%add3A_39, %dma_wait3A_40] : memref<80x128xi32, #tpu.memory_space<vmem>> -> memref<1x128xi32, #tpu.memory_space<vmem>>
      %dma_wait3A_42 = tpu.memref_squeeze %dma_wait3A_41 : memref<1x128xi32, #tpu.memory_space<vmem>> -> memref<128xi32, #tpu.memory_space<vmem>>
      %dma_wait3A_43 = arith.constant 0 : i32
      %dma_wait3A_44 = arith.constant 0 : i32
      %dma_wait3A_45 = tpu.memref_slice %arg4[%dma_wait3A_43, %dma_wait3A_44] : memref<10240x64xf32, #tpu.memory_space<hbm>> -> memref<10240x64xf32, #tpu.memory_space<hbm>>
      tpu.wait_indirect_dma semaphore(%arg13 : memref<!tpu.dma_semaphore, #tpu.memory_space<semaphore_mem>>) src(%dma_wait3A_45 : memref<10240x64xf32, #tpu.memory_space<hbm>>) dst(%arg10 : memref<128x64xf32, #tpu.memory_space<vmem>>)
      %add3A_46 = arith.constant 1 : i32
      %add3A_47 = arith.addi %mul3A_28, %add3A_46 : i32
      "tpu.region"() ({
        %run_scoped3A = tpu.sem_alloc : memref<!tpu.dma_semaphore, #tpu.memory_space<semaphore_mem>>
        %dma_start3A_55 = arith.constant 0 : i32
        %dma_start3A_56 = tpu.memref_slice %arg8[%add3A_47, %dma_start3A_55] : memref<80x128xi32, #tpu.memory_space<vmem>> -> memref<1x128xi32, #tpu.memory_space<vmem>>
        %dma_start3A_57 = tpu.memref_squeeze %dma_start3A_56 : memref<1x128xi32, #tpu.memory_space<vmem>> -> memref<128xi32, #tpu.memory_space<vmem>>
        %dma_start3A_58 = arith.constant 0 : i32
        %dma_start3A_59 = arith.constant 0 : i32
        %dma_start3A_60 = tpu.memref_slice %arg11[%dma_start3A_58, %dma_start3A_59] : memref<10240x64xf32, #tpu.memory_space<vmem_shared>> -> memref<10240x64xf32, #tpu.memory_space<vmem_shared>>
        tpu.enqueue_indirect_dma source(%arg10 : memref<128x64xf32, #tpu.memory_space<vmem>>) target(%dma_start3A_60 : memref<10240x64xf32, #tpu.memory_space<vmem_shared>>) offsets(%dma_start3A_57 : memref<128xi32, #tpu.memory_space<vmem>>) semaphore(%run_scoped3A : memref<!tpu.dma_semaphore, #tpu.memory_space<semaphore_mem>>) {add = true}
        %dma_wait3A_61 = arith.constant 0 : i32
        %dma_wait3A_62 = tpu.memref_slice %arg8[%add3A_47, %dma_wait3A_61] : memref<80x128xi32, #tpu.memory_space<vmem>> -> memref<1x128xi32, #tpu.memory_space<vmem>>
        %dma_wait3A_63 = tpu.memref_squeeze %dma_wait3A_62 : memref<1x128xi32, #tpu.memory_space<vmem>> -> memref<128xi32, #tpu.memory_space<vmem>>
        %dma_wait3A_64 = arith.constant 0 : i32
        %dma_wait3A_65 = arith.constant 0 : i32
        %dma_wait3A_66 = tpu.memref_slice %arg11[%dma_wait3A_64, %dma_wait3A_65] : memref<10240x64xf32, #tpu.memory_space<vmem_shared>> -> memref<10240x64xf32, #tpu.memory_space<vmem_shared>>
        tpu.wait_indirect_dma semaphore(%run_scoped3A : memref<!tpu.dma_semaphore, #tpu.memory_space<semaphore_mem>>) src(%arg10 : memref<128x64xf32, #tpu.memory_space<vmem>>) dst(%dma_wait3A_66 : memref<10240x64xf32, #tpu.memory_space<vmem_shared>>)
        tpu.yield
      }) : () -> ()
      %add3A_48 = arith.constant 1 : i32
      %add3A_49 = arith.addi %scan3A_26, %add3A_48 : i32
      %lt3A_50 = arith.constant 40 : i32
      %lt3A_51 = arith.cmpi slt, %add3A_49, %lt3A_50 : i32
      %convert_element_type3A_52 = arith.extui %lt3A_51 : i1 to i32
      %cond3A_53 = arith.constant 0 : i32
      %cond3A_54 = arith.cmpi ne, %convert_element_type3A_52, %cond3A_53 : i32
      scf.if %cond3A_54 {
        %add3A_55 = arith.constant 3 : i32
        %add3A_56 = arith.addi %mul3A_28, %add3A_55 : i32
        %dma_start3A_57 = arith.constant 0 : i32
        %dma_start3A_58 = tpu.memref_slice %arg7[%add3A_56, %dma_start3A_57] : memref<80x128xi32, #tpu.memory_space<vmem>> -> memref<1x128xi32, #tpu.memory_space<vmem>>
        %dma_start3A_59 = tpu.memref_squeeze %dma_start3A_58 : memref<1x128xi32, #tpu.memory_space<vmem>> -> memref<128xi32, #tpu.memory_space<vmem>>
        %dma_start3A_60 = arith.constant 0 : i32
        %dma_start3A_61 = arith.constant 0 : i32
        %dma_start3A_62 = tpu.memref_slice %arg4[%dma_start3A_60, %dma_start3A_61] : memref<10240x64xf32, #tpu.memory_space<hbm>> -> memref<10240x64xf32, #tpu.memory_space<hbm>>
        tpu.enqueue_indirect_dma source(%dma_start3A_62 : memref<10240x64xf32, #tpu.memory_space<hbm>>) target(%arg10 : memref<128x64xf32, #tpu.memory_space<vmem>>) offsets(%dma_start3A_59 : memref<128xi32, #tpu.memory_space<vmem>>) semaphore(%arg13 : memref<!tpu.dma_semaphore, #tpu.memory_space<semaphore_mem>>)
      } else {
      }
    }
    %scan3A_24 = arith.constant 40 : i32
    %barrier3A_25 = arith.constant 0 : index
    tpu.barrier barrier_id(%barrier3A_25)
    "tpu.region"() ({
      %run_scoped3A = tpu.sem_alloc : memref<!tpu.dma_semaphore, #tpu.memory_space<semaphore_mem>>
      %dma_start3A_26 = arith.constant 0 : i32
      %dma_start3A_27 = tpu.memref_slice %arg6[%arg0, %mul3A_2, %dma_start3A_26] : memref<2x10240x64xf32, #tpu.memory_space<hbm>> -> memref<1x640x64xf32, #tpu.memory_space<hbm>>
      %dma_start3A_28 = tpu.memref_squeeze %dma_start3A_27 : memref<1x640x64xf32, #tpu.memory_space<hbm>> -> memref<640x64xf32, #tpu.memory_space<hbm>>
      %dma_start3A_29 = arith.constant 0 : i32
      %dma_start3A_30 = tpu.memref_slice %arg11[%mul3A_2, %dma_start3A_29] : memref<10240x64xf32, #tpu.memory_space<vmem_shared>> -> memref<640x64xf32, #tpu.memory_space<vmem_shared>>
      tpu.enqueue_dma source(%dma_start3A_30 : memref<640x64xf32, #tpu.memory_space<vmem_shared>>) target(%dma_start3A_28 : memref<640x64xf32, #tpu.memory_space<hbm>>) target_semaphore(%run_scoped3A : memref<!tpu.dma_semaphore, #tpu.memory_space<semaphore_mem>>)
      %dma_wait3A = arith.constant 0 : i32
      %dma_wait3A_31 = tpu.memref_slice %arg6[%arg0, %mul3A_2, %dma_wait3A] : memref<2x10240x64xf32, #tpu.memory_space<hbm>> -> memref<1x640x64xf32, #tpu.memory_space<hbm>>
      %dma_wait3A_32 = tpu.memref_squeeze %dma_wait3A_31 : memref<1x640x64xf32, #tpu.memory_space<hbm>> -> memref<640x64xf32, #tpu.memory_space<hbm>>
      %dma_wait3A_33 = arith.constant 0 : i32
      %dma_wait3A_34 = tpu.memref_slice %arg11[%mul3A_2, %dma_wait3A_33] : memref<10240x64xf32, #tpu.memory_space<vmem_shared>> -> memref<640x64xf32, #tpu.memory_space<vmem_shared>>
      tpu.wait_dma2 semaphore(%run_scoped3A : memref<!tpu.dma_semaphore, #tpu.memory_space<semaphore_mem>>) src(%dma_wait3A_34 : memref<640x64xf32, #tpu.memory_space<vmem_shared>>) dst(%dma_wait3A_32 : memref<640x64xf32, #tpu.memory_space<hbm>>)
      tpu.yield
    }) : () -> ()
    return
  }
}

#map = affine_map<(d0, d1) -> (0, 0)>
#map1 = affine_map<(d0, d1) -> (0, 0, 0)>
module attributes {stable_mosaic.version = 14 : i64} {
  func.func @body(%arg0: i32, %arg1: i32, %arg2: memref<2560x128xi32, #tpu.memory_space<hbm>>, %arg3: memref<2560x128xi32, #tpu.memory_space<hbm>>, %arg4: memref<10240x40xf32, #tpu.memory_space<hbm>>, %arg5: memref<10240x40xf32, #tpu.memory_space<hbm>>, %arg6: memref<2x10240x40xf32, #tpu.memory_space<hbm>>, %arg7: memref<80x128xi32, #tpu.memory_space<vmem>>, %arg8: memref<80x128xi32, #tpu.memory_space<vmem>>, %arg9: memref<128x40xf32, #tpu.memory_space<vmem>>, %arg10: memref<128x40xf32, #tpu.memory_space<vmem>>, %arg11: memref<10240x40xf32, #tpu.memory_space<vmem_shared>>, %arg12: memref<!tpu.dma_semaphore, #tpu.memory_space<semaphore_mem>>, %arg13: memref<!tpu.dma_semaphore, #tpu.memory_space<semaphore_mem>>) attributes {dimension_semantics = [#tpu.dimension_semantics<core_parallel>, #tpu.dimension_semantics<subcore_parallel>], iteration_bounds = array<i64: 2, 16>, scalar_prefetch = 0 : i64, scratch_operands = 7 : i64, tpu.core_type = #tpu.core_type<sc_vector_subcore>, window_params = [{transform_indices = #map}, {transform_indices = #map}, {transform_indices = #map}, {transform_indices = #map}, {transform_indices = #map1}]} {
    %mul3A = arith.constant 16 : i32
    %mul3A_0 = arith.muli %arg0, %mul3A : i32
    %add3A = arith.addi %mul3A_0, %arg1 : i32
    %mul3A_1 = arith.constant 640 : i32
    %mul3A_2 = arith.muli %arg1, %mul3A_1 : i32
    "tpu.region"() ({
      %run_scoped3A = tpu.sem_alloc : memref<!tpu.dma_semaphore, #tpu.memory_space<semaphore_mem>>
      %dma_start3A_26 = arith.constant 0 : i32
      %dma_start3A_27 = tpu.memref_slice %arg11[%mul3A_2, %dma_start3A_26] : memref<10240x40xf32, #tpu.memory_space<vmem_shared>> -> memref<640x40xf32, #tpu.memory_space<vmem_shared>>
      %dma_start3A_28 = arith.constant 0 : i32
      %dma_start3A_29 = tpu.memref_slice %arg5[%mul3A_2, %dma_start3A_28] : memref<10240x40xf32, #tpu.memory_space<hbm>> -> memref<640x40xf32, #tpu.memory_space<hbm>>
      tpu.enqueue_dma source(%dma_start3A_29 : memref<640x40xf32, #tpu.memory_space<hbm>>) target(%dma_start3A_27 : memref<640x40xf32, #tpu.memory_space<vmem_shared>>) target_semaphore(%run_scoped3A : memref<!tpu.dma_semaphore, #tpu.memory_space<semaphore_mem>>)
      %dma_wait3A = arith.constant 0 : i32
      %dma_wait3A_30 = tpu.memref_slice %arg11[%mul3A_2, %dma_wait3A] : memref<10240x40xf32, #tpu.memory_space<vmem_shared>> -> memref<640x40xf32, #tpu.memory_space<vmem_shared>>
      %dma_wait3A_31 = arith.constant 0 : i32
      %dma_wait3A_32 = tpu.memref_slice %arg5[%mul3A_2, %dma_wait3A_31] : memref<10240x40xf32, #tpu.memory_space<hbm>> -> memref<640x40xf32, #tpu.memory_space<hbm>>
      tpu.wait_dma2 semaphore(%run_scoped3A : memref<!tpu.dma_semaphore, #tpu.memory_space<semaphore_mem>>) src(%dma_wait3A_32 : memref<640x40xf32, #tpu.memory_space<hbm>>) dst(%dma_wait3A_30 : memref<640x40xf32, #tpu.memory_space<vmem_shared>>)
      tpu.yield
    }) : () -> ()
    %barrier3A = arith.constant 0 : index
    tpu.barrier barrier_id(%barrier3A)
    %mul3A_3 = arith.constant 80 : i32
    %mul3A_4 = arith.muli %add3A, %mul3A_3 : i32
    "tpu.region"() ({
      %run_scoped3A = tpu.sem_alloc : memref<!tpu.dma_semaphore, #tpu.memory_space<semaphore_mem>>
      %dma_start3A_26 = arith.constant 0 : i32
      %dma_start3A_27 = tpu.memref_slice %arg2[%mul3A_4, %dma_start3A_26] : memref<2560x128xi32, #tpu.memory_space<hbm>> -> memref<80x128xi32, #tpu.memory_space<hbm>>
      %dma_start3A_28 = arith.constant 0 : i32
      %dma_start3A_29 = tpu.memref_slice %arg2[%mul3A_4, %dma_start3A_28] : memref<2560x128xi32, #tpu.memory_space<hbm>> -> memref<80x128xi32, #tpu.memory_space<hbm>>
      tpu.enqueue_dma source(%dma_start3A_29 : memref<80x128xi32, #tpu.memory_space<hbm>>) target(%arg7 : memref<80x128xi32, #tpu.memory_space<vmem>>) target_semaphore(%run_scoped3A : memref<!tpu.dma_semaphore, #tpu.memory_space<semaphore_mem>>)
      %dma_wait3A = arith.constant 0 : i32
      %dma_wait3A_30 = tpu.memref_slice %arg2[%mul3A_4, %dma_wait3A] : memref<2560x128xi32, #tpu.memory_space<hbm>> -> memref<80x128xi32, #tpu.memory_space<hbm>>
      %dma_wait3A_31 = arith.constant 0 : i32
      %dma_wait3A_32 = tpu.memref_slice %arg2[%mul3A_4, %dma_wait3A_31] : memref<2560x128xi32, #tpu.memory_space<hbm>> -> memref<80x128xi32, #tpu.memory_space<hbm>>
      tpu.wait_dma2 semaphore(%run_scoped3A : memref<!tpu.dma_semaphore, #tpu.memory_space<semaphore_mem>>) src(%dma_wait3A_32 : memref<80x128xi32, #tpu.memory_space<hbm>>) dst(%arg7 : memref<80x128xi32, #tpu.memory_space<vmem>>)
      tpu.yield
    }) : () -> ()
    %mul3A_5 = arith.constant 80 : i32
    %mul3A_6 = arith.muli %add3A, %mul3A_5 : i32
    "tpu.region"() ({
      %run_scoped3A = tpu.sem_alloc : memref<!tpu.dma_semaphore, #tpu.memory_space<semaphore_mem>>
      %dma_start3A_26 = arith.constant 0 : i32
      %dma_start3A_27 = tpu.memref_slice %arg3[%mul3A_6, %dma_start3A_26] : memref<2560x128xi32, #tpu.memory_space<hbm>> -> memref<80x128xi32, #tpu.memory_space<hbm>>
      %dma_start3A_28 = arith.constant 0 : i32
      %dma_start3A_29 = tpu.memref_slice %arg3[%mul3A_6, %dma_start3A_28] : memref<2560x128xi32, #tpu.memory_space<hbm>> -> memref<80x128xi32, #tpu.memory_space<hbm>>
      tpu.enqueue_dma source(%dma_start3A_29 : memref<80x128xi32, #tpu.memory_space<hbm>>) target(%arg8 : memref<80x128xi32, #tpu.memory_space<vmem>>) target_semaphore(%run_scoped3A : memref<!tpu.dma_semaphore, #tpu.memory_space<semaphore_mem>>)
      %dma_wait3A = arith.constant 0 : i32
      %dma_wait3A_30 = tpu.memref_slice %arg3[%mul3A_6, %dma_wait3A] : memref<2560x128xi32, #tpu.memory_space<hbm>> -> memref<80x128xi32, #tpu.memory_space<hbm>>
      %dma_wait3A_31 = arith.constant 0 : i32
      %dma_wait3A_32 = tpu.memref_slice %arg3[%mul3A_6, %dma_wait3A_31] : memref<2560x128xi32, #tpu.memory_space<hbm>> -> memref<80x128xi32, #tpu.memory_space<hbm>>
      tpu.wait_dma2 semaphore(%run_scoped3A : memref<!tpu.dma_semaphore, #tpu.memory_space<semaphore_mem>>) src(%dma_wait3A_32 : memref<80x128xi32, #tpu.memory_space<hbm>>) dst(%arg8 : memref<80x128xi32, #tpu.memory_space<vmem>>)
      tpu.yield
    }) : () -> ()
    %dma_start3A = arith.constant 0 : i32
    %dma_start3A_7 = arith.constant 0 : i32
    %dma_start3A_8 = tpu.memref_slice %arg7[%dma_start3A, %dma_start3A_7] : memref<80x128xi32, #tpu.memory_space<vmem>> -> memref<1x128xi32, #tpu.memory_space<vmem>>
    %dma_start3A_9 = tpu.memref_squeeze %dma_start3A_8 : memref<1x128xi32, #tpu.memory_space<vmem>> -> memref<128xi32, #tpu.memory_space<vmem>>
    %dma_start3A_10 = arith.constant 0 : i32
    %dma_start3A_11 = arith.constant 0 : i32
    %dma_start3A_12 = tpu.memref_slice %arg4[%dma_start3A_10, %dma_start3A_11] : memref<10240x40xf32, #tpu.memory_space<hbm>> -> memref<10240x40xf32, #tpu.memory_space<hbm>>
    tpu.enqueue_indirect_dma source(%dma_start3A_12 : memref<10240x40xf32, #tpu.memory_space<hbm>>) target(%arg9 : memref<128x40xf32, #tpu.memory_space<vmem>>) offsets(%dma_start3A_9 : memref<128xi32, #tpu.memory_space<vmem>>) semaphore(%arg12 : memref<!tpu.dma_semaphore, #tpu.memory_space<semaphore_mem>>)
    %dma_start3A_13 = arith.constant 1 : i32
    %dma_start3A_14 = arith.constant 0 : i32
    %dma_start3A_15 = tpu.memref_slice %arg7[%dma_start3A_13, %dma_start3A_14] : memref<80x128xi32, #tpu.memory_space<vmem>> -> memref<1x128xi32, #tpu.memory_space<vmem>>
    %dma_start3A_16 = tpu.memref_squeeze %dma_start3A_15 : memref<1x128xi32, #tpu.memory_space<vmem>> -> memref<128xi32, #tpu.memory_space<vmem>>
    %dma_start3A_17 = arith.constant 0 : i32
    %dma_start3A_18 = arith.constant 0 : i32
    %dma_start3A_19 = tpu.memref_slice %arg4[%dma_start3A_17, %dma_start3A_18] : memref<10240x40xf32, #tpu.memory_space<hbm>> -> memref<10240x40xf32, #tpu.memory_space<hbm>>
    tpu.enqueue_indirect_dma source(%dma_start3A_19 : memref<10240x40xf32, #tpu.memory_space<hbm>>) target(%arg10 : memref<128x40xf32, #tpu.memory_space<vmem>>) offsets(%dma_start3A_16 : memref<128xi32, #tpu.memory_space<vmem>>) semaphore(%arg13 : memref<!tpu.dma_semaphore, #tpu.memory_space<semaphore_mem>>)
    %scan3A = arith.constant 0 : i32
    %scan3A_20 = arith.constant 0 : i32
    %scan3A_21 = arith.constant 40 : i32
    %scan3A_22 = arith.addi %scan3A_20, %scan3A_21 : i32
    %scan3A_23 = arith.constant 1 : i32
    scf.for %scan3A_26 = %scan3A_20 to %scan3A_22 step %scan3A_23  : i32 {
      %mul3A_27 = arith.constant 2 : i32
      %mul3A_28 = arith.muli %mul3A_27, %scan3A_26 : i32
      %dma_wait3A = arith.constant 0 : i32
      %dma_wait3A_29 = tpu.memref_slice %arg7[%mul3A_28, %dma_wait3A] : memref<80x128xi32, #tpu.memory_space<vmem>> -> memref<1x128xi32, #tpu.memory_space<vmem>>
      %dma_wait3A_30 = tpu.memref_squeeze %dma_wait3A_29 : memref<1x128xi32, #tpu.memory_space<vmem>> -> memref<128xi32, #tpu.memory_space<vmem>>
      %dma_wait3A_31 = arith.constant 0 : i32
      %dma_wait3A_32 = arith.constant 0 : i32
      %dma_wait3A_33 = tpu.memref_slice %arg4[%dma_wait3A_31, %dma_wait3A_32] : memref<10240x40xf32, #tpu.memory_space<hbm>> -> memref<10240x40xf32, #tpu.memory_space<hbm>>
      tpu.wait_indirect_dma semaphore(%arg12 : memref<!tpu.dma_semaphore, #tpu.memory_space<semaphore_mem>>) src(%dma_wait3A_33 : memref<10240x40xf32, #tpu.memory_space<hbm>>) dst(%arg9 : memref<128x40xf32, #tpu.memory_space<vmem>>)
      "tpu.region"() ({
        %run_scoped3A = tpu.sem_alloc : memref<!tpu.dma_semaphore, #tpu.memory_space<semaphore_mem>>
        %dma_start3A_55 = arith.constant 0 : i32
        %dma_start3A_56 = tpu.memref_slice %arg8[%mul3A_28, %dma_start3A_55] : memref<80x128xi32, #tpu.memory_space<vmem>> -> memref<1x128xi32, #tpu.memory_space<vmem>>
        %dma_start3A_57 = tpu.memref_squeeze %dma_start3A_56 : memref<1x128xi32, #tpu.memory_space<vmem>> -> memref<128xi32, #tpu.memory_space<vmem>>
        %dma_start3A_58 = arith.constant 0 : i32
        %dma_start3A_59 = arith.constant 0 : i32
        %dma_start3A_60 = tpu.memref_slice %arg11[%dma_start3A_58, %dma_start3A_59] : memref<10240x40xf32, #tpu.memory_space<vmem_shared>> -> memref<10240x40xf32, #tpu.memory_space<vmem_shared>>
        tpu.enqueue_indirect_dma source(%arg9 : memref<128x40xf32, #tpu.memory_space<vmem>>) target(%dma_start3A_60 : memref<10240x40xf32, #tpu.memory_space<vmem_shared>>) offsets(%dma_start3A_57 : memref<128xi32, #tpu.memory_space<vmem>>) semaphore(%run_scoped3A : memref<!tpu.dma_semaphore, #tpu.memory_space<semaphore_mem>>) {add = true}
        %dma_wait3A_61 = arith.constant 0 : i32
        %dma_wait3A_62 = tpu.memref_slice %arg8[%mul3A_28, %dma_wait3A_61] : memref<80x128xi32, #tpu.memory_space<vmem>> -> memref<1x128xi32, #tpu.memory_space<vmem>>
        %dma_wait3A_63 = tpu.memref_squeeze %dma_wait3A_62 : memref<1x128xi32, #tpu.memory_space<vmem>> -> memref<128xi32, #tpu.memory_space<vmem>>
        %dma_wait3A_64 = arith.constant 0 : i32
        %dma_wait3A_65 = arith.constant 0 : i32
        %dma_wait3A_66 = tpu.memref_slice %arg11[%dma_wait3A_64, %dma_wait3A_65] : memref<10240x40xf32, #tpu.memory_space<vmem_shared>> -> memref<10240x40xf32, #tpu.memory_space<vmem_shared>>
        tpu.wait_indirect_dma semaphore(%run_scoped3A : memref<!tpu.dma_semaphore, #tpu.memory_space<semaphore_mem>>) src(%arg9 : memref<128x40xf32, #tpu.memory_space<vmem>>) dst(%dma_wait3A_66 : memref<10240x40xf32, #tpu.memory_space<vmem_shared>>)
        tpu.yield
      }) : () -> ()
      %add3A_34 = arith.constant 1 : i32
      %add3A_35 = arith.addi %scan3A_26, %add3A_34 : i32
      %lt3A = arith.constant 40 : i32
      %lt3A_36 = arith.cmpi slt, %add3A_35, %lt3A : i32
      %convert_element_type3A = arith.extui %lt3A_36 : i1 to i32
      %cond3A = arith.constant 0 : i32
      %cond3A_37 = arith.cmpi ne, %convert_element_type3A, %cond3A : i32
      scf.if %cond3A_37 {
        %add3A_55 = arith.constant 2 : i32
        %add3A_56 = arith.addi %mul3A_28, %add3A_55 : i32
        %dma_start3A_57 = arith.constant 0 : i32
        %dma_start3A_58 = tpu.memref_slice %arg7[%add3A_56, %dma_start3A_57] : memref<80x128xi32, #tpu.memory_space<vmem>> -> memref<1x128xi32, #tpu.memory_space<vmem>>
        %dma_start3A_59 = tpu.memref_squeeze %dma_start3A_58 : memref<1x128xi32, #tpu.memory_space<vmem>> -> memref<128xi32, #tpu.memory_space<vmem>>
        %dma_start3A_60 = arith.constant 0 : i32
        %dma_start3A_61 = arith.constant 0 : i32
        %dma_start3A_62 = tpu.memref_slice %arg4[%dma_start3A_60, %dma_start3A_61] : memref<10240x40xf32, #tpu.memory_space<hbm>> -> memref<10240x40xf32, #tpu.memory_space<hbm>>
        tpu.enqueue_indirect_dma source(%dma_start3A_62 : memref<10240x40xf32, #tpu.memory_space<hbm>>) target(%arg9 : memref<128x40xf32, #tpu.memory_space<vmem>>) offsets(%dma_start3A_59 : memref<128xi32, #tpu.memory_space<vmem>>) semaphore(%arg12 : memref<!tpu.dma_semaphore, #tpu.memory_space<semaphore_mem>>)
      } else {
      }
      %add3A_38 = arith.constant 1 : i32
      %add3A_39 = arith.addi %mul3A_28, %add3A_38 : i32
      %dma_wait3A_40 = arith.constant 0 : i32
      %dma_wait3A_41 = tpu.memref_slice %arg7[%add3A_39, %dma_wait3A_40] : memref<80x128xi32, #tpu.memory_space<vmem>> -> memref<1x128xi32, #tpu.memory_space<vmem>>
      %dma_wait3A_42 = tpu.memref_squeeze %dma_wait3A_41 : memref<1x128xi32, #tpu.memory_space<vmem>> -> memref<128xi32, #tpu.memory_space<vmem>>
      %dma_wait3A_43 = arith.constant 0 : i32
      %dma_wait3A_44 = arith.constant 0 : i32
      %dma_wait3A_45 = tpu.memref_slice %arg4[%dma_wait3A_43, %dma_wait3A_44] : memref<10240x40xf32, #tpu.memory_space<hbm>> -> memref<10240x40xf32, #tpu.memory_space<hbm>>
      tpu.wait_indirect_dma semaphore(%arg13 : memref<!tpu.dma_semaphore, #tpu.memory_space<semaphore_mem>>) src(%dma_wait3A_45 : memref<10240x40xf32, #tpu.memory_space<hbm>>) dst(%arg10 : memref<128x40xf32, #tpu.memory_space<vmem>>)
      %add3A_46 = arith.constant 1 : i32
      %add3A_47 = arith.addi %mul3A_28, %add3A_46 : i32
      "tpu.region"() ({
        %run_scoped3A = tpu.sem_alloc : memref<!tpu.dma_semaphore, #tpu.memory_space<semaphore_mem>>
        %dma_start3A_55 = arith.constant 0 : i32
        %dma_start3A_56 = tpu.memref_slice %arg8[%add3A_47, %dma_start3A_55] : memref<80x128xi32, #tpu.memory_space<vmem>> -> memref<1x128xi32, #tpu.memory_space<vmem>>
        %dma_start3A_57 = tpu.memref_squeeze %dma_start3A_56 : memref<1x128xi32, #tpu.memory_space<vmem>> -> memref<128xi32, #tpu.memory_space<vmem>>
        %dma_start3A_58 = arith.constant 0 : i32
        %dma_start3A_59 = arith.constant 0 : i32
        %dma_start3A_60 = tpu.memref_slice %arg11[%dma_start3A_58, %dma_start3A_59] : memref<10240x40xf32, #tpu.memory_space<vmem_shared>> -> memref<10240x40xf32, #tpu.memory_space<vmem_shared>>
        tpu.enqueue_indirect_dma source(%arg10 : memref<128x40xf32, #tpu.memory_space<vmem>>) target(%dma_start3A_60 : memref<10240x40xf32, #tpu.memory_space<vmem_shared>>) offsets(%dma_start3A_57 : memref<128xi32, #tpu.memory_space<vmem>>) semaphore(%run_scoped3A : memref<!tpu.dma_semaphore, #tpu.memory_space<semaphore_mem>>) {add = true}
        %dma_wait3A_61 = arith.constant 0 : i32
        %dma_wait3A_62 = tpu.memref_slice %arg8[%add3A_47, %dma_wait3A_61] : memref<80x128xi32, #tpu.memory_space<vmem>> -> memref<1x128xi32, #tpu.memory_space<vmem>>
        %dma_wait3A_63 = tpu.memref_squeeze %dma_wait3A_62 : memref<1x128xi32, #tpu.memory_space<vmem>> -> memref<128xi32, #tpu.memory_space<vmem>>
        %dma_wait3A_64 = arith.constant 0 : i32
        %dma_wait3A_65 = arith.constant 0 : i32
        %dma_wait3A_66 = tpu.memref_slice %arg11[%dma_wait3A_64, %dma_wait3A_65] : memref<10240x40xf32, #tpu.memory_space<vmem_shared>> -> memref<10240x40xf32, #tpu.memory_space<vmem_shared>>
        tpu.wait_indirect_dma semaphore(%run_scoped3A : memref<!tpu.dma_semaphore, #tpu.memory_space<semaphore_mem>>) src(%arg10 : memref<128x40xf32, #tpu.memory_space<vmem>>) dst(%dma_wait3A_66 : memref<10240x40xf32, #tpu.memory_space<vmem_shared>>)
        tpu.yield
      }) : () -> ()
      %add3A_48 = arith.constant 1 : i32
      %add3A_49 = arith.addi %scan3A_26, %add3A_48 : i32
      %lt3A_50 = arith.constant 40 : i32
      %lt3A_51 = arith.cmpi slt, %add3A_49, %lt3A_50 : i32
      %convert_element_type3A_52 = arith.extui %lt3A_51 : i1 to i32
      %cond3A_53 = arith.constant 0 : i32
      %cond3A_54 = arith.cmpi ne, %convert_element_type3A_52, %cond3A_53 : i32
      scf.if %cond3A_54 {
        %add3A_55 = arith.constant 3 : i32
        %add3A_56 = arith.addi %mul3A_28, %add3A_55 : i32
        %dma_start3A_57 = arith.constant 0 : i32
        %dma_start3A_58 = tpu.memref_slice %arg7[%add3A_56, %dma_start3A_57] : memref<80x128xi32, #tpu.memory_space<vmem>> -> memref<1x128xi32, #tpu.memory_space<vmem>>
        %dma_start3A_59 = tpu.memref_squeeze %dma_start3A_58 : memref<1x128xi32, #tpu.memory_space<vmem>> -> memref<128xi32, #tpu.memory_space<vmem>>
        %dma_start3A_60 = arith.constant 0 : i32
        %dma_start3A_61 = arith.constant 0 : i32
        %dma_start3A_62 = tpu.memref_slice %arg4[%dma_start3A_60, %dma_start3A_61] : memref<10240x40xf32, #tpu.memory_space<hbm>> -> memref<10240x40xf32, #tpu.memory_space<hbm>>
        tpu.enqueue_indirect_dma source(%dma_start3A_62 : memref<10240x40xf32, #tpu.memory_space<hbm>>) target(%arg10 : memref<128x40xf32, #tpu.memory_space<vmem>>) offsets(%dma_start3A_59 : memref<128xi32, #tpu.memory_space<vmem>>) semaphore(%arg13 : memref<!tpu.dma_semaphore, #tpu.memory_space<semaphore_mem>>)
      } else {
      }
    }
    %scan3A_24 = arith.constant 40 : i32
    %barrier3A_25 = arith.constant 0 : index
    tpu.barrier barrier_id(%barrier3A_25)
    "tpu.region"() ({
      %run_scoped3A = tpu.sem_alloc : memref<!tpu.dma_semaphore, #tpu.memory_space<semaphore_mem>>
      %dma_start3A_26 = arith.constant 0 : i32
      %dma_start3A_27 = tpu.memref_slice %arg6[%arg0, %mul3A_2, %dma_start3A_26] : memref<2x10240x40xf32, #tpu.memory_space<hbm>> -> memref<1x640x40xf32, #tpu.memory_space<hbm>>
      %dma_start3A_28 = tpu.memref_squeeze %dma_start3A_27 : memref<1x640x40xf32, #tpu.memory_space<hbm>> -> memref<640x40xf32, #tpu.memory_space<hbm>>
      %dma_start3A_29 = arith.constant 0 : i32
      %dma_start3A_30 = tpu.memref_slice %arg11[%mul3A_2, %dma_start3A_29] : memref<10240x40xf32, #tpu.memory_space<vmem_shared>> -> memref<640x40xf32, #tpu.memory_space<vmem_shared>>
      tpu.enqueue_dma source(%dma_start3A_30 : memref<640x40xf32, #tpu.memory_space<vmem_shared>>) target(%dma_start3A_28 : memref<640x40xf32, #tpu.memory_space<hbm>>) target_semaphore(%run_scoped3A : memref<!tpu.dma_semaphore, #tpu.memory_space<semaphore_mem>>)
      %dma_wait3A = arith.constant 0 : i32
      %dma_wait3A_31 = tpu.memref_slice %arg6[%arg0, %mul3A_2, %dma_wait3A] : memref<2x10240x40xf32, #tpu.memory_space<hbm>> -> memref<1x640x40xf32, #tpu.memory_space<hbm>>
      %dma_wait3A_32 = tpu.memref_squeeze %dma_wait3A_31 : memref<1x640x40xf32, #tpu.memory_space<hbm>> -> memref<640x40xf32, #tpu.memory_space<hbm>>
      %dma_wait3A_33 = arith.constant 0 : i32
      %dma_wait3A_34 = tpu.memref_slice %arg11[%mul3A_2, %dma_wait3A_33] : memref<10240x40xf32, #tpu.memory_space<vmem_shared>> -> memref<640x40xf32, #tpu.memory_space<vmem_shared>>
      tpu.wait_dma2 semaphore(%run_scoped3A : memref<!tpu.dma_semaphore, #tpu.memory_space<semaphore_mem>>) src(%dma_wait3A_34 : memref<640x40xf32, #tpu.memory_space<vmem_shared>>) dst(%dma_wait3A_32 : memref<640x40xf32, #tpu.memory_space<hbm>>)
      tpu.yield
    }) : () -> ()
    return
  }
}

#map = affine_map<(d0, d1) -> (0, 0)>
#map1 = affine_map<(d0, d1) -> (0, 0, 0)>
module attributes {stable_mosaic.version = 14 : i64} {
  func.func @body(%arg0: i32, %arg1: i32, %arg2: memref<2560x128xi32, #tpu.memory_space<hbm>>, %arg3: memref<2560x128xi32, #tpu.memory_space<hbm>>, %arg4: memref<10240x40xf32, #tpu.memory_space<hbm>>, %arg5: memref<10240x40xf32, #tpu.memory_space<hbm>>, %arg6: memref<2x10240x40xf32, #tpu.memory_space<hbm>>, %arg7: memref<80x128xi32, #tpu.memory_space<vmem>>, %arg8: memref<80x128xi32, #tpu.memory_space<vmem>>, %arg9: memref<128x40xf32, #tpu.memory_space<vmem>>, %arg10: memref<128x40xf32, #tpu.memory_space<vmem>>, %arg11: memref<10240x40xf32, #tpu.memory_space<vmem_shared>>, %arg12: memref<!tpu.dma_semaphore, #tpu.memory_space<semaphore_mem>>, %arg13: memref<!tpu.dma_semaphore, #tpu.memory_space<semaphore_mem>>) attributes {dimension_semantics = [#tpu.dimension_semantics<core_parallel>, #tpu.dimension_semantics<subcore_parallel>], iteration_bounds = array<i64: 2, 16>, scalar_prefetch = 0 : i64, scratch_operands = 7 : i64, tpu.core_type = #tpu.core_type<sc_vector_subcore>, window_params = [{transform_indices = #map}, {transform_indices = #map}, {transform_indices = #map}, {transform_indices = #map}, {transform_indices = #map1}]} {
    %mul3A = arith.constant 16 : i32
    %mul3A_0 = arith.muli %arg0, %mul3A : i32
    %add3A = arith.addi %mul3A_0, %arg1 : i32
    %mul3A_1 = arith.constant 640 : i32
    %mul3A_2 = arith.muli %arg1, %mul3A_1 : i32
    "tpu.region"() ({
      %run_scoped3A = tpu.sem_alloc : memref<!tpu.dma_semaphore, #tpu.memory_space<semaphore_mem>>
      %dma_start3A_26 = arith.constant 0 : i32
      %dma_start3A_27 = tpu.memref_slice %arg11[%mul3A_2, %dma_start3A_26] : memref<10240x40xf32, #tpu.memory_space<vmem_shared>> -> memref<640x40xf32, #tpu.memory_space<vmem_shared>>
      %dma_start3A_28 = arith.constant 0 : i32
      %dma_start3A_29 = tpu.memref_slice %arg5[%mul3A_2, %dma_start3A_28] : memref<10240x40xf32, #tpu.memory_space<hbm>> -> memref<640x40xf32, #tpu.memory_space<hbm>>
      tpu.enqueue_dma source(%dma_start3A_29 : memref<640x40xf32, #tpu.memory_space<hbm>>) target(%dma_start3A_27 : memref<640x40xf32, #tpu.memory_space<vmem_shared>>) target_semaphore(%run_scoped3A : memref<!tpu.dma_semaphore, #tpu.memory_space<semaphore_mem>>)
      %dma_wait3A = arith.constant 0 : i32
      %dma_wait3A_30 = tpu.memref_slice %arg11[%mul3A_2, %dma_wait3A] : memref<10240x40xf32, #tpu.memory_space<vmem_shared>> -> memref<640x40xf32, #tpu.memory_space<vmem_shared>>
      %dma_wait3A_31 = arith.constant 0 : i32
      %dma_wait3A_32 = tpu.memref_slice %arg5[%mul3A_2, %dma_wait3A_31] : memref<10240x40xf32, #tpu.memory_space<hbm>> -> memref<640x40xf32, #tpu.memory_space<hbm>>
      tpu.wait_dma2 semaphore(%run_scoped3A : memref<!tpu.dma_semaphore, #tpu.memory_space<semaphore_mem>>) src(%dma_wait3A_32 : memref<640x40xf32, #tpu.memory_space<hbm>>) dst(%dma_wait3A_30 : memref<640x40xf32, #tpu.memory_space<vmem_shared>>)
      tpu.yield
    }) : () -> ()
    %barrier3A = arith.constant 0 : index
    tpu.barrier barrier_id(%barrier3A)
    %mul3A_3 = arith.constant 80 : i32
    %mul3A_4 = arith.muli %add3A, %mul3A_3 : i32
    "tpu.region"() ({
      %run_scoped3A = tpu.sem_alloc : memref<!tpu.dma_semaphore, #tpu.memory_space<semaphore_mem>>
      %dma_start3A_26 = arith.constant 0 : i32
      %dma_start3A_27 = tpu.memref_slice %arg2[%mul3A_4, %dma_start3A_26] : memref<2560x128xi32, #tpu.memory_space<hbm>> -> memref<80x128xi32, #tpu.memory_space<hbm>>
      %dma_start3A_28 = arith.constant 0 : i32
      %dma_start3A_29 = tpu.memref_slice %arg2[%mul3A_4, %dma_start3A_28] : memref<2560x128xi32, #tpu.memory_space<hbm>> -> memref<80x128xi32, #tpu.memory_space<hbm>>
      tpu.enqueue_dma source(%dma_start3A_29 : memref<80x128xi32, #tpu.memory_space<hbm>>) target(%arg7 : memref<80x128xi32, #tpu.memory_space<vmem>>) target_semaphore(%run_scoped3A : memref<!tpu.dma_semaphore, #tpu.memory_space<semaphore_mem>>)
      %dma_wait3A = arith.constant 0 : i32
      %dma_wait3A_30 = tpu.memref_slice %arg2[%mul3A_4, %dma_wait3A] : memref<2560x128xi32, #tpu.memory_space<hbm>> -> memref<80x128xi32, #tpu.memory_space<hbm>>
      %dma_wait3A_31 = arith.constant 0 : i32
      %dma_wait3A_32 = tpu.memref_slice %arg2[%mul3A_4, %dma_wait3A_31] : memref<2560x128xi32, #tpu.memory_space<hbm>> -> memref<80x128xi32, #tpu.memory_space<hbm>>
      tpu.wait_dma2 semaphore(%run_scoped3A : memref<!tpu.dma_semaphore, #tpu.memory_space<semaphore_mem>>) src(%dma_wait3A_32 : memref<80x128xi32, #tpu.memory_space<hbm>>) dst(%arg7 : memref<80x128xi32, #tpu.memory_space<vmem>>)
      tpu.yield
    }) : () -> ()
    %mul3A_5 = arith.constant 80 : i32
    %mul3A_6 = arith.muli %add3A, %mul3A_5 : i32
    "tpu.region"() ({
      %run_scoped3A = tpu.sem_alloc : memref<!tpu.dma_semaphore, #tpu.memory_space<semaphore_mem>>
      %dma_start3A_26 = arith.constant 0 : i32
      %dma_start3A_27 = tpu.memref_slice %arg3[%mul3A_6, %dma_start3A_26] : memref<2560x128xi32, #tpu.memory_space<hbm>> -> memref<80x128xi32, #tpu.memory_space<hbm>>
      %dma_start3A_28 = arith.constant 0 : i32
      %dma_start3A_29 = tpu.memref_slice %arg3[%mul3A_6, %dma_start3A_28] : memref<2560x128xi32, #tpu.memory_space<hbm>> -> memref<80x128xi32, #tpu.memory_space<hbm>>
      tpu.enqueue_dma source(%dma_start3A_29 : memref<80x128xi32, #tpu.memory_space<hbm>>) target(%arg8 : memref<80x128xi32, #tpu.memory_space<vmem>>) target_semaphore(%run_scoped3A : memref<!tpu.dma_semaphore, #tpu.memory_space<semaphore_mem>>)
      %dma_wait3A = arith.constant 0 : i32
      %dma_wait3A_30 = tpu.memref_slice %arg3[%mul3A_6, %dma_wait3A] : memref<2560x128xi32, #tpu.memory_space<hbm>> -> memref<80x128xi32, #tpu.memory_space<hbm>>
      %dma_wait3A_31 = arith.constant 0 : i32
      %dma_wait3A_32 = tpu.memref_slice %arg3[%mul3A_6, %dma_wait3A_31] : memref<2560x128xi32, #tpu.memory_space<hbm>> -> memref<80x128xi32, #tpu.memory_space<hbm>>
      tpu.wait_dma2 semaphore(%run_scoped3A : memref<!tpu.dma_semaphore, #tpu.memory_space<semaphore_mem>>) src(%dma_wait3A_32 : memref<80x128xi32, #tpu.memory_space<hbm>>) dst(%arg8 : memref<80x128xi32, #tpu.memory_space<vmem>>)
      tpu.yield
    }) : () -> ()
    %dma_start3A = arith.constant 0 : i32
    %dma_start3A_7 = arith.constant 0 : i32
    %dma_start3A_8 = tpu.memref_slice %arg7[%dma_start3A, %dma_start3A_7] : memref<80x128xi32, #tpu.memory_space<vmem>> -> memref<1x128xi32, #tpu.memory_space<vmem>>
    %dma_start3A_9 = tpu.memref_squeeze %dma_start3A_8 : memref<1x128xi32, #tpu.memory_space<vmem>> -> memref<128xi32, #tpu.memory_space<vmem>>
    %dma_start3A_10 = arith.constant 0 : i32
    %dma_start3A_11 = arith.constant 0 : i32
    %dma_start3A_12 = tpu.memref_slice %arg4[%dma_start3A_10, %dma_start3A_11] : memref<10240x40xf32, #tpu.memory_space<hbm>> -> memref<10240x40xf32, #tpu.memory_space<hbm>>
    tpu.enqueue_indirect_dma source(%dma_start3A_12 : memref<10240x40xf32, #tpu.memory_space<hbm>>) target(%arg9 : memref<128x40xf32, #tpu.memory_space<vmem>>) offsets(%dma_start3A_9 : memref<128xi32, #tpu.memory_space<vmem>>) semaphore(%arg12 : memref<!tpu.dma_semaphore, #tpu.memory_space<semaphore_mem>>)
    %dma_start3A_13 = arith.constant 1 : i32
    %dma_start3A_14 = arith.constant 0 : i32
    %dma_start3A_15 = tpu.memref_slice %arg7[%dma_start3A_13, %dma_start3A_14] : memref<80x128xi32, #tpu.memory_space<vmem>> -> memref<1x128xi32, #tpu.memory_space<vmem>>
    %dma_start3A_16 = tpu.memref_squeeze %dma_start3A_15 : memref<1x128xi32, #tpu.memory_space<vmem>> -> memref<128xi32, #tpu.memory_space<vmem>>
    %dma_start3A_17 = arith.constant 0 : i32
    %dma_start3A_18 = arith.constant 0 : i32
    %dma_start3A_19 = tpu.memref_slice %arg4[%dma_start3A_17, %dma_start3A_18] : memref<10240x40xf32, #tpu.memory_space<hbm>> -> memref<10240x40xf32, #tpu.memory_space<hbm>>
    tpu.enqueue_indirect_dma source(%dma_start3A_19 : memref<10240x40xf32, #tpu.memory_space<hbm>>) target(%arg10 : memref<128x40xf32, #tpu.memory_space<vmem>>) offsets(%dma_start3A_16 : memref<128xi32, #tpu.memory_space<vmem>>) semaphore(%arg13 : memref<!tpu.dma_semaphore, #tpu.memory_space<semaphore_mem>>)
    %scan3A = arith.constant 0 : i32
    %scan3A_20 = arith.constant 0 : i32
    %scan3A_21 = arith.constant 40 : i32
    %scan3A_22 = arith.addi %scan3A_20, %scan3A_21 : i32
    %scan3A_23 = arith.constant 1 : i32
    scf.for %scan3A_26 = %scan3A_20 to %scan3A_22 step %scan3A_23  : i32 {
      %mul3A_27 = arith.constant 2 : i32
      %mul3A_28 = arith.muli %mul3A_27, %scan3A_26 : i32
      %dma_wait3A = arith.constant 0 : i32
      %dma_wait3A_29 = tpu.memref_slice %arg7[%mul3A_28, %dma_wait3A] : memref<80x128xi32, #tpu.memory_space<vmem>> -> memref<1x128xi32, #tpu.memory_space<vmem>>
      %dma_wait3A_30 = tpu.memref_squeeze %dma_wait3A_29 : memref<1x128xi32, #tpu.memory_space<vmem>> -> memref<128xi32, #tpu.memory_space<vmem>>
      %dma_wait3A_31 = arith.constant 0 : i32
      %dma_wait3A_32 = arith.constant 0 : i32
      %dma_wait3A_33 = tpu.memref_slice %arg4[%dma_wait3A_31, %dma_wait3A_32] : memref<10240x40xf32, #tpu.memory_space<hbm>> -> memref<10240x40xf32, #tpu.memory_space<hbm>>
      tpu.wait_indirect_dma semaphore(%arg12 : memref<!tpu.dma_semaphore, #tpu.memory_space<semaphore_mem>>) src(%dma_wait3A_33 : memref<10240x40xf32, #tpu.memory_space<hbm>>) dst(%arg9 : memref<128x40xf32, #tpu.memory_space<vmem>>)
      "tpu.region"() ({
        %run_scoped3A = tpu.sem_alloc : memref<!tpu.dma_semaphore, #tpu.memory_space<semaphore_mem>>
        %dma_start3A_55 = arith.constant 0 : i32
        %dma_start3A_56 = tpu.memref_slice %arg8[%mul3A_28, %dma_start3A_55] : memref<80x128xi32, #tpu.memory_space<vmem>> -> memref<1x128xi32, #tpu.memory_space<vmem>>
        %dma_start3A_57 = tpu.memref_squeeze %dma_start3A_56 : memref<1x128xi32, #tpu.memory_space<vmem>> -> memref<128xi32, #tpu.memory_space<vmem>>
        %dma_start3A_58 = arith.constant 0 : i32
        %dma_start3A_59 = arith.constant 0 : i32
        %dma_start3A_60 = tpu.memref_slice %arg11[%dma_start3A_58, %dma_start3A_59] : memref<10240x40xf32, #tpu.memory_space<vmem_shared>> -> memref<10240x40xf32, #tpu.memory_space<vmem_shared>>
        tpu.enqueue_indirect_dma source(%arg9 : memref<128x40xf32, #tpu.memory_space<vmem>>) target(%dma_start3A_60 : memref<10240x40xf32, #tpu.memory_space<vmem_shared>>) offsets(%dma_start3A_57 : memref<128xi32, #tpu.memory_space<vmem>>) semaphore(%run_scoped3A : memref<!tpu.dma_semaphore, #tpu.memory_space<semaphore_mem>>) {add = true}
        %dma_wait3A_61 = arith.constant 0 : i32
        %dma_wait3A_62 = tpu.memref_slice %arg8[%mul3A_28, %dma_wait3A_61] : memref<80x128xi32, #tpu.memory_space<vmem>> -> memref<1x128xi32, #tpu.memory_space<vmem>>
        %dma_wait3A_63 = tpu.memref_squeeze %dma_wait3A_62 : memref<1x128xi32, #tpu.memory_space<vmem>> -> memref<128xi32, #tpu.memory_space<vmem>>
        %dma_wait3A_64 = arith.constant 0 : i32
        %dma_wait3A_65 = arith.constant 0 : i32
        %dma_wait3A_66 = tpu.memref_slice %arg11[%dma_wait3A_64, %dma_wait3A_65] : memref<10240x40xf32, #tpu.memory_space<vmem_shared>> -> memref<10240x40xf32, #tpu.memory_space<vmem_shared>>
        tpu.wait_indirect_dma semaphore(%run_scoped3A : memref<!tpu.dma_semaphore, #tpu.memory_space<semaphore_mem>>) src(%arg9 : memref<128x40xf32, #tpu.memory_space<vmem>>) dst(%dma_wait3A_66 : memref<10240x40xf32, #tpu.memory_space<vmem_shared>>)
        tpu.yield
      }) : () -> ()
      %add3A_34 = arith.constant 1 : i32
      %add3A_35 = arith.addi %scan3A_26, %add3A_34 : i32
      %lt3A = arith.constant 40 : i32
      %lt3A_36 = arith.cmpi slt, %add3A_35, %lt3A : i32
      %convert_element_type3A = arith.extui %lt3A_36 : i1 to i32
      %cond3A = arith.constant 0 : i32
      %cond3A_37 = arith.cmpi ne, %convert_element_type3A, %cond3A : i32
      scf.if %cond3A_37 {
        %add3A_55 = arith.constant 2 : i32
        %add3A_56 = arith.addi %mul3A_28, %add3A_55 : i32
        %dma_start3A_57 = arith.constant 0 : i32
        %dma_start3A_58 = tpu.memref_slice %arg7[%add3A_56, %dma_start3A_57] : memref<80x128xi32, #tpu.memory_space<vmem>> -> memref<1x128xi32, #tpu.memory_space<vmem>>
        %dma_start3A_59 = tpu.memref_squeeze %dma_start3A_58 : memref<1x128xi32, #tpu.memory_space<vmem>> -> memref<128xi32, #tpu.memory_space<vmem>>
        %dma_start3A_60 = arith.constant 0 : i32
        %dma_start3A_61 = arith.constant 0 : i32
        %dma_start3A_62 = tpu.memref_slice %arg4[%dma_start3A_60, %dma_start3A_61] : memref<10240x40xf32, #tpu.memory_space<hbm>> -> memref<10240x40xf32, #tpu.memory_space<hbm>>
        tpu.enqueue_indirect_dma source(%dma_start3A_62 : memref<10240x40xf32, #tpu.memory_space<hbm>>) target(%arg9 : memref<128x40xf32, #tpu.memory_space<vmem>>) offsets(%dma_start3A_59 : memref<128xi32, #tpu.memory_space<vmem>>) semaphore(%arg12 : memref<!tpu.dma_semaphore, #tpu.memory_space<semaphore_mem>>)
      } else {
      }
      %add3A_38 = arith.constant 1 : i32
      %add3A_39 = arith.addi %mul3A_28, %add3A_38 : i32
      %dma_wait3A_40 = arith.constant 0 : i32
      %dma_wait3A_41 = tpu.memref_slice %arg7[%add3A_39, %dma_wait3A_40] : memref<80x128xi32, #tpu.memory_space<vmem>> -> memref<1x128xi32, #tpu.memory_space<vmem>>
      %dma_wait3A_42 = tpu.memref_squeeze %dma_wait3A_41 : memref<1x128xi32, #tpu.memory_space<vmem>> -> memref<128xi32, #tpu.memory_space<vmem>>
      %dma_wait3A_43 = arith.constant 0 : i32
      %dma_wait3A_44 = arith.constant 0 : i32
      %dma_wait3A_45 = tpu.memref_slice %arg4[%dma_wait3A_43, %dma_wait3A_44] : memref<10240x40xf32, #tpu.memory_space<hbm>> -> memref<10240x40xf32, #tpu.memory_space<hbm>>
      tpu.wait_indirect_dma semaphore(%arg13 : memref<!tpu.dma_semaphore, #tpu.memory_space<semaphore_mem>>) src(%dma_wait3A_45 : memref<10240x40xf32, #tpu.memory_space<hbm>>) dst(%arg10 : memref<128x40xf32, #tpu.memory_space<vmem>>)
      %add3A_46 = arith.constant 1 : i32
      %add3A_47 = arith.addi %mul3A_28, %add3A_46 : i32
      "tpu.region"() ({
        %run_scoped3A = tpu.sem_alloc : memref<!tpu.dma_semaphore, #tpu.memory_space<semaphore_mem>>
        %dma_start3A_55 = arith.constant 0 : i32
        %dma_start3A_56 = tpu.memref_slice %arg8[%add3A_47, %dma_start3A_55] : memref<80x128xi32, #tpu.memory_space<vmem>> -> memref<1x128xi32, #tpu.memory_space<vmem>>
        %dma_start3A_57 = tpu.memref_squeeze %dma_start3A_56 : memref<1x128xi32, #tpu.memory_space<vmem>> -> memref<128xi32, #tpu.memory_space<vmem>>
        %dma_start3A_58 = arith.constant 0 : i32
        %dma_start3A_59 = arith.constant 0 : i32
        %dma_start3A_60 = tpu.memref_slice %arg11[%dma_start3A_58, %dma_start3A_59] : memref<10240x40xf32, #tpu.memory_space<vmem_shared>> -> memref<10240x40xf32, #tpu.memory_space<vmem_shared>>
        tpu.enqueue_indirect_dma source(%arg10 : memref<128x40xf32, #tpu.memory_space<vmem>>) target(%dma_start3A_60 : memref<10240x40xf32, #tpu.memory_space<vmem_shared>>) offsets(%dma_start3A_57 : memref<128xi32, #tpu.memory_space<vmem>>) semaphore(%run_scoped3A : memref<!tpu.dma_semaphore, #tpu.memory_space<semaphore_mem>>) {add = true}
        %dma_wait3A_61 = arith.constant 0 : i32
        %dma_wait3A_62 = tpu.memref_slice %arg8[%add3A_47, %dma_wait3A_61] : memref<80x128xi32, #tpu.memory_space<vmem>> -> memref<1x128xi32, #tpu.memory_space<vmem>>
        %dma_wait3A_63 = tpu.memref_squeeze %dma_wait3A_62 : memref<1x128xi32, #tpu.memory_space<vmem>> -> memref<128xi32, #tpu.memory_space<vmem>>
        %dma_wait3A_64 = arith.constant 0 : i32
        %dma_wait3A_65 = arith.constant 0 : i32
        %dma_wait3A_66 = tpu.memref_slice %arg11[%dma_wait3A_64, %dma_wait3A_65] : memref<10240x40xf32, #tpu.memory_space<vmem_shared>> -> memref<10240x40xf32, #tpu.memory_space<vmem_shared>>
        tpu.wait_indirect_dma semaphore(%run_scoped3A : memref<!tpu.dma_semaphore, #tpu.memory_space<semaphore_mem>>) src(%arg10 : memref<128x40xf32, #tpu.memory_space<vmem>>) dst(%dma_wait3A_66 : memref<10240x40xf32, #tpu.memory_space<vmem_shared>>)
        tpu.yield
      }) : () -> ()
      %add3A_48 = arith.constant 1 : i32
      %add3A_49 = arith.addi %scan3A_26, %add3A_48 : i32
      %lt3A_50 = arith.constant 40 : i32
      %lt3A_51 = arith.cmpi slt, %add3A_49, %lt3A_50 : i32
      %convert_element_type3A_52 = arith.extui %lt3A_51 : i1 to i32
      %cond3A_53 = arith.constant 0 : i32
      %cond3A_54 = arith.cmpi ne, %convert_element_type3A_52, %cond3A_53 : i32
      scf.if %cond3A_54 {
        %add3A_55 = arith.constant 3 : i32
        %add3A_56 = arith.addi %mul3A_28, %add3A_55 : i32
        %dma_start3A_57 = arith.constant 0 : i32
        %dma_start3A_58 = tpu.memref_slice %arg7[%add3A_56, %dma_start3A_57] : memref<80x128xi32, #tpu.memory_space<vmem>> -> memref<1x128xi32, #tpu.memory_space<vmem>>
        %dma_start3A_59 = tpu.memref_squeeze %dma_start3A_58 : memref<1x128xi32, #tpu.memory_space<vmem>> -> memref<128xi32, #tpu.memory_space<vmem>>
        %dma_start3A_60 = arith.constant 0 : i32
        %dma_start3A_61 = arith.constant 0 : i32
        %dma_start3A_62 = tpu.memref_slice %arg4[%dma_start3A_60, %dma_start3A_61] : memref<10240x40xf32, #tpu.memory_space<hbm>> -> memref<10240x40xf32, #tpu.memory_space<hbm>>
        tpu.enqueue_indirect_dma source(%dma_start3A_62 : memref<10240x40xf32, #tpu.memory_space<hbm>>) target(%arg10 : memref<128x40xf32, #tpu.memory_space<vmem>>) offsets(%dma_start3A_59 : memref<128xi32, #tpu.memory_space<vmem>>) semaphore(%arg13 : memref<!tpu.dma_semaphore, #tpu.memory_space<semaphore_mem>>)
      } else {
      }
    }
    %scan3A_24 = arith.constant 40 : i32
    %barrier3A_25 = arith.constant 0 : index
    tpu.barrier barrier_id(%barrier3A_25)
    "tpu.region"() ({
      %run_scoped3A = tpu.sem_alloc : memref<!tpu.dma_semaphore, #tpu.memory_space<semaphore_mem>>
      %dma_start3A_26 = arith.constant 0 : i32
      %dma_start3A_27 = tpu.memref_slice %arg6[%arg0, %mul3A_2, %dma_start3A_26] : memref<2x10240x40xf32, #tpu.memory_space<hbm>> -> memref<1x640x40xf32, #tpu.memory_space<hbm>>
      %dma_start3A_28 = tpu.memref_squeeze %dma_start3A_27 : memref<1x640x40xf32, #tpu.memory_space<hbm>> -> memref<640x40xf32, #tpu.memory_space<hbm>>
      %dma_start3A_29 = arith.constant 0 : i32
      %dma_start3A_30 = tpu.memref_slice %arg11[%mul3A_2, %dma_start3A_29] : memref<10240x40xf32, #tpu.memory_space<vmem_shared>> -> memref<640x40xf32, #tpu.memory_space<vmem_shared>>
      tpu.enqueue_dma source(%dma_start3A_30 : memref<640x40xf32, #tpu.memory_space<vmem_shared>>) target(%dma_start3A_28 : memref<640x40xf32, #tpu.memory_space<hbm>>) target_semaphore(%run_scoped3A : memref<!tpu.dma_semaphore, #tpu.memory_space<semaphore_mem>>)
      %dma_wait3A = arith.constant 0 : i32
      %dma_wait3A_31 = tpu.memref_slice %arg6[%arg0, %mul3A_2, %dma_wait3A] : memref<2x10240x40xf32, #tpu.memory_space<hbm>> -> memref<1x640x40xf32, #tpu.memory_space<hbm>>
      %dma_wait3A_32 = tpu.memref_squeeze %dma_wait3A_31 : memref<1x640x40xf32, #tpu.memory_space<hbm>> -> memref<640x40xf32, #tpu.memory_space<hbm>>
      %dma_wait3A_33 = arith.constant 0 : i32
      %dma_wait3A_34 = tpu.memref_slice %arg11[%mul3A_2, %dma_wait3A_33] : memref<10240x40xf32, #tpu.memory_space<vmem_shared>> -> memref<640x40xf32, #tpu.memory_space<vmem_shared>>
      tpu.wait_dma2 semaphore(%run_scoped3A : memref<!tpu.dma_semaphore, #tpu.memory_space<semaphore_mem>>) src(%dma_wait3A_34 : memref<640x40xf32, #tpu.memory_space<vmem_shared>>) dst(%dma_wait3A_32 : memref<640x40xf32, #tpu.memory_space<hbm>>)
      tpu.yield
    }) : () -> ()
    return
  }
}

#map = affine_map<(d0, d1) -> (0, 0)>
#map1 = affine_map<(d0, d1) -> (0, 0, 0)>
module attributes {stable_mosaic.version = 14 : i64} {
  func.func @body(%arg0: i32, %arg1: i32, %arg2: memref<2560x128xi32, #tpu.memory_space<hbm>>, %arg3: memref<2560x128xi32, #tpu.memory_space<hbm>>, %arg4: memref<10240x40xf32, #tpu.memory_space<hbm>>, %arg5: memref<10240x40xf32, #tpu.memory_space<hbm>>, %arg6: memref<2x10240x40xf32, #tpu.memory_space<hbm>>, %arg7: memref<80x128xi32, #tpu.memory_space<vmem>>, %arg8: memref<80x128xi32, #tpu.memory_space<vmem>>, %arg9: memref<128x40xf32, #tpu.memory_space<vmem>>, %arg10: memref<128x40xf32, #tpu.memory_space<vmem>>, %arg11: memref<10240x40xf32, #tpu.memory_space<vmem_shared>>, %arg12: memref<!tpu.dma_semaphore, #tpu.memory_space<semaphore_mem>>, %arg13: memref<!tpu.dma_semaphore, #tpu.memory_space<semaphore_mem>>) attributes {dimension_semantics = [#tpu.dimension_semantics<core_parallel>, #tpu.dimension_semantics<subcore_parallel>], iteration_bounds = array<i64: 2, 16>, scalar_prefetch = 0 : i64, scratch_operands = 7 : i64, tpu.core_type = #tpu.core_type<sc_vector_subcore>, window_params = [{transform_indices = #map}, {transform_indices = #map}, {transform_indices = #map}, {transform_indices = #map}, {transform_indices = #map1}]} {
    %mul3A = arith.constant 16 : i32
    %mul3A_0 = arith.muli %arg0, %mul3A : i32
    %add3A = arith.addi %mul3A_0, %arg1 : i32
    %mul3A_1 = arith.constant 640 : i32
    %mul3A_2 = arith.muli %arg1, %mul3A_1 : i32
    "tpu.region"() ({
      %run_scoped3A = tpu.sem_alloc : memref<!tpu.dma_semaphore, #tpu.memory_space<semaphore_mem>>
      %dma_start3A_26 = arith.constant 0 : i32
      %dma_start3A_27 = tpu.memref_slice %arg11[%mul3A_2, %dma_start3A_26] : memref<10240x40xf32, #tpu.memory_space<vmem_shared>> -> memref<640x40xf32, #tpu.memory_space<vmem_shared>>
      %dma_start3A_28 = arith.constant 0 : i32
      %dma_start3A_29 = tpu.memref_slice %arg5[%mul3A_2, %dma_start3A_28] : memref<10240x40xf32, #tpu.memory_space<hbm>> -> memref<640x40xf32, #tpu.memory_space<hbm>>
      tpu.enqueue_dma source(%dma_start3A_29 : memref<640x40xf32, #tpu.memory_space<hbm>>) target(%dma_start3A_27 : memref<640x40xf32, #tpu.memory_space<vmem_shared>>) target_semaphore(%run_scoped3A : memref<!tpu.dma_semaphore, #tpu.memory_space<semaphore_mem>>)
      %dma_wait3A = arith.constant 0 : i32
      %dma_wait3A_30 = tpu.memref_slice %arg11[%mul3A_2, %dma_wait3A] : memref<10240x40xf32, #tpu.memory_space<vmem_shared>> -> memref<640x40xf32, #tpu.memory_space<vmem_shared>>
      %dma_wait3A_31 = arith.constant 0 : i32
      %dma_wait3A_32 = tpu.memref_slice %arg5[%mul3A_2, %dma_wait3A_31] : memref<10240x40xf32, #tpu.memory_space<hbm>> -> memref<640x40xf32, #tpu.memory_space<hbm>>
      tpu.wait_dma2 semaphore(%run_scoped3A : memref<!tpu.dma_semaphore, #tpu.memory_space<semaphore_mem>>) src(%dma_wait3A_32 : memref<640x40xf32, #tpu.memory_space<hbm>>) dst(%dma_wait3A_30 : memref<640x40xf32, #tpu.memory_space<vmem_shared>>)
      tpu.yield
    }) : () -> ()
    %barrier3A = arith.constant 0 : index
    tpu.barrier barrier_id(%barrier3A)
    %mul3A_3 = arith.constant 80 : i32
    %mul3A_4 = arith.muli %add3A, %mul3A_3 : i32
    "tpu.region"() ({
      %run_scoped3A = tpu.sem_alloc : memref<!tpu.dma_semaphore, #tpu.memory_space<semaphore_mem>>
      %dma_start3A_26 = arith.constant 0 : i32
      %dma_start3A_27 = tpu.memref_slice %arg2[%mul3A_4, %dma_start3A_26] : memref<2560x128xi32, #tpu.memory_space<hbm>> -> memref<80x128xi32, #tpu.memory_space<hbm>>
      %dma_start3A_28 = arith.constant 0 : i32
      %dma_start3A_29 = tpu.memref_slice %arg2[%mul3A_4, %dma_start3A_28] : memref<2560x128xi32, #tpu.memory_space<hbm>> -> memref<80x128xi32, #tpu.memory_space<hbm>>
      tpu.enqueue_dma source(%dma_start3A_29 : memref<80x128xi32, #tpu.memory_space<hbm>>) target(%arg7 : memref<80x128xi32, #tpu.memory_space<vmem>>) target_semaphore(%run_scoped3A : memref<!tpu.dma_semaphore, #tpu.memory_space<semaphore_mem>>)
      %dma_wait3A = arith.constant 0 : i32
      %dma_wait3A_30 = tpu.memref_slice %arg2[%mul3A_4, %dma_wait3A] : memref<2560x128xi32, #tpu.memory_space<hbm>> -> memref<80x128xi32, #tpu.memory_space<hbm>>
      %dma_wait3A_31 = arith.constant 0 : i32
      %dma_wait3A_32 = tpu.memref_slice %arg2[%mul3A_4, %dma_wait3A_31] : memref<2560x128xi32, #tpu.memory_space<hbm>> -> memref<80x128xi32, #tpu.memory_space<hbm>>
      tpu.wait_dma2 semaphore(%run_scoped3A : memref<!tpu.dma_semaphore, #tpu.memory_space<semaphore_mem>>) src(%dma_wait3A_32 : memref<80x128xi32, #tpu.memory_space<hbm>>) dst(%arg7 : memref<80x128xi32, #tpu.memory_space<vmem>>)
      tpu.yield
    }) : () -> ()
    %mul3A_5 = arith.constant 80 : i32
    %mul3A_6 = arith.muli %add3A, %mul3A_5 : i32
    "tpu.region"() ({
      %run_scoped3A = tpu.sem_alloc : memref<!tpu.dma_semaphore, #tpu.memory_space<semaphore_mem>>
      %dma_start3A_26 = arith.constant 0 : i32
      %dma_start3A_27 = tpu.memref_slice %arg3[%mul3A_6, %dma_start3A_26] : memref<2560x128xi32, #tpu.memory_space<hbm>> -> memref<80x128xi32, #tpu.memory_space<hbm>>
      %dma_start3A_28 = arith.constant 0 : i32
      %dma_start3A_29 = tpu.memref_slice %arg3[%mul3A_6, %dma_start3A_28] : memref<2560x128xi32, #tpu.memory_space<hbm>> -> memref<80x128xi32, #tpu.memory_space<hbm>>
      tpu.enqueue_dma source(%dma_start3A_29 : memref<80x128xi32, #tpu.memory_space<hbm>>) target(%arg8 : memref<80x128xi32, #tpu.memory_space<vmem>>) target_semaphore(%run_scoped3A : memref<!tpu.dma_semaphore, #tpu.memory_space<semaphore_mem>>)
      %dma_wait3A = arith.constant 0 : i32
      %dma_wait3A_30 = tpu.memref_slice %arg3[%mul3A_6, %dma_wait3A] : memref<2560x128xi32, #tpu.memory_space<hbm>> -> memref<80x128xi32, #tpu.memory_space<hbm>>
      %dma_wait3A_31 = arith.constant 0 : i32
      %dma_wait3A_32 = tpu.memref_slice %arg3[%mul3A_6, %dma_wait3A_31] : memref<2560x128xi32, #tpu.memory_space<hbm>> -> memref<80x128xi32, #tpu.memory_space<hbm>>
      tpu.wait_dma2 semaphore(%run_scoped3A : memref<!tpu.dma_semaphore, #tpu.memory_space<semaphore_mem>>) src(%dma_wait3A_32 : memref<80x128xi32, #tpu.memory_space<hbm>>) dst(%arg8 : memref<80x128xi32, #tpu.memory_space<vmem>>)
      tpu.yield
    }) : () -> ()
    %dma_start3A = arith.constant 0 : i32
    %dma_start3A_7 = arith.constant 0 : i32
    %dma_start3A_8 = tpu.memref_slice %arg7[%dma_start3A, %dma_start3A_7] : memref<80x128xi32, #tpu.memory_space<vmem>> -> memref<1x128xi32, #tpu.memory_space<vmem>>
    %dma_start3A_9 = tpu.memref_squeeze %dma_start3A_8 : memref<1x128xi32, #tpu.memory_space<vmem>> -> memref<128xi32, #tpu.memory_space<vmem>>
    %dma_start3A_10 = arith.constant 0 : i32
    %dma_start3A_11 = arith.constant 0 : i32
    %dma_start3A_12 = tpu.memref_slice %arg4[%dma_start3A_10, %dma_start3A_11] : memref<10240x40xf32, #tpu.memory_space<hbm>> -> memref<10240x40xf32, #tpu.memory_space<hbm>>
    tpu.enqueue_indirect_dma source(%dma_start3A_12 : memref<10240x40xf32, #tpu.memory_space<hbm>>) target(%arg9 : memref<128x40xf32, #tpu.memory_space<vmem>>) offsets(%dma_start3A_9 : memref<128xi32, #tpu.memory_space<vmem>>) semaphore(%arg12 : memref<!tpu.dma_semaphore, #tpu.memory_space<semaphore_mem>>)
    %dma_start3A_13 = arith.constant 1 : i32
    %dma_start3A_14 = arith.constant 0 : i32
    %dma_start3A_15 = tpu.memref_slice %arg7[%dma_start3A_13, %dma_start3A_14] : memref<80x128xi32, #tpu.memory_space<vmem>> -> memref<1x128xi32, #tpu.memory_space<vmem>>
    %dma_start3A_16 = tpu.memref_squeeze %dma_start3A_15 : memref<1x128xi32, #tpu.memory_space<vmem>> -> memref<128xi32, #tpu.memory_space<vmem>>
    %dma_start3A_17 = arith.constant 0 : i32
    %dma_start3A_18 = arith.constant 0 : i32
    %dma_start3A_19 = tpu.memref_slice %arg4[%dma_start3A_17, %dma_start3A_18] : memref<10240x40xf32, #tpu.memory_space<hbm>> -> memref<10240x40xf32, #tpu.memory_space<hbm>>
    tpu.enqueue_indirect_dma source(%dma_start3A_19 : memref<10240x40xf32, #tpu.memory_space<hbm>>) target(%arg10 : memref<128x40xf32, #tpu.memory_space<vmem>>) offsets(%dma_start3A_16 : memref<128xi32, #tpu.memory_space<vmem>>) semaphore(%arg13 : memref<!tpu.dma_semaphore, #tpu.memory_space<semaphore_mem>>)
    %scan3A = arith.constant 0 : i32
    %scan3A_20 = arith.constant 0 : i32
    %scan3A_21 = arith.constant 40 : i32
    %scan3A_22 = arith.addi %scan3A_20, %scan3A_21 : i32
    %scan3A_23 = arith.constant 1 : i32
    scf.for %scan3A_26 = %scan3A_20 to %scan3A_22 step %scan3A_23  : i32 {
      %mul3A_27 = arith.constant 2 : i32
      %mul3A_28 = arith.muli %mul3A_27, %scan3A_26 : i32
      %dma_wait3A = arith.constant 0 : i32
      %dma_wait3A_29 = tpu.memref_slice %arg7[%mul3A_28, %dma_wait3A] : memref<80x128xi32, #tpu.memory_space<vmem>> -> memref<1x128xi32, #tpu.memory_space<vmem>>
      %dma_wait3A_30 = tpu.memref_squeeze %dma_wait3A_29 : memref<1x128xi32, #tpu.memory_space<vmem>> -> memref<128xi32, #tpu.memory_space<vmem>>
      %dma_wait3A_31 = arith.constant 0 : i32
      %dma_wait3A_32 = arith.constant 0 : i32
      %dma_wait3A_33 = tpu.memref_slice %arg4[%dma_wait3A_31, %dma_wait3A_32] : memref<10240x40xf32, #tpu.memory_space<hbm>> -> memref<10240x40xf32, #tpu.memory_space<hbm>>
      tpu.wait_indirect_dma semaphore(%arg12 : memref<!tpu.dma_semaphore, #tpu.memory_space<semaphore_mem>>) src(%dma_wait3A_33 : memref<10240x40xf32, #tpu.memory_space<hbm>>) dst(%arg9 : memref<128x40xf32, #tpu.memory_space<vmem>>)
      "tpu.region"() ({
        %run_scoped3A = tpu.sem_alloc : memref<!tpu.dma_semaphore, #tpu.memory_space<semaphore_mem>>
        %dma_start3A_55 = arith.constant 0 : i32
        %dma_start3A_56 = tpu.memref_slice %arg8[%mul3A_28, %dma_start3A_55] : memref<80x128xi32, #tpu.memory_space<vmem>> -> memref<1x128xi32, #tpu.memory_space<vmem>>
        %dma_start3A_57 = tpu.memref_squeeze %dma_start3A_56 : memref<1x128xi32, #tpu.memory_space<vmem>> -> memref<128xi32, #tpu.memory_space<vmem>>
        %dma_start3A_58 = arith.constant 0 : i32
        %dma_start3A_59 = arith.constant 0 : i32
        %dma_start3A_60 = tpu.memref_slice %arg11[%dma_start3A_58, %dma_start3A_59] : memref<10240x40xf32, #tpu.memory_space<vmem_shared>> -> memref<10240x40xf32, #tpu.memory_space<vmem_shared>>
        tpu.enqueue_indirect_dma source(%arg9 : memref<128x40xf32, #tpu.memory_space<vmem>>) target(%dma_start3A_60 : memref<10240x40xf32, #tpu.memory_space<vmem_shared>>) offsets(%dma_start3A_57 : memref<128xi32, #tpu.memory_space<vmem>>) semaphore(%run_scoped3A : memref<!tpu.dma_semaphore, #tpu.memory_space<semaphore_mem>>) {add = true}
        %dma_wait3A_61 = arith.constant 0 : i32
        %dma_wait3A_62 = tpu.memref_slice %arg8[%mul3A_28, %dma_wait3A_61] : memref<80x128xi32, #tpu.memory_space<vmem>> -> memref<1x128xi32, #tpu.memory_space<vmem>>
        %dma_wait3A_63 = tpu.memref_squeeze %dma_wait3A_62 : memref<1x128xi32, #tpu.memory_space<vmem>> -> memref<128xi32, #tpu.memory_space<vmem>>
        %dma_wait3A_64 = arith.constant 0 : i32
        %dma_wait3A_65 = arith.constant 0 : i32
        %dma_wait3A_66 = tpu.memref_slice %arg11[%dma_wait3A_64, %dma_wait3A_65] : memref<10240x40xf32, #tpu.memory_space<vmem_shared>> -> memref<10240x40xf32, #tpu.memory_space<vmem_shared>>
        tpu.wait_indirect_dma semaphore(%run_scoped3A : memref<!tpu.dma_semaphore, #tpu.memory_space<semaphore_mem>>) src(%arg9 : memref<128x40xf32, #tpu.memory_space<vmem>>) dst(%dma_wait3A_66 : memref<10240x40xf32, #tpu.memory_space<vmem_shared>>)
        tpu.yield
      }) : () -> ()
      %add3A_34 = arith.constant 1 : i32
      %add3A_35 = arith.addi %scan3A_26, %add3A_34 : i32
      %lt3A = arith.constant 40 : i32
      %lt3A_36 = arith.cmpi slt, %add3A_35, %lt3A : i32
      %convert_element_type3A = arith.extui %lt3A_36 : i1 to i32
      %cond3A = arith.constant 0 : i32
      %cond3A_37 = arith.cmpi ne, %convert_element_type3A, %cond3A : i32
      scf.if %cond3A_37 {
        %add3A_55 = arith.constant 2 : i32
        %add3A_56 = arith.addi %mul3A_28, %add3A_55 : i32
        %dma_start3A_57 = arith.constant 0 : i32
        %dma_start3A_58 = tpu.memref_slice %arg7[%add3A_56, %dma_start3A_57] : memref<80x128xi32, #tpu.memory_space<vmem>> -> memref<1x128xi32, #tpu.memory_space<vmem>>
        %dma_start3A_59 = tpu.memref_squeeze %dma_start3A_58 : memref<1x128xi32, #tpu.memory_space<vmem>> -> memref<128xi32, #tpu.memory_space<vmem>>
        %dma_start3A_60 = arith.constant 0 : i32
        %dma_start3A_61 = arith.constant 0 : i32
        %dma_start3A_62 = tpu.memref_slice %arg4[%dma_start3A_60, %dma_start3A_61] : memref<10240x40xf32, #tpu.memory_space<hbm>> -> memref<10240x40xf32, #tpu.memory_space<hbm>>
        tpu.enqueue_indirect_dma source(%dma_start3A_62 : memref<10240x40xf32, #tpu.memory_space<hbm>>) target(%arg9 : memref<128x40xf32, #tpu.memory_space<vmem>>) offsets(%dma_start3A_59 : memref<128xi32, #tpu.memory_space<vmem>>) semaphore(%arg12 : memref<!tpu.dma_semaphore, #tpu.memory_space<semaphore_mem>>)
      } else {
      }
      %add3A_38 = arith.constant 1 : i32
      %add3A_39 = arith.addi %mul3A_28, %add3A_38 : i32
      %dma_wait3A_40 = arith.constant 0 : i32
      %dma_wait3A_41 = tpu.memref_slice %arg7[%add3A_39, %dma_wait3A_40] : memref<80x128xi32, #tpu.memory_space<vmem>> -> memref<1x128xi32, #tpu.memory_space<vmem>>
      %dma_wait3A_42 = tpu.memref_squeeze %dma_wait3A_41 : memref<1x128xi32, #tpu.memory_space<vmem>> -> memref<128xi32, #tpu.memory_space<vmem>>
      %dma_wait3A_43 = arith.constant 0 : i32
      %dma_wait3A_44 = arith.constant 0 : i32
      %dma_wait3A_45 = tpu.memref_slice %arg4[%dma_wait3A_43, %dma_wait3A_44] : memref<10240x40xf32, #tpu.memory_space<hbm>> -> memref<10240x40xf32, #tpu.memory_space<hbm>>
      tpu.wait_indirect_dma semaphore(%arg13 : memref<!tpu.dma_semaphore, #tpu.memory_space<semaphore_mem>>) src(%dma_wait3A_45 : memref<10240x40xf32, #tpu.memory_space<hbm>>) dst(%arg10 : memref<128x40xf32, #tpu.memory_space<vmem>>)
      %add3A_46 = arith.constant 1 : i32
      %add3A_47 = arith.addi %mul3A_28, %add3A_46 : i32
      "tpu.region"() ({
        %run_scoped3A = tpu.sem_alloc : memref<!tpu.dma_semaphore, #tpu.memory_space<semaphore_mem>>
        %dma_start3A_55 = arith.constant 0 : i32
        %dma_start3A_56 = tpu.memref_slice %arg8[%add3A_47, %dma_start3A_55] : memref<80x128xi32, #tpu.memory_space<vmem>> -> memref<1x128xi32, #tpu.memory_space<vmem>>
        %dma_start3A_57 = tpu.memref_squeeze %dma_start3A_56 : memref<1x128xi32, #tpu.memory_space<vmem>> -> memref<128xi32, #tpu.memory_space<vmem>>
        %dma_start3A_58 = arith.constant 0 : i32
        %dma_start3A_59 = arith.constant 0 : i32
        %dma_start3A_60 = tpu.memref_slice %arg11[%dma_start3A_58, %dma_start3A_59] : memref<10240x40xf32, #tpu.memory_space<vmem_shared>> -> memref<10240x40xf32, #tpu.memory_space<vmem_shared>>
        tpu.enqueue_indirect_dma source(%arg10 : memref<128x40xf32, #tpu.memory_space<vmem>>) target(%dma_start3A_60 : memref<10240x40xf32, #tpu.memory_space<vmem_shared>>) offsets(%dma_start3A_57 : memref<128xi32, #tpu.memory_space<vmem>>) semaphore(%run_scoped3A : memref<!tpu.dma_semaphore, #tpu.memory_space<semaphore_mem>>) {add = true}
        %dma_wait3A_61 = arith.constant 0 : i32
        %dma_wait3A_62 = tpu.memref_slice %arg8[%add3A_47, %dma_wait3A_61] : memref<80x128xi32, #tpu.memory_space<vmem>> -> memref<1x128xi32, #tpu.memory_space<vmem>>
        %dma_wait3A_63 = tpu.memref_squeeze %dma_wait3A_62 : memref<1x128xi32, #tpu.memory_space<vmem>> -> memref<128xi32, #tpu.memory_space<vmem>>
        %dma_wait3A_64 = arith.constant 0 : i32
        %dma_wait3A_65 = arith.constant 0 : i32
        %dma_wait3A_66 = tpu.memref_slice %arg11[%dma_wait3A_64, %dma_wait3A_65] : memref<10240x40xf32, #tpu.memory_space<vmem_shared>> -> memref<10240x40xf32, #tpu.memory_space<vmem_shared>>
        tpu.wait_indirect_dma semaphore(%run_scoped3A : memref<!tpu.dma_semaphore, #tpu.memory_space<semaphore_mem>>) src(%arg10 : memref<128x40xf32, #tpu.memory_space<vmem>>) dst(%dma_wait3A_66 : memref<10240x40xf32, #tpu.memory_space<vmem_shared>>)
        tpu.yield
      }) : () -> ()
      %add3A_48 = arith.constant 1 : i32
      %add3A_49 = arith.addi %scan3A_26, %add3A_48 : i32
      %lt3A_50 = arith.constant 40 : i32
      %lt3A_51 = arith.cmpi slt, %add3A_49, %lt3A_50 : i32
      %convert_element_type3A_52 = arith.extui %lt3A_51 : i1 to i32
      %cond3A_53 = arith.constant 0 : i32
      %cond3A_54 = arith.cmpi ne, %convert_element_type3A_52, %cond3A_53 : i32
      scf.if %cond3A_54 {
        %add3A_55 = arith.constant 3 : i32
        %add3A_56 = arith.addi %mul3A_28, %add3A_55 : i32
        %dma_start3A_57 = arith.constant 0 : i32
        %dma_start3A_58 = tpu.memref_slice %arg7[%add3A_56, %dma_start3A_57] : memref<80x128xi32, #tpu.memory_space<vmem>> -> memref<1x128xi32, #tpu.memory_space<vmem>>
        %dma_start3A_59 = tpu.memref_squeeze %dma_start3A_58 : memref<1x128xi32, #tpu.memory_space<vmem>> -> memref<128xi32, #tpu.memory_space<vmem>>
        %dma_start3A_60 = arith.constant 0 : i32
        %dma_start3A_61 = arith.constant 0 : i32
        %dma_start3A_62 = tpu.memref_slice %arg4[%dma_start3A_60, %dma_start3A_61] : memref<10240x40xf32, #tpu.memory_space<hbm>> -> memref<10240x40xf32, #tpu.memory_space<hbm>>
        tpu.enqueue_indirect_dma source(%dma_start3A_62 : memref<10240x40xf32, #tpu.memory_space<hbm>>) target(%arg10 : memref<128x40xf32, #tpu.memory_space<vmem>>) offsets(%dma_start3A_59 : memref<128xi32, #tpu.memory_space<vmem>>) semaphore(%arg13 : memref<!tpu.dma_semaphore, #tpu.memory_space<semaphore_mem>>)
      } else {
      }
    }
    %scan3A_24 = arith.constant 40 : i32
    %barrier3A_25 = arith.constant 0 : index
    tpu.barrier barrier_id(%barrier3A_25)
    "tpu.region"() ({
      %run_scoped3A = tpu.sem_alloc : memref<!tpu.dma_semaphore, #tpu.memory_space<semaphore_mem>>
      %dma_start3A_26 = arith.constant 0 : i32
      %dma_start3A_27 = tpu.memref_slice %arg6[%arg0, %mul3A_2, %dma_start3A_26] : memref<2x10240x40xf32, #tpu.memory_space<hbm>> -> memref<1x640x40xf32, #tpu.memory_space<hbm>>
      %dma_start3A_28 = tpu.memref_squeeze %dma_start3A_27 : memref<1x640x40xf32, #tpu.memory_space<hbm>> -> memref<640x40xf32, #tpu.memory_space<hbm>>
      %dma_start3A_29 = arith.constant 0 : i32
      %dma_start3A_30 = tpu.memref_slice %arg11[%mul3A_2, %dma_start3A_29] : memref<10240x40xf32, #tpu.memory_space<vmem_shared>> -> memref<640x40xf32, #tpu.memory_space<vmem_shared>>
      tpu.enqueue_dma source(%dma_start3A_30 : memref<640x40xf32, #tpu.memory_space<vmem_shared>>) target(%dma_start3A_28 : memref<640x40xf32, #tpu.memory_space<hbm>>) target_semaphore(%run_scoped3A : memref<!tpu.dma_semaphore, #tpu.memory_space<semaphore_mem>>)
      %dma_wait3A = arith.constant 0 : i32
      %dma_wait3A_31 = tpu.memref_slice %arg6[%arg0, %mul3A_2, %dma_wait3A] : memref<2x10240x40xf32, #tpu.memory_space<hbm>> -> memref<1x640x40xf32, #tpu.memory_space<hbm>>
      %dma_wait3A_32 = tpu.memref_squeeze %dma_wait3A_31 : memref<1x640x40xf32, #tpu.memory_space<hbm>> -> memref<640x40xf32, #tpu.memory_space<hbm>>
      %dma_wait3A_33 = arith.constant 0 : i32
      %dma_wait3A_34 = tpu.memref_slice %arg11[%mul3A_2, %dma_wait3A_33] : memref<10240x40xf32, #tpu.memory_space<vmem_shared>> -> memref<640x40xf32, #tpu.memory_space<vmem_shared>>
      tpu.wait_dma2 semaphore(%run_scoped3A : memref<!tpu.dma_semaphore, #tpu.memory_space<semaphore_mem>>) src(%dma_wait3A_34 : memref<640x40xf32, #tpu.memory_space<vmem_shared>>) dst(%dma_wait3A_32 : memref<640x40xf32, #tpu.memory_space<hbm>>)
      tpu.yield
    }) : () -> ()
    return
  }
}

module attributes {stable_mosaic.version = 14 : i64} {
  func.func @_tc1_body(%arg0: i32, %arg1: memref<1280x128xf32, #tpu.memory_space<vmem>>, %arg2: memref<128x64xf32, #tpu.memory_space<vmem>>, %arg3: memref<128x64xf32, #tpu.memory_space<vmem>>, %arg4: memref<2x1280x1xf32, #tpu.memory_space<vmem>>, %arg5: memref<2x1280x1xf32, #tpu.memory_space<vmem>>, %arg6: memref<2x1280x1xf32, #tpu.memory_space<vmem>>, %arg7: memref<1280x64xf32, #tpu.memory_space<vmem>>, %arg8: memref<1280x64xf32, #tpu.memory_space<vmem>>, %arg9: memref<1280x1xf32, #tpu.memory_space<vmem>>, %arg10: memref<1280x1xf32, #tpu.memory_space<vmem>>, %arg11: memref<1280x1xf32, #tpu.memory_space<vmem>>) attributes {dimension_semantics = [#tpu.dimension_semantics<arbitrary>], iteration_bounds = array<i64: 8>, scalar_prefetch = 0 : i64, scratch_operands = 0 : i64, tpu.core_type = #tpu.core_type<tc>, window_params = [{transform_indices = @transform_0, window_bounds = array<i64: 1280, 128>}, {pipeline_mode = #tpu.pipeline_mode<synchronous>, transform_indices = @transform_1, window_bounds = array<i64: 128, 64>}, {pipeline_mode = #tpu.pipeline_mode<synchronous>, transform_indices = @transform_2, window_bounds = array<i64: 128, 64>}, {transform_indices = @transform_3, window_bounds = array<i64: 2, 1280, 1>}, {transform_indices = @transform_4, window_bounds = array<i64: 2, 1280, 1>}, {transform_indices = @transform_5, window_bounds = array<i64: 2, 1280, 1>}, {transform_indices = @transform_6, window_bounds = array<i64: 1280, 64>}, {transform_indices = @transform_7, window_bounds = array<i64: 1280, 64>}, {transform_indices = @transform_8, window_bounds = array<i64: 1280, 1>}, {transform_indices = @transform_9, window_bounds = array<i64: 1280, 1>}, {transform_indices = @transform_10, window_bounds = array<i64: 1280, 1>}]} {
    %get3A = arith.constant 0 : index
    %get3A_0 = arith.constant 0 : index
    %get3A_1 = vector.load %arg1[%get3A, %get3A_0] : memref<1280x128xf32, #tpu.memory_space<vmem>>, vector<1280x128xf32>
    %get3A_2 = arith.constant 0 : index
    %get3A_3 = arith.constant 0 : index
    %get3A_4 = arith.constant 0 : index
    %get3A_5 = vector.load %arg4[%get3A_2, %get3A_3, %get3A_4] : memref<2x1280x1xf32, #tpu.memory_space<vmem>>, vector<1x1280x1xf32>
    %get3A_6 = vector.shape_cast %get3A_5 : vector<1x1280x1xf32> to vector<1280x1xf32>
    %get3A_7 = arith.constant 1 : index
    %get3A_8 = arith.constant 0 : index
    %get3A_9 = arith.constant 0 : index
    %get3A_10 = vector.load %arg4[%get3A_7, %get3A_8, %get3A_9] : memref<2x1280x1xf32, #tpu.memory_space<vmem>>, vector<1x1280x1xf32>
    %get3A_11 = vector.shape_cast %get3A_10 : vector<1x1280x1xf32> to vector<1280x1xf32>
    %add3A = arith.addf %get3A_6, %get3A_11 : vector<1280x1xf32>
    %add3A_12 = arith.constant 1.000000e+00 : f32
    %add3A_13 = vector.broadcast %add3A_12 : f32 to vector<1280x1xf32>
    %add3A_14 = arith.addf %add3A, %add3A_13 : vector<1280x1xf32>
    %rsqrt3A = math.rsqrt %add3A_14 : vector<1280x1xf32>
    %get3A_15 = arith.constant 0 : index
    %get3A_16 = arith.constant 0 : index
    %get3A_17 = arith.constant 0 : index
    %get3A_18 = vector.load %arg5[%get3A_15, %get3A_16, %get3A_17] : memref<2x1280x1xf32, #tpu.memory_space<vmem>>, vector<1x1280x1xf32>
    %get3A_19 = vector.shape_cast %get3A_18 : vector<1x1280x1xf32> to vector<1280x1xf32>
    %get3A_20 = arith.constant 1 : index
    %get3A_21 = arith.constant 0 : index
    %get3A_22 = arith.constant 0 : index
    %get3A_23 = vector.load %arg5[%get3A_20, %get3A_21, %get3A_22] : memref<2x1280x1xf32, #tpu.memory_space<vmem>>, vector<1x1280x1xf32>
    %get3A_24 = vector.shape_cast %get3A_23 : vector<1x1280x1xf32> to vector<1280x1xf32>
    %add3A_25 = arith.addf %get3A_19, %get3A_24 : vector<1280x1xf32>
    %get3A_26 = arith.constant 0 : index
    %get3A_27 = arith.constant 0 : index
    %get3A_28 = arith.constant 0 : index
    %get3A_29 = vector.load %arg6[%get3A_26, %get3A_27, %get3A_28] : memref<2x1280x1xf32, #tpu.memory_space<vmem>>, vector<1x1280x1xf32>
    %get3A_30 = vector.shape_cast %get3A_29 : vector<1x1280x1xf32> to vector<1280x1xf32>
    %get3A_31 = arith.constant 1 : index
    %get3A_32 = arith.constant 0 : index
    %get3A_33 = arith.constant 0 : index
    %get3A_34 = vector.load %arg6[%get3A_31, %get3A_32, %get3A_33] : memref<2x1280x1xf32, #tpu.memory_space<vmem>>, vector<1x1280x1xf32>
    %get3A_35 = vector.shape_cast %get3A_34 : vector<1x1280x1xf32> to vector<1280x1xf32>
    %add3A_36 = arith.addf %get3A_30, %get3A_35 : vector<1280x1xf32>
    %get3A_37 = arith.constant 0 : index
    %get3A_38 = arith.constant 0 : index
    %get3A_39 = vector.load %arg2[%get3A_37, %get3A_38] : memref<128x64xf32, #tpu.memory_space<vmem>>, vector<128x64xf32>
    %dot_general3A = arith.constant dense<0.000000e+00> : vector<1280x64xf32>
    %dot_general3A_40 = tpu.matmul %get3A_1, %get3A_39, %dot_general3A {dimension_numbers = #tpu.dot_dimension_numbers<[1], [0], [0], [1], [0, 0, 1, 1], [], []>, transpose_lhs_hint = false} : vector<1280x128xf32>, vector<128x64xf32>, vector<1280x64xf32> -> vector<1280x64xf32>
    %mul3A = vector.broadcast %rsqrt3A : vector<1280x1xf32> to vector<1280x64xf32>
    %mul3A_41 = arith.mulf %mul3A, %dot_general3A_40 : vector<1280x64xf32>
    %swap3A = arith.constant 0 : index
    %swap3A_42 = arith.constant 0 : index
    %swap3A_43 = vector.load %arg7[%swap3A, %swap3A_42] : memref<1280x64xf32, #tpu.memory_space<vmem>>, vector<1280x64xf32>
    tpu.vector_store %arg7[%swap3A, %swap3A_42], %mul3A_41 {strides = array<i32>} : memref<1280x64xf32, #tpu.memory_space<vmem>>, vector<1280x64xf32>,
    %get3A_44 = arith.constant 0 : index
    %get3A_45 = arith.constant 0 : index
    %get3A_46 = vector.load %arg3[%get3A_44, %get3A_45] : memref<128x64xf32, #tpu.memory_space<vmem>>, vector<128x64xf32>
    %dot_general3A_47 = arith.constant dense<0.000000e+00> : vector<1280x64xf32>
    %dot_general3A_48 = tpu.matmul %get3A_1, %get3A_46, %dot_general3A_47 {dimension_numbers = #tpu.dot_dimension_numbers<[1], [0], [0], [1], [0, 0, 1, 1], [], []>, transpose_lhs_hint = false} : vector<1280x128xf32>, vector<128x64xf32>, vector<1280x64xf32> -> vector<1280x64xf32>
    %swap3A_49 = arith.constant 0 : index
    %swap3A_50 = arith.constant 0 : index
    %swap3A_51 = vector.load %arg8[%swap3A_49, %swap3A_50] : memref<1280x64xf32, #tpu.memory_space<vmem>>, vector<1280x64xf32>
    tpu.vector_store %arg8[%swap3A_49, %swap3A_50], %dot_general3A_48 {strides = array<i32>} : memref<1280x64xf32, #tpu.memory_space<vmem>>, vector<1280x64xf32>,
    %swap3A_52 = arith.constant 0 : index
    %swap3A_53 = arith.constant 0 : index
    %swap3A_54 = vector.load %arg9[%swap3A_52, %swap3A_53] : memref<1280x1xf32, #tpu.memory_space<vmem>>, vector<1280x1xf32>
    tpu.vector_store %arg9[%swap3A_52, %swap3A_53], %rsqrt3A {strides = array<i32>} : memref<1280x1xf32, #tpu.memory_space<vmem>>, vector<1280x1xf32>,
    %gt3A = arith.constant 0.000000e+00 : f32
    %gt3A_55 = vector.broadcast %gt3A : f32 to vector<1280x1xf32>
    %gt3A_56 = arith.cmpf ogt, %add3A_25, %gt3A_55 : vector<1280x1xf32>
    %div3A = arith.constant 1.000000e+00 : f32
    %div3A_57 = vector.broadcast %div3A : f32 to vector<1280x1xf32>
    %div3A_58 = arith.divf %div3A_57, %add3A_25 : vector<1280x1xf32>
    %jit3A = arith.constant 0.000000e+00 : f32
    %broadcast_in_dim3A = vector.broadcast %jit3A : f32 to vector<1280x1xf32>
    %select_n3A = arith.select %gt3A_56, %div3A_58, %broadcast_in_dim3A : vector<1280x1xi1>, vector<1280x1xf32>
    %swap3A_59 = arith.constant 0 : index
    %swap3A_60 = arith.constant 0 : index
    %swap3A_61 = vector.load %arg10[%swap3A_59, %swap3A_60] : memref<1280x1xf32, #tpu.memory_space<vmem>>, vector<1280x1xf32>
    tpu.vector_store %arg10[%swap3A_59, %swap3A_60], %select_n3A {strides = array<i32>} : memref<1280x1xf32, #tpu.memory_space<vmem>>, vector<1280x1xf32>,
    %gt3A_62 = arith.constant 0.000000e+00 : f32
    %gt3A_63 = vector.broadcast %gt3A_62 : f32 to vector<1280x1xf32>
    %gt3A_64 = arith.cmpf ogt, %add3A_36, %gt3A_63 : vector<1280x1xf32>
    %div3A_65 = arith.constant 1.000000e+00 : f32
    %div3A_66 = vector.broadcast %div3A_65 : f32 to vector<1280x1xf32>
    %div3A_67 = arith.divf %div3A_66, %add3A_36 : vector<1280x1xf32>
    %jit3A_68 = arith.constant 0.000000e+00 : f32
    %broadcast_in_dim3A_69 = vector.broadcast %jit3A_68 : f32 to vector<1280x1xf32>
    %select_n3A_70 = arith.select %gt3A_64, %div3A_67, %broadcast_in_dim3A_69 : vector<1280x1xi1>, vector<1280x1xf32>
    %swap3A_71 = arith.constant 0 : index
    %swap3A_72 = arith.constant 0 : index
    %swap3A_73 = vector.load %arg11[%swap3A_71, %swap3A_72] : memref<1280x1xf32, #tpu.memory_space<vmem>>, vector<1280x1xf32>
    tpu.vector_store %arg11[%swap3A_71, %swap3A_72], %select_n3A_70 {strides = array<i32>} : memref<1280x1xf32, #tpu.memory_space<vmem>>, vector<1280x1xf32>,
    return
  }
  func.func @transform_0(%arg0: i32) -> (i32, i32) {
    %c0_i32 = arith.constant 0 : i32
    %c0_i32_0 = arith.constant 0 : i32
    return %arg0, %c0_i32 : i32, i32
  }
  func.func @transform_1(%arg0: i32) -> (i32, i32) {
    %c0_i32 = arith.constant 0 : i32
    %c0_i32_0 = arith.constant 0 : i32
    %c0_i32_1 = arith.constant 0 : i32
    return %c0_i32, %c0_i32_0 : i32, i32
  }
  func.func @transform_2(%arg0: i32) -> (i32, i32) {
    %c0_i32 = arith.constant 0 : i32
    %c0_i32_0 = arith.constant 0 : i32
    %c0_i32_1 = arith.constant 0 : i32
    return %c0_i32, %c0_i32_0 : i32, i32
  }
  func.func @transform_3(%arg0: i32) -> (i32, i32, i32) {
    %c0_i32 = arith.constant 0 : i32
    %c0_i32_0 = arith.constant 0 : i32
    %c0_i32_1 = arith.constant 0 : i32
    return %c0_i32, %arg0, %c0_i32_0 : i32, i32, i32
  }
  func.func @transform_4(%arg0: i32) -> (i32, i32, i32) {
    %c0_i32 = arith.constant 0 : i32
    %c0_i32_0 = arith.constant 0 : i32
    %c0_i32_1 = arith.constant 0 : i32
    return %c0_i32, %arg0, %c0_i32_0 : i32, i32, i32
  }
  func.func @transform_5(%arg0: i32) -> (i32, i32, i32) {
    %c0_i32 = arith.constant 0 : i32
    %c0_i32_0 = arith.constant 0 : i32
    %c0_i32_1 = arith.constant 0 : i32
    return %c0_i32, %arg0, %c0_i32_0 : i32, i32, i32
  }
  func.func @transform_6(%arg0: i32) -> (i32, i32) {
    %c0_i32 = arith.constant 0 : i32
    %c0_i32_0 = arith.constant 0 : i32
    return %arg0, %c0_i32 : i32, i32
  }
  func.func @transform_7(%arg0: i32) -> (i32, i32) {
    %c0_i32 = arith.constant 0 : i32
    %c0_i32_0 = arith.constant 0 : i32
    return %arg0, %c0_i32 : i32, i32
  }
  func.func @transform_8(%arg0: i32) -> (i32, i32) {
    %c0_i32 = arith.constant 0 : i32
    %c0_i32_0 = arith.constant 0 : i32
    return %arg0, %c0_i32 : i32, i32
  }
  func.func @transform_9(%arg0: i32) -> (i32, i32) {
    %c0_i32 = arith.constant 0 : i32
    %c0_i32_0 = arith.constant 0 : i32
    return %arg0, %c0_i32 : i32, i32
  }
  func.func @transform_10(%arg0: i32) -> (i32, i32) {
    %c0_i32 = arith.constant 0 : i32
    %c0_i32_0 = arith.constant 0 : i32
    return %arg0, %c0_i32 : i32, i32
  }
}

module attributes {stable_mosaic.version = 14 : i64} {
  func.func @_tc2_body(%arg0: i32, %arg1: memref<2x1280x64xf32, #tpu.memory_space<vmem>>, %arg2: memref<2x1280x64xf32, #tpu.memory_space<vmem>>, %arg3: memref<1280x64xf32, #tpu.memory_space<vmem>>, %arg4: memref<1280x1xf32, #tpu.memory_space<vmem>>, %arg5: memref<1280x1xf32, #tpu.memory_space<vmem>>, %arg6: memref<1x64xf32, #tpu.memory_space<vmem>>, %arg7: memref<64x40xf32, #tpu.memory_space<vmem>>, %arg8: memref<1280x40xf32, #tpu.memory_space<vmem>>, %arg9: memref<1280x64xf32, #tpu.memory_space<vmem>>) attributes {dimension_semantics = [#tpu.dimension_semantics<arbitrary>], iteration_bounds = array<i64: 8>, scalar_prefetch = 0 : i64, scratch_operands = 0 : i64, tpu.core_type = #tpu.core_type<tc>, window_params = [{transform_indices = @transform_0, window_bounds = array<i64: 2, 1280, 64>}, {transform_indices = @transform_1, window_bounds = array<i64: 2, 1280, 64>}, {transform_indices = @transform_2, window_bounds = array<i64: 1280, 64>}, {transform_indices = @transform_3, window_bounds = array<i64: 1280, 1>}, {transform_indices = @transform_4, window_bounds = array<i64: 1280, 1>}, {pipeline_mode = #tpu.pipeline_mode<synchronous>, transform_indices = @transform_5, window_bounds = array<i64: 1, 64>}, {pipeline_mode = #tpu.pipeline_mode<synchronous>, transform_indices = @transform_6, window_bounds = array<i64: 64, 40>}, {transform_indices = @transform_7, window_bounds = array<i64: 1280, 40>}, {transform_indices = @transform_8, window_bounds = array<i64: 1280, 64>}]} {
    %get3A = arith.constant 0 : index
    %get3A_0 = arith.constant 0 : index
    %get3A_1 = vector.load %arg4[%get3A, %get3A_0] : memref<1280x1xf32, #tpu.memory_space<vmem>>, vector<1280x1xf32>
    %get3A_2 = arith.constant 0 : index
    %get3A_3 = arith.constant 0 : index
    %get3A_4 = arith.constant 0 : index
    %get3A_5 = vector.load %arg1[%get3A_2, %get3A_3, %get3A_4] : memref<2x1280x64xf32, #tpu.memory_space<vmem>>, vector<1x1280x64xf32>
    %get3A_6 = vector.shape_cast %get3A_5 : vector<1x1280x64xf32> to vector<1280x64xf32>
    %get3A_7 = arith.constant 1 : index
    %get3A_8 = arith.constant 0 : index
    %get3A_9 = arith.constant 0 : index
    %get3A_10 = vector.load %arg1[%get3A_7, %get3A_8, %get3A_9] : memref<2x1280x64xf32, #tpu.memory_space<vmem>>, vector<1x1280x64xf32>
    %get3A_11 = vector.shape_cast %get3A_10 : vector<1x1280x64xf32> to vector<1280x64xf32>
    %add3A = arith.addf %get3A_6, %get3A_11 : vector<1280x64xf32>
    %get3A_12 = arith.constant 0 : index
    %get3A_13 = arith.constant 0 : index
    %get3A_14 = vector.load %arg3[%get3A_12, %get3A_13] : memref<1280x64xf32, #tpu.memory_space<vmem>>, vector<1280x64xf32>
    %add3A_15 = arith.addf %add3A, %get3A_14 : vector<1280x64xf32>
    %mul3A = vector.broadcast %get3A_1 : vector<1280x1xf32> to vector<1280x64xf32>
    %mul3A_16 = arith.mulf %mul3A, %add3A_15 : vector<1280x64xf32>
    %get3A_17 = arith.constant 0 : index
    %get3A_18 = arith.constant 0 : index
    %get3A_19 = vector.load %arg6[%get3A_17, %get3A_18] : memref<1x64xf32, #tpu.memory_space<vmem>>, vector<1x64xf32>
    %add3A_20 = vector.broadcast %get3A_19 : vector<1x64xf32> to vector<1280x64xf32>
    %add3A_21 = arith.addf %mul3A_16, %add3A_20 : vector<1280x64xf32>
    %max3A = arith.constant 0.000000e+00 : f32
    %max3A_22 = vector.broadcast %max3A : f32 to vector<1280x64xf32>
    %max3A_23 = arith.maximumf %add3A_21, %max3A_22 : vector<1280x64xf32>
    %get3A_24 = arith.constant 0 : index
    %get3A_25 = arith.constant 0 : index
    %get3A_26 = vector.load %arg7[%get3A_24, %get3A_25] : memref<64x40xf32, #tpu.memory_space<vmem>>, vector<64x40xf32>
    %dot_general3A = arith.constant dense<0.000000e+00> : vector<1280x40xf32>
    %dot_general3A_27 = tpu.matmul %max3A_23, %get3A_26, %dot_general3A {dimension_numbers = #tpu.dot_dimension_numbers<[1], [0], [0], [1], [0, 0, 1, 1], [], []>, transpose_lhs_hint = false} : vector<1280x64xf32>, vector<64x40xf32>, vector<1280x40xf32> -> vector<1280x40xf32>
    %mul3A_28 = vector.broadcast %get3A_1 : vector<1280x1xf32> to vector<1280x40xf32>
    %mul3A_29 = arith.mulf %mul3A_28, %dot_general3A_27 : vector<1280x40xf32>
    %swap3A = arith.constant 0 : index
    %swap3A_30 = arith.constant 0 : index
    %swap3A_31 = vector.load %arg8[%swap3A, %swap3A_30] : memref<1280x40xf32, #tpu.memory_space<vmem>>, vector<1280x40xf32>
    tpu.vector_store %arg8[%swap3A, %swap3A_30], %mul3A_29 {strides = array<i32>} : memref<1280x40xf32, #tpu.memory_space<vmem>>, vector<1280x40xf32>,
    %get3A_32 = arith.constant 0 : index
    %get3A_33 = arith.constant 0 : index
    %get3A_34 = vector.load %arg5[%get3A_32, %get3A_33] : memref<1280x1xf32, #tpu.memory_space<vmem>>, vector<1280x1xf32>
    %get3A_35 = arith.constant 0 : index
    %get3A_36 = arith.constant 0 : index
    %get3A_37 = arith.constant 0 : index
    %get3A_38 = vector.load %arg2[%get3A_35, %get3A_36, %get3A_37] : memref<2x1280x64xf32, #tpu.memory_space<vmem>>, vector<1x1280x64xf32>
    %get3A_39 = vector.shape_cast %get3A_38 : vector<1x1280x64xf32> to vector<1280x64xf32>
    %get3A_40 = arith.constant 1 : index
    %get3A_41 = arith.constant 0 : index
    %get3A_42 = arith.constant 0 : index
    %get3A_43 = vector.load %arg2[%get3A_40, %get3A_41, %get3A_42] : memref<2x1280x64xf32, #tpu.memory_space<vmem>>, vector<1x1280x64xf32>
    %get3A_44 = vector.shape_cast %get3A_43 : vector<1x1280x64xf32> to vector<1280x64xf32>
    %add3A_45 = arith.addf %get3A_39, %get3A_44 : vector<1280x64xf32>
    %mul3A_46 = vector.broadcast %get3A_34 : vector<1280x1xf32> to vector<1280x64xf32>
    %mul3A_47 = arith.mulf %mul3A_46, %add3A_45 : vector<1280x64xf32>
    %swap3A_48 = arith.constant 0 : index
    %swap3A_49 = arith.constant 0 : index
    %swap3A_50 = vector.load %arg9[%swap3A_48, %swap3A_49] : memref<1280x64xf32, #tpu.memory_space<vmem>>, vector<1280x64xf32>
    tpu.vector_store %arg9[%swap3A_48, %swap3A_49], %mul3A_47 {strides = array<i32>} : memref<1280x64xf32, #tpu.memory_space<vmem>>, vector<1280x64xf32>,
    return
  }
  func.func @transform_0(%arg0: i32) -> (i32, i32, i32) {
    %c0_i32 = arith.constant 0 : i32
    %c0_i32_0 = arith.constant 0 : i32
    %c0_i32_1 = arith.constant 0 : i32
    return %c0_i32, %arg0, %c0_i32_0 : i32, i32, i32
  }
  func.func @transform_1(%arg0: i32) -> (i32, i32, i32) {
    %c0_i32 = arith.constant 0 : i32
    %c0_i32_0 = arith.constant 0 : i32
    %c0_i32_1 = arith.constant 0 : i32
    return %c0_i32, %arg0, %c0_i32_0 : i32, i32, i32
  }
  func.func @transform_2(%arg0: i32) -> (i32, i32) {
    %c0_i32 = arith.constant 0 : i32
    %c0_i32_0 = arith.constant 0 : i32
    return %arg0, %c0_i32 : i32, i32
  }
  func.func @transform_3(%arg0: i32) -> (i32, i32) {
    %c0_i32 = arith.constant 0 : i32
    %c0_i32_0 = arith.constant 0 : i32
    return %arg0, %c0_i32 : i32, i32
  }
  func.func @transform_4(%arg0: i32) -> (i32, i32) {
    %c0_i32 = arith.constant 0 : i32
    %c0_i32_0 = arith.constant 0 : i32
    return %arg0, %c0_i32 : i32, i32
  }
  func.func @transform_5(%arg0: i32) -> (i32, i32) {
    %c0_i32 = arith.constant 0 : i32
    %c0_i32_0 = arith.constant 0 : i32
    %c0_i32_1 = arith.constant 0 : i32
    return %c0_i32, %c0_i32_0 : i32, i32
  }
  func.func @transform_6(%arg0: i32) -> (i32, i32) {
    %c0_i32 = arith.constant 0 : i32
    %c0_i32_0 = arith.constant 0 : i32
    %c0_i32_1 = arith.constant 0 : i32
    return %c0_i32, %c0_i32_0 : i32, i32
  }
  func.func @transform_7(%arg0: i32) -> (i32, i32) {
    %c0_i32 = arith.constant 0 : i32
    %c0_i32_0 = arith.constant 0 : i32
    return %arg0, %c0_i32 : i32, i32
  }
  func.func @transform_8(%arg0: i32) -> (i32, i32) {
    %c0_i32 = arith.constant 0 : i32
    %c0_i32_0 = arith.constant 0 : i32
    return %arg0, %c0_i32 : i32, i32
  }
}

module attributes {stable_mosaic.version = 14 : i64} {
  func.func @_tc3_body(%arg0: i32, %arg1: memref<2x1280x64xf32, #tpu.memory_space<vmem>>, %arg2: memref<2x1280x40xf32, #tpu.memory_space<vmem>>, %arg3: memref<1280x40xf32, #tpu.memory_space<vmem>>, %arg4: memref<1280x1xf32, #tpu.memory_space<vmem>>, %arg5: memref<1280x1xf32, #tpu.memory_space<vmem>>, %arg6: memref<1x64xf32, #tpu.memory_space<vmem>>, %arg7: memref<64x40xf32, #tpu.memory_space<vmem>>, %arg8: memref<1x40xf32, #tpu.memory_space<vmem>>, %arg9: memref<1280x40xf32, #tpu.memory_space<vmem>>, %arg10: memref<1280x40xf32, #tpu.memory_space<vmem>>) attributes {dimension_semantics = [#tpu.dimension_semantics<arbitrary>], iteration_bounds = array<i64: 8>, scalar_prefetch = 0 : i64, scratch_operands = 0 : i64, tpu.core_type = #tpu.core_type<tc>, window_params = [{transform_indices = @transform_0, window_bounds = array<i64: 2, 1280, 64>}, {transform_indices = @transform_1, window_bounds = array<i64: 2, 1280, 40>}, {transform_indices = @transform_2, window_bounds = array<i64: 1280, 40>}, {transform_indices = @transform_3, window_bounds = array<i64: 1280, 1>}, {transform_indices = @transform_4, window_bounds = array<i64: 1280, 1>}, {pipeline_mode = #tpu.pipeline_mode<synchronous>, transform_indices = @transform_5, window_bounds = array<i64: 1, 64>}, {pipeline_mode = #tpu.pipeline_mode<synchronous>, transform_indices = @transform_6, window_bounds = array<i64: 64, 40>}, {pipeline_mode = #tpu.pipeline_mode<synchronous>, transform_indices = @transform_7, window_bounds = array<i64: 1, 40>}, {transform_indices = @transform_8, window_bounds = array<i64: 1280, 40>}, {transform_indices = @transform_9, window_bounds = array<i64: 1280, 40>}]} {
    %get3A = arith.constant 0 : index
    %get3A_0 = arith.constant 0 : index
    %get3A_1 = vector.load %arg5[%get3A, %get3A_0] : memref<1280x1xf32, #tpu.memory_space<vmem>>, vector<1280x1xf32>
    %get3A_2 = arith.constant 0 : index
    %get3A_3 = arith.constant 0 : index
    %get3A_4 = arith.constant 0 : index
    %get3A_5 = vector.load %arg1[%get3A_2, %get3A_3, %get3A_4] : memref<2x1280x64xf32, #tpu.memory_space<vmem>>, vector<1x1280x64xf32>
    %get3A_6 = vector.shape_cast %get3A_5 : vector<1x1280x64xf32> to vector<1280x64xf32>
    %get3A_7 = arith.constant 1 : index
    %get3A_8 = arith.constant 0 : index
    %get3A_9 = arith.constant 0 : index
    %get3A_10 = vector.load %arg1[%get3A_7, %get3A_8, %get3A_9] : memref<2x1280x64xf32, #tpu.memory_space<vmem>>, vector<1x1280x64xf32>
    %get3A_11 = vector.shape_cast %get3A_10 : vector<1x1280x64xf32> to vector<1280x64xf32>
    %add3A = arith.addf %get3A_6, %get3A_11 : vector<1280x64xf32>
    %mul3A = vector.broadcast %get3A_1 : vector<1280x1xf32> to vector<1280x64xf32>
    %mul3A_12 = arith.mulf %mul3A, %add3A : vector<1280x64xf32>
    %get3A_13 = arith.constant 0 : index
    %get3A_14 = arith.constant 0 : index
    %get3A_15 = vector.load %arg6[%get3A_13, %get3A_14] : memref<1x64xf32, #tpu.memory_space<vmem>>, vector<1x64xf32>
    %add3A_16 = vector.broadcast %get3A_15 : vector<1x64xf32> to vector<1280x64xf32>
    %add3A_17 = arith.addf %mul3A_12, %add3A_16 : vector<1280x64xf32>
    %max3A = arith.constant 0.000000e+00 : f32
    %max3A_18 = vector.broadcast %max3A : f32 to vector<1280x64xf32>
    %max3A_19 = arith.maximumf %add3A_17, %max3A_18 : vector<1280x64xf32>
    %get3A_20 = arith.constant 0 : index
    %get3A_21 = arith.constant 0 : index
    %get3A_22 = vector.load %arg7[%get3A_20, %get3A_21] : memref<64x40xf32, #tpu.memory_space<vmem>>, vector<64x40xf32>
    %dot_general3A = arith.constant dense<0.000000e+00> : vector<1280x40xf32>
    %dot_general3A_23 = tpu.matmul %max3A_19, %get3A_22, %dot_general3A {dimension_numbers = #tpu.dot_dimension_numbers<[1], [0], [0], [1], [0, 0, 1, 1], [], []>, transpose_lhs_hint = false} : vector<1280x64xf32>, vector<64x40xf32>, vector<1280x40xf32> -> vector<1280x40xf32>
    %swap3A = arith.constant 0 : index
    %swap3A_24 = arith.constant 0 : index
    %swap3A_25 = vector.load %arg9[%swap3A, %swap3A_24] : memref<1280x40xf32, #tpu.memory_space<vmem>>, vector<1280x40xf32>
    tpu.vector_store %arg9[%swap3A, %swap3A_24], %dot_general3A_23 {strides = array<i32>} : memref<1280x40xf32, #tpu.memory_space<vmem>>, vector<1280x40xf32>,
    %get3A_26 = arith.constant 0 : index
    %get3A_27 = arith.constant 0 : index
    %get3A_28 = vector.load %arg4[%get3A_26, %get3A_27] : memref<1280x1xf32, #tpu.memory_space<vmem>>, vector<1280x1xf32>
    %get3A_29 = arith.constant 0 : index
    %get3A_30 = arith.constant 0 : index
    %get3A_31 = arith.constant 0 : index
    %get3A_32 = vector.load %arg2[%get3A_29, %get3A_30, %get3A_31] : memref<2x1280x40xf32, #tpu.memory_space<vmem>>, vector<1x1280x40xf32>
    %get3A_33 = vector.shape_cast %get3A_32 : vector<1x1280x40xf32> to vector<1280x40xf32>
    %get3A_34 = arith.constant 1 : index
    %get3A_35 = arith.constant 0 : index
    %get3A_36 = arith.constant 0 : index
    %get3A_37 = vector.load %arg2[%get3A_34, %get3A_35, %get3A_36] : memref<2x1280x40xf32, #tpu.memory_space<vmem>>, vector<1x1280x40xf32>
    %get3A_38 = vector.shape_cast %get3A_37 : vector<1x1280x40xf32> to vector<1280x40xf32>
    %add3A_39 = arith.addf %get3A_33, %get3A_38 : vector<1280x40xf32>
    %get3A_40 = arith.constant 0 : index
    %get3A_41 = arith.constant 0 : index
    %get3A_42 = vector.load %arg3[%get3A_40, %get3A_41] : memref<1280x40xf32, #tpu.memory_space<vmem>>, vector<1280x40xf32>
    %add3A_43 = arith.addf %add3A_39, %get3A_42 : vector<1280x40xf32>
    %mul3A_44 = vector.broadcast %get3A_28 : vector<1280x1xf32> to vector<1280x40xf32>
    %mul3A_45 = arith.mulf %mul3A_44, %add3A_43 : vector<1280x40xf32>
    %get3A_46 = arith.constant 0 : index
    %get3A_47 = arith.constant 0 : index
    %get3A_48 = vector.load %arg8[%get3A_46, %get3A_47] : memref<1x40xf32, #tpu.memory_space<vmem>>, vector<1x40xf32>
    %add3A_49 = vector.broadcast %get3A_48 : vector<1x40xf32> to vector<1280x40xf32>
    %add3A_50 = arith.addf %mul3A_45, %add3A_49 : vector<1280x40xf32>
    %swap3A_51 = arith.constant 0 : index
    %swap3A_52 = arith.constant 0 : index
    %swap3A_53 = vector.load %arg10[%swap3A_51, %swap3A_52] : memref<1280x40xf32, #tpu.memory_space<vmem>>, vector<1280x40xf32>
    tpu.vector_store %arg10[%swap3A_51, %swap3A_52], %add3A_50 {strides = array<i32>} : memref<1280x40xf32, #tpu.memory_space<vmem>>, vector<1280x40xf32>,
    return
  }
  func.func @transform_0(%arg0: i32) -> (i32, i32, i32) {
    %c0_i32 = arith.constant 0 : i32
    %c0_i32_0 = arith.constant 0 : i32
    %c0_i32_1 = arith.constant 0 : i32
    return %c0_i32, %arg0, %c0_i32_0 : i32, i32, i32
  }
  func.func @transform_1(%arg0: i32) -> (i32, i32, i32) {
    %c0_i32 = arith.constant 0 : i32
    %c0_i32_0 = arith.constant 0 : i32
    %c0_i32_1 = arith.constant 0 : i32
    return %c0_i32, %arg0, %c0_i32_0 : i32, i32, i32
  }
  func.func @transform_2(%arg0: i32) -> (i32, i32) {
    %c0_i32 = arith.constant 0 : i32
    %c0_i32_0 = arith.constant 0 : i32
    return %arg0, %c0_i32 : i32, i32
  }
  func.func @transform_3(%arg0: i32) -> (i32, i32) {
    %c0_i32 = arith.constant 0 : i32
    %c0_i32_0 = arith.constant 0 : i32
    return %arg0, %c0_i32 : i32, i32
  }
  func.func @transform_4(%arg0: i32) -> (i32, i32) {
    %c0_i32 = arith.constant 0 : i32
    %c0_i32_0 = arith.constant 0 : i32
    return %arg0, %c0_i32 : i32, i32
  }
  func.func @transform_5(%arg0: i32) -> (i32, i32) {
    %c0_i32 = arith.constant 0 : i32
    %c0_i32_0 = arith.constant 0 : i32
    %c0_i32_1 = arith.constant 0 : i32
    return %c0_i32, %c0_i32_0 : i32, i32
  }
  func.func @transform_6(%arg0: i32) -> (i32, i32) {
    %c0_i32 = arith.constant 0 : i32
    %c0_i32_0 = arith.constant 0 : i32
    %c0_i32_1 = arith.constant 0 : i32
    return %c0_i32, %c0_i32_0 : i32, i32
  }
  func.func @transform_7(%arg0: i32) -> (i32, i32) {
    %c0_i32 = arith.constant 0 : i32
    %c0_i32_0 = arith.constant 0 : i32
    %c0_i32_1 = arith.constant 0 : i32
    return %c0_i32, %c0_i32_0 : i32, i32
  }
  func.func @transform_8(%arg0: i32) -> (i32, i32) {
    %c0_i32 = arith.constant 0 : i32
    %c0_i32_0 = arith.constant 0 : i32
    return %arg0, %c0_i32 : i32, i32
  }
  func.func @transform_9(%arg0: i32) -> (i32, i32) {
    %c0_i32 = arith.constant 0 : i32
    %c0_i32_0 = arith.constant 0 : i32
    return %arg0, %c0_i32 : i32, i32
  }
}

module attributes {stable_mosaic.version = 14 : i64} {
  func.func @_tc4_body(%arg0: i32, %arg1: memref<2x1280x40xf32, #tpu.memory_space<vmem>>, %arg2: memref<1280x1xf32, #tpu.memory_space<vmem>>, %arg3: memref<1280x40xf32, #tpu.memory_space<vmem>>) attributes {dimension_semantics = [#tpu.dimension_semantics<arbitrary>], iteration_bounds = array<i64: 8>, scalar_prefetch = 0 : i64, scratch_operands = 0 : i64, tpu.core_type = #tpu.core_type<tc>, window_params = [{transform_indices = @transform_0, window_bounds = array<i64: 2, 1280, 40>}, {transform_indices = @transform_1, window_bounds = array<i64: 1280, 1>}, {transform_indices = @transform_2, window_bounds = array<i64: 1280, 40>}]} {
    %get3A = arith.constant 0 : index
    %get3A_0 = arith.constant 0 : index
    %get3A_1 = vector.load %arg2[%get3A, %get3A_0] : memref<1280x1xf32, #tpu.memory_space<vmem>>, vector<1280x1xf32>
    %get3A_2 = arith.constant 0 : index
    %get3A_3 = arith.constant 0 : index
    %get3A_4 = arith.constant 0 : index
    %get3A_5 = vector.load %arg1[%get3A_2, %get3A_3, %get3A_4] : memref<2x1280x40xf32, #tpu.memory_space<vmem>>, vector<1x1280x40xf32>
    %get3A_6 = vector.shape_cast %get3A_5 : vector<1x1280x40xf32> to vector<1280x40xf32>
    %get3A_7 = arith.constant 1 : index
    %get3A_8 = arith.constant 0 : index
    %get3A_9 = arith.constant 0 : index
    %get3A_10 = vector.load %arg1[%get3A_7, %get3A_8, %get3A_9] : memref<2x1280x40xf32, #tpu.memory_space<vmem>>, vector<1x1280x40xf32>
    %get3A_11 = vector.shape_cast %get3A_10 : vector<1x1280x40xf32> to vector<1280x40xf32>
    %add3A = arith.addf %get3A_6, %get3A_11 : vector<1280x40xf32>
    %mul3A = vector.broadcast %get3A_1 : vector<1280x1xf32> to vector<1280x40xf32>
    %mul3A_12 = arith.mulf %mul3A, %add3A : vector<1280x40xf32>
    %swap3A = arith.constant 0 : index
    %swap3A_13 = arith.constant 0 : index
    %swap3A_14 = vector.load %arg3[%swap3A, %swap3A_13] : memref<1280x40xf32, #tpu.memory_space<vmem>>, vector<1280x40xf32>
    tpu.vector_store %arg3[%swap3A, %swap3A_13], %mul3A_12 {strides = array<i32>} : memref<1280x40xf32, #tpu.memory_space<vmem>>, vector<1280x40xf32>,
    return
  }
  func.func @transform_0(%arg0: i32) -> (i32, i32, i32) {
    %c0_i32 = arith.constant 0 : i32
    %c0_i32_0 = arith.constant 0 : i32
    %c0_i32_1 = arith.constant 0 : i32
    return %c0_i32, %arg0, %c0_i32_0 : i32, i32, i32
  }
  func.func @transform_1(%arg0: i32) -> (i32, i32) {
    %c0_i32 = arith.constant 0 : i32
    %c0_i32_0 = arith.constant 0 : i32
    return %arg0, %c0_i32 : i32, i32
  }
  func.func @transform_2(%arg0: i32) -> (i32, i32) {
    %c0_i32 = arith.constant 0 : i32
    %c0_i32_0 = arith.constant 0 : i32
    return %arg0, %c0_i32 : i32, i32
  }
}

module attributes {stable_mosaic.version = 14 : i64} {
  func.func @_tc5_body(%arg0: i32, %arg1: memref<2x2000x40xf32, #tpu.memory_space<vmem>>, %arg2: memref<2000x1xf32, #tpu.memory_space<vmem>>, %arg3: memref<1x40xf32, #tpu.memory_space<vmem>>, %arg4: memref<2000x40xf32, #tpu.memory_space<vmem>>, %arg5: memref<80x40xf32, #tpu.memory_space<vmem>>, %arg6: memref<1x40xf32, #tpu.memory_space<vmem>>, %arg7: memref<2000x40xf32, #tpu.memory_space<vmem>>) attributes {dimension_semantics = [#tpu.dimension_semantics<arbitrary>], iteration_bounds = array<i64: 5>, scalar_prefetch = 0 : i64, scratch_operands = 0 : i64, tpu.core_type = #tpu.core_type<tc>, window_params = [{transform_indices = @transform_0, window_bounds = array<i64: 2, 2000, 40>}, {transform_indices = @transform_1, window_bounds = array<i64: 2000, 1>}, {pipeline_mode = #tpu.pipeline_mode<synchronous>, transform_indices = @transform_2, window_bounds = array<i64: 1, 40>}, {transform_indices = @transform_3, window_bounds = array<i64: 2000, 40>}, {pipeline_mode = #tpu.pipeline_mode<synchronous>, transform_indices = @transform_4, window_bounds = array<i64: 80, 40>}, {pipeline_mode = #tpu.pipeline_mode<synchronous>, transform_indices = @transform_5, window_bounds = array<i64: 1, 40>}, {transform_indices = @transform_6, window_bounds = array<i64: 2000, 40>}]} {
    %get3A = arith.constant 0 : index
    %get3A_0 = arith.constant 0 : index
    %get3A_1 = vector.load %arg2[%get3A, %get3A_0] : memref<2000x1xf32, #tpu.memory_space<vmem>>, vector<2000x1xf32>
    %get3A_2 = arith.constant 0 : index
    %get3A_3 = arith.constant 0 : index
    %get3A_4 = arith.constant 0 : index
    %get3A_5 = vector.load %arg1[%get3A_2, %get3A_3, %get3A_4] : memref<2x2000x40xf32, #tpu.memory_space<vmem>>, vector<1x2000x40xf32>
    %get3A_6 = vector.shape_cast %get3A_5 : vector<1x2000x40xf32> to vector<2000x40xf32>
    %get3A_7 = arith.constant 1 : index
    %get3A_8 = arith.constant 0 : index
    %get3A_9 = arith.constant 0 : index
    %get3A_10 = vector.load %arg1[%get3A_7, %get3A_8, %get3A_9] : memref<2x2000x40xf32, #tpu.memory_space<vmem>>, vector<1x2000x40xf32>
    %get3A_11 = vector.shape_cast %get3A_10 : vector<1x2000x40xf32> to vector<2000x40xf32>
    %add3A = arith.addf %get3A_6, %get3A_11 : vector<2000x40xf32>
    %mul3A = vector.broadcast %get3A_1 : vector<2000x1xf32> to vector<2000x40xf32>
    %mul3A_12 = arith.mulf %mul3A, %add3A : vector<2000x40xf32>
    %get3A_13 = arith.constant 0 : index
    %get3A_14 = arith.constant 0 : index
    %get3A_15 = vector.load %arg3[%get3A_13, %get3A_14] : memref<1x40xf32, #tpu.memory_space<vmem>>, vector<1x40xf32>
    %add3A_16 = vector.broadcast %get3A_15 : vector<1x40xf32> to vector<2000x40xf32>
    %add3A_17 = arith.addf %mul3A_12, %add3A_16 : vector<2000x40xf32>
    %get3A_18 = arith.constant 0 : index
    %get3A_19 = arith.constant 0 : index
    %get3A_20 = vector.load %arg4[%get3A_18, %get3A_19] : memref<2000x40xf32, #tpu.memory_space<vmem>>, vector<2000x40xf32>
    %concatenate3A = tpu.concatenate %get3A_20, %add3A_17 in 1 : vector<2000x40xf32>, vector<2000x40xf32> -> vector<2000x80xf32>
    %get3A_21 = arith.constant 0 : index
    %get3A_22 = arith.constant 0 : index
    %get3A_23 = vector.load %arg5[%get3A_21, %get3A_22] : memref<80x40xf32, #tpu.memory_space<vmem>>, vector<80x40xf32>
    %dot_general3A = arith.constant dense<0.000000e+00> : vector<2000x40xf32>
    %dot_general3A_24 = tpu.matmul %concatenate3A, %get3A_23, %dot_general3A {dimension_numbers = #tpu.dot_dimension_numbers<[1], [0], [0], [1], [0, 0, 1, 1], [], []>, transpose_lhs_hint = false} : vector<2000x80xf32>, vector<80x40xf32>, vector<2000x40xf32> -> vector<2000x40xf32>
    %get3A_25 = arith.constant 0 : index
    %get3A_26 = arith.constant 0 : index
    %get3A_27 = vector.load %arg6[%get3A_25, %get3A_26] : memref<1x40xf32, #tpu.memory_space<vmem>>, vector<1x40xf32>
    %add3A_28 = vector.broadcast %get3A_27 : vector<1x40xf32> to vector<2000x40xf32>
    %add3A_29 = arith.addf %dot_general3A_24, %add3A_28 : vector<2000x40xf32>
    %reduce_max3A = arith.constant dense<0xFF800000> : vector<2000xf32>
    %reduce_max3A_30 = vector.multi_reduction <maximumf>, %add3A_29, %reduce_max3A [1] : vector<2000x40xf32> to vector<2000xf32>
    %broadcast_in_dim3A = vector.shape_cast %reduce_max3A_30 : vector<2000xf32> to vector<2000x1xf32>
    %sub3A = vector.broadcast %broadcast_in_dim3A : vector<2000x1xf32> to vector<2000x40xf32>
    %sub3A_31 = arith.subf %add3A_29, %sub3A : vector<2000x40xf32>
    %exp3A = math.exp %sub3A_31 : vector<2000x40xf32>
    %reduce_sum3A = arith.constant dense<0.000000e+00> : vector<2000xf32>
    %reduce_sum3A_32 = vector.multi_reduction <add>, %exp3A, %reduce_sum3A [1] : vector<2000x40xf32> to vector<2000xf32>
    %broadcast_in_dim3A_33 = vector.shape_cast %reduce_sum3A_32 : vector<2000xf32> to vector<2000x1xf32>
    %log3A = math.log %broadcast_in_dim3A_33 : vector<2000x1xf32>
    %sub3A_34 = vector.broadcast %log3A : vector<2000x1xf32> to vector<2000x40xf32>
    %sub3A_35 = arith.subf %sub3A_31, %sub3A_34 : vector<2000x40xf32>
    %swap3A = arith.constant 0 : index
    %swap3A_36 = arith.constant 0 : index
    %swap3A_37 = vector.load %arg7[%swap3A, %swap3A_36] : memref<2000x40xf32, #tpu.memory_space<vmem>>, vector<2000x40xf32>
    tpu.vector_store %arg7[%swap3A, %swap3A_36], %sub3A_35 {strides = array<i32>} : memref<2000x40xf32, #tpu.memory_space<vmem>>, vector<2000x40xf32>,
    return
  }
  func.func @transform_0(%arg0: i32) -> (i32, i32, i32) {
    %c0_i32 = arith.constant 0 : i32
    %c0_i32_0 = arith.constant 0 : i32
    %c0_i32_1 = arith.constant 0 : i32
    return %c0_i32, %arg0, %c0_i32_0 : i32, i32, i32
  }
  func.func @transform_1(%arg0: i32) -> (i32, i32) {
    %c0_i32 = arith.constant 0 : i32
    %c0_i32_0 = arith.constant 0 : i32
    return %arg0, %c0_i32 : i32, i32
  }
  func.func @transform_2(%arg0: i32) -> (i32, i32) {
    %c0_i32 = arith.constant 0 : i32
    %c0_i32_0 = arith.constant 0 : i32
    %c0_i32_1 = arith.constant 0 : i32
    return %c0_i32, %c0_i32_0 : i32, i32
  }
  func.func @transform_3(%arg0: i32) -> (i32, i32) {
    %c0_i32 = arith.constant 0 : i32
    %c0_i32_0 = arith.constant 0 : i32
    return %arg0, %c0_i32 : i32, i32
  }
  func.func @transform_4(%arg0: i32) -> (i32, i32) {
    %c0_i32 = arith.constant 0 : i32
    %c0_i32_0 = arith.constant 0 : i32
    %c0_i32_1 = arith.constant 0 : i32
    return %c0_i32, %c0_i32_0 : i32, i32
  }
  func.func @transform_5(%arg0: i32) -> (i32, i32) {
    %c0_i32 = arith.constant 0 : i32
    %c0_i32_0 = arith.constant 0 : i32
    %c0_i32_1 = arith.constant 0 : i32
    return %c0_i32, %c0_i32_0 : i32, i32
  }
  func.func @transform_6(%arg0: i32) -> (i32, i32) {
    %c0_i32 = arith.constant 0 : i32
    %c0_i32_0 = arith.constant 0 : i32
    return %arg0, %c0_i32 : i32, i32
  }
}

</mosaic_0001>

<sc_bundles>
// kernel: kernel.14.cloned.1.call-start
scs
__scs_entry_jumppad:
0x0: {  	(pc) =	sbr.rel $0x88, $3  }
0x1: {  	(tag) =	ssettag $0x0;
	lr =	simm.s32 $0x1  }
0x2: {  	[smem:$0x3F94] =	sst lr;
	_ =	strace $0xD0000000  }
0x3: {  	_ = 	snop  }
0x4: {  	_ = 	snop  }
0x5: {  	_ = 	snop  }
0x6: {  	_ = 	snop  }
0x7: {  	_ = 	snop  }
__scs_overlays_trampoline_lowered:
0x8: {  	[smem:$0x3FA3] =	sst s0  }
0x9: {  	[smem:$0x3FA4] =	sst s1  }
0xa: {  	[smem:$0x3FA5] =	sst s2  }
0xb: {  	[smem:$0x3FA6] =	sst s3  }
0xc: {  	[smem:$0x3FA7] =	sst s4  }
0xd: {  	[smem:$0x3FA8] =	sst s5  }
0xe: {  	[smem:$0x3FA9] =	sst s6  }
0xf: {  	[smem:$0x3FAA] =	sst s7  }
0x10: {  	[smem:$0x3FAB] =	sst s8  }
0x11: {  	[smem:$0x3FAC] =	sst s9;
	s0 =	simm.s32 @!p0 $0x0  }
0x12: {  	s1 =	sld [smem:$0x3F92];
	s0 =	simm.s32 @p0 $0x1  }
0x13: {  	[smem:$0x3FAD] =	sst s0;
	s0 =	simm.s32 @!p1 $0x0  }
0x14: {  	s2 =	sld [smem:$0x3F91];
	s0 =	simm.s32 @p1 $0x1  }
0x15: {  	[smem:$0x3FAE] =	sst s0;
	s0 =	simm.s32 @!p2 $0x0  }
0x16: {  	s3 =	sld [smem:$0x3FDB];
	s0 =	simm.s32 @p2 $0x1  }
0x17: {  	s4 =	simm.s32 $0x1BF5;
	[smem:$0x3FB0] =	sst s0  }
0x18: {  	s0 =	sld [smem:$0x3F93];
	_ =	swait.ge [sflag:s4], $0x0  }
0x19: {  	s7 =	sld [smem:$0x3F94]  }
0x1a: {  	s8 =	sadd.s32 $0xFFFFE003, lr  }
0x1b: {  	s9 =	sadd.s32 $0xFFFFFEF7, lr;
	s5 =	simm.s32 $0xFFFFFFFF;
	p2 =	slt.u32 s8, $0xFFFFF086  }
0x1c: {  	p1 =	slt.u32 s9, $0xF7A;
	s5 =	simm.s32 @!p2 $0x0  }
0x1d: {  	s5 =	simm.s32 @p1 $0x1;
	p0 =	seq.s32 s7, s2  }
0x1e: {  	s7 =	smul.u32 @!p0 $0xF7A, s2;
	p2 =	seq.s32 @!p0 s5, $0x0  }
0x1f: {  	s9 =	smul.u32 $0xF7A, s1;
	s8 =	simm.s32 @!p0 $0x1BF5;
	p2 =	por !p2, p0  }
0x20: {  	[sflag:s8] =	ssyncset.s32 @!p0 $0xFFFFF086;
	s6 =	sadd.s32 @!p0 s3, s7;
	s7 =	simm.s32 @!p0 $0x108  }
0x21: {  	s3 =	sadd.s32 s3, s9;
	s6 =	sadd.s32 @!p0 $0x88, s6;
	s7 =	simm.s32 @p2 $0x1082  }
0x22: {  	[simem:s7], [sflag:s8] =	dma.local @!p0 [hbm:s6], $0xF7A  }
0x23: {  	s9 =	sor.u32 $0xD0000000, s2;
	s6 =	simm.s32 $0x108;
	_ =	swait.ge @!p0 [sflag:s8], $0x0  }
0x24: {  	s3 =	sadd.s32 $0x88, s3;
	s6 =	simm.s32 @!p1 $0x1082;
	[sflag:s4] =	ssyncset.s32 $0xFFFFF086  }
0x25: {  	[simem:s6], [sflag:s4] =	dma.local [hbm:s3], $0xF7A  }
0x26: {  	[smem:$0x3F94] =	sst s1;
	(tag) =	ssettag s2;
	_ =	strace s9  }
0x27: {  	s1 =	sld [smem:$0x3FA4]  }
0x28: {  	s2 =	sld [smem:$0x3FA5]  }
0x29: {  	s4 =	sld [smem:$0x3FA7]  }
0x2a: {  	p0 =	seq.s32 s5, $0x0;
	s5 =	sld [smem:$0x3FA8]  }
0x2b: {  	s6 =	sld [smem:$0x3FA9]  }
0x2c: {  	s7 =	sld [smem:$0x3FAA]  }
0x2d: {  	s3 =	simm.s32 $0x108;
	s8 =	sld [smem:$0x3FAB]  }
0x2e: {  	s3 =	simm.s32 @!p0 $0x1082;
	s9 =	sld [smem:$0x3FAC]  }
0x2f: {  	lr =	sadd.s32 s0, s3;
	s0 =	sld [smem:$0x3FA3]  }
0x30: {  	s3 =	sld [smem:$0x3FA6]  }
0x31: {  	[smem:$0x3FAF] =	sst s10  }
0x32: {  	s10 =	sld [smem:$0x3FAD];
	_ =	sdelay $0x3  }
0x33: {  	p0 =	seq.s32 s10, $0x1;
	s10 =	sld [smem:$0x3FAF];
	_ =	sdelay $0x3  }
0x34: {  	[smem:$0x3FAF] =	sst s10  }
0x35: {  	s10 =	sld [smem:$0x3FAE];
	_ =	sdelay $0x3  }
0x36: {  	p1 =	seq.s32 s10, $0x1;
	s10 =	sld [smem:$0x3FAF];
	_ =	sdelay $0x3  }
0x37: {  	[smem:$0x3FAF] =	sst s10  }
0x38: {  	s10 =	sld [smem:$0x3FB0]  }
0x39: {  	_ = 	snop;
	(pc) =	sbr.ind lr, $3  }
0x3a: {  	_ = 	snop  }
0x3b: {  	_ = 	snop  }
0x3c: {  	p2 =	seq.s32 s10, $0x1;
	s10 =	sld [smem:$0x3FAF]  }
0x3d: {  	_ =	shalt  }
0x3e: {  	_ =	shalt  }
0x3f: {  	_ =	shalt  }
0x40: {  	_ =	shalt  }
0x41: {  	_ =	shalt  }
0x42: {  	_ =	shalt  }
0x43: {  	_ =	shalt  }
0x44: {  	_ =	shalt  }
0x45: {  	_ =	shalt  }
0x46: {  	_ =	shalt  }
0x47: {  	_ =	shalt  }
0x48: {  	_ =	shalt  }
0x49: {  	_ =	shalt  }
0x4a: {  	_ =	shalt  }
0x4b: {  	_ =	shalt  }
0x4c: {  	_ =	shalt  }
0x4d: {  	_ =	shalt  }
0x4e: {  	_ =	shalt  }
0x4f: {  	_ =	shalt  }
0x50: {  	_ =	shalt  }
0x51: {  	_ =	shalt  }
0x52: {  	_ =	shalt  }
0x53: {  	_ =	shalt  }
0x54: {  	_ =	shalt  }
0x55: {  	_ =	shalt  }
0x56: {  	_ =	shalt  }
0x57: {  	_ =	shalt  }
0x58: {  	_ =	shalt  }
0x59: {  	_ =	shalt  }
0x5a: {  	_ =	shalt  }
0x5b: {  	_ =	shalt  }
0x5c: {  	_ =	shalt  }
0x5d: {  	_ =	shalt  }
0x5e: {  	_ =	shalt  }
0x5f: {  	_ =	shalt  }
0x60: {  	_ =	shalt  }
0x61: {  	_ =	shalt  }
0x62: {  	_ =	shalt  }
0x63: {  	_ =	shalt  }
0x64: {  	_ =	shalt  }
0x65: {  	_ =	shalt  }
0x66: {  	_ =	shalt  }
0x67: {  	_ =	shalt  }
0x68: {  	_ =	shalt  }
0x69: {  	_ =	shalt  }
0x6a: {  	_ =	shalt  }
0x6b: {  	_ =	shalt  }
0x6c: {  	_ =	shalt  }
0x6d: {  	_ =	shalt  }
0x6e: {  	_ =	shalt  }
0x6f: {  	_ =	shalt  }
0x70: {  	_ =	shalt  }
0x71: {  	_ =	shalt  }
0x72: {  	_ =	shalt  }
0x73: {  	_ =	shalt  }
0x74: {  	_ =	shalt  }
0x75: {  	_ =	shalt  }
0x76: {  	_ =	shalt  }
0x77: {  	_ =	shalt  }
0x78: {  	_ =	shalt  }
0x79: {  	_ =	shalt  }
0x7a: {  	_ =	shalt  }
0x7b: {  	_ =	shalt  }
0x7c: {  	_ =	shalt  }
0x7d: {  	_ =	shalt  }
0x7e: {  	_ =	shalt  }
0x7f: {  	_ =	shalt  }
0x80: {  	_ =	shalt  }
0x81: {  	_ =	shalt  }
0x82: {  	_ =	shalt  }
0x83: {  	_ =	shalt  }
0x84: {  	_ =	shalt  }
0x85: {  	_ =	shalt  }
0x86: {  	_ =	shalt  }
0x87: {  	_ =	shalt  }
.Lfunc_end0:
.L_simem_size_0:
called_computation_lowered:
.L_overlay_start_0:
0x88: {  	s2 =	sld [smem:$0x3FD9]  }
0x89: {  	s3 =	sld [smem:$0x3FFE];
	_ =	sdelay $0x1  }
0x8a: {  	s1 =	srdreg.scid  }
0x8b: {  	s0 =	sand.u32 $0x1, s1  }
0x8c: {  	s17 =	sshll.u32 s0, $0xA;
	s2 =	sadd.s32 s3, s2  }
0x8d: {  	s2 =	sadd.s32 s2, s17  }
0x8e: {  	[smem:$0x3FBB] =	sst s2  }
0x8f: {  	_ = 	snop  }
0x90: {  	s2 =	sld [smem:$0x3FD0];
	(tm) =	ssettm $0x1  }
0x91: {  	s18 =	sld [smem:$0x3FFB];
	_ =	sdelay $0x3  }
0x92: {  	_ =	strace s18  }
0x93: {  	s3 =	sld [smem:$0x3FFC];
	_ =	sdelay $0x3  }
0x94: {  	_ =	strace s3  }
0x95: {  	s3 =	sld [smem:$0x3FFD];
	_ =	sdelay $0x3  }
0x96: {  	_ =	strace s3  }
0x97: {  	_ =	strace $0x8FFFFFFF  }
0x98: {  	s19 =	sld [smem:$0x3FDB];
	_ =	sdelay $0x1  }
0x99: {  	s4 =	simm.s32 $_scs_section_size  }
0x9a: {  	s5 =	simm.s32 $_size__tile_overlayer_lowered;
	s6 =	simm.s32 $_tile_overlayer_lowered  }
0x9b: {  	s22 =	simm.s32 $0x1BFF;
	s21 =	sshll.u32 s6, $0x1;
	s3 =	sadd.s32 s4, s19  }
0x9c: {  	s7 =	simm.s32 $0x0;
	s20 =	sshll.u32 s5, $0x1;
	s5 =	sadd.s32 s21, s3  }
0x9d: {  	[timem:s7], [sflag:s22] =	dma.local [hbm:s5], s20  }
0x9e: {  	_ =	swait.ge [sflag:s22], s20  }
0x9f: {  	s4 =	ssub.s32 $0x0, s20;
	[sflag:s22] =	ssyncset.done $0x0  }
0xa0: {  	[sflag:s22] =	ssyncadd.s32 s4;
	_ =	sdelay $0x1  }
0xa1: {  	s23 =	simm.s32 $0x1B8B  }
0xa2: {  	_ =	swait.ge [sflag:s23], $0x1  }
0xa3: {  	[sflag:s23] =	ssyncset.done $0x0  }
0xa4: {  	s25 =	simm.s32 $0x1B8E;
	s24 =	sld [smem:$0x3FFE];
	[sflag:s23] =	ssyncadd.s32 $0xFFFFFFFF  }
0xa5: {  	s26 =	simm.s32 $execute0_lowered;
	[smem:$0x3FD2] =	sst s25  }
0xa6: {  	s5 =	sshll.u32 s26, $0x1;
	_ =	strace $0x80000046;
	[dreg:$0x1] =	wrdreg $0xFFFFFFFF  }
0xa7: {  	s28 =	simm.s32 $_size_execute0_lowered;
	s3 =	sadd.s32 s3, s5;
	[dreg:$0x0] =	wrdreg $0x0  }
0xa8: {  	s5 =	sshll.u32 s28, $0x1;
	[dreg:$0x2] =	wrdreg s3  }
0xa9: {  	[dreg:$0x3] =	wrdreg s5  }
0xaa: {  	[dreg:$0x4] =	wrdreg $0xC0  }
0xab: {  	_ =	task [dreg:s7], $0x5FFFF  }
0xac: {  	[dreg:$0x1] =	wrdreg $0xFFFFFFFF  }
0xad: {  	[dreg:$0x0] =	wrdreg $0x60  }
0xae: {  	[dreg:$0x2] =	wrdreg s2  }
0xaf: {  	[dreg:$0x3] =	wrdreg s24  }
0xb0: {  	[dreg:$0x4] =	wrdreg $0x2C000  }
0xb1: {  	[dreg:$0x5] =	wrdreg $0x40000  }
0xb2: {  	[dreg:$0x6] =	wrdreg $0x54000  }
0xb3: {  	[dreg:$0x7] =	wrdreg $0x9  }
0xb4: {  	_ =	task.clear_ibuf [dreg:s7], $0x8FFFF;
	_ =	strace $0x90000046  }
0xb5: {  	s29 =	simm.s32 $0x9;
	_ =	strace $0x80000048  }
0xb6: {  	_ =	swait.ge [sflag:s29], $0x1  }
0xb7: {  	[sflag:s29] =	ssyncadd.s32 $0xFFFFFFFF  }
0xb8: {  	_ =	strace $0x90000048  }
0xb9: {  	_ =	sfence  }
0xba: {  	s30 =	sld [smem:$0x0];
	_ =	sdelay $0x2  }
0xbb: {  	s31 =	sshll.u32 s1, $0xD;
	s1 =	sshrl.u32 s1, $0x2  }
0xbc: {  	s3 =	sand.u32 $0x4000, s31;
	s1 =	sadd.s32 s1, s30  }
0xbd: {  	s0 =	sor.u32 s3, s0;
	s1 =	sshll.u32 s1, $0x11  }
0xbe: {  	s0 =	sor.u32 s1, s0  }
0xbf: {  	s0 =	sadd.s32 $0x8F2B, s0  }
0xc0: {  	[sflag:s0] =	ssyncadd.remote.s32 $0x1  }
0xc1: {  	_ =	sfence.sel $0xFFFF  }
0xc2: {  	[dreg:$0x0] =	wrdreg $0xFFFFFFFF;
	(pc) =	sbr.abs _section_cstart, $3  }
0xc3: {  	[dreg:$0x1] =	wrdreg $0xFFFFFFFF  }
0xc4: {  	_ =	task.clear_ibuf [dreg:s7], $0x2FFFF;
	_ =	strace $0x9FFFFFFF  }
0xc5: {  	(tm) =	ssettm $0x7FFFFFFF  }
tec
execute0_lowered:
.L_overlay_start_1:
0x0: {  	(tag) =	ssettag $0x1  }
0x1: {  	s8 =	rddreg [dreg:$0x0]  }
0x2: {  	s7 =	rddreg [dreg:$0x1]  }
0x3: {  	s1 =	rddreg [dreg:$0x2]  }
0x4: {  	s0 =	srdreg.scid;
	s3 =	rddreg [dreg:$0x3]  }
0x5: {  	s4 =	rddreg [dreg:$0x4];
	s5 =	simm.s32 $0x0;
	s21 =	simm.s32 $0x80  }
0x6: {  	s22 =	simm.s32 $0x0;
	s9 =	sand.u32 $0x1, s0;
	s0 =	stileid.u32  }
0x7: {  	[smem:$0x7FF] =	sst s5;
	s6 =	sadd.s32 $0x23000, s7;
	s11 =	smul.u32 $0x1400, s0  }
0x8: {  	s2 =	sshll.u32 s9, $0x4;
	s12 =	smul.u32 $0x14000, s9;
	s9 =	ssub.s32 $0x2, s9  }
0x9: {  	s17 =	sshll.u32 s0, $0x6;
	s2 =	sor.u32 s0, s2;
	s31 =	sshrl.u32 s9, $0x1  }
0xa: {  	s17 =	sor.u32 $0x1C01, s17;
	s10 =	smul.u32 $0x500, s2;
	s2 =	rddreg [dreg:$0x5]  }
0xb: {  	_ =	strace $0x80000047;
	s12 =	sadd.s32 s11, s12;
	s14 =	sshrl.u32 s11, $0x3  }
0xc: {  	s16 =	ssub.s32 s9, s31;
	s18 =	sadd.s32 s11, s1;
	s19 =	sadd.s32 s11, s3  }
0xd: {  	s20 =	sadd.s32 s11, s4;
	s12 =	sshrl.u32 s12, $0x3;
	s14 =	sadd.s32 s14, s7  }
0xe: {  	s18 =	sshrl.u32 s18, $0x3;
	s19 =	sshrl.u32 s19, $0x3;
	s20 =	sshrl.u32 s20, $0x3  }
0xf: {  	s13 =	sadd.s32 s10, s7;
	s15 =	sadd.s32 s12, s7;
	s7 =	sadd.s32 $0x23200, s14  }
0x10: {  	s8 =	sadd.s32 s8, s10;
	s14 =	smax.u32 s16, $0x1;
	s16 =	simm.s32 $0x1  }
0x11: {  	s9 =	sadd.s32 $0xF000, s13;
	s10 =	sadd.s32 $0x19000, s13;
	s11 =	sadd.s32 $0x25A00, s15  }
0x12: {  	s12 =	sadd.s32 $0x2AA00, s15;
	s13 =	sadd.s32 $0x2FA00, s15;
	s15 =	simm.s32 $0x2800  }
.LBB2_1:
0x13: {  	[tilespmem:s15], [sflag:$0x1] =	stream.linear.gather [hbm4b:s6+s5], $0x400, $0x38;
	[tilespmem:$0x6800] =	vst v63  }
0x14: {  	_ =	swait.ge [sflag:s16], $0x400  }
0x15: {  	[sflag:s16] =	ssyncset.done $0x0  }
0x16: {  	[sflag:s16] =	ssyncadd.s32 $0xFFFFFC00  }
0x17: {  	[spmem:s18], [sflag:s17] =	dma.local [hbm:s7], $0x280  }
0x18: {  	_ =	swait.ge [sflag:s16], $0x280  }
0x19: {  	[sflag:s16] =	ssyncset.done $0x0  }
0x1a: {  	[sflag:s16] =	ssyncadd.s32 $0xFFFFFD80  }
0x1b: {  	[spmem:s19], [sflag:s17] =	dma.local [hbm:s7], $0x280  }
0x1c: {  	_ =	swait.ge [sflag:s16], $0x280  }
0x1d: {  	[sflag:s16] =	ssyncset.done $0x0  }
0x1e: {  	[sflag:s16] =	ssyncadd.s32 $0xFFFFFD80  }
0x1f: {  	[spmem:s20], [sflag:s17] =	dma.local [hbm:s7], $0x280  }
0x20: {  	_ =	swait.ge [sflag:s16], $0x280  }
0x21: {  	[sflag:s16] =	ssyncset.done $0x0  }
0x22: {  	[sflag:s16] =	ssyncadd.s32 $0xFFFFFD80  }
0x23: {  	[bflag:$0x0] =	sbarrier.arrive $0xFFFF  }
0x24: {  	[tilespmem:s5], [sflag:$0x1] =	stream.linear.gather [hbm4b:s8+s5], $0x2800, $0x38;
	[tilespmem:$0x6800] =	vst v63  }
0x25: {  	_ =	swait.ge [sflag:s16], $0x2800  }
0x26: {  	[sflag:s16] =	ssyncset.done $0x0  }
0x27: {  	s23 =	simm.s32 $0x0;
	[sflag:s16] =	ssyncadd.s32 $0xFFFFD800  }
0x28: {  	[spmem:s1] =	stream.indirect.scatter.add.f32 [tilespmem:s15], [sflag:$0x1], $0x8, s23, s21, $0xb8;
	[tilespmem:$0x6800] =	vst v63  }
0x29: {  	_ =	swait.ge [sflag:s16], $0x400  }
0x2a: {  	s23 =	simm.s32 $0x200;
	[sflag:s16] =	ssyncset.done $0x0  }
.LBB2_2:
0x2b: {  	s24 =	sshra.s32 s23, $0x2;
	[sflag:s16] =	ssyncadd.s32 $0xFFFFFC00;
	p0 =	sne.s32 s23, $0x9E00  }
0x2c: {  	[spmem:s1] =	stream.indirect.scatter.add.f32 [tilespmem:s15], [sflag:$0x1], $0x8, s24, s21, $0xb8;
	[tilespmem:$0x6800] =	vst v63  }
.Ltmp0:
0x2d: {  	_ = 	snop;
	(pc) =	sbr.rel @p0 .LBB2_2-.Ltmp0, $4  }
0x2e: {  	_ = 	snop  }
0x2f: {  	s23 =	sadd.s32 $0x200, s23  }
0x30: {  	_ =	swait.ge [sflag:s16], $0x400  }
0x31: {  	[sflag:s16] =	ssyncset.done $0x0  }
0x32: {  	[sflag:s16] =	ssyncadd.s32 $0xFFFFFC00;
	s23 =	simm.s32 $0x0  }
0x33: {  	[tilespmem:s23], [sflag:$0x1] =	stream.linear.gather [hbm4b:s9+s23], $0x2800, $0x38;
	[tilespmem:$0x6800] =	vst v63  }
0x34: {  	_ =	swait.ge [sflag:s16], $0x2800  }
0x35: {  	[sflag:s16] =	ssyncset.done $0x0  }
0x36: {  	s31 =	simm.s32 $0x0;
	[sflag:s16] =	ssyncadd.s32 $0xFFFFD800  }
0x37: {  	[spmem:s3] =	stream.indirect.scatter.add.f32 [tilespmem:s15], [sflag:$0x1], $0x8, s31, s21, $0xb8;
	[tilespmem:$0x6800] =	vst v63  }
0x38: {  	_ =	swait.ge [sflag:s16], $0x400  }
0x39: {  	s23 =	simm.s32 $0x200;
	[sflag:s16] =	ssyncset.done $0x0  }
.LBB2_4:
0x3a: {  	s24 =	sshra.s32 s23, $0x2;
	[sflag:s16] =	ssyncadd.s32 $0xFFFFFC00;
	p0 =	sne.s32 s23, $0x9E00  }
0x3b: {  	[spmem:s3] =	stream.indirect.scatter.add.f32 [tilespmem:s15], [sflag:$0x1], $0x8, s24, s21, $0xb8;
	[tilespmem:$0x6800] =	vst v63  }
.Ltmp1:
0x3c: {  	_ = 	snop;
	(pc) =	sbr.rel @p0 .LBB2_4-.Ltmp1, $4  }
0x3d: {  	_ = 	snop  }
0x3e: {  	s23 =	sadd.s32 $0x200, s23  }
0x3f: {  	_ =	swait.ge [sflag:s16], $0x400  }
0x40: {  	[sflag:s16] =	ssyncset.done $0x0  }
0x41: {  	[sflag:s16] =	ssyncadd.s32 $0xFFFFFC00;
	s23 =	simm.s32 $0x0  }
0x42: {  	[tilespmem:s23], [sflag:$0x1] =	stream.linear.gather [hbm4b:s10+s23], $0x2800, $0x38;
	[tilespmem:$0x6800] =	vst v63  }
0x43: {  	_ =	swait.ge [sflag:s16], $0x2800  }
0x44: {  	[sflag:s16] =	ssyncset.done $0x0  }
0x45: {  	s31 =	simm.s32 $0x0;
	[sflag:s16] =	ssyncadd.s32 $0xFFFFD800  }
0x46: {  	[spmem:s4] =	stream.indirect.scatter.add.f32 [tilespmem:s15], [sflag:$0x1], $0x8, s31, s21, $0xb8;
	[tilespmem:$0x6800] =	vst v63  }
0x47: {  	_ =	swait.ge [sflag:s16], $0x400  }
0x48: {  	s23 =	simm.s32 $0x200;
	[sflag:s16] =	ssyncset.done $0x0  }
.LBB2_6:
0x49: {  	s24 =	sshra.s32 s23, $0x2;
	[sflag:s16] =	ssyncadd.s32 $0xFFFFFC00;
	p0 =	sne.s32 s23, $0x9E00  }
0x4a: {  	[spmem:s4] =	stream.indirect.scatter.add.f32 [tilespmem:s15], [sflag:$0x1], $0x8, s24, s21, $0xb8;
	[tilespmem:$0x6800] =	vst v63  }
.Ltmp2:
0x4b: {  	_ = 	snop;
	(pc) =	sbr.rel @p0 .LBB2_6-.Ltmp2, $4  }
0x4c: {  	_ = 	snop  }
0x4d: {  	s23 =	sadd.s32 $0x200, s23  }
0x4e: {  	_ =	swait.ge [sflag:s16], $0x400  }
0x4f: {  	[sflag:s16] =	ssyncset.done $0x0  }
0x50: {  	[sflag:s16] =	ssyncadd.s32 $0xFFFFFC00  }
0x51: {  	[bflag:$0x0] =	sbarrier.arrive $0xFFFF  }
0x52: {  	[hbm:s11], [sflag:s17] =	dma.local [spmem:s18], $0x280  }
0x53: {  	_ =	swait.ge [sflag:s16], $0x280  }
0x54: {  	[sflag:s16] =	ssyncset.done $0x0  }
0x55: {  	[sflag:s16] =	ssyncadd.s32 $0xFFFFFD80  }
0x56: {  	[hbm:s12], [sflag:s17] =	dma.local [spmem:s19], $0x280  }
0x57: {  	s22 =	sadd.s32 $0x1, s22;
	_ =	swait.ge [sflag:s16], $0x280  }
0x58: {  	p0 =	sne.s32 s22, s14;
	[sflag:s16] =	ssyncset.done $0x0  }
.Ltmp3:
0x59: {  	[sflag:s16] =	ssyncadd.s32 $0xFFFFFD80;
	(pc) =	sbr.rel @p0 .LBB2_1-.Ltmp3, $4  }
0x5a: {  	[hbm:s13], [sflag:s17] =	dma.local [spmem:s20], $0x280  }
0x5b: {  	_ =	swait.ge [sflag:s16], $0x280  }
0x5c: {  	[sflag:s16] =	ssyncset.done $0x0  }
0x5d: {  	[sflag:s16] =	ssyncadd.s32 $0xFFFFFD80  }
0x5e: {  	_ =	sfence.sel $0x180000  }
0x5f: {  	[bflag:$0x0] =	sbarrier.arrive $0xFFFF  }
0x60: {  	p0 =	sne.s32 s0, $0x0;
	_ =	strace $0x90000047  }
0x61: {  	s0 =	sadd.s32 @!p0 $0x100000, s2;
	[bflag:$0x2] =	sbarrier.arrive $0xFFFF  }
0x62: {  	[sflag:s0] =	ssyncadd.tile.s32 @!p0 $0x1;
	_ =	shalt  }
.Lfunc_end2:
_tile_overlayer_lowered:
.L_overlay_start_2:
0x63: {  	(tag) =	ssettag $0x2  }
0x64: {  	s0 =	rddreg [dreg:$0x0];
	s2 =	stileid.u32  }
0x65: {  	s1 =	rddreg [dreg:$0x1];
	p0 =	sne.s32 s2, $0x0  }
0x66: {  	s3 =	rddreg [dreg:$0x2];
	[bflag:$0x3] =	sbarrier.arrive $0xFFFF;
	s2 =	simm.s32 @!p0 $0x1C01  }
0x67: {  	[timem:s3], [sflag:s2] =	dma.local @!p0 [hbm:s0], s1  }
0x68: {  	s0 =	simm.s32 @!p0 $0x1  }
0x69: {  	_ =	swait.ge @!p0 [sflag:s0], s1  }
0x6a: {  	s1 =	ssub.s32 @!p0 $0x0, s1;
	[sflag:s0] =	ssyncset.done @!p0 $0x0  }
0x6b: {  	[sflag:s0] =	ssyncadd.s32 @!p0 s1  }
0x6c: {  	[bflag:$0x3] =	sbarrier.arrive $0xFFFF  }
0x6d: {  	_ =	shalt  }

// kernel: kernel.17.cloned.1.call-start
scs
__scs_entry_jumppad:
0x0: {  	(pc) =	sbr.rel $0x88, $3  }
0x1: {  	(tag) =	ssettag $0x0;
	lr =	simm.s32 $0x1  }
0x2: {  	[smem:$0x3F94] =	sst lr;
	_ =	strace $0xD0000000  }
0x3: {  	_ = 	snop  }
0x4: {  	_ = 	snop  }
0x5: {  	_ = 	snop  }
0x6: {  	_ = 	snop  }
0x7: {  	_ = 	snop  }
__scs_overlays_trampoline_lowered:
0x8: {  	[smem:$0x3FA3] =	sst s0  }
0x9: {  	[smem:$0x3FA4] =	sst s1  }
0xa: {  	[smem:$0x3FA5] =	sst s2  }
0xb: {  	[smem:$0x3FA6] =	sst s3  }
0xc: {  	[smem:$0x3FA7] =	sst s4  }
0xd: {  	[smem:$0x3FA8] =	sst s5  }
0xe: {  	[smem:$0x3FA9] =	sst s6  }
0xf: {  	[smem:$0x3FAA] =	sst s7  }
0x10: {  	[smem:$0x3FAB] =	sst s8  }
0x11: {  	[smem:$0x3FAC] =	sst s9;
	s0 =	simm.s32 @!p0 $0x0  }
0x12: {  	s1 =	sld [smem:$0x3F92];
	s0 =	simm.s32 @p0 $0x1  }
0x13: {  	[smem:$0x3FAD] =	sst s0;
	s0 =	simm.s32 @!p1 $0x0  }
0x14: {  	s2 =	sld [smem:$0x3F91];
	s0 =	simm.s32 @p1 $0x1  }
0x15: {  	[smem:$0x3FAE] =	sst s0;
	s0 =	simm.s32 @!p2 $0x0  }
0x16: {  	s3 =	sld [smem:$0x3FDB];
	s0 =	simm.s32 @p2 $0x1  }
0x17: {  	s4 =	simm.s32 $0x1BF5;
	[smem:$0x3FB0] =	sst s0  }
0x18: {  	s0 =	sld [smem:$0x3F93];
	_ =	swait.ge [sflag:s4], $0x0  }
0x19: {  	s7 =	sld [smem:$0x3F94]  }
0x1a: {  	s8 =	sadd.s32 $0xFFFFE003, lr  }
0x1b: {  	s9 =	sadd.s32 $0xFFFFFEF7, lr;
	s5 =	simm.s32 $0xFFFFFFFF;
	p2 =	slt.u32 s8, $0xFFFFF086  }
0x1c: {  	p1 =	slt.u32 s9, $0xF7A;
	s5 =	simm.s32 @!p2 $0x0  }
0x1d: {  	s5 =	simm.s32 @p1 $0x1;
	p0 =	seq.s32 s7, s2  }
0x1e: {  	s7 =	smul.u32 @!p0 $0xF7A, s2;
	p2 =	seq.s32 @!p0 s5, $0x0  }
0x1f: {  	s9 =	smul.u32 $0xF7A, s1;
	s8 =	simm.s32 @!p0 $0x1BF5;
	p2 =	por !p2, p0  }
0x20: {  	[sflag:s8] =	ssyncset.s32 @!p0 $0xFFFFF086;
	s6 =	sadd.s32 @!p0 s3, s7;
	s7 =	simm.s32 @!p0 $0x108  }
0x21: {  	s3 =	sadd.s32 s3, s9;
	s6 =	sadd.s32 @!p0 $0x88, s6;
	s7 =	simm.s32 @p2 $0x1082  }
0x22: {  	[simem:s7], [sflag:s8] =	dma.local @!p0 [hbm:s6], $0xF7A  }
0x23: {  	s9 =	sor.u32 $0xD0000000, s2;
	s6 =	simm.s32 $0x108;
	_ =	swait.ge @!p0 [sflag:s8], $0x0  }
0x24: {  	s3 =	sadd.s32 $0x88, s3;
	s6 =	simm.s32 @!p1 $0x1082;
	[sflag:s4] =	ssyncset.s32 $0xFFFFF086  }
0x25: {  	[simem:s6], [sflag:s4] =	dma.local [hbm:s3], $0xF7A  }
0x26: {  	[smem:$0x3F94] =	sst s1;
	(tag) =	ssettag s2;
	_ =	strace s9  }
0x27: {  	s1 =	sld [smem:$0x3FA4]  }
0x28: {  	s2 =	sld [smem:$0x3FA5]  }
0x29: {  	s4 =	sld [smem:$0x3FA7]  }
0x2a: {  	p0 =	seq.s32 s5, $0x0;
	s5 =	sld [smem:$0x3FA8]  }
0x2b: {  	s6 =	sld [smem:$0x3FA9]  }
0x2c: {  	s7 =	sld [smem:$0x3FAA]  }
0x2d: {  	s3 =	simm.s32 $0x108;
	s8 =	sld [smem:$0x3FAB]  }
0x2e: {  	s3 =	simm.s32 @!p0 $0x1082;
	s9 =	sld [smem:$0x3FAC]  }
0x2f: {  	lr =	sadd.s32 s0, s3;
	s0 =	sld [smem:$0x3FA3]  }
0x30: {  	s3 =	sld [smem:$0x3FA6]  }
0x31: {  	[smem:$0x3FAF] =	sst s10  }
0x32: {  	s10 =	sld [smem:$0x3FAD];
	_ =	sdelay $0x3  }
0x33: {  	p0 =	seq.s32 s10, $0x1;
	s10 =	sld [smem:$0x3FAF];
	_ =	sdelay $0x3  }
0x34: {  	[smem:$0x3FAF] =	sst s10  }
0x35: {  	s10 =	sld [smem:$0x3FAE];
	_ =	sdelay $0x3  }
0x36: {  	p1 =	seq.s32 s10, $0x1;
	s10 =	sld [smem:$0x3FAF];
	_ =	sdelay $0x3  }
0x37: {  	[smem:$0x3FAF] =	sst s10  }
0x38: {  	s10 =	sld [smem:$0x3FB0]  }
0x39: {  	_ = 	snop;
	(pc) =	sbr.ind lr, $3  }
0x3a: {  	_ = 	snop  }
0x3b: {  	_ = 	snop  }
0x3c: {  	p2 =	seq.s32 s10, $0x1;
	s10 =	sld [smem:$0x3FAF]  }
0x3d: {  	_ =	shalt  }
0x3e: {  	_ =	shalt  }
0x3f: {  	_ =	shalt  }
0x40: {  	_ =	shalt  }
0x41: {  	_ =	shalt  }
0x42: {  	_ =	shalt  }
0x43: {  	_ =	shalt  }
0x44: {  	_ =	shalt  }
0x45: {  	_ =	shalt  }
0x46: {  	_ =	shalt  }
0x47: {  	_ =	shalt  }
0x48: {  	_ =	shalt  }
0x49: {  	_ =	shalt  }
0x4a: {  	_ =	shalt  }
0x4b: {  	_ =	shalt  }
0x4c: {  	_ =	shalt  }
0x4d: {  	_ =	shalt  }
0x4e: {  	_ =	shalt  }
0x4f: {  	_ =	shalt  }
0x50: {  	_ =	shalt  }
0x51: {  	_ =	shalt  }
0x52: {  	_ =	shalt  }
0x53: {  	_ =	shalt  }
0x54: {  	_ =	shalt  }
0x55: {  	_ =	shalt  }
0x56: {  	_ =	shalt  }
0x57: {  	_ =	shalt  }
0x58: {  	_ =	shalt  }
0x59: {  	_ =	shalt  }
0x5a: {  	_ =	shalt  }
0x5b: {  	_ =	shalt  }
0x5c: {  	_ =	shalt  }
0x5d: {  	_ =	shalt  }
0x5e: {  	_ =	shalt  }
0x5f: {  	_ =	shalt  }
0x60: {  	_ =	shalt  }
0x61: {  	_ =	shalt  }
0x62: {  	_ =	shalt  }
0x63: {  	_ =	shalt  }
0x64: {  	_ =	shalt  }
0x65: {  	_ =	shalt  }
0x66: {  	_ =	shalt  }
0x67: {  	_ =	shalt  }
0x68: {  	_ =	shalt  }
0x69: {  	_ =	shalt  }
0x6a: {  	_ =	shalt  }
0x6b: {  	_ =	shalt  }
0x6c: {  	_ =	shalt  }
0x6d: {  	_ =	shalt  }
0x6e: {  	_ =	shalt  }
0x6f: {  	_ =	shalt  }
0x70: {  	_ =	shalt  }
0x71: {  	_ =	shalt  }
0x72: {  	_ =	shalt  }
0x73: {  	_ =	shalt  }
0x74: {  	_ =	shalt  }
0x75: {  	_ =	shalt  }
0x76: {  	_ =	shalt  }
0x77: {  	_ =	shalt  }
0x78: {  	_ =	shalt  }
0x79: {  	_ =	shalt  }
0x7a: {  	_ =	shalt  }
0x7b: {  	_ =	shalt  }
0x7c: {  	_ =	shalt  }
0x7d: {  	_ =	shalt  }
0x7e: {  	_ =	shalt  }
0x7f: {  	_ =	shalt  }
0x80: {  	_ =	shalt  }
0x81: {  	_ =	shalt  }
0x82: {  	_ =	shalt  }
0x83: {  	_ =	shalt  }
0x84: {  	_ =	shalt  }
0x85: {  	_ =	shalt  }
0x86: {  	_ =	shalt  }
0x87: {  	_ =	shalt  }
.Lfunc_end0:
.L_simem_size_0:
called_computation.1_lowered:
.L_overlay_start_0:
0x88: {  	s2 =	sld [smem:$0x3FD9]  }
0x89: {  	s3 =	sld [smem:$0x3FFE];
	_ =	sdelay $0x1  }
0x8a: {  	s1 =	srdreg.scid  }
0x8b: {  	s0 =	sand.u32 $0x1, s1  }
0x8c: {  	s17 =	sshll.u32 s0, $0xA;
	s2 =	sadd.s32 s3, s2  }
0x8d: {  	s2 =	sadd.s32 s2, s17  }
0x8e: {  	[smem:$0x3FBB] =	sst s2  }
0x8f: {  	_ = 	snop  }
0x90: {  	s2 =	sld [smem:$0x3FD0];
	(tm) =	ssettm $0x1  }
0x91: {  	s18 =	sld [smem:$0x3FFB];
	_ =	sdelay $0x3  }
0x92: {  	_ =	strace s18  }
0x93: {  	s3 =	sld [smem:$0x3FFC];
	_ =	sdelay $0x3  }
0x94: {  	_ =	strace s3  }
0x95: {  	s3 =	sld [smem:$0x3FFD];
	_ =	sdelay $0x3  }
0x96: {  	_ =	strace s3  }
0x97: {  	_ =	strace $0x8FFFFFFF  }
0x98: {  	s19 =	sld [smem:$0x3FDB];
	_ =	sdelay $0x1  }
0x99: {  	s4 =	simm.s32 $_scs_section_size  }
0x9a: {  	s5 =	simm.s32 $_size__tile_overlayer_lowered;
	s6 =	simm.s32 $_tile_overlayer_lowered  }
0x9b: {  	s22 =	simm.s32 $0x1BFF;
	s21 =	sshll.u32 s6, $0x1;
	s3 =	sadd.s32 s4, s19  }
0x9c: {  	s7 =	simm.s32 $0x0;
	s20 =	sshll.u32 s5, $0x1;
	s5 =	sadd.s32 s21, s3  }
0x9d: {  	[timem:s7], [sflag:s22] =	dma.local [hbm:s5], s20  }
0x9e: {  	_ =	swait.ge [sflag:s22], s20  }
0x9f: {  	s4 =	ssub.s32 $0x0, s20;
	[sflag:s22] =	ssyncset.done $0x0  }
0xa0: {  	[sflag:s22] =	ssyncadd.s32 s4;
	_ =	sdelay $0x1  }
0xa1: {  	s23 =	simm.s32 $0x1B8B  }
0xa2: {  	_ =	swait.ge [sflag:s23], $0x1  }
0xa3: {  	[sflag:s23] =	ssyncset.done $0x0  }
0xa4: {  	s25 =	simm.s32 $0x1B8E;
	s24 =	sld [smem:$0x3FFE];
	[sflag:s23] =	ssyncadd.s32 $0xFFFFFFFF  }
0xa5: {  	s26 =	simm.s32 $execute0_lowered;
	[smem:$0x3FD2] =	sst s25  }
0xa6: {  	s5 =	sshll.u32 s26, $0x1;
	_ =	strace $0x80000049;
	[dreg:$0x1] =	wrdreg $0xFFFFFFFF  }
0xa7: {  	s28 =	simm.s32 $_size_execute0_lowered;
	s3 =	sadd.s32 s3, s5;
	[dreg:$0x0] =	wrdreg $0x0  }
0xa8: {  	s5 =	sshll.u32 s28, $0x1;
	[dreg:$0x2] =	wrdreg s3  }
0xa9: {  	[dreg:$0x3] =	wrdreg s5  }
0xaa: {  	[dreg:$0x4] =	wrdreg $0xC0  }
0xab: {  	_ =	task [dreg:s7], $0x5FFFF  }
0xac: {  	[dreg:$0x1] =	wrdreg $0xFFFFFFFF  }
0xad: {  	[dreg:$0x0] =	wrdreg $0x60  }
0xae: {  	[dreg:$0x2] =	wrdreg s24  }
0xaf: {  	[dreg:$0x3] =	wrdreg s2  }
0xb0: {  	[dreg:$0x4] =	wrdreg $0x90000  }
0xb1: {  	[dreg:$0x5] =	wrdreg $0x9  }
0xb2: {  	_ =	task.clear_ibuf [dreg:s7], $0x6FFFF;
	_ =	strace $0x90000049  }
0xb3: {  	s29 =	simm.s32 $0x9;
	_ =	strace $0x8000004B  }
0xb4: {  	_ =	swait.ge [sflag:s29], $0x1  }
0xb5: {  	[sflag:s29] =	ssyncadd.s32 $0xFFFFFFFF  }
0xb6: {  	_ =	strace $0x9000004B  }
0xb7: {  	_ =	sfence  }
0xb8: {  	s30 =	sld [smem:$0x0];
	_ =	sdelay $0x2  }
0xb9: {  	s31 =	sshll.u32 s1, $0xD;
	s1 =	sshrl.u32 s1, $0x2  }
0xba: {  	s3 =	sand.u32 $0x4000, s31;
	s1 =	sadd.s32 s1, s30  }
0xbb: {  	s0 =	sor.u32 s3, s0;
	s1 =	sshll.u32 s1, $0x11  }
0xbc: {  	s0 =	sor.u32 s1, s0  }
0xbd: {  	s0 =	sadd.s32 $0x8F2B, s0  }
0xbe: {  	[sflag:s0] =	ssyncadd.remote.s32 $0x1  }
0xbf: {  	_ =	sfence.sel $0xFFFF  }
0xc0: {  	[dreg:$0x0] =	wrdreg $0xFFFFFFFF;
	(pc) =	sbr.abs _section_cstart, $3  }
0xc1: {  	[dreg:$0x1] =	wrdreg $0xFFFFFFFF  }
0xc2: {  	_ =	task.clear_ibuf [dreg:s7], $0x2FFFF;
	_ =	strace $0x9FFFFFFF  }
0xc3: {  	(tm) =	ssettm $0x7FFFFFFF  }
tec
execute0_lowered:
.L_overlay_start_1:
0x0: {  	(tag) =	ssettag $0x1  }
0x1: {  	s6 =	rddreg [dreg:$0x0]  }
0x2: {  	s8 =	rddreg [dreg:$0x1]  }
0x3: {  	s0 =	srdreg.scid;
	s2 =	rddreg [dreg:$0x2];
	s3 =	simm.s32 $0x0  }
0x4: {  	s15 =	simm.s32 $0x5000;
	s16 =	simm.s32 $0x7000;
	s17 =	simm.s32 $0x1  }
0x5: {  	s18 =	simm.s32 $0x2;
	s19 =	simm.s32 $0x4F00;
	s20 =	simm.s32 $0x4F80  }
0x6: {  	s21 =	simm.s32 $0x0;
	s5 =	sand.u32 $0x1, s0;
	s0 =	stileid.u32  }
0x7: {  	[smem:$0x7FF] =	sst s3;
	s4 =	sadd.s32 $0x4B000, s6;
	s7 =	smul.u32 $0xA000, s0  }
0x8: {  	s1 =	sshll.u32 s5, $0x4;
	s10 =	smul.u32 $0xA0000, s5;
	s5 =	ssub.s32 $0x2, s5  }
0x9: {  	s31 =	sshll.u32 s0, $0x6;
	s1 =	sor.u32 s0, s1;
	s13 =	sshrl.u32 s5, $0x1  }
0xa: {  	s9 =	smul.u32 $0x500, s1;
	s1 =	rddreg [dreg:$0x3];
	_ =	strace $0x8000004A  }
0xb: {  	s12 =	sshrl.u32 s7, $0x3;
	s10 =	sadd.s32 s7, s10;
	s13 =	ssub.s32 s5, s13  }
0xc: {  	s14 =	sadd.s32 s7, s2;
	s12 =	sadd.s32 s12, s6;
	s10 =	sshrl.u32 s10, $0x3  }
0xd: {  	s11 =	sadd.s32 s9, s6;
	s10 =	sadd.s32 s10, s6;
	s5 =	sadd.s32 $0x5F000, s12  }
0xe: {  	s6 =	sor.u32 $0x1C03, s31;
	s8 =	sadd.s32 s8, s9;
	s12 =	simm.s32 $0x3  }
0xf: {  	s7 =	sadd.s32 $0x5000, s11;
	s9 =	sadd.s32 $0x73000, s10;
	s10 =	smax.u32 s13, $0x1  }
0x10: {  	s11 =	sshrl.u32 s14, $0x3;
	s13 =	simm.s32 $0x2800;
	s14 =	simm.s32 $0x80  }
.LBB2_1:
0x11: {  	[spmem:s11], [sflag:s6] =	dma.local [hbm:s5], $0x1400  }
0x12: {  	_ =	swait.ge [sflag:s12], $0x1400  }
0x13: {  	[sflag:s12] =	ssyncset.done $0x0  }
0x14: {  	[sflag:s12] =	ssyncadd.s32 $0xFFFFEC00  }
0x15: {  	[bflag:$0x0] =	sbarrier.arrive $0xFFFF  }
0x16: {  	[tilespmem:s3], [sflag:$0x3] =	stream.linear.gather [hbm4b:s7+s3], $0x2800, $0x38;
	[tilespmem:$0x13000] =	vst v63  }
0x17: {  	_ =	swait.ge [sflag:s12], $0x2800  }
0x18: {  	[sflag:s12] =	ssyncset.done $0x0  }
0x19: {  	[sflag:s12] =	ssyncadd.s32 $0xFFFFD800  }
0x1a: {  	[tilespmem:s13], [sflag:$0x3] =	stream.linear.gather [hbm4b:s8+s3], $0x2800, $0x38;
	[tilespmem:$0x13000] =	vst v63  }
0x1b: {  	_ =	swait.ge [sflag:s12], $0x2800  }
0x1c: {  	[sflag:s12] =	ssyncset.done $0x0  }
0x1d: {  	[sflag:s12] =	ssyncadd.s32 $0xFFFFD800  }
0x1e: {  	[tilespmem:s15], [sflag:$0x1] =	stream.indirect.gather [hbm4b:s4+s14], $0x40, s3, s14, $0xb8;
	[tilespmem:$0x13000] =	vst v63  }
0x1f: {  	_ = 	snop  }
0x20: {  	[tilespmem:s16], [sflag:$0x2] =	stream.indirect.gather [hbm4b:s4+s14], $0x40, s14, s14, $0xb8;
	[tilespmem:$0x13000] =	vst v63  }
0x21: {  	_ =	swait.ge [sflag:s17], $0x2000  }
0x22: {  	[sflag:s17] =	ssyncset.done $0x0  }
0x23: {  	s22 =	simm.s32 $0x2800;
	[sflag:s17] =	ssyncadd.s32 $0xFFFFE000  }
0x24: {  	[spmem:s2] =	stream.indirect.scatter.add.f32 [tilespmem:s15], [sflag:$0x3], $0x40, s22, s14, $0xb8;
	[tilespmem:$0x13000] =	vst v63  }
0x25: {  	_ =	swait.ge [sflag:s12], $0x2000  }
0x26: {  	[sflag:s12] =	ssyncset.done $0x0  }
0x27: {  	s30 =	simm.s32 $0x100;
	[sflag:s12] =	ssyncadd.s32 $0xFFFFE000  }
0x28: {  	[tilespmem:s15], [sflag:$0x1] =	stream.indirect.gather [hbm4b:s4+s14], $0x40, s30, s14, $0xb8;
	[tilespmem:$0x13000] =	vst v63  }
0x29: {  	_ =	swait.ge [sflag:s18], $0x2000  }
0x2a: {  	[sflag:s18] =	ssyncset.done $0x0  }
0x2b: {  	s31 =	simm.s32 $0x2880;
	[sflag:s18] =	ssyncadd.s32 $0xFFFFE000  }
0x2c: {  	[spmem:s2] =	stream.indirect.scatter.add.f32 [tilespmem:s16], [sflag:$0x3], $0x40, s31, s14, $0xb8;
	[tilespmem:$0x13000] =	vst v63  }
0x2d: {  	_ =	swait.ge [sflag:s12], $0x2000  }
0x2e: {  	[sflag:s12] =	ssyncset.done $0x0  }
0x2f: {  	s23 =	simm.s32 $0x180;
	s22 =	simm.s32 $0x400;
	[sflag:s12] =	ssyncadd.s32 $0xFFFFE000  }
.LBB2_2:
0x30: {  	[tilespmem:s16], [sflag:$0x2] =	stream.indirect.gather [hbm4b:s4+s14], $0x40, s23, s14, $0xb8;
	[tilespmem:$0x13000] =	vst v63  }
0x31: {  	s23 =	smov.u32 s22  }
0x32: {  	p0 =	sne.s32 s22, $0x9800;
	s22 =	sadd.s32 $0x400, s22;
	_ =	swait.ge [sflag:s17], $0x2000  }
0x33: {  	s23 =	sshra.s32 s23, $0x2;
	[sflag:s17] =	ssyncset.done $0x0  }
0x34: {  	s24 =	sadd.s32 $0x2800, s23;
	[sflag:s17] =	ssyncadd.s32 $0xFFFFE000  }
0x35: {  	[spmem:s2] =	stream.indirect.scatter.add.f32 [tilespmem:s15], [sflag:$0x3], $0x40, s24, s14, $0xb8;
	[tilespmem:$0x13000] =	vst v63  }
0x36: {  	_ =	swait.ge [sflag:s12], $0x2000  }
0x37: {  	[sflag:s12] =	ssyncset.done $0x0  }
0x38: {  	s24 =	sadd.s32 $0x100, s23;
	[sflag:s12] =	ssyncadd.s32 $0xFFFFE000  }
0x39: {  	[tilespmem:s15], [sflag:$0x1] =	stream.indirect.gather [hbm4b:s4+s14], $0x40, s24, s14, $0xb8;
	[tilespmem:$0x13000] =	vst v63  }
0x3a: {  	_ =	swait.ge [sflag:s18], $0x2000  }
0x3b: {  	[sflag:s18] =	ssyncset.done $0x0  }
.Ltmp0:
0x3c: {  	s24 =	sadd.s32 $0x2880, s23;
	[sflag:s18] =	ssyncadd.s32 $0xFFFFE000;
	(pc) =	sbr.rel @p0 .LBB2_2-.Ltmp0, $4  }
0x3d: {  	[spmem:s2] =	stream.indirect.scatter.add.f32 [tilespmem:s16], [sflag:$0x3], $0x40, s24, s14, $0xb8;
	[tilespmem:$0x13000] =	vst v63  }
0x3e: {  	_ =	swait.ge [sflag:s12], $0x2000  }
0x3f: {  	[sflag:s12] =	ssyncset.done $0x0  }
0x40: {  	s23 =	sadd.s32 $0x180, s23;
	[sflag:s12] =	ssyncadd.s32 $0xFFFFE000  }
0x41: {  	[tilespmem:s16], [sflag:$0x2] =	stream.indirect.gather [hbm4b:s4+s14], $0x40, s23, s14, $0xb8;
	[tilespmem:$0x13000] =	vst v63  }
0x42: {  	_ =	swait.ge [sflag:s17], $0x2000  }
0x43: {  	[sflag:s17] =	ssyncset.done $0x0  }
0x44: {  	[sflag:s17] =	ssyncadd.s32 $0xFFFFE000  }
0x45: {  	[spmem:s2] =	stream.indirect.scatter.add.f32 [tilespmem:s15], [sflag:$0x3], $0x40, s19, s14, $0xb8;
	[tilespmem:$0x13000] =	vst v63  }
0x46: {  	_ =	swait.ge [sflag:s12], $0x2000  }
0x47: {  	[sflag:s12] =	ssyncset.done $0x0  }
0x48: {  	[sflag:s12] =	ssyncadd.s32 $0xFFFFE000  }
0x49: {  	_ =	swait.ge [sflag:s18], $0x2000  }
0x4a: {  	[sflag:s18] =	ssyncset.done $0x0  }
0x4b: {  	[sflag:s18] =	ssyncadd.s32 $0xFFFFE000  }
0x4c: {  	[spmem:s2] =	stream.indirect.scatter.add.f32 [tilespmem:s16], [sflag:$0x3], $0x40, s20, s14, $0xb8;
	[tilespmem:$0x13000] =	vst v63  }
0x4d: {  	_ =	swait.ge [sflag:s12], $0x2000  }
0x4e: {  	s21 =	sadd.s32 $0x1, s21;
	[sflag:s12] =	ssyncset.done $0x0  }
0x4f: {  	p0 =	sne.s32 s21, s10;
	[sflag:s12] =	ssyncadd.s32 $0xFFFFE000  }
.Ltmp1:
0x50: {  	[bflag:$0x0] =	sbarrier.arrive $0xFFFF;
	(pc) =	sbr.rel @p0 .LBB2_1-.Ltmp1, $4  }
0x51: {  	[hbm:s9], [sflag:s6] =	dma.local [spmem:s11], $0x1400  }
0x52: {  	_ =	swait.ge [sflag:s12], $0x1400  }
0x53: {  	[sflag:s12] =	ssyncset.done $0x0  }
0x54: {  	[sflag:s12] =	ssyncadd.s32 $0xFFFFEC00  }
0x55: {  	_ =	sfence.sel $0x180000  }
0x56: {  	[bflag:$0x0] =	sbarrier.arrive $0xFFFF  }
0x57: {  	p0 =	sne.s32 s0, $0x0;
	_ =	strace $0x9000004A  }
0x58: {  	s0 =	sadd.s32 @!p0 $0x100000, s1;
	[bflag:$0x2] =	sbarrier.arrive $0xFFFF  }
0x59: {  	[sflag:s0] =	ssyncadd.tile.s32 @!p0 $0x1;
	_ =	shalt  }
.Lfunc_end2:
_tile_overlayer_lowered:
.L_overlay_start_2:
0x5a: {  	(tag) =	ssettag $0x2  }
0x5b: {  	s0 =	rddreg [dreg:$0x0];
	s2 =	stileid.u32  }
0x5c: {  	s1 =	rddreg [dreg:$0x1];
	p0 =	sne.s32 s2, $0x0  }
0x5d: {  	s3 =	rddreg [dreg:$0x2];
	[bflag:$0x3] =	sbarrier.arrive $0xFFFF;
	s2 =	simm.s32 @!p0 $0x1C03  }
0x5e: {  	[timem:s3], [sflag:s2] =	dma.local @!p0 [hbm:s0], s1  }
0x5f: {  	s0 =	simm.s32 @!p0 $0x3  }
0x60: {  	_ =	swait.ge @!p0 [sflag:s0], s1  }
0x61: {  	s1 =	ssub.s32 @!p0 $0x0, s1;
	[sflag:s0] =	ssyncset.done @!p0 $0x0  }
0x62: {  	[sflag:s0] =	ssyncadd.s32 @!p0 s1  }
0x63: {  	[bflag:$0x3] =	sbarrier.arrive $0xFFFF  }
0x64: {  	_ =	shalt  }

// kernel: kernel.20.cloned.1.call-start
scs
__scs_entry_jumppad:
0x0: {  	(pc) =	sbr.rel $0x88, $3  }
0x1: {  	(tag) =	ssettag $0x0;
	lr =	simm.s32 $0x1  }
0x2: {  	[smem:$0x3F94] =	sst lr;
	_ =	strace $0xD0000000  }
0x3: {  	_ = 	snop  }
0x4: {  	_ = 	snop  }
0x5: {  	_ = 	snop  }
0x6: {  	_ = 	snop  }
0x7: {  	_ = 	snop  }
__scs_overlays_trampoline_lowered:
0x8: {  	[smem:$0x3FA3] =	sst s0  }
0x9: {  	[smem:$0x3FA4] =	sst s1  }
0xa: {  	[smem:$0x3FA5] =	sst s2  }
0xb: {  	[smem:$0x3FA6] =	sst s3  }
0xc: {  	[smem:$0x3FA7] =	sst s4  }
0xd: {  	[smem:$0x3FA8] =	sst s5  }
0xe: {  	[smem:$0x3FA9] =	sst s6  }
0xf: {  	[smem:$0x3FAA] =	sst s7  }
0x10: {  	[smem:$0x3FAB] =	sst s8  }
0x11: {  	[smem:$0x3FAC] =	sst s9;
	s0 =	simm.s32 @!p0 $0x0  }
0x12: {  	s1 =	sld [smem:$0x3F92];
	s0 =	simm.s32 @p0 $0x1  }
0x13: {  	[smem:$0x3FAD] =	sst s0;
	s0 =	simm.s32 @!p1 $0x0  }
0x14: {  	s2 =	sld [smem:$0x3F91];
	s0 =	simm.s32 @p1 $0x1  }
0x15: {  	[smem:$0x3FAE] =	sst s0;
	s0 =	simm.s32 @!p2 $0x0  }
0x16: {  	s3 =	sld [smem:$0x3FDB];
	s0 =	simm.s32 @p2 $0x1  }
0x17: {  	s4 =	simm.s32 $0x1BF5;
	[smem:$0x3FB0] =	sst s0  }
0x18: {  	s0 =	sld [smem:$0x3F93];
	_ =	swait.ge [sflag:s4], $0x0  }
0x19: {  	s7 =	sld [smem:$0x3F94]  }
0x1a: {  	s8 =	sadd.s32 $0xFFFFE003, lr  }
0x1b: {  	s9 =	sadd.s32 $0xFFFFFEF7, lr;
	s5 =	simm.s32 $0xFFFFFFFF;
	p2 =	slt.u32 s8, $0xFFFFF086  }
0x1c: {  	p1 =	slt.u32 s9, $0xF7A;
	s5 =	simm.s32 @!p2 $0x0  }
0x1d: {  	s5 =	simm.s32 @p1 $0x1;
	p0 =	seq.s32 s7, s2  }
0x1e: {  	s7 =	smul.u32 @!p0 $0xF7A, s2;
	p2 =	seq.s32 @!p0 s5, $0x0  }
0x1f: {  	s9 =	smul.u32 $0xF7A, s1;
	s8 =	simm.s32 @!p0 $0x1BF5;
	p2 =	por !p2, p0  }
0x20: {  	[sflag:s8] =	ssyncset.s32 @!p0 $0xFFFFF086;
	s6 =	sadd.s32 @!p0 s3, s7;
	s7 =	simm.s32 @!p0 $0x108  }
0x21: {  	s3 =	sadd.s32 s3, s9;
	s6 =	sadd.s32 @!p0 $0x88, s6;
	s7 =	simm.s32 @p2 $0x1082  }
0x22: {  	[simem:s7], [sflag:s8] =	dma.local @!p0 [hbm:s6], $0xF7A  }
0x23: {  	s9 =	sor.u32 $0xD0000000, s2;
	s6 =	simm.s32 $0x108;
	_ =	swait.ge @!p0 [sflag:s8], $0x0  }
0x24: {  	s3 =	sadd.s32 $0x88, s3;
	s6 =	simm.s32 @!p1 $0x1082;
	[sflag:s4] =	ssyncset.s32 $0xFFFFF086  }
0x25: {  	[simem:s6], [sflag:s4] =	dma.local [hbm:s3], $0xF7A  }
0x26: {  	[smem:$0x3F94] =	sst s1;
	(tag) =	ssettag s2;
	_ =	strace s9  }
0x27: {  	s1 =	sld [smem:$0x3FA4]  }
0x28: {  	s2 =	sld [smem:$0x3FA5]  }
0x29: {  	s4 =	sld [smem:$0x3FA7]  }
0x2a: {  	p0 =	seq.s32 s5, $0x0;
	s5 =	sld [smem:$0x3FA8]  }
0x2b: {  	s6 =	sld [smem:$0x3FA9]  }
0x2c: {  	s7 =	sld [smem:$0x3FAA]  }
0x2d: {  	s3 =	simm.s32 $0x108;
	s8 =	sld [smem:$0x3FAB]  }
0x2e: {  	s3 =	simm.s32 @!p0 $0x1082;
	s9 =	sld [smem:$0x3FAC]  }
0x2f: {  	lr =	sadd.s32 s0, s3;
	s0 =	sld [smem:$0x3FA3]  }
0x30: {  	s3 =	sld [smem:$0x3FA6]  }
0x31: {  	[smem:$0x3FAF] =	sst s10  }
0x32: {  	s10 =	sld [smem:$0x3FAD];
	_ =	sdelay $0x3  }
0x33: {  	p0 =	seq.s32 s10, $0x1;
	s10 =	sld [smem:$0x3FAF];
	_ =	sdelay $0x3  }
0x34: {  	[smem:$0x3FAF] =	sst s10  }
0x35: {  	s10 =	sld [smem:$0x3FAE];
	_ =	sdelay $0x3  }
0x36: {  	p1 =	seq.s32 s10, $0x1;
	s10 =	sld [smem:$0x3FAF];
	_ =	sdelay $0x3  }
0x37: {  	[smem:$0x3FAF] =	sst s10  }
0x38: {  	s10 =	sld [smem:$0x3FB0]  }
0x39: {  	_ = 	snop;
	(pc) =	sbr.ind lr, $3  }
0x3a: {  	_ = 	snop  }
0x3b: {  	_ = 	snop  }
0x3c: {  	p2 =	seq.s32 s10, $0x1;
	s10 =	sld [smem:$0x3FAF]  }
0x3d: {  	_ =	shalt  }
0x3e: {  	_ =	shalt  }
0x3f: {  	_ =	shalt  }
0x40: {  	_ =	shalt  }
0x41: {  	_ =	shalt  }
0x42: {  	_ =	shalt  }
0x43: {  	_ =	shalt  }
0x44: {  	_ =	shalt  }
0x45: {  	_ =	shalt  }
0x46: {  	_ =	shalt  }
0x47: {  	_ =	shalt  }
0x48: {  	_ =	shalt  }
0x49: {  	_ =	shalt  }
0x4a: {  	_ =	shalt  }
0x4b: {  	_ =	shalt  }
0x4c: {  	_ =	shalt  }
0x4d: {  	_ =	shalt  }
0x4e: {  	_ =	shalt  }
0x4f: {  	_ =	shalt  }
0x50: {  	_ =	shalt  }
0x51: {  	_ =	shalt  }
0x52: {  	_ =	shalt  }
0x53: {  	_ =	shalt  }
0x54: {  	_ =	shalt  }
0x55: {  	_ =	shalt  }
0x56: {  	_ =	shalt  }
0x57: {  	_ =	shalt  }
0x58: {  	_ =	shalt  }
0x59: {  	_ =	shalt  }
0x5a: {  	_ =	shalt  }
0x5b: {  	_ =	shalt  }
0x5c: {  	_ =	shalt  }
0x5d: {  	_ =	shalt  }
0x5e: {  	_ =	shalt  }
0x5f: {  	_ =	shalt  }
0x60: {  	_ =	shalt  }
0x61: {  	_ =	shalt  }
0x62: {  	_ =	shalt  }
0x63: {  	_ =	shalt  }
0x64: {  	_ =	shalt  }
0x65: {  	_ =	shalt  }
0x66: {  	_ =	shalt  }
0x67: {  	_ =	shalt  }
0x68: {  	_ =	shalt  }
0x69: {  	_ =	shalt  }
0x6a: {  	_ =	shalt  }
0x6b: {  	_ =	shalt  }
0x6c: {  	_ =	shalt  }
0x6d: {  	_ =	shalt  }
0x6e: {  	_ =	shalt  }
0x6f: {  	_ =	shalt  }
0x70: {  	_ =	shalt  }
0x71: {  	_ =	shalt  }
0x72: {  	_ =	shalt  }
0x73: {  	_ =	shalt  }
0x74: {  	_ =	shalt  }
0x75: {  	_ =	shalt  }
0x76: {  	_ =	shalt  }
0x77: {  	_ =	shalt  }
0x78: {  	_ =	shalt  }
0x79: {  	_ =	shalt  }
0x7a: {  	_ =	shalt  }
0x7b: {  	_ =	shalt  }
0x7c: {  	_ =	shalt  }
0x7d: {  	_ =	shalt  }
0x7e: {  	_ =	shalt  }
0x7f: {  	_ =	shalt  }
0x80: {  	_ =	shalt  }
0x81: {  	_ =	shalt  }
0x82: {  	_ =	shalt  }
0x83: {  	_ =	shalt  }
0x84: {  	_ =	shalt  }
0x85: {  	_ =	shalt  }
0x86: {  	_ =	shalt  }
0x87: {  	_ =	shalt  }
.Lfunc_end0:
.L_simem_size_0:
called_computation.2_lowered:
.L_overlay_start_0:
0x88: {  	s2 =	sld [smem:$0x3FD9]  }
0x89: {  	s3 =	sld [smem:$0x3FFE];
	_ =	sdelay $0x1  }
0x8a: {  	s1 =	srdreg.scid  }
0x8b: {  	s0 =	sand.u32 $0x1, s1  }
0x8c: {  	s17 =	sshll.u32 s0, $0xA;
	s2 =	sadd.s32 s3, s2  }
0x8d: {  	s2 =	sadd.s32 s2, s17  }
0x8e: {  	[smem:$0x3FBB] =	sst s2  }
0x8f: {  	_ = 	snop  }
0x90: {  	(tm) =	ssettm $0x1  }
0x91: {  	s18 =	sld [smem:$0x3FFB];
	_ =	sdelay $0x3  }
0x92: {  	_ =	strace s18  }
0x93: {  	s2 =	sld [smem:$0x3FFC];
	_ =	sdelay $0x3  }
0x94: {  	_ =	strace s2  }
0x95: {  	s2 =	sld [smem:$0x3FFD];
	_ =	sdelay $0x3  }
0x96: {  	_ =	strace s2  }
0x97: {  	_ =	strace $0x8FFFFFFF  }
0x98: {  	s19 =	sld [smem:$0x3FDB];
	_ =	sdelay $0x1  }
0x99: {  	s20 =	simm.s32 $_scs_section_size  }
0x9a: {  	s4 =	simm.s32 $_size__tile_overlayer_lowered;
	s5 =	simm.s32 $_tile_overlayer_lowered  }
0x9b: {  	s6 =	simm.s32 $0x1BFF;
	s21 =	sshll.u32 s5, $0x1;
	s3 =	sadd.s32 s20, s19  }
0x9c: {  	s22 =	simm.s32 $0x0;
	s4 =	sshll.u32 s4, $0x1;
	s5 =	sadd.s32 s21, s3  }
0x9d: {  	[timem:s22], [sflag:s6] =	dma.local [hbm:s5], s4  }
0x9e: {  	_ =	swait.ge [sflag:s6], s4  }
0x9f: {  	s4 =	ssub.s32 $0x0, s4;
	[sflag:s6] =	ssyncset.done $0x0  }
0xa0: {  	[sflag:s6] =	ssyncadd.s32 s4;
	_ =	sdelay $0x1  }
0xa1: {  	s23 =	simm.s32 $0x1B8B  }
0xa2: {  	_ =	swait.ge [sflag:s23], $0x1  }
0xa3: {  	[sflag:s23] =	ssyncset.done $0x0  }
0xa4: {  	[sflag:s23] =	ssyncadd.s32 $0xFFFFFFFF  }
0xa5: {  	s4 =	sld [smem:$0x0]  }
0xa6: {  	s5 =	sand.u32 $0xFFFFFFFE, s1  }
0xa7: {  	p0 =	sne.s32 s1, s5  }
0xa8: {  	s5 =	sshll.u32 @p0 s5, $0xE  }
0xa9: {  	s5 =	sadd.s32 @p0 $0x11B8D, s5;
	s6 =	sshll.u32 @p0 s4, $0x11  }
0xaa: {  	s5 =	sor.u32 @p0 s6, s5  }
0xab: {  	[sflag:s5] =	ssyncadd.remote.s32 @p0 $0x1;
	_ =	sdelay $0x1  }
0xac: {  	s5 =	simm.s32 @p0 $0x1B8D  }
0xad: {  	_ =	swait.eq @p0 [sflag:s5], $0x1  }
0xae: {  	[sflag:s5] =	ssyncadd.s32 @p0 $0xFFFFFFFF  }
0xaf: {  	s6 =	sshll.u32 @!p0 s1, $0xE  }
0xb0: {  	s6 =	sor.u32 @!p0 $0x4000, s6;
	s5 =	simm.s32 @!p0 $0x1B8D  }
0xb1: {  	s4 =	sshll.u32 @!p0 s4, $0x11;
	s6 =	sadd.s32 @!p0 $0x11B8D, s6;
	_ =	swait.eq @!p0 [sflag:s5], $0x1  }
0xb2: {  	s4 =	sor.u32 @!p0 s4, s6;
	[sflag:s5] =	ssyncadd.s32 @!p0 $0xFFFFFFFF  }
0xb3: {  	s25 =	simm.s32 $0x1B8E;
	s24 =	sld [smem:$0x3FFE];
	[sflag:s4] =	ssyncadd.remote.s32 @!p0 $0x1  }
0xb4: {  	s26 =	simm.s32 $execute0_lowered;
	[smem:$0x3FD2] =	sst s25  }
0xb5: {  	s5 =	sshll.u32 s26, $0x1;
	_ =	strace $0x8000004C;
	[dreg:$0x1] =	wrdreg $0xFFFFFFFF  }
0xb6: {  	s28 =	simm.s32 $_size_execute0_lowered;
	s3 =	sadd.s32 s3, s5;
	[dreg:$0x0] =	wrdreg $0x0  }
0xb7: {  	s5 =	sshll.u32 s28, $0x1;
	[dreg:$0x2] =	wrdreg s3  }
0xb8: {  	[dreg:$0x3] =	wrdreg s5  }
0xb9: {  	[dreg:$0x4] =	wrdreg $0xC0  }
0xba: {  	_ =	task [dreg:s22], $0x5FFFF  }
0xbb: {  	[dreg:$0x1] =	wrdreg $0xFFFFFFFF  }
0xbc: {  	[dreg:$0x0] =	wrdreg $0x60  }
0xbd: {  	[dreg:$0x2] =	wrdreg s24  }
0xbe: {  	[dreg:$0x3] =	wrdreg $0x90000  }
0xbf: {  	[dreg:$0x4] =	wrdreg $0xA  }
0xc0: {  	_ =	task.clear_ibuf [dreg:s22], $0x5FFFF;
	_ =	strace $0x9000004C  }
0xc1: {  	s29 =	simm.s32 $0xA;
	_ =	strace $0x8000004E  }
0xc2: {  	_ =	swait.ge [sflag:s29], $0x1  }
0xc3: {  	[sflag:s29] =	ssyncadd.s32 $0xFFFFFFFF  }
0xc4: {  	_ =	strace $0x9000004E  }
0xc5: {  	_ =	sfence  }
0xc6: {  	s30 =	sld [smem:$0x0];
	_ =	sdelay $0x2  }
0xc7: {  	s31 =	sshll.u32 s1, $0xD;
	s1 =	sshrl.u32 s1, $0x2  }
0xc8: {  	s4 =	sand.u32 $0x4000, s31;
	s1 =	sadd.s32 s1, s30  }
0xc9: {  	s0 =	sor.u32 s4, s0;
	s1 =	sshll.u32 s1, $0x11  }
0xca: {  	s0 =	sor.u32 s1, s0  }
0xcb: {  	s0 =	sadd.s32 $0x8F2B, s0  }
0xcc: {  	[sflag:s0] =	ssyncadd.remote.s32 $0x1  }
0xcd: {  	_ =	sfence.sel $0xFFFF  }
0xce: {  	[dreg:$0x0] =	wrdreg $0xFFFFFFFF;
	(pc) =	sbr.abs _section_cstart, $3  }
0xcf: {  	[dreg:$0x1] =	wrdreg $0xFFFFFFFF  }
0xd0: {  	_ =	task.clear_ibuf [dreg:s22], $0x2FFFF;
	_ =	strace $0x9FFFFFFF  }
0xd1: {  	(tm) =	ssettm $0x7FFFFFFF  }
tec
execute0_lowered:
.L_overlay_start_1:
0x0: {  	(tag) =	ssettag $0x1  }
0x1: {  	s6 =	rddreg [dreg:$0x0]  }
0x2: {  	s0 =	srdreg.scid;
	s2 =	rddreg [dreg:$0x1];
	s3 =	simm.s32 $0x0  }
0x3: {  	s14 =	simm.s32 $0x80;
	s15 =	simm.s32 $0x5000;
	s16 =	simm.s32 $0x7000  }
0x4: {  	s17 =	simm.s32 $0x1;
	s18 =	simm.s32 $0x2;
	s19 =	simm.s32 $0x4F00  }
0x5: {  	s20 =	simm.s32 $0x4F80;
	s5 =	sand.u32 $0x1, s0;
	s0 =	stileid.u32  }
0x6: {  	s21 =	simm.s32 $0x0;
	[smem:$0x7FF] =	sst s3;
	s7 =	smul.u32 $0xA000, s0  }
0x7: {  	s1 =	sshll.u32 s5, $0x4;
	s8 =	smul.u32 $0xA0000, s5;
	s5 =	ssub.s32 $0x2, s5  }
0x8: {  	s31 =	sshll.u32 s0, $0x6;
	s1 =	sor.u32 s0, s1;
	s11 =	sshrl.u32 s5, $0x1  }
0x9: {  	s4 =	smul.u32 $0x500, s1;
	s1 =	rddreg [dreg:$0x2];
	_ =	strace $0x8000004D  }
0xa: {  	s10 =	sshrl.u32 s7, $0x3;
	s8 =	sadd.s32 s7, s8;
	s11 =	ssub.s32 s5, s11  }
0xb: {  	s13 =	sadd.s32 s7, s2;
	s10 =	sadd.s32 s10, s6;
	s8 =	sshrl.u32 s8, $0x3  }
0xc: {  	s9 =	sadd.s32 s4, s6;
	s4 =	sadd.s32 $0x9B000, s6;
	s12 =	sadd.s32 s8, s6  }
0xd: {  	s5 =	sadd.s32 $0x5F000, s10;
	s6 =	sor.u32 $0x1C03, s31;
	s10 =	smax.u32 s11, $0x1  }
0xe: {  	s11 =	sshrl.u32 s13, $0x3;
	s13 =	simm.s32 $0x2800;
	s7 =	sadd.s32 $0xF000, s9  }
0xf: {  	s8 =	sadd.s32 $0x19000, s9;
	s9 =	sadd.s32 $0xAF000, s12;
	s12 =	simm.s32 $0x3  }
.LBB2_1:
0x10: {  	[spmem:s11], [sflag:s6] =	dma.local [hbm:s5], $0x1400  }
0x11: {  	_ =	swait.ge [sflag:s12], $0x1400  }
0x12: {  	[sflag:s12] =	ssyncset.done $0x0  }
0x13: {  	[sflag:s12] =	ssyncadd.s32 $0xFFFFEC00  }
0x14: {  	[bflag:$0x0] =	sbarrier.arrive $0xFFFF  }
0x15: {  	[tilespmem:s3], [sflag:$0x3] =	stream.linear.gather [hbm4b:s7+s3], $0x2800, $0x38;
	[tilespmem:$0x13000] =	vst v63  }
0x16: {  	_ =	swait.ge [sflag:s12], $0x2800  }
0x17: {  	[sflag:s12] =	ssyncset.done $0x0  }
0x18: {  	[sflag:s12] =	ssyncadd.s32 $0xFFFFD800  }
0x19: {  	[tilespmem:s13], [sflag:$0x3] =	stream.linear.gather [hbm4b:s8+s3], $0x2800, $0x38;
	[tilespmem:$0x13000] =	vst v63  }
0x1a: {  	_ =	swait.ge [sflag:s12], $0x2800  }
0x1b: {  	[sflag:s12] =	ssyncset.done $0x0  }
0x1c: {  	[sflag:s12] =	ssyncadd.s32 $0xFFFFD800  }
0x1d: {  	[tilespmem:s15], [sflag:$0x1] =	stream.indirect.gather [hbm4b:s4+s14], $0x40, s3, s14, $0xb8;
	[tilespmem:$0x13000] =	vst v63  }
0x1e: {  	_ = 	snop  }
0x1f: {  	[tilespmem:s16], [sflag:$0x2] =	stream.indirect.gather [hbm4b:s4+s14], $0x40, s14, s14, $0xb8;
	[tilespmem:$0x13000] =	vst v63  }
0x20: {  	_ =	swait.ge [sflag:s17], $0x2000  }
0x21: {  	[sflag:s17] =	ssyncset.done $0x0  }
0x22: {  	s22 =	simm.s32 $0x2800;
	[sflag:s17] =	ssyncadd.s32 $0xFFFFE000  }
0x23: {  	[spmem:s2] =	stream.indirect.scatter.add.f32 [tilespmem:s15], [sflag:$0x3], $0x40, s22, s14, $0xb8;
	[tilespmem:$0x13000] =	vst v63  }
0x24: {  	_ =	swait.ge [sflag:s12], $0x2000  }
0x25: {  	[sflag:s12] =	ssyncset.done $0x0  }
0x26: {  	s30 =	simm.s32 $0x100;
	[sflag:s12] =	ssyncadd.s32 $0xFFFFE000  }
0x27: {  	[tilespmem:s15], [sflag:$0x1] =	stream.indirect.gather [hbm4b:s4+s14], $0x40, s30, s14, $0xb8;
	[tilespmem:$0x13000] =	vst v63  }
0x28: {  	_ =	swait.ge [sflag:s18], $0x2000  }
0x29: {  	[sflag:s18] =	ssyncset.done $0x0  }
0x2a: {  	s31 =	simm.s32 $0x2880;
	[sflag:s18] =	ssyncadd.s32 $0xFFFFE000  }
0x2b: {  	[spmem:s2] =	stream.indirect.scatter.add.f32 [tilespmem:s16], [sflag:$0x3], $0x40, s31, s14, $0xb8;
	[tilespmem:$0x13000] =	vst v63  }
0x2c: {  	_ =	swait.ge [sflag:s12], $0x2000  }
0x2d: {  	[sflag:s12] =	ssyncset.done $0x0  }
0x2e: {  	s23 =	simm.s32 $0x180;
	s22 =	simm.s32 $0x400;
	[sflag:s12] =	ssyncadd.s32 $0xFFFFE000  }
.LBB2_2:
0x2f: {  	[tilespmem:s16], [sflag:$0x2] =	stream.indirect.gather [hbm4b:s4+s14], $0x40, s23, s14, $0xb8;
	[tilespmem:$0x13000] =	vst v63  }
0x30: {  	s23 =	smov.u32 s22  }
0x31: {  	p0 =	sne.s32 s22, $0x9800;
	s22 =	sadd.s32 $0x400, s22;
	_ =	swait.ge [sflag:s17], $0x2000  }
0x32: {  	s23 =	sshra.s32 s23, $0x2;
	[sflag:s17] =	ssyncset.done $0x0  }
0x33: {  	s24 =	sadd.s32 $0x2800, s23;
	[sflag:s17] =	ssyncadd.s32 $0xFFFFE000  }
0x34: {  	[spmem:s2] =	stream.indirect.scatter.add.f32 [tilespmem:s15], [sflag:$0x3], $0x40, s24, s14, $0xb8;
	[tilespmem:$0x13000] =	vst v63  }
0x35: {  	_ =	swait.ge [sflag:s12], $0x2000  }
0x36: {  	[sflag:s12] =	ssyncset.done $0x0  }
0x37: {  	s24 =	sadd.s32 $0x100, s23;
	[sflag:s12] =	ssyncadd.s32 $0xFFFFE000  }
0x38: {  	[tilespmem:s15], [sflag:$0x1] =	stream.indirect.gather [hbm4b:s4+s14], $0x40, s24, s14, $0xb8;
	[tilespmem:$0x13000] =	vst v63  }
0x39: {  	_ =	swait.ge [sflag:s18], $0x2000  }
0x3a: {  	[sflag:s18] =	ssyncset.done $0x0  }
.Ltmp0:
0x3b: {  	s24 =	sadd.s32 $0x2880, s23;
	[sflag:s18] =	ssyncadd.s32 $0xFFFFE000;
	(pc) =	sbr.rel @p0 .LBB2_2-.Ltmp0, $4  }
0x3c: {  	[spmem:s2] =	stream.indirect.scatter.add.f32 [tilespmem:s16], [sflag:$0x3], $0x40, s24, s14, $0xb8;
	[tilespmem:$0x13000] =	vst v63  }
0x3d: {  	_ =	swait.ge [sflag:s12], $0x2000  }
0x3e: {  	[sflag:s12] =	ssyncset.done $0x0  }
0x3f: {  	s23 =	sadd.s32 $0x180, s23;
	[sflag:s12] =	ssyncadd.s32 $0xFFFFE000  }
0x40: {  	[tilespmem:s16], [sflag:$0x2] =	stream.indirect.gather [hbm4b:s4+s14], $0x40, s23, s14, $0xb8;
	[tilespmem:$0x13000] =	vst v63  }
0x41: {  	_ =	swait.ge [sflag:s17], $0x2000  }
0x42: {  	[sflag:s17] =	ssyncset.done $0x0  }
0x43: {  	[sflag:s17] =	ssyncadd.s32 $0xFFFFE000  }
0x44: {  	[spmem:s2] =	stream.indirect.scatter.add.f32 [tilespmem:s15], [sflag:$0x3], $0x40, s19, s14, $0xb8;
	[tilespmem:$0x13000] =	vst v63  }
0x45: {  	_ =	swait.ge [sflag:s12], $0x2000  }
0x46: {  	[sflag:s12] =	ssyncset.done $0x0  }
0x47: {  	[sflag:s12] =	ssyncadd.s32 $0xFFFFE000  }
0x48: {  	_ =	swait.ge [sflag:s18], $0x2000  }
0x49: {  	[sflag:s18] =	ssyncset.done $0x0  }
0x4a: {  	[sflag:s18] =	ssyncadd.s32 $0xFFFFE000  }
0x4b: {  	[spmem:s2] =	stream.indirect.scatter.add.f32 [tilespmem:s16], [sflag:$0x3], $0x40, s20, s14, $0xb8;
	[tilespmem:$0x13000] =	vst v63  }
0x4c: {  	_ =	swait.ge [sflag:s12], $0x2000  }
0x4d: {  	s21 =	sadd.s32 $0x1, s21;
	[sflag:s12] =	ssyncset.done $0x0  }
0x4e: {  	p0 =	sne.s32 s21, s10;
	[sflag:s12] =	ssyncadd.s32 $0xFFFFE000  }
.Ltmp1:
0x4f: {  	[bflag:$0x0] =	sbarrier.arrive $0xFFFF;
	(pc) =	sbr.rel @p0 .LBB2_1-.Ltmp1, $4  }
0x50: {  	[hbm:s9], [sflag:s6] =	dma.local [spmem:s11], $0x1400  }
0x51: {  	_ =	swait.ge [sflag:s12], $0x1400  }
0x52: {  	[sflag:s12] =	ssyncset.done $0x0  }
0x53: {  	[sflag:s12] =	ssyncadd.s32 $0xFFFFEC00  }
0x54: {  	_ =	sfence.sel $0x180000  }
0x55: {  	[bflag:$0x0] =	sbarrier.arrive $0xFFFF  }
0x56: {  	p0 =	sne.s32 s0, $0x0;
	_ =	strace $0x9000004D  }
0x57: {  	s0 =	sadd.s32 @!p0 $0x100000, s1;
	[bflag:$0x2] =	sbarrier.arrive $0xFFFF  }
0x58: {  	[sflag:s0] =	ssyncadd.tile.s32 @!p0 $0x1;
	_ =	shalt  }
.Lfunc_end2:
_tile_overlayer_lowered:
.L_overlay_start_2:
0x59: {  	(tag) =	ssettag $0x2  }
0x5a: {  	s0 =	rddreg [dreg:$0x0];
	s2 =	stileid.u32  }
0x5b: {  	s1 =	rddreg [dreg:$0x1];
	p0 =	sne.s32 s2, $0x0  }
0x5c: {  	s3 =	rddreg [dreg:$0x2];
	[bflag:$0x3] =	sbarrier.arrive $0xFFFF;
	s2 =	simm.s32 @!p0 $0x1C03  }
0x5d: {  	[timem:s3], [sflag:s2] =	dma.local @!p0 [hbm:s0], s1  }
0x5e: {  	s0 =	simm.s32 @!p0 $0x3  }
0x5f: {  	_ =	swait.ge @!p0 [sflag:s0], s1  }
0x60: {  	s1 =	ssub.s32 @!p0 $0x0, s1;
	[sflag:s0] =	ssyncset.done @!p0 $0x0  }
0x61: {  	[sflag:s0] =	ssyncadd.s32 @!p0 s1  }
0x62: {  	[bflag:$0x3] =	sbarrier.arrive $0xFFFF  }
0x63: {  	_ =	shalt  }

// kernel: kernel.23.cloned.1.call-start
scs
__scs_entry_jumppad:
0x0: {  	(pc) =	sbr.rel $0x88, $3  }
0x1: {  	(tag) =	ssettag $0x0;
	lr =	simm.s32 $0x1  }
0x2: {  	[smem:$0x3F94] =	sst lr;
	_ =	strace $0xD0000000  }
0x3: {  	_ = 	snop  }
0x4: {  	_ = 	snop  }
0x5: {  	_ = 	snop  }
0x6: {  	_ = 	snop  }
0x7: {  	_ = 	snop  }
__scs_overlays_trampoline_lowered:
0x8: {  	[smem:$0x3FA3] =	sst s0  }
0x9: {  	[smem:$0x3FA4] =	sst s1  }
0xa: {  	[smem:$0x3FA5] =	sst s2  }
0xb: {  	[smem:$0x3FA6] =	sst s3  }
0xc: {  	[smem:$0x3FA7] =	sst s4  }
0xd: {  	[smem:$0x3FA8] =	sst s5  }
0xe: {  	[smem:$0x3FA9] =	sst s6  }
0xf: {  	[smem:$0x3FAA] =	sst s7  }
0x10: {  	[smem:$0x3FAB] =	sst s8  }
0x11: {  	[smem:$0x3FAC] =	sst s9;
	s0 =	simm.s32 @!p0 $0x0  }
0x12: {  	s1 =	sld [smem:$0x3F92];
	s0 =	simm.s32 @p0 $0x1  }
0x13: {  	[smem:$0x3FAD] =	sst s0;
	s0 =	simm.s32 @!p1 $0x0  }
0x14: {  	s2 =	sld [smem:$0x3F91];
	s0 =	simm.s32 @p1 $0x1  }
0x15: {  	[smem:$0x3FAE] =	sst s0;
	s0 =	simm.s32 @!p2 $0x0  }
0x16: {  	s3 =	sld [smem:$0x3FDB];
	s0 =	simm.s32 @p2 $0x1  }
0x17: {  	s4 =	simm.s32 $0x1BF5;
	[smem:$0x3FB0] =	sst s0  }
0x18: {  	s0 =	sld [smem:$0x3F93];
	_ =	swait.ge [sflag:s4], $0x0  }
0x19: {  	s7 =	sld [smem:$0x3F94]  }
0x1a: {  	s8 =	sadd.s32 $0xFFFFE003, lr  }
0x1b: {  	s9 =	sadd.s32 $0xFFFFFEF7, lr;
	s5 =	simm.s32 $0xFFFFFFFF;
	p2 =	slt.u32 s8, $0xFFFFF086  }
0x1c: {  	p1 =	slt.u32 s9, $0xF7A;
	s5 =	simm.s32 @!p2 $0x0  }
0x1d: {  	s5 =	simm.s32 @p1 $0x1;
	p0 =	seq.s32 s7, s2  }
0x1e: {  	s7 =	smul.u32 @!p0 $0xF7A, s2;
	p2 =	seq.s32 @!p0 s5, $0x0  }
0x1f: {  	s9 =	smul.u32 $0xF7A, s1;
	s8 =	simm.s32 @!p0 $0x1BF5;
	p2 =	por !p2, p0  }
0x20: {  	[sflag:s8] =	ssyncset.s32 @!p0 $0xFFFFF086;
	s6 =	sadd.s32 @!p0 s3, s7;
	s7 =	simm.s32 @!p0 $0x108  }
0x21: {  	s3 =	sadd.s32 s3, s9;
	s6 =	sadd.s32 @!p0 $0x88, s6;
	s7 =	simm.s32 @p2 $0x1082  }
0x22: {  	[simem:s7], [sflag:s8] =	dma.local @!p0 [hbm:s6], $0xF7A  }
0x23: {  	s9 =	sor.u32 $0xD0000000, s2;
	s6 =	simm.s32 $0x108;
	_ =	swait.ge @!p0 [sflag:s8], $0x0  }
0x24: {  	s3 =	sadd.s32 $0x88, s3;
	s6 =	simm.s32 @!p1 $0x1082;
	[sflag:s4] =	ssyncset.s32 $0xFFFFF086  }
0x25: {  	[simem:s6], [sflag:s4] =	dma.local [hbm:s3], $0xF7A  }
0x26: {  	[smem:$0x3F94] =	sst s1;
	(tag) =	ssettag s2;
	_ =	strace s9  }
0x27: {  	s1 =	sld [smem:$0x3FA4]  }
0x28: {  	s2 =	sld [smem:$0x3FA5]  }
0x29: {  	s4 =	sld [smem:$0x3FA7]  }
0x2a: {  	p0 =	seq.s32 s5, $0x0;
	s5 =	sld [smem:$0x3FA8]  }
0x2b: {  	s6 =	sld [smem:$0x3FA9]  }
0x2c: {  	s7 =	sld [smem:$0x3FAA]  }
0x2d: {  	s3 =	simm.s32 $0x108;
	s8 =	sld [smem:$0x3FAB]  }
0x2e: {  	s3 =	simm.s32 @!p0 $0x1082;
	s9 =	sld [smem:$0x3FAC]  }
0x2f: {  	lr =	sadd.s32 s0, s3;
	s0 =	sld [smem:$0x3FA3]  }
0x30: {  	s3 =	sld [smem:$0x3FA6]  }
0x31: {  	[smem:$0x3FAF] =	sst s10  }
0x32: {  	s10 =	sld [smem:$0x3FAD];
	_ =	sdelay $0x3  }
0x33: {  	p0 =	seq.s32 s10, $0x1;
	s10 =	sld [smem:$0x3FAF];
	_ =	sdelay $0x3  }
0x34: {  	[smem:$0x3FAF] =	sst s10  }
0x35: {  	s10 =	sld [smem:$0x3FAE];
	_ =	sdelay $0x3  }
0x36: {  	p1 =	seq.s32 s10, $0x1;
	s10 =	sld [smem:$0x3FAF];
	_ =	sdelay $0x3  }
0x37: {  	[smem:$0x3FAF] =	sst s10  }
0x38: {  	s10 =	sld [smem:$0x3FB0]  }
0x39: {  	_ = 	snop;
	(pc) =	sbr.ind lr, $3  }
0x3a: {  	_ = 	snop  }
0x3b: {  	_ = 	snop  }
0x3c: {  	p2 =	seq.s32 s10, $0x1;
	s10 =	sld [smem:$0x3FAF]  }
0x3d: {  	_ =	shalt  }
0x3e: {  	_ =	shalt  }
0x3f: {  	_ =	shalt  }
0x40: {  	_ =	shalt  }
0x41: {  	_ =	shalt  }
0x42: {  	_ =	shalt  }
0x43: {  	_ =	shalt  }
0x44: {  	_ =	shalt  }
0x45: {  	_ =	shalt  }
0x46: {  	_ =	shalt  }
0x47: {  	_ =	shalt  }
0x48: {  	_ =	shalt  }
0x49: {  	_ =	shalt  }
0x4a: {  	_ =	shalt  }
0x4b: {  	_ =	shalt  }
0x4c: {  	_ =	shalt  }
0x4d: {  	_ =	shalt  }
0x4e: {  	_ =	shalt  }
0x4f: {  	_ =	shalt  }
0x50: {  	_ =	shalt  }
0x51: {  	_ =	shalt  }
0x52: {  	_ =	shalt  }
0x53: {  	_ =	shalt  }
0x54: {  	_ =	shalt  }
0x55: {  	_ =	shalt  }
0x56: {  	_ =	shalt  }
0x57: {  	_ =	shalt  }
0x58: {  	_ =	shalt  }
0x59: {  	_ =	shalt  }
0x5a: {  	_ =	shalt  }
0x5b: {  	_ =	shalt  }
0x5c: {  	_ =	shalt  }
0x5d: {  	_ =	shalt  }
0x5e: {  	_ =	shalt  }
0x5f: {  	_ =	shalt  }
0x60: {  	_ =	shalt  }
0x61: {  	_ =	shalt  }
0x62: {  	_ =	shalt  }
0x63: {  	_ =	shalt  }
0x64: {  	_ =	shalt  }
0x65: {  	_ =	shalt  }
0x66: {  	_ =	shalt  }
0x67: {  	_ =	shalt  }
0x68: {  	_ =	shalt  }
0x69: {  	_ =	shalt  }
0x6a: {  	_ =	shalt  }
0x6b: {  	_ =	shalt  }
0x6c: {  	_ =	shalt  }
0x6d: {  	_ =	shalt  }
0x6e: {  	_ =	shalt  }
0x6f: {  	_ =	shalt  }
0x70: {  	_ =	shalt  }
0x71: {  	_ =	shalt  }
0x72: {  	_ =	shalt  }
0x73: {  	_ =	shalt  }
0x74: {  	_ =	shalt  }
0x75: {  	_ =	shalt  }
0x76: {  	_ =	shalt  }
0x77: {  	_ =	shalt  }
0x78: {  	_ =	shalt  }
0x79: {  	_ =	shalt  }
0x7a: {  	_ =	shalt  }
0x7b: {  	_ =	shalt  }
0x7c: {  	_ =	shalt  }
0x7d: {  	_ =	shalt  }
0x7e: {  	_ =	shalt  }
0x7f: {  	_ =	shalt  }
0x80: {  	_ =	shalt  }
0x81: {  	_ =	shalt  }
0x82: {  	_ =	shalt  }
0x83: {  	_ =	shalt  }
0x84: {  	_ =	shalt  }
0x85: {  	_ =	shalt  }
0x86: {  	_ =	shalt  }
0x87: {  	_ =	shalt  }
.Lfunc_end0:
.L_simem_size_0:
called_computation.3_lowered:
.L_overlay_start_0:
0x88: {  	s2 =	sld [smem:$0x3FD9]  }
0x89: {  	s3 =	sld [smem:$0x3FFE];
	_ =	sdelay $0x1  }
0x8a: {  	s1 =	srdreg.scid  }
0x8b: {  	s0 =	sand.u32 $0x1, s1  }
0x8c: {  	s16 =	sshll.u32 s0, $0xA;
	s2 =	sadd.s32 s3, s2  }
0x8d: {  	s2 =	sadd.s32 s2, s16  }
0x8e: {  	[smem:$0x3FBB] =	sst s2  }
0x8f: {  	_ = 	snop  }
0x90: {  	(tm) =	ssettm $0x1  }
0x91: {  	s17 =	sld [smem:$0x3FFB];
	_ =	sdelay $0x3  }
0x92: {  	_ =	strace s17  }
0x93: {  	s2 =	sld [smem:$0x3FFC];
	_ =	sdelay $0x3  }
0x94: {  	_ =	strace s2  }
0x95: {  	s2 =	sld [smem:$0x3FFD];
	_ =	sdelay $0x3  }
0x96: {  	_ =	strace s2  }
0x97: {  	_ =	strace $0x8FFFFFFF  }
0x98: {  	s18 =	sld [smem:$0x3FDB];
	_ =	sdelay $0x1  }
0x99: {  	s19 =	simm.s32 $_scs_section_size  }
0x9a: {  	s4 =	simm.s32 $_size__tile_overlayer_lowered;
	s5 =	simm.s32 $_tile_overlayer_lowered  }
0x9b: {  	s22 =	simm.s32 $0x1BFF;
	s21 =	sshll.u32 s5, $0x1;
	s2 =	sadd.s32 s19, s18  }
0x9c: {  	s6 =	simm.s32 $0x0;
	s20 =	sshll.u32 s4, $0x1;
	s4 =	sadd.s32 s21, s2  }
0x9d: {  	[timem:s6], [sflag:s22] =	dma.local [hbm:s4], s20  }
0x9e: {  	_ =	swait.ge [sflag:s22], s20  }
0x9f: {  	s3 =	ssub.s32 $0x0, s20;
	[sflag:s22] =	ssyncset.done $0x0  }
0xa0: {  	[sflag:s22] =	ssyncadd.s32 s3;
	_ =	sdelay $0x1  }
0xa1: {  	s23 =	simm.s32 $0x1B8B  }
0xa2: {  	_ =	swait.ge [sflag:s23], $0x1  }
0xa3: {  	[sflag:s23] =	ssyncset.done $0x0  }
0xa4: {  	s25 =	simm.s32 $0x1B8E;
	s24 =	sld [smem:$0x3FFE];
	[sflag:s23] =	ssyncadd.s32 $0xFFFFFFFF  }
0xa5: {  	s26 =	simm.s32 $execute0_lowered;
	[smem:$0x3FD2] =	sst s25  }
0xa6: {  	s4 =	sshll.u32 s26, $0x1;
	_ =	strace $0x8000004F;
	[dreg:$0x1] =	wrdreg $0xFFFFFFFF  }
0xa7: {  	s28 =	simm.s32 $_size_execute0_lowered;
	s2 =	sadd.s32 s2, s4;
	[dreg:$0x0] =	wrdreg $0x0  }
0xa8: {  	s4 =	sshll.u32 s28, $0x1;
	[dreg:$0x2] =	wrdreg s2  }
0xa9: {  	[dreg:$0x3] =	wrdreg s4  }
0xaa: {  	[dreg:$0x4] =	wrdreg $0xC0  }
0xab: {  	_ =	task [dreg:s6], $0x5FFFF  }
0xac: {  	[dreg:$0x1] =	wrdreg $0xFFFFFFFF  }
0xad: {  	[dreg:$0x0] =	wrdreg $0x60  }
0xae: {  	[dreg:$0x2] =	wrdreg s24  }
0xaf: {  	[dreg:$0x3] =	wrdreg $0x90000  }
0xb0: {  	[dreg:$0x4] =	wrdreg $0x9  }
0xb1: {  	_ =	task.clear_ibuf [dreg:s6], $0x5FFFF;
	_ =	strace $0x9000004F  }
0xb2: {  	s29 =	simm.s32 $0x9;
	_ =	strace $0x80000051  }
0xb3: {  	_ =	swait.ge [sflag:s29], $0x1  }
0xb4: {  	[sflag:s29] =	ssyncadd.s32 $0xFFFFFFFF  }
0xb5: {  	_ =	strace $0x90000051  }
0xb6: {  	_ =	sfence  }
0xb7: {  	s30 =	sld [smem:$0x0];
	_ =	sdelay $0x2  }
0xb8: {  	s31 =	sshll.u32 s1, $0xD;
	s1 =	sshrl.u32 s1, $0x2  }
0xb9: {  	s3 =	sand.u32 $0x4000, s31;
	s1 =	sadd.s32 s1, s30  }
0xba: {  	s0 =	sor.u32 s3, s0;
	s1 =	sshll.u32 s1, $0x11  }
0xbb: {  	s0 =	sor.u32 s1, s0  }
0xbc: {  	s0 =	sadd.s32 $0x8F2B, s0  }
0xbd: {  	[sflag:s0] =	ssyncadd.remote.s32 $0x1  }
0xbe: {  	_ =	sfence.sel $0xFFFF  }
0xbf: {  	[dreg:$0x0] =	wrdreg $0xFFFFFFFF;
	(pc) =	sbr.abs _section_cstart, $3  }
0xc0: {  	[dreg:$0x1] =	wrdreg $0xFFFFFFFF  }
0xc1: {  	_ =	task.clear_ibuf [dreg:s6], $0x2FFFF;
	_ =	strace $0x9FFFFFFF  }
0xc2: {  	(tm) =	ssettm $0x7FFFFFFF  }
0xc3: {  	_ =	shalt  }
tec
execute0_lowered:
.L_overlay_start_1:
0x0: {  	(tag) =	ssettag $0x1  }
0x1: {  	s6 =	rddreg [dreg:$0x0]  }
0x2: {  	s0 =	srdreg.scid;
	s2 =	rddreg [dreg:$0x1];
	s3 =	simm.s32 $0x0  }
0x3: {  	s14 =	simm.s32 $0x80;
	s15 =	simm.s32 $0x5000;
	s16 =	simm.s32 $0x7000  }
0x4: {  	s17 =	simm.s32 $0x1;
	s18 =	simm.s32 $0x2;
	s19 =	simm.s32 $0x4F00  }
0x5: {  	s20 =	simm.s32 $0x4F80;
	s5 =	sand.u32 $0x1, s0;
	s0 =	stileid.u32  }
0x6: {  	s21 =	simm.s32 $0x0;
	[smem:$0x7FF] =	sst s3;
	s7 =	smul.u32 $0xA000, s0  }
0x7: {  	s1 =	sshll.u32 s5, $0x4;
	s8 =	smul.u32 $0xA0000, s5;
	s5 =	ssub.s32 $0x2, s5  }
0x8: {  	s31 =	sshll.u32 s0, $0x6;
	s1 =	sor.u32 s0, s1;
	s11 =	sshrl.u32 s5, $0x1  }
0x9: {  	s4 =	smul.u32 $0x500, s1;
	s1 =	rddreg [dreg:$0x2];
	_ =	strace $0x80000050  }
0xa: {  	s10 =	sshrl.u32 s7, $0x3;
	s8 =	sadd.s32 s7, s8;
	s11 =	ssub.s32 s5, s11  }
0xb: {  	s13 =	sadd.s32 s7, s2;
	s10 =	sadd.s32 s10, s6;
	s8 =	sshrl.u32 s8, $0x3  }
0xc: {  	s9 =	sadd.s32 s4, s6;
	s4 =	sadd.s32 $0x4B000, s6;
	s12 =	sadd.s32 s8, s6  }
0xd: {  	s5 =	sadd.s32 $0x5F000, s10;
	s6 =	sor.u32 $0x1C03, s31;
	s10 =	smax.u32 s11, $0x1  }
0xe: {  	s11 =	sshrl.u32 s13, $0x3;
	s13 =	simm.s32 $0x2800;
	s7 =	sadd.s32 $0x19000, s9  }
0xf: {  	s8 =	sadd.s32 $0xF000, s9;
	s9 =	sadd.s32 $0x73000, s12;
	s12 =	simm.s32 $0x3  }
.LBB2_1:
0x10: {  	[spmem:s11], [sflag:s6] =	dma.local [hbm:s5], $0x1400  }
0x11: {  	_ =	swait.ge [sflag:s12], $0x1400  }
0x12: {  	[sflag:s12] =	ssyncset.done $0x0  }
0x13: {  	[sflag:s12] =	ssyncadd.s32 $0xFFFFEC00  }
0x14: {  	[bflag:$0x0] =	sbarrier.arrive $0xFFFF  }
0x15: {  	[tilespmem:s3], [sflag:$0x3] =	stream.linear.gather [hbm4b:s7+s3], $0x2800, $0x38;
	[tilespmem:$0x13000] =	vst v63  }
0x16: {  	_ =	swait.ge [sflag:s12], $0x2800  }
0x17: {  	[sflag:s12] =	ssyncset.done $0x0  }
0x18: {  	[sflag:s12] =	ssyncadd.s32 $0xFFFFD800  }
0x19: {  	[tilespmem:s13], [sflag:$0x3] =	stream.linear.gather [hbm4b:s8+s3], $0x2800, $0x38;
	[tilespmem:$0x13000] =	vst v63  }
0x1a: {  	_ =	swait.ge [sflag:s12], $0x2800  }
0x1b: {  	[sflag:s12] =	ssyncset.done $0x0  }
0x1c: {  	[sflag:s12] =	ssyncadd.s32 $0xFFFFD800  }
0x1d: {  	[tilespmem:s15], [sflag:$0x1] =	stream.indirect.gather [hbm4b:s4+s14], $0x40, s3, s14, $0xb8;
	[tilespmem:$0x13000] =	vst v63  }
0x1e: {  	_ = 	snop  }
0x1f: {  	[tilespmem:s16], [sflag:$0x2] =	stream.indirect.gather [hbm4b:s4+s14], $0x40, s14, s14, $0xb8;
	[tilespmem:$0x13000] =	vst v63  }
0x20: {  	_ =	swait.ge [sflag:s17], $0x2000  }
0x21: {  	[sflag:s17] =	ssyncset.done $0x0  }
0x22: {  	s22 =	simm.s32 $0x2800;
	[sflag:s17] =	ssyncadd.s32 $0xFFFFE000  }
0x23: {  	[spmem:s2] =	stream.indirect.scatter.add.f32 [tilespmem:s15], [sflag:$0x3], $0x40, s22, s14, $0xb8;
	[tilespmem:$0x13000] =	vst v63  }
0x24: {  	_ =	swait.ge [sflag:s12], $0x2000  }
0x25: {  	[sflag:s12] =	ssyncset.done $0x0  }
0x26: {  	s30 =	simm.s32 $0x100;
	[sflag:s12] =	ssyncadd.s32 $0xFFFFE000  }
0x27: {  	[tilespmem:s15], [sflag:$0x1] =	stream.indirect.gather [hbm4b:s4+s14], $0x40, s30, s14, $0xb8;
	[tilespmem:$0x13000] =	vst v63  }
0x28: {  	_ =	swait.ge [sflag:s18], $0x2000  }
0x29: {  	[sflag:s18] =	ssyncset.done $0x0  }
0x2a: {  	s31 =	simm.s32 $0x2880;
	[sflag:s18] =	ssyncadd.s32 $0xFFFFE000  }
0x2b: {  	[spmem:s2] =	stream.indirect.scatter.add.f32 [tilespmem:s16], [sflag:$0x3], $0x40, s31, s14, $0xb8;
	[tilespmem:$0x13000] =	vst v63  }
0x2c: {  	_ =	swait.ge [sflag:s12], $0x2000  }
0x2d: {  	[sflag:s12] =	ssyncset.done $0x0  }
0x2e: {  	s23 =	simm.s32 $0x180;
	s22 =	simm.s32 $0x400;
	[sflag:s12] =	ssyncadd.s32 $0xFFFFE000  }
.LBB2_2:
0x2f: {  	[tilespmem:s16], [sflag:$0x2] =	stream.indirect.gather [hbm4b:s4+s14], $0x40, s23, s14, $0xb8;
	[tilespmem:$0x13000] =	vst v63  }
0x30: {  	s23 =	smov.u32 s22  }
0x31: {  	p0 =	sne.s32 s22, $0x9800;
	s22 =	sadd.s32 $0x400, s22;
	_ =	swait.ge [sflag:s17], $0x2000  }
0x32: {  	s23 =	sshra.s32 s23, $0x2;
	[sflag:s17] =	ssyncset.done $0x0  }
0x33: {  	s24 =	sadd.s32 $0x2800, s23;
	[sflag:s17] =	ssyncadd.s32 $0xFFFFE000  }
0x34: {  	[spmem:s2] =	stream.indirect.scatter.add.f32 [tilespmem:s15], [sflag:$0x3], $0x40, s24, s14, $0xb8;
	[tilespmem:$0x13000] =	vst v63  }
0x35: {  	_ =	swait.ge [sflag:s12], $0x2000  }
0x36: {  	[sflag:s12] =	ssyncset.done $0x0  }
0x37: {  	s24 =	sadd.s32 $0x100, s23;
	[sflag:s12] =	ssyncadd.s32 $0xFFFFE000  }
0x38: {  	[tilespmem:s15], [sflag:$0x1] =	stream.indirect.gather [hbm4b:s4+s14], $0x40, s24, s14, $0xb8;
	[tilespmem:$0x13000] =	vst v63  }
0x39: {  	_ =	swait.ge [sflag:s18], $0x2000  }
0x3a: {  	[sflag:s18] =	ssyncset.done $0x0  }
.Ltmp0:
0x3b: {  	s24 =	sadd.s32 $0x2880, s23;
	[sflag:s18] =	ssyncadd.s32 $0xFFFFE000;
	(pc) =	sbr.rel @p0 .LBB2_2-.Ltmp0, $4  }
0x3c: {  	[spmem:s2] =	stream.indirect.scatter.add.f32 [tilespmem:s16], [sflag:$0x3], $0x40, s24, s14, $0xb8;
	[tilespmem:$0x13000] =	vst v63  }
0x3d: {  	_ =	swait.ge [sflag:s12], $0x2000  }
0x3e: {  	[sflag:s12] =	ssyncset.done $0x0  }
0x3f: {  	s23 =	sadd.s32 $0x180, s23;
	[sflag:s12] =	ssyncadd.s32 $0xFFFFE000  }
0x40: {  	[tilespmem:s16], [sflag:$0x2] =	stream.indirect.gather [hbm4b:s4+s14], $0x40, s23, s14, $0xb8;
	[tilespmem:$0x13000] =	vst v63  }
0x41: {  	_ =	swait.ge [sflag:s17], $0x2000  }
0x42: {  	[sflag:s17] =	ssyncset.done $0x0  }
0x43: {  	[sflag:s17] =	ssyncadd.s32 $0xFFFFE000  }
0x44: {  	[spmem:s2] =	stream.indirect.scatter.add.f32 [tilespmem:s15], [sflag:$0x3], $0x40, s19, s14, $0xb8;
	[tilespmem:$0x13000] =	vst v63  }
0x45: {  	_ =	swait.ge [sflag:s12], $0x2000  }
0x46: {  	[sflag:s12] =	ssyncset.done $0x0  }
0x47: {  	[sflag:s12] =	ssyncadd.s32 $0xFFFFE000  }
0x48: {  	_ =	swait.ge [sflag:s18], $0x2000  }
0x49: {  	[sflag:s18] =	ssyncset.done $0x0  }
0x4a: {  	[sflag:s18] =	ssyncadd.s32 $0xFFFFE000  }
0x4b: {  	[spmem:s2] =	stream.indirect.scatter.add.f32 [tilespmem:s16], [sflag:$0x3], $0x40, s20, s14, $0xb8;
	[tilespmem:$0x13000] =	vst v63  }
0x4c: {  	_ =	swait.ge [sflag:s12], $0x2000  }
0x4d: {  	s21 =	sadd.s32 $0x1, s21;
	[sflag:s12] =	ssyncset.done $0x0  }
0x4e: {  	p0 =	sne.s32 s21, s10;
	[sflag:s12] =	ssyncadd.s32 $0xFFFFE000  }
.Ltmp1:
0x4f: {  	[bflag:$0x0] =	sbarrier.arrive $0xFFFF;
	(pc) =	sbr.rel @p0 .LBB2_1-.Ltmp1, $4  }
0x50: {  	[hbm:s9], [sflag:s6] =	dma.local [spmem:s11], $0x1400  }
0x51: {  	_ =	swait.ge [sflag:s12], $0x1400  }
0x52: {  	[sflag:s12] =	ssyncset.done $0x0  }
0x53: {  	[sflag:s12] =	ssyncadd.s32 $0xFFFFEC00  }
0x54: {  	_ =	sfence.sel $0x180000  }
0x55: {  	[bflag:$0x0] =	sbarrier.arrive $0xFFFF  }
0x56: {  	p0 =	sne.s32 s0, $0x0;
	_ =	strace $0x90000050  }
0x57: {  	s0 =	sadd.s32 @!p0 $0x100000, s1;
	[bflag:$0x2] =	sbarrier.arrive $0xFFFF  }
0x58: {  	[sflag:s0] =	ssyncadd.tile.s32 @!p0 $0x1;
	_ =	shalt  }
.Lfunc_end2:
_tile_overlayer_lowered:
.L_overlay_start_2:
0x59: {  	(tag) =	ssettag $0x2  }
0x5a: {  	s0 =	rddreg [dreg:$0x0];
	s2 =	stileid.u32  }
0x5b: {  	s1 =	rddreg [dreg:$0x1];
	p0 =	sne.s32 s2, $0x0  }
0x5c: {  	s3 =	rddreg [dreg:$0x2];
	[bflag:$0x3] =	sbarrier.arrive $0xFFFF;
	s2 =	simm.s32 @!p0 $0x1C03  }
0x5d: {  	[timem:s3], [sflag:s2] =	dma.local @!p0 [hbm:s0], s1  }
0x5e: {  	s0 =	simm.s32 @!p0 $0x3  }
0x5f: {  	_ =	swait.ge @!p0 [sflag:s0], s1  }
0x60: {  	s1 =	ssub.s32 @!p0 $0x0, s1;
	[sflag:s0] =	ssyncset.done @!p0 $0x0  }
0x61: {  	[sflag:s0] =	ssyncadd.s32 @!p0 s1  }
0x62: {  	[bflag:$0x3] =	sbarrier.arrive $0xFFFF  }
0x63: {  	_ =	shalt  }

// kernel: kernel.26.cloned.1.call-start
scs
__scs_entry_jumppad:
0x0: {  	(pc) =	sbr.rel $0x88, $3  }
0x1: {  	(tag) =	ssettag $0x0;
	lr =	simm.s32 $0x1  }
0x2: {  	[smem:$0x3F94] =	sst lr;
	_ =	strace $0xD0000000  }
0x3: {  	_ = 	snop  }
0x4: {  	_ = 	snop  }
0x5: {  	_ = 	snop  }
0x6: {  	_ = 	snop  }
0x7: {  	_ = 	snop  }
__scs_overlays_trampoline_lowered:
0x8: {  	[smem:$0x3FA3] =	sst s0  }
0x9: {  	[smem:$0x3FA4] =	sst s1  }
0xa: {  	[smem:$0x3FA5] =	sst s2  }
0xb: {  	[smem:$0x3FA6] =	sst s3  }
0xc: {  	[smem:$0x3FA7] =	sst s4  }
0xd: {  	[smem:$0x3FA8] =	sst s5  }
0xe: {  	[smem:$0x3FA9] =	sst s6  }
0xf: {  	[smem:$0x3FAA] =	sst s7  }
0x10: {  	[smem:$0x3FAB] =	sst s8  }
0x11: {  	[smem:$0x3FAC] =	sst s9;
	s0 =	simm.s32 @!p0 $0x0  }
0x12: {  	s1 =	sld [smem:$0x3F92];
	s0 =	simm.s32 @p0 $0x1  }
0x13: {  	[smem:$0x3FAD] =	sst s0;
	s0 =	simm.s32 @!p1 $0x0  }
0x14: {  	s2 =	sld [smem:$0x3F91];
	s0 =	simm.s32 @p1 $0x1  }
0x15: {  	[smem:$0x3FAE] =	sst s0;
	s0 =	simm.s32 @!p2 $0x0  }
0x16: {  	s3 =	sld [smem:$0x3FDB];
	s0 =	simm.s32 @p2 $0x1  }
0x17: {  	s4 =	simm.s32 $0x1BF5;
	[smem:$0x3FB0] =	sst s0  }
0x18: {  	s0 =	sld [smem:$0x3F93];
	_ =	swait.ge [sflag:s4], $0x0  }
0x19: {  	s7 =	sld [smem:$0x3F94]  }
0x1a: {  	s8 =	sadd.s32 $0xFFFFE003, lr  }
0x1b: {  	s9 =	sadd.s32 $0xFFFFFEF7, lr;
	s5 =	simm.s32 $0xFFFFFFFF;
	p2 =	slt.u32 s8, $0xFFFFF086  }
0x1c: {  	p1 =	slt.u32 s9, $0xF7A;
	s5 =	simm.s32 @!p2 $0x0  }
0x1d: {  	s5 =	simm.s32 @p1 $0x1;
	p0 =	seq.s32 s7, s2  }
0x1e: {  	s7 =	smul.u32 @!p0 $0xF7A, s2;
	p2 =	seq.s32 @!p0 s5, $0x0  }
0x1f: {  	s9 =	smul.u32 $0xF7A, s1;
	s8 =	simm.s32 @!p0 $0x1BF5;
	p2 =	por !p2, p0  }
0x20: {  	[sflag:s8] =	ssyncset.s32 @!p0 $0xFFFFF086;
	s6 =	sadd.s32 @!p0 s3, s7;
	s7 =	simm.s32 @!p0 $0x108  }
0x21: {  	s3 =	sadd.s32 s3, s9;
	s6 =	sadd.s32 @!p0 $0x88, s6;
	s7 =	simm.s32 @p2 $0x1082  }
0x22: {  	[simem:s7], [sflag:s8] =	dma.local @!p0 [hbm:s6], $0xF7A  }
0x23: {  	s9 =	sor.u32 $0xD0000000, s2;
	s6 =	simm.s32 $0x108;
	_ =	swait.ge @!p0 [sflag:s8], $0x0  }
0x24: {  	s3 =	sadd.s32 $0x88, s3;
	s6 =	simm.s32 @!p1 $0x1082;
	[sflag:s4] =	ssyncset.s32 $0xFFFFF086  }
0x25: {  	[simem:s6], [sflag:s4] =	dma.local [hbm:s3], $0xF7A  }
0x26: {  	[smem:$0x3F94] =	sst s1;
	(tag) =	ssettag s2;
	_ =	strace s9  }
0x27: {  	s1 =	sld [smem:$0x3FA4]  }
0x28: {  	s2 =	sld [smem:$0x3FA5]  }
0x29: {  	s4 =	sld [smem:$0x3FA7]  }
0x2a: {  	p0 =	seq.s32 s5, $0x0;
	s5 =	sld [smem:$0x3FA8]  }
0x2b: {  	s6 =	sld [smem:$0x3FA9]  }
0x2c: {  	s7 =	sld [smem:$0x3FAA]  }
0x2d: {  	s3 =	simm.s32 $0x108;
	s8 =	sld [smem:$0x3FAB]  }
0x2e: {  	s3 =	simm.s32 @!p0 $0x1082;
	s9 =	sld [smem:$0x3FAC]  }
0x2f: {  	lr =	sadd.s32 s0, s3;
	s0 =	sld [smem:$0x3FA3]  }
0x30: {  	s3 =	sld [smem:$0x3FA6]  }
0x31: {  	[smem:$0x3FAF] =	sst s10  }
0x32: {  	s10 =	sld [smem:$0x3FAD];
	_ =	sdelay $0x3  }
0x33: {  	p0 =	seq.s32 s10, $0x1;
	s10 =	sld [smem:$0x3FAF];
	_ =	sdelay $0x3  }
0x34: {  	[smem:$0x3FAF] =	sst s10  }
0x35: {  	s10 =	sld [smem:$0x3FAE];
	_ =	sdelay $0x3  }
0x36: {  	p1 =	seq.s32 s10, $0x1;
	s10 =	sld [smem:$0x3FAF];
	_ =	sdelay $0x3  }
0x37: {  	[smem:$0x3FAF] =	sst s10  }
0x38: {  	s10 =	sld [smem:$0x3FB0]  }
0x39: {  	_ = 	snop;
	(pc) =	sbr.ind lr, $3  }
0x3a: {  	_ = 	snop  }
0x3b: {  	_ = 	snop  }
0x3c: {  	p2 =	seq.s32 s10, $0x1;
	s10 =	sld [smem:$0x3FAF]  }
0x3d: {  	_ =	shalt  }
0x3e: {  	_ =	shalt  }
0x3f: {  	_ =	shalt  }
0x40: {  	_ =	shalt  }
0x41: {  	_ =	shalt  }
0x42: {  	_ =	shalt  }
0x43: {  	_ =	shalt  }
0x44: {  	_ =	shalt  }
0x45: {  	_ =	shalt  }
0x46: {  	_ =	shalt  }
0x47: {  	_ =	shalt  }
0x48: {  	_ =	shalt  }
0x49: {  	_ =	shalt  }
0x4a: {  	_ =	shalt  }
0x4b: {  	_ =	shalt  }
0x4c: {  	_ =	shalt  }
0x4d: {  	_ =	shalt  }
0x4e: {  	_ =	shalt  }
0x4f: {  	_ =	shalt  }
0x50: {  	_ =	shalt  }
0x51: {  	_ =	shalt  }
0x52: {  	_ =	shalt  }
0x53: {  	_ =	shalt  }
0x54: {  	_ =	shalt  }
0x55: {  	_ =	shalt  }
0x56: {  	_ =	shalt  }
0x57: {  	_ =	shalt  }
0x58: {  	_ =	shalt  }
0x59: {  	_ =	shalt  }
0x5a: {  	_ =	shalt  }
0x5b: {  	_ =	shalt  }
0x5c: {  	_ =	shalt  }
0x5d: {  	_ =	shalt  }
0x5e: {  	_ =	shalt  }
0x5f: {  	_ =	shalt  }
0x60: {  	_ =	shalt  }
0x61: {  	_ =	shalt  }
0x62: {  	_ =	shalt  }
0x63: {  	_ =	shalt  }
0x64: {  	_ =	shalt  }
0x65: {  	_ =	shalt  }
0x66: {  	_ =	shalt  }
0x67: {  	_ =	shalt  }
0x68: {  	_ =	shalt  }
0x69: {  	_ =	shalt  }
0x6a: {  	_ =	shalt  }
0x6b: {  	_ =	shalt  }
0x6c: {  	_ =	shalt  }
0x6d: {  	_ =	shalt  }
0x6e: {  	_ =	shalt  }
0x6f: {  	_ =	shalt  }
0x70: {  	_ =	shalt  }
0x71: {  	_ =	shalt  }
0x72: {  	_ =	shalt  }
0x73: {  	_ =	shalt  }
0x74: {  	_ =	shalt  }
0x75: {  	_ =	shalt  }
0x76: {  	_ =	shalt  }
0x77: {  	_ =	shalt  }
0x78: {  	_ =	shalt  }
0x79: {  	_ =	shalt  }
0x7a: {  	_ =	shalt  }
0x7b: {  	_ =	shalt  }
0x7c: {  	_ =	shalt  }
0x7d: {  	_ =	shalt  }
0x7e: {  	_ =	shalt  }
0x7f: {  	_ =	shalt  }
0x80: {  	_ =	shalt  }
0x81: {  	_ =	shalt  }
0x82: {  	_ =	shalt  }
0x83: {  	_ =	shalt  }
0x84: {  	_ =	shalt  }
0x85: {  	_ =	shalt  }
0x86: {  	_ =	shalt  }
0x87: {  	_ =	shalt  }
.Lfunc_end0:
.L_simem_size_0:
called_computation.4_lowered:
.L_overlay_start_0:
0x88: {  	s2 =	sld [smem:$0x3FD9]  }
0x89: {  	s3 =	sld [smem:$0x3FFE];
	_ =	sdelay $0x1  }
0x8a: {  	s1 =	srdreg.scid  }
0x8b: {  	s0 =	sand.u32 $0x1, s1  }
0x8c: {  	s17 =	sshll.u32 s0, $0xA;
	s2 =	sadd.s32 s3, s2  }
0x8d: {  	s2 =	sadd.s32 s2, s17  }
0x8e: {  	[smem:$0x3FBB] =	sst s2  }
0x8f: {  	_ = 	snop  }
0x90: {  	s18 =	sld [smem:$0x3FD0];
	(tm) =	ssettm $0x1  }
0x91: {  	s19 =	sld [smem:$0x3FFB];
	_ =	sdelay $0x3  }
0x92: {  	_ =	strace s19  }
0x93: {  	s2 =	sld [smem:$0x3FFC];
	_ =	sdelay $0x3  }
0x94: {  	_ =	strace s2  }
0x95: {  	s2 =	sld [smem:$0x3FFD];
	_ =	sdelay $0x3  }
0x96: {  	_ =	strace s2  }
0x97: {  	_ =	strace $0x8FFFFFFF  }
0x98: {  	s20 =	sld [smem:$0x3FDB];
	_ =	sdelay $0x1  }
0x99: {  	s4 =	simm.s32 $_scs_section_size  }
0x9a: {  	s5 =	simm.s32 $_size__tile_overlayer_lowered;
	s6 =	simm.s32 $_tile_overlayer_lowered  }
0x9b: {  	s7 =	simm.s32 $0x1BFF;
	s21 =	sshll.u32 s6, $0x1;
	s4 =	sadd.s32 s4, s20  }
0x9c: {  	s22 =	simm.s32 $0x0;
	s5 =	sshll.u32 s5, $0x1;
	s6 =	sadd.s32 s21, s4  }
0x9d: {  	[timem:s22], [sflag:s7] =	dma.local [hbm:s6], s5  }
0x9e: {  	_ =	swait.ge [sflag:s7], s5  }
0x9f: {  	s5 =	ssub.s32 $0x0, s5;
	[sflag:s7] =	ssyncset.done $0x0  }
0xa0: {  	[sflag:s7] =	ssyncadd.s32 s5;
	_ =	sdelay $0x1  }
0xa1: {  	s23 =	simm.s32 $0x1B8B  }
0xa2: {  	_ =	swait.ge [sflag:s23], $0x1  }
0xa3: {  	[sflag:s23] =	ssyncset.done $0x0  }
0xa4: {  	[sflag:s23] =	ssyncadd.s32 $0xFFFFFFFF  }
0xa5: {  	s5 =	sld [smem:$0x0]  }
0xa6: {  	s6 =	sand.u32 $0xFFFFFFFE, s1  }
0xa7: {  	p0 =	sne.s32 s1, s6  }
0xa8: {  	s6 =	sshll.u32 @p0 s6, $0xE  }
0xa9: {  	s6 =	sadd.s32 @p0 $0x11B8D, s6;
	s7 =	sshll.u32 @p0 s5, $0x11  }
0xaa: {  	s6 =	sor.u32 @p0 s7, s6  }
0xab: {  	[sflag:s6] =	ssyncadd.remote.s32 @p0 $0x1;
	_ =	sdelay $0x1  }
0xac: {  	s6 =	simm.s32 @p0 $0x1B8D  }
0xad: {  	_ =	swait.eq @p0 [sflag:s6], $0x1  }
0xae: {  	[sflag:s6] =	ssyncadd.s32 @p0 $0xFFFFFFFF  }
0xaf: {  	s7 =	sshll.u32 @!p0 s1, $0xE  }
0xb0: {  	s7 =	sor.u32 @!p0 $0x4000, s7;
	s6 =	simm.s32 @!p0 $0x1B8D  }
0xb1: {  	s5 =	sshll.u32 @!p0 s5, $0x11;
	s7 =	sadd.s32 @!p0 $0x11B8D, s7;
	_ =	swait.eq @!p0 [sflag:s6], $0x1  }
0xb2: {  	s5 =	sor.u32 @!p0 s5, s7;
	[sflag:s6] =	ssyncadd.s32 @!p0 $0xFFFFFFFF  }
0xb3: {  	s25 =	simm.s32 $0x1B8E;
	s24 =	sld [smem:$0x3FFE];
	[sflag:s5] =	ssyncadd.remote.s32 @!p0 $0x1  }
0xb4: {  	s26 =	simm.s32 $execute0_lowered;
	[smem:$0x3FD2] =	sst s25  }
0xb5: {  	s6 =	sshll.u32 s26, $0x1;
	_ =	strace $0x80000052;
	[dreg:$0x1] =	wrdreg $0xFFFFFFFF  }
0xb6: {  	s28 =	simm.s32 $_size_execute0_lowered;
	s4 =	sadd.s32 s4, s6;
	[dreg:$0x0] =	wrdreg $0x0  }
0xb7: {  	s6 =	sshll.u32 s28, $0x1;
	[dreg:$0x2] =	wrdreg s4  }
0xb8: {  	[dreg:$0x3] =	wrdreg s6  }
0xb9: {  	[dreg:$0x4] =	wrdreg $0xC0  }
0xba: {  	_ =	task [dreg:s22], $0x5FFFF  }
0xbb: {  	[dreg:$0x1] =	wrdreg $0xFFFFFFFF  }
0xbc: {  	[dreg:$0x0] =	wrdreg $0x60  }
0xbd: {  	[dreg:$0x2] =	wrdreg s24  }
0xbe: {  	[dreg:$0x3] =	wrdreg s18  }
0xbf: {  	[dreg:$0x4] =	wrdreg $0x78000  }
0xc0: {  	[dreg:$0x5] =	wrdreg $0xA  }
0xc1: {  	_ =	task.clear_ibuf [dreg:s22], $0x6FFFF;
	_ =	strace $0x90000052  }
0xc2: {  	s29 =	simm.s32 $0xA;
	_ =	strace $0x80000054  }
0xc3: {  	_ =	swait.ge [sflag:s29], $0x1  }
0xc4: {  	[sflag:s29] =	ssyncadd.s32 $0xFFFFFFFF  }
0xc5: {  	_ =	strace $0x90000054  }
0xc6: {  	_ =	sfence  }
0xc7: {  	s30 =	sld [smem:$0x0];
	_ =	sdelay $0x2  }
0xc8: {  	s31 =	sshll.u32 s1, $0xD;
	s1 =	sshrl.u32 s1, $0x2  }
0xc9: {  	s4 =	sand.u32 $0x4000, s31;
	s1 =	sadd.s32 s1, s30  }
0xca: {  	s0 =	sor.u32 s4, s0;
	s1 =	sshll.u32 s1, $0x11  }
0xcb: {  	s0 =	sor.u32 s1, s0  }
0xcc: {  	s0 =	sadd.s32 $0x8F2B, s0  }
0xcd: {  	[sflag:s0] =	ssyncadd.remote.s32 $0x1  }
0xce: {  	_ =	sfence.sel $0xFFFF  }
0xcf: {  	[dreg:$0x0] =	wrdreg $0xFFFFFFFF;
	(pc) =	sbr.abs _section_cstart, $3  }
0xd0: {  	[dreg:$0x1] =	wrdreg $0xFFFFFFFF  }
0xd1: {  	_ =	task.clear_ibuf [dreg:s22], $0x2FFFF;
	_ =	strace $0x9FFFFFFF  }
0xd2: {  	(tm) =	ssettm $0x7FFFFFFF  }
0xd3: {  	_ =	shalt  }
tec
execute0_lowered:
.L_overlay_start_1:
0x0: {  	(tag) =	ssettag $0x1  }
0x1: {  	s6 =	rddreg [dreg:$0x0]  }
0x2: {  	s8 =	rddreg [dreg:$0x1]  }
0x3: {  	s0 =	srdreg.scid;
	s2 =	rddreg [dreg:$0x2];
	s3 =	simm.s32 $0x0  }
0x4: {  	s15 =	simm.s32 $0x5000;
	s16 =	simm.s32 $0x6400;
	s17 =	simm.s32 $0x1  }
0x5: {  	s18 =	simm.s32 $0x2;
	s19 =	simm.s32 $0x4F00;
	s20 =	simm.s32 $0x4F80  }
0x6: {  	s21 =	simm.s32 $0x0;
	s5 =	sand.u32 $0x1, s0;
	s0 =	stileid.u32  }
0x7: {  	[smem:$0x7FF] =	sst s3;
	s4 =	sadd.s32 $0x9B000, s6;
	s7 =	smul.u32 $0x6400, s0  }
0x8: {  	s1 =	sshll.u32 s5, $0x4;
	s10 =	smul.u32 $0x64000, s5;
	s5 =	ssub.s32 $0x2, s5  }
0x9: {  	s31 =	sshll.u32 s0, $0x6;
	s1 =	sor.u32 s0, s1;
	s13 =	sshrl.u32 s5, $0x1  }
0xa: {  	s9 =	smul.u32 $0x500, s1;
	s1 =	rddreg [dreg:$0x3];
	_ =	strace $0x80000053  }
0xb: {  	s12 =	sshrl.u32 s7, $0x3;
	s10 =	sadd.s32 s7, s10;
	s13 =	ssub.s32 s5, s13  }
0xc: {  	s14 =	sadd.s32 s7, s2;
	s12 =	sadd.s32 s12, s6;
	s10 =	sshrl.u32 s10, $0x3  }
0xd: {  	s11 =	sadd.s32 s9, s6;
	s10 =	sadd.s32 s10, s6;
	s5 =	sadd.s32 $0xA7800, s12  }
0xe: {  	s6 =	sor.u32 $0x1C03, s31;
	s8 =	sadd.s32 s8, s9;
	s12 =	simm.s32 $0x3  }
0xf: {  	s7 =	sadd.s32 $0x5000, s11;
	s9 =	sadd.s32 $0xB4000, s10;
	s10 =	smax.u32 s13, $0x1  }
0x10: {  	s11 =	sshrl.u32 s14, $0x3;
	s13 =	simm.s32 $0x2800;
	s14 =	simm.s32 $0x80  }
.LBB2_1:
0x11: {  	[spmem:s11], [sflag:s6] =	dma.local [hbm:s5], $0xC80  }
0x12: {  	_ =	swait.ge [sflag:s12], $0xC80  }
0x13: {  	[sflag:s12] =	ssyncset.done $0x0  }
0x14: {  	[sflag:s12] =	ssyncadd.s32 $0xFFFFF380  }
0x15: {  	[bflag:$0x0] =	sbarrier.arrive $0xFFFF  }
0x16: {  	[tilespmem:s3], [sflag:$0x3] =	stream.linear.gather [hbm4b:s7+s3], $0x2800, $0x38;
	[tilespmem:$0xDC00] =	vst v63  }
0x17: {  	_ =	swait.ge [sflag:s12], $0x2800  }
0x18: {  	[sflag:s12] =	ssyncset.done $0x0  }
0x19: {  	[sflag:s12] =	ssyncadd.s32 $0xFFFFD800  }
0x1a: {  	[tilespmem:s13], [sflag:$0x3] =	stream.linear.gather [hbm4b:s8+s3], $0x2800, $0x38;
	[tilespmem:$0xDC00] =	vst v63  }
0x1b: {  	_ =	swait.ge [sflag:s12], $0x2800  }
0x1c: {  	[sflag:s12] =	ssyncset.done $0x0  }
0x1d: {  	[sflag:s12] =	ssyncadd.s32 $0xFFFFD800  }
0x1e: {  	[tilespmem:s15], [sflag:$0x1] =	stream.indirect.gather [hbm4b:s4+s14], $0x28, s3, s14, $0xb8;
	[tilespmem:$0xDC00] =	vst v63  }
0x1f: {  	_ = 	snop  }
0x20: {  	[tilespmem:s16], [sflag:$0x2] =	stream.indirect.gather [hbm4b:s4+s14], $0x28, s14, s14, $0xb8;
	[tilespmem:$0xDC00] =	vst v63  }
0x21: {  	_ =	swait.ge [sflag:s17], $0x1400  }
0x22: {  	[sflag:s17] =	ssyncset.done $0x0  }
0x23: {  	s22 =	simm.s32 $0x2800;
	[sflag:s17] =	ssyncadd.s32 $0xFFFFEC00  }
0x24: {  	[spmem:s2] =	stream.indirect.scatter.add.f32 [tilespmem:s15], [sflag:$0x3], $0x28, s22, s14, $0xb8;
	[tilespmem:$0xDC00] =	vst v63  }
0x25: {  	_ =	swait.ge [sflag:s12], $0x1400  }
0x26: {  	[sflag:s12] =	ssyncset.done $0x0  }
0x27: {  	s30 =	simm.s32 $0x100;
	[sflag:s12] =	ssyncadd.s32 $0xFFFFEC00  }
0x28: {  	[tilespmem:s15], [sflag:$0x1] =	stream.indirect.gather [hbm4b:s4+s14], $0x28, s30, s14, $0xb8;
	[tilespmem:$0xDC00] =	vst v63  }
0x29: {  	_ =	swait.ge [sflag:s18], $0x1400  }
0x2a: {  	[sflag:s18] =	ssyncset.done $0x0  }
0x2b: {  	s31 =	simm.s32 $0x2880;
	[sflag:s18] =	ssyncadd.s32 $0xFFFFEC00  }
0x2c: {  	[spmem:s2] =	stream.indirect.scatter.add.f32 [tilespmem:s16], [sflag:$0x3], $0x28, s31, s14, $0xb8;
	[tilespmem:$0xDC00] =	vst v63  }
0x2d: {  	_ =	swait.ge [sflag:s12], $0x1400  }
0x2e: {  	[sflag:s12] =	ssyncset.done $0x0  }
0x2f: {  	s23 =	simm.s32 $0x180;
	s22 =	simm.s32 $0x400;
	[sflag:s12] =	ssyncadd.s32 $0xFFFFEC00  }
.LBB2_2:
0x30: {  	[tilespmem:s16], [sflag:$0x2] =	stream.indirect.gather [hbm4b:s4+s14], $0x28, s23, s14, $0xb8;
	[tilespmem:$0xDC00] =	vst v63  }
0x31: {  	s23 =	smov.u32 s22  }
0x32: {  	p0 =	sne.s32 s22, $0x9800;
	s22 =	sadd.s32 $0x400, s22;
	_ =	swait.ge [sflag:s17], $0x1400  }
0x33: {  	s23 =	sshra.s32 s23, $0x2;
	[sflag:s17] =	ssyncset.done $0x0  }
0x34: {  	s24 =	sadd.s32 $0x2800, s23;
	[sflag:s17] =	ssyncadd.s32 $0xFFFFEC00  }
0x35: {  	[spmem:s2] =	stream.indirect.scatter.add.f32 [tilespmem:s15], [sflag:$0x3], $0x28, s24, s14, $0xb8;
	[tilespmem:$0xDC00] =	vst v63  }
0x36: {  	_ =	swait.ge [sflag:s12], $0x1400  }
0x37: {  	[sflag:s12] =	ssyncset.done $0x0  }
0x38: {  	s24 =	sadd.s32 $0x100, s23;
	[sflag:s12] =	ssyncadd.s32 $0xFFFFEC00  }
0x39: {  	[tilespmem:s15], [sflag:$0x1] =	stream.indirect.gather [hbm4b:s4+s14], $0x28, s24, s14, $0xb8;
	[tilespmem:$0xDC00] =	vst v63  }
0x3a: {  	_ =	swait.ge [sflag:s18], $0x1400  }
0x3b: {  	[sflag:s18] =	ssyncset.done $0x0  }
.Ltmp0:
0x3c: {  	s24 =	sadd.s32 $0x2880, s23;
	[sflag:s18] =	ssyncadd.s32 $0xFFFFEC00;
	(pc) =	sbr.rel @p0 .LBB2_2-.Ltmp0, $4  }
0x3d: {  	[spmem:s2] =	stream.indirect.scatter.add.f32 [tilespmem:s16], [sflag:$0x3], $0x28, s24, s14, $0xb8;
	[tilespmem:$0xDC00] =	vst v63  }
0x3e: {  	_ =	swait.ge [sflag:s12], $0x1400  }
0x3f: {  	[sflag:s12] =	ssyncset.done $0x0  }
0x40: {  	s23 =	sadd.s32 $0x180, s23;
	[sflag:s12] =	ssyncadd.s32 $0xFFFFEC00  }
0x41: {  	[tilespmem:s16], [sflag:$0x2] =	stream.indirect.gather [hbm4b:s4+s14], $0x28, s23, s14, $0xb8;
	[tilespmem:$0xDC00] =	vst v63  }
0x42: {  	_ =	swait.ge [sflag:s17], $0x1400  }
0x43: {  	[sflag:s17] =	ssyncset.done $0x0  }
0x44: {  	[sflag:s17] =	ssyncadd.s32 $0xFFFFEC00  }
0x45: {  	[spmem:s2] =	stream.indirect.scatter.add.f32 [tilespmem:s15], [sflag:$0x3], $0x28, s19, s14, $0xb8;
	[tilespmem:$0xDC00] =	vst v63  }
0x46: {  	_ =	swait.ge [sflag:s12], $0x1400  }
0x47: {  	[sflag:s12] =	ssyncset.done $0x0  }
0x48: {  	[sflag:s12] =	ssyncadd.s32 $0xFFFFEC00  }
0x49: {  	_ =	swait.ge [sflag:s18], $0x1400  }
0x4a: {  	[sflag:s18] =	ssyncset.done $0x0  }
0x4b: {  	[sflag:s18] =	ssyncadd.s32 $0xFFFFEC00  }
0x4c: {  	[spmem:s2] =	stream.indirect.scatter.add.f32 [tilespmem:s16], [sflag:$0x3], $0x28, s20, s14, $0xb8;
	[tilespmem:$0xDC00] =	vst v63  }
0x4d: {  	_ =	swait.ge [sflag:s12], $0x1400  }
0x4e: {  	s21 =	sadd.s32 $0x1, s21;
	[sflag:s12] =	ssyncset.done $0x0  }
0x4f: {  	p0 =	sne.s32 s21, s10;
	[sflag:s12] =	ssyncadd.s32 $0xFFFFEC00  }
.Ltmp1:
0x50: {  	[bflag:$0x0] =	sbarrier.arrive $0xFFFF;
	(pc) =	sbr.rel @p0 .LBB2_1-.Ltmp1, $4  }
0x51: {  	[hbm:s9], [sflag:s6] =	dma.local [spmem:s11], $0xC80  }
0x52: {  	_ =	swait.ge [sflag:s12], $0xC80  }
0x53: {  	[sflag:s12] =	ssyncset.done $0x0  }
0x54: {  	[sflag:s12] =	ssyncadd.s32 $0xFFFFF380  }
0x55: {  	_ =	sfence.sel $0x180000  }
0x56: {  	[bflag:$0x0] =	sbarrier.arrive $0xFFFF  }
0x57: {  	p0 =	sne.s32 s0, $0x0;
	_ =	strace $0x90000053  }
0x58: {  	s0 =	sadd.s32 @!p0 $0x100000, s1;
	[bflag:$0x2] =	sbarrier.arrive $0xFFFF  }
0x59: {  	[sflag:s0] =	ssyncadd.tile.s32 @!p0 $0x1;
	_ =	shalt  }
.Lfunc_end2:
_tile_overlayer_lowered:
.L_overlay_start_2:
0x5a: {  	(tag) =	ssettag $0x2  }
0x5b: {  	s0 =	rddreg [dreg:$0x0];
	s2 =	stileid.u32  }
0x5c: {  	s1 =	rddreg [dreg:$0x1];
	p0 =	sne.s32 s2, $0x0  }
0x5d: {  	s3 =	rddreg [dreg:$0x2];
	[bflag:$0x3] =	sbarrier.arrive $0xFFFF;
	s2 =	simm.s32 @!p0 $0x1C03  }
0x5e: {  	[timem:s3], [sflag:s2] =	dma.local @!p0 [hbm:s0], s1  }
0x5f: {  	s0 =	simm.s32 @!p0 $0x3  }
0x60: {  	_ =	swait.ge @!p0 [sflag:s0], s1  }
0x61: {  	s1 =	ssub.s32 @!p0 $0x0, s1;
	[sflag:s0] =	ssyncset.done @!p0 $0x0  }
0x62: {  	[sflag:s0] =	ssyncadd.s32 @!p0 s1  }
0x63: {  	[bflag:$0x3] =	sbarrier.arrive $0xFFFF  }
0x64: {  	_ =	shalt  }

// kernel: kernel.29.cloned.1.call-start
scs
__scs_entry_jumppad:
0x0: {  	(pc) =	sbr.rel $0x88, $3  }
0x1: {  	(tag) =	ssettag $0x0;
	lr =	simm.s32 $0x1  }
0x2: {  	[smem:$0x3F94] =	sst lr;
	_ =	strace $0xD0000000  }
0x3: {  	_ = 	snop  }
0x4: {  	_ = 	snop  }
0x5: {  	_ = 	snop  }
0x6: {  	_ = 	snop  }
0x7: {  	_ = 	snop  }
__scs_overlays_trampoline_lowered:
0x8: {  	[smem:$0x3FA3] =	sst s0  }
0x9: {  	[smem:$0x3FA4] =	sst s1  }
0xa: {  	[smem:$0x3FA5] =	sst s2  }
0xb: {  	[smem:$0x3FA6] =	sst s3  }
0xc: {  	[smem:$0x3FA7] =	sst s4  }
0xd: {  	[smem:$0x3FA8] =	sst s5  }
0xe: {  	[smem:$0x3FA9] =	sst s6  }
0xf: {  	[smem:$0x3FAA] =	sst s7  }
0x10: {  	[smem:$0x3FAB] =	sst s8  }
0x11: {  	[smem:$0x3FAC] =	sst s9;
	s0 =	simm.s32 @!p0 $0x0  }
0x12: {  	s1 =	sld [smem:$0x3F92];
	s0 =	simm.s32 @p0 $0x1  }
0x13: {  	[smem:$0x3FAD] =	sst s0;
	s0 =	simm.s32 @!p1 $0x0  }
0x14: {  	s2 =	sld [smem:$0x3F91];
	s0 =	simm.s32 @p1 $0x1  }
0x15: {  	[smem:$0x3FAE] =	sst s0;
	s0 =	simm.s32 @!p2 $0x0  }
0x16: {  	s3 =	sld [smem:$0x3FDB];
	s0 =	simm.s32 @p2 $0x1  }
0x17: {  	s4 =	simm.s32 $0x1BF5;
	[smem:$0x3FB0] =	sst s0  }
0x18: {  	s0 =	sld [smem:$0x3F93];
	_ =	swait.ge [sflag:s4], $0x0  }
0x19: {  	s7 =	sld [smem:$0x3F94]  }
0x1a: {  	s8 =	sadd.s32 $0xFFFFE003, lr  }
0x1b: {  	s9 =	sadd.s32 $0xFFFFFEF7, lr;
	s5 =	simm.s32 $0xFFFFFFFF;
	p2 =	slt.u32 s8, $0xFFFFF086  }
0x1c: {  	p1 =	slt.u32 s9, $0xF7A;
	s5 =	simm.s32 @!p2 $0x0  }
0x1d: {  	s5 =	simm.s32 @p1 $0x1;
	p0 =	seq.s32 s7, s2  }
0x1e: {  	s7 =	smul.u32 @!p0 $0xF7A, s2;
	p2 =	seq.s32 @!p0 s5, $0x0  }
0x1f: {  	s9 =	smul.u32 $0xF7A, s1;
	s8 =	simm.s32 @!p0 $0x1BF5;
	p2 =	por !p2, p0  }
0x20: {  	[sflag:s8] =	ssyncset.s32 @!p0 $0xFFFFF086;
	s6 =	sadd.s32 @!p0 s3, s7;
	s7 =	simm.s32 @!p0 $0x108  }
0x21: {  	s3 =	sadd.s32 s3, s9;
	s6 =	sadd.s32 @!p0 $0x88, s6;
	s7 =	simm.s32 @p2 $0x1082  }
0x22: {  	[simem:s7], [sflag:s8] =	dma.local @!p0 [hbm:s6], $0xF7A  }
0x23: {  	s9 =	sor.u32 $0xD0000000, s2;
	s6 =	simm.s32 $0x108;
	_ =	swait.ge @!p0 [sflag:s8], $0x0  }
0x24: {  	s3 =	sadd.s32 $0x88, s3;
	s6 =	simm.s32 @!p1 $0x1082;
	[sflag:s4] =	ssyncset.s32 $0xFFFFF086  }
0x25: {  	[simem:s6], [sflag:s4] =	dma.local [hbm:s3], $0xF7A  }
0x26: {  	[smem:$0x3F94] =	sst s1;
	(tag) =	ssettag s2;
	_ =	strace s9  }
0x27: {  	s1 =	sld [smem:$0x3FA4]  }
0x28: {  	s2 =	sld [smem:$0x3FA5]  }
0x29: {  	s4 =	sld [smem:$0x3FA7]  }
0x2a: {  	p0 =	seq.s32 s5, $0x0;
	s5 =	sld [smem:$0x3FA8]  }
0x2b: {  	s6 =	sld [smem:$0x3FA9]  }
0x2c: {  	s7 =	sld [smem:$0x3FAA]  }
0x2d: {  	s3 =	simm.s32 $0x108;
	s8 =	sld [smem:$0x3FAB]  }
0x2e: {  	s3 =	simm.s32 @!p0 $0x1082;
	s9 =	sld [smem:$0x3FAC]  }
0x2f: {  	lr =	sadd.s32 s0, s3;
	s0 =	sld [smem:$0x3FA3]  }
0x30: {  	s3 =	sld [smem:$0x3FA6]  }
0x31: {  	[smem:$0x3FAF] =	sst s10  }
0x32: {  	s10 =	sld [smem:$0x3FAD];
	_ =	sdelay $0x3  }
0x33: {  	p0 =	seq.s32 s10, $0x1;
	s10 =	sld [smem:$0x3FAF];
	_ =	sdelay $0x3  }
0x34: {  	[smem:$0x3FAF] =	sst s10  }
0x35: {  	s10 =	sld [smem:$0x3FAE];
	_ =	sdelay $0x3  }
0x36: {  	p1 =	seq.s32 s10, $0x1;
	s10 =	sld [smem:$0x3FAF];
	_ =	sdelay $0x3  }
0x37: {  	[smem:$0x3FAF] =	sst s10  }
0x38: {  	s10 =	sld [smem:$0x3FB0]  }
0x39: {  	_ = 	snop;
	(pc) =	sbr.ind lr, $3  }
0x3a: {  	_ = 	snop  }
0x3b: {  	_ = 	snop  }
0x3c: {  	p2 =	seq.s32 s10, $0x1;
	s10 =	sld [smem:$0x3FAF]  }
0x3d: {  	_ =	shalt  }
0x3e: {  	_ =	shalt  }
0x3f: {  	_ =	shalt  }
0x40: {  	_ =	shalt  }
0x41: {  	_ =	shalt  }
0x42: {  	_ =	shalt  }
0x43: {  	_ =	shalt  }
0x44: {  	_ =	shalt  }
0x45: {  	_ =	shalt  }
0x46: {  	_ =	shalt  }
0x47: {  	_ =	shalt  }
0x48: {  	_ =	shalt  }
0x49: {  	_ =	shalt  }
0x4a: {  	_ =	shalt  }
0x4b: {  	_ =	shalt  }
0x4c: {  	_ =	shalt  }
0x4d: {  	_ =	shalt  }
0x4e: {  	_ =	shalt  }
0x4f: {  	_ =	shalt  }
0x50: {  	_ =	shalt  }
0x51: {  	_ =	shalt  }
0x52: {  	_ =	shalt  }
0x53: {  	_ =	shalt  }
0x54: {  	_ =	shalt  }
0x55: {  	_ =	shalt  }
0x56: {  	_ =	shalt  }
0x57: {  	_ =	shalt  }
0x58: {  	_ =	shalt  }
0x59: {  	_ =	shalt  }
0x5a: {  	_ =	shalt  }
0x5b: {  	_ =	shalt  }
0x5c: {  	_ =	shalt  }
0x5d: {  	_ =	shalt  }
0x5e: {  	_ =	shalt  }
0x5f: {  	_ =	shalt  }
0x60: {  	_ =	shalt  }
0x61: {  	_ =	shalt  }
0x62: {  	_ =	shalt  }
0x63: {  	_ =	shalt  }
0x64: {  	_ =	shalt  }
0x65: {  	_ =	shalt  }
0x66: {  	_ =	shalt  }
0x67: {  	_ =	shalt  }
0x68: {  	_ =	shalt  }
0x69: {  	_ =	shalt  }
0x6a: {  	_ =	shalt  }
0x6b: {  	_ =	shalt  }
0x6c: {  	_ =	shalt  }
0x6d: {  	_ =	shalt  }
0x6e: {  	_ =	shalt  }
0x6f: {  	_ =	shalt  }
0x70: {  	_ =	shalt  }
0x71: {  	_ =	shalt  }
0x72: {  	_ =	shalt  }
0x73: {  	_ =	shalt  }
0x74: {  	_ =	shalt  }
0x75: {  	_ =	shalt  }
0x76: {  	_ =	shalt  }
0x77: {  	_ =	shalt  }
0x78: {  	_ =	shalt  }
0x79: {  	_ =	shalt  }
0x7a: {  	_ =	shalt  }
0x7b: {  	_ =	shalt  }
0x7c: {  	_ =	shalt  }
0x7d: {  	_ =	shalt  }
0x7e: {  	_ =	shalt  }
0x7f: {  	_ =	shalt  }
0x80: {  	_ =	shalt  }
0x81: {  	_ =	shalt  }
0x82: {  	_ =	shalt  }
0x83: {  	_ =	shalt  }
0x84: {  	_ =	shalt  }
0x85: {  	_ =	shalt  }
0x86: {  	_ =	shalt  }
0x87: {  	_ =	shalt  }
.Lfunc_end0:
.L_simem_size_0:
called_computation.5_lowered:
.L_overlay_start_0:
0x88: {  	s2 =	sld [smem:$0x3FD9]  }
0x89: {  	s3 =	sld [smem:$0x3FFE];
	_ =	sdelay $0x1  }
0x8a: {  	s1 =	srdreg.scid  }
0x8b: {  	s0 =	sand.u32 $0x1, s1  }
0x8c: {  	s16 =	sshll.u32 s0, $0xA;
	s2 =	sadd.s32 s3, s2  }
0x8d: {  	s2 =	sadd.s32 s2, s16  }
0x8e: {  	[smem:$0x3FBB] =	sst s2  }
0x8f: {  	_ = 	snop  }
0x90: {  	(tm) =	ssettm $0x1  }
0x91: {  	s17 =	sld [smem:$0x3FFB];
	_ =	sdelay $0x3  }
0x92: {  	_ =	strace s17  }
0x93: {  	s2 =	sld [smem:$0x3FFC];
	_ =	sdelay $0x3  }
0x94: {  	_ =	strace s2  }
0x95: {  	s2 =	sld [smem:$0x3FFD];
	_ =	sdelay $0x3  }
0x96: {  	_ =	strace s2  }
0x97: {  	_ =	strace $0x8FFFFFFF  }
0x98: {  	s18 =	sld [smem:$0x3FDB];
	_ =	sdelay $0x1  }
0x99: {  	s19 =	simm.s32 $_scs_section_size  }
0x9a: {  	s4 =	simm.s32 $_size__tile_overlayer_lowered;
	s5 =	simm.s32 $_tile_overlayer_lowered  }
0x9b: {  	s22 =	simm.s32 $0x1BFF;
	s21 =	sshll.u32 s5, $0x1;
	s2 =	sadd.s32 s19, s18  }
0x9c: {  	s6 =	simm.s32 $0x0;
	s20 =	sshll.u32 s4, $0x1;
	s4 =	sadd.s32 s21, s2  }
0x9d: {  	[timem:s6], [sflag:s22] =	dma.local [hbm:s4], s20  }
0x9e: {  	_ =	swait.ge [sflag:s22], s20  }
0x9f: {  	s3 =	ssub.s32 $0x0, s20;
	[sflag:s22] =	ssyncset.done $0x0  }
0xa0: {  	[sflag:s22] =	ssyncadd.s32 s3;
	_ =	sdelay $0x1  }
0xa1: {  	s23 =	simm.s32 $0x1B8B  }
0xa2: {  	_ =	swait.ge [sflag:s23], $0x1  }
0xa3: {  	[sflag:s23] =	ssyncset.done $0x0  }
0xa4: {  	s25 =	simm.s32 $0x1B8E;
	s24 =	sld [smem:$0x3FFE];
	[sflag:s23] =	ssyncadd.s32 $0xFFFFFFFF  }
0xa5: {  	s26 =	simm.s32 $execute0_lowered;
	[smem:$0x3FD2] =	sst s25  }
0xa6: {  	s4 =	sshll.u32 s26, $0x1;
	_ =	strace $0x80000055;
	[dreg:$0x1] =	wrdreg $0xFFFFFFFF  }
0xa7: {  	s28 =	simm.s32 $_size_execute0_lowered;
	s2 =	sadd.s32 s2, s4;
	[dreg:$0x0] =	wrdreg $0x0  }
0xa8: {  	s4 =	sshll.u32 s28, $0x1;
	[dreg:$0x2] =	wrdreg s2  }
0xa9: {  	[dreg:$0x3] =	wrdreg s4  }
0xaa: {  	[dreg:$0x4] =	wrdreg $0xC0  }
0xab: {  	_ =	task [dreg:s6], $0x5FFFF  }
0xac: {  	[dreg:$0x1] =	wrdreg $0xFFFFFFFF  }
0xad: {  	[dreg:$0x0] =	wrdreg $0x60  }
0xae: {  	[dreg:$0x2] =	wrdreg s24  }
0xaf: {  	[dreg:$0x3] =	wrdreg $0x78000  }
0xb0: {  	[dreg:$0x4] =	wrdreg $0x9  }
0xb1: {  	_ =	task.clear_ibuf [dreg:s6], $0x5FFFF;
	_ =	strace $0x90000055  }
0xb2: {  	s29 =	simm.s32 $0x9;
	_ =	strace $0x80000057  }
0xb3: {  	_ =	swait.ge [sflag:s29], $0x1  }
0xb4: {  	[sflag:s29] =	ssyncadd.s32 $0xFFFFFFFF  }
0xb5: {  	_ =	strace $0x90000057  }
0xb6: {  	_ =	sfence  }
0xb7: {  	s30 =	sld [smem:$0x0];
	_ =	sdelay $0x2  }
0xb8: {  	s31 =	sshll.u32 s1, $0xD;
	s1 =	sshrl.u32 s1, $0x2  }
0xb9: {  	s3 =	sand.u32 $0x4000, s31;
	s1 =	sadd.s32 s1, s30  }
0xba: {  	s0 =	sor.u32 s3, s0;
	s1 =	sshll.u32 s1, $0x11  }
0xbb: {  	s0 =	sor.u32 s1, s0  }
0xbc: {  	s0 =	sadd.s32 $0x8F2B, s0  }
0xbd: {  	[sflag:s0] =	ssyncadd.remote.s32 $0x1  }
0xbe: {  	_ =	sfence.sel $0xFFFF  }
0xbf: {  	[dreg:$0x0] =	wrdreg $0xFFFFFFFF;
	(pc) =	sbr.abs _section_cstart, $3  }
0xc0: {  	[dreg:$0x1] =	wrdreg $0xFFFFFFFF  }
0xc1: {  	_ =	task.clear_ibuf [dreg:s6], $0x2FFFF;
	_ =	strace $0x9FFFFFFF  }
0xc2: {  	(tm) =	ssettm $0x7FFFFFFF  }
0xc3: {  	_ =	shalt  }
tec
execute0_lowered:
.L_overlay_start_1:
0x0: {  	(tag) =	ssettag $0x1  }
0x1: {  	s6 =	rddreg [dreg:$0x0]  }
0x2: {  	s0 =	srdreg.scid;
	s2 =	rddreg [dreg:$0x1];
	s3 =	simm.s32 $0x0  }
0x3: {  	s14 =	simm.s32 $0x80;
	s15 =	simm.s32 $0x5000;
	s16 =	simm.s32 $0x6400  }
0x4: {  	s17 =	simm.s32 $0x1;
	s18 =	simm.s32 $0x2;
	s19 =	simm.s32 $0x4F00  }
0x5: {  	s20 =	simm.s32 $0x4F80;
	s5 =	sand.u32 $0x1, s0;
	s0 =	stileid.u32  }
0x6: {  	s21 =	simm.s32 $0x0;
	[smem:$0x7FF] =	sst s3;
	s7 =	smul.u32 $0x6400, s0  }
0x7: {  	s1 =	sshll.u32 s5, $0x4;
	s8 =	smul.u32 $0x64000, s5;
	s5 =	ssub.s32 $0x2, s5  }
0x8: {  	s31 =	sshll.u32 s0, $0x6;
	s1 =	sor.u32 s0, s1;
	s11 =	sshrl.u32 s5, $0x1  }
0x9: {  	s4 =	smul.u32 $0x500, s1;
	s1 =	rddreg [dreg:$0x2];
	_ =	strace $0x80000056  }
0xa: {  	s10 =	sshrl.u32 s7, $0x3;
	s8 =	sadd.s32 s7, s8;
	s11 =	ssub.s32 s5, s11  }
0xb: {  	s13 =	sadd.s32 s7, s2;
	s10 =	sadd.s32 s10, s6;
	s8 =	sshrl.u32 s8, $0x3  }
0xc: {  	s9 =	sadd.s32 s4, s6;
	s4 =	sadd.s32 $0x73000, s6;
	s12 =	sadd.s32 s8, s6  }
0xd: {  	s5 =	sadd.s32 $0xA7800, s10;
	s6 =	sor.u32 $0x1C03, s31;
	s10 =	smax.u32 s11, $0x1  }
0xe: {  	s11 =	sshrl.u32 s13, $0x3;
	s13 =	simm.s32 $0x2800;
	s7 =	sadd.s32 $0xF000, s9  }
0xf: {  	s8 =	sadd.s32 $0x19000, s9;
	s9 =	sadd.s32 $0x7F800, s12;
	s12 =	simm.s32 $0x3  }
.LBB2_1:
0x10: {  	[spmem:s11], [sflag:s6] =	dma.local [hbm:s5], $0xC80  }
0x11: {  	_ =	swait.ge [sflag:s12], $0xC80  }
0x12: {  	[sflag:s12] =	ssyncset.done $0x0  }
0x13: {  	[sflag:s12] =	ssyncadd.s32 $0xFFFFF380  }
0x14: {  	[bflag:$0x0] =	sbarrier.arrive $0xFFFF  }
0x15: {  	[tilespmem:s3], [sflag:$0x3] =	stream.linear.gather [hbm4b:s7+s3], $0x2800, $0x38;
	[tilespmem:$0xDC00] =	vst v63  }
0x16: {  	_ =	swait.ge [sflag:s12], $0x2800  }
0x17: {  	[sflag:s12] =	ssyncset.done $0x0  }
0x18: {  	[sflag:s12] =	ssyncadd.s32 $0xFFFFD800  }
0x19: {  	[tilespmem:s13], [sflag:$0x3] =	stream.linear.gather [hbm4b:s8+s3], $0x2800, $0x38;
	[tilespmem:$0xDC00] =	vst v63  }
0x1a: {  	_ =	swait.ge [sflag:s12], $0x2800  }
0x1b: {  	[sflag:s12] =	ssyncset.done $0x0  }
0x1c: {  	[sflag:s12] =	ssyncadd.s32 $0xFFFFD800  }
0x1d: {  	[tilespmem:s15], [sflag:$0x1] =	stream.indirect.gather [hbm4b:s4+s14], $0x28, s3, s14, $0xb8;
	[tilespmem:$0xDC00] =	vst v63  }
0x1e: {  	_ = 	snop  }
0x1f: {  	[tilespmem:s16], [sflag:$0x2] =	stream.indirect.gather [hbm4b:s4+s14], $0x28, s14, s14, $0xb8;
	[tilespmem:$0xDC00] =	vst v63  }
0x20: {  	_ =	swait.ge [sflag:s17], $0x1400  }
0x21: {  	[sflag:s17] =	ssyncset.done $0x0  }
0x22: {  	s22 =	simm.s32 $0x2800;
	[sflag:s17] =	ssyncadd.s32 $0xFFFFEC00  }
0x23: {  	[spmem:s2] =	stream.indirect.scatter.add.f32 [tilespmem:s15], [sflag:$0x3], $0x28, s22, s14, $0xb8;
	[tilespmem:$0xDC00] =	vst v63  }
0x24: {  	_ =	swait.ge [sflag:s12], $0x1400  }
0x25: {  	[sflag:s12] =	ssyncset.done $0x0  }
0x26: {  	s30 =	simm.s32 $0x100;
	[sflag:s12] =	ssyncadd.s32 $0xFFFFEC00  }
0x27: {  	[tilespmem:s15], [sflag:$0x1] =	stream.indirect.gather [hbm4b:s4+s14], $0x28, s30, s14, $0xb8;
	[tilespmem:$0xDC00] =	vst v63  }
0x28: {  	_ =	swait.ge [sflag:s18], $0x1400  }
0x29: {  	[sflag:s18] =	ssyncset.done $0x0  }
0x2a: {  	s31 =	simm.s32 $0x2880;
	[sflag:s18] =	ssyncadd.s32 $0xFFFFEC00  }
0x2b: {  	[spmem:s2] =	stream.indirect.scatter.add.f32 [tilespmem:s16], [sflag:$0x3], $0x28, s31, s14, $0xb8;
	[tilespmem:$0xDC00] =	vst v63  }
0x2c: {  	_ =	swait.ge [sflag:s12], $0x1400  }
0x2d: {  	[sflag:s12] =	ssyncset.done $0x0  }
0x2e: {  	s23 =	simm.s32 $0x180;
	s22 =	simm.s32 $0x400;
	[sflag:s12] =	ssyncadd.s32 $0xFFFFEC00  }
.LBB2_2:
0x2f: {  	[tilespmem:s16], [sflag:$0x2] =	stream.indirect.gather [hbm4b:s4+s14], $0x28, s23, s14, $0xb8;
	[tilespmem:$0xDC00] =	vst v63  }
0x30: {  	s23 =	smov.u32 s22  }
0x31: {  	p0 =	sne.s32 s22, $0x9800;
	s22 =	sadd.s32 $0x400, s22;
	_ =	swait.ge [sflag:s17], $0x1400  }
0x32: {  	s23 =	sshra.s32 s23, $0x2;
	[sflag:s17] =	ssyncset.done $0x0  }
0x33: {  	s24 =	sadd.s32 $0x2800, s23;
	[sflag:s17] =	ssyncadd.s32 $0xFFFFEC00  }
0x34: {  	[spmem:s2] =	stream.indirect.scatter.add.f32 [tilespmem:s15], [sflag:$0x3], $0x28, s24, s14, $0xb8;
	[tilespmem:$0xDC00] =	vst v63  }
0x35: {  	_ =	swait.ge [sflag:s12], $0x1400  }
0x36: {  	[sflag:s12] =	ssyncset.done $0x0  }
0x37: {  	s24 =	sadd.s32 $0x100, s23;
	[sflag:s12] =	ssyncadd.s32 $0xFFFFEC00  }
0x38: {  	[tilespmem:s15], [sflag:$0x1] =	stream.indirect.gather [hbm4b:s4+s14], $0x28, s24, s14, $0xb8;
	[tilespmem:$0xDC00] =	vst v63  }
0x39: {  	_ =	swait.ge [sflag:s18], $0x1400  }
0x3a: {  	[sflag:s18] =	ssyncset.done $0x0  }
.Ltmp0:
0x3b: {  	s24 =	sadd.s32 $0x2880, s23;
	[sflag:s18] =	ssyncadd.s32 $0xFFFFEC00;
	(pc) =	sbr.rel @p0 .LBB2_2-.Ltmp0, $4  }
0x3c: {  	[spmem:s2] =	stream.indirect.scatter.add.f32 [tilespmem:s16], [sflag:$0x3], $0x28, s24, s14, $0xb8;
	[tilespmem:$0xDC00] =	vst v63  }
0x3d: {  	_ =	swait.ge [sflag:s12], $0x1400  }
0x3e: {  	[sflag:s12] =	ssyncset.done $0x0  }
0x3f: {  	s23 =	sadd.s32 $0x180, s23;
	[sflag:s12] =	ssyncadd.s32 $0xFFFFEC00  }
0x40: {  	[tilespmem:s16], [sflag:$0x2] =	stream.indirect.gather [hbm4b:s4+s14], $0x28, s23, s14, $0xb8;
	[tilespmem:$0xDC00] =	vst v63  }
0x41: {  	_ =	swait.ge [sflag:s17], $0x1400  }
0x42: {  	[sflag:s17] =	ssyncset.done $0x0  }
0x43: {  	[sflag:s17] =	ssyncadd.s32 $0xFFFFEC00  }
0x44: {  	[spmem:s2] =	stream.indirect.scatter.add.f32 [tilespmem:s15], [sflag:$0x3], $0x28, s19, s14, $0xb8;
	[tilespmem:$0xDC00] =	vst v63  }
0x45: {  	_ =	swait.ge [sflag:s12], $0x1400  }
0x46: {  	[sflag:s12] =	ssyncset.done $0x0  }
0x47: {  	[sflag:s12] =	ssyncadd.s32 $0xFFFFEC00  }
0x48: {  	_ =	swait.ge [sflag:s18], $0x1400  }
0x49: {  	[sflag:s18] =	ssyncset.done $0x0  }
0x4a: {  	[sflag:s18] =	ssyncadd.s32 $0xFFFFEC00  }
0x4b: {  	[spmem:s2] =	stream.indirect.scatter.add.f32 [tilespmem:s16], [sflag:$0x3], $0x28, s20, s14, $0xb8;
	[tilespmem:$0xDC00] =	vst v63  }
0x4c: {  	_ =	swait.ge [sflag:s12], $0x1400  }
0x4d: {  	s21 =	sadd.s32 $0x1, s21;
	[sflag:s12] =	ssyncset.done $0x0  }
0x4e: {  	p0 =	sne.s32 s21, s10;
	[sflag:s12] =	ssyncadd.s32 $0xFFFFEC00  }
.Ltmp1:
0x4f: {  	[bflag:$0x0] =	sbarrier.arrive $0xFFFF;
	(pc) =	sbr.rel @p0 .LBB2_1-.Ltmp1, $4  }
0x50: {  	[hbm:s9], [sflag:s6] =	dma.local [spmem:s11], $0xC80  }
0x51: {  	_ =	swait.ge [sflag:s12], $0xC80  }
0x52: {  	[sflag:s12] =	ssyncset.done $0x0  }
0x53: {  	[sflag:s12] =	ssyncadd.s32 $0xFFFFF380  }
0x54: {  	_ =	sfence.sel $0x180000  }
0x55: {  	[bflag:$0x0] =	sbarrier.arrive $0xFFFF  }
0x56: {  	p0 =	sne.s32 s0, $0x0;
	_ =	strace $0x90000056  }
0x57: {  	s0 =	sadd.s32 @!p0 $0x100000, s1;
	[bflag:$0x2] =	sbarrier.arrive $0xFFFF  }
0x58: {  	[sflag:s0] =	ssyncadd.tile.s32 @!p0 $0x1;
	_ =	shalt  }
.Lfunc_end2:
_tile_overlayer_lowered:
.L_overlay_start_2:
0x59: {  	(tag) =	ssettag $0x2  }
0x5a: {  	s0 =	rddreg [dreg:$0x0];
	s2 =	stileid.u32  }
0x5b: {  	s1 =	rddreg [dreg:$0x1];
	p0 =	sne.s32 s2, $0x0  }
0x5c: {  	s3 =	rddreg [dreg:$0x2];
	[bflag:$0x3] =	sbarrier.arrive $0xFFFF;
	s2 =	simm.s32 @!p0 $0x1C03  }
0x5d: {  	[timem:s3], [sflag:s2] =	dma.local @!p0 [hbm:s0], s1  }
0x5e: {  	s0 =	simm.s32 @!p0 $0x3  }
0x5f: {  	_ =	swait.ge @!p0 [sflag:s0], s1  }
0x60: {  	s1 =	ssub.s32 @!p0 $0x0, s1;
	[sflag:s0] =	ssyncset.done @!p0 $0x0  }
0x61: {  	[sflag:s0] =	ssyncadd.s32 @!p0 s1  }
0x62: {  	[bflag:$0x3] =	sbarrier.arrive $0xFFFF  }
0x63: {  	_ =	shalt  }

// kernel: kernel.32.cloned.1.call-start
scs
__scs_entry_jumppad:
0x0: {  	(pc) =	sbr.rel $0x88, $3  }
0x1: {  	(tag) =	ssettag $0x0;
	lr =	simm.s32 $0x1  }
0x2: {  	[smem:$0x3F94] =	sst lr;
	_ =	strace $0xD0000000  }
0x3: {  	_ = 	snop  }
0x4: {  	_ = 	snop  }
0x5: {  	_ = 	snop  }
0x6: {  	_ = 	snop  }
0x7: {  	_ = 	snop  }
__scs_overlays_trampoline_lowered:
0x8: {  	[smem:$0x3FA3] =	sst s0  }
0x9: {  	[smem:$0x3FA4] =	sst s1  }
0xa: {  	[smem:$0x3FA5] =	sst s2  }
0xb: {  	[smem:$0x3FA6] =	sst s3  }
0xc: {  	[smem:$0x3FA7] =	sst s4  }
0xd: {  	[smem:$0x3FA8] =	sst s5  }
0xe: {  	[smem:$0x3FA9] =	sst s6  }
0xf: {  	[smem:$0x3FAA] =	sst s7  }
0x10: {  	[smem:$0x3FAB] =	sst s8  }
0x11: {  	[smem:$0x3FAC] =	sst s9;
	s0 =	simm.s32 @!p0 $0x0  }
0x12: {  	s1 =	sld [smem:$0x3F92];
	s0 =	simm.s32 @p0 $0x1  }
0x13: {  	[smem:$0x3FAD] =	sst s0;
	s0 =	simm.s32 @!p1 $0x0  }
0x14: {  	s2 =	sld [smem:$0x3F91];
	s0 =	simm.s32 @p1 $0x1  }
0x15: {  	[smem:$0x3FAE] =	sst s0;
	s0 =	simm.s32 @!p2 $0x0  }
0x16: {  	s3 =	sld [smem:$0x3FDB];
	s0 =	simm.s32 @p2 $0x1  }
0x17: {  	s4 =	simm.s32 $0x1BF5;
	[smem:$0x3FB0] =	sst s0  }
0x18: {  	s0 =	sld [smem:$0x3F93];
	_ =	swait.ge [sflag:s4], $0x0  }
0x19: {  	s7 =	sld [smem:$0x3F94]  }
0x1a: {  	s8 =	sadd.s32 $0xFFFFE003, lr  }
0x1b: {  	s9 =	sadd.s32 $0xFFFFFEF7, lr;
	s5 =	simm.s32 $0xFFFFFFFF;
	p2 =	slt.u32 s8, $0xFFFFF086  }
0x1c: {  	p1 =	slt.u32 s9, $0xF7A;
	s5 =	simm.s32 @!p2 $0x0  }
0x1d: {  	s5 =	simm.s32 @p1 $0x1;
	p0 =	seq.s32 s7, s2  }
0x1e: {  	s7 =	smul.u32 @!p0 $0xF7A, s2;
	p2 =	seq.s32 @!p0 s5, $0x0  }
0x1f: {  	s9 =	smul.u32 $0xF7A, s1;
	s8 =	simm.s32 @!p0 $0x1BF5;
	p2 =	por !p2, p0  }
0x20: {  	[sflag:s8] =	ssyncset.s32 @!p0 $0xFFFFF086;
	s6 =	sadd.s32 @!p0 s3, s7;
	s7 =	simm.s32 @!p0 $0x108  }
0x21: {  	s3 =	sadd.s32 s3, s9;
	s6 =	sadd.s32 @!p0 $0x88, s6;
	s7 =	simm.s32 @p2 $0x1082  }
0x22: {  	[simem:s7], [sflag:s8] =	dma.local @!p0 [hbm:s6], $0xF7A  }
0x23: {  	s9 =	sor.u32 $0xD0000000, s2;
	s6 =	simm.s32 $0x108;
	_ =	swait.ge @!p0 [sflag:s8], $0x0  }
0x24: {  	s3 =	sadd.s32 $0x88, s3;
	s6 =	simm.s32 @!p1 $0x1082;
	[sflag:s4] =	ssyncset.s32 $0xFFFFF086  }
0x25: {  	[simem:s6], [sflag:s4] =	dma.local [hbm:s3], $0xF7A  }
0x26: {  	[smem:$0x3F94] =	sst s1;
	(tag) =	ssettag s2;
	_ =	strace s9  }
0x27: {  	s1 =	sld [smem:$0x3FA4]  }
0x28: {  	s2 =	sld [smem:$0x3FA5]  }
0x29: {  	s4 =	sld [smem:$0x3FA7]  }
0x2a: {  	p0 =	seq.s32 s5, $0x0;
	s5 =	sld [smem:$0x3FA8]  }
0x2b: {  	s6 =	sld [smem:$0x3FA9]  }
0x2c: {  	s7 =	sld [smem:$0x3FAA]  }
0x2d: {  	s3 =	simm.s32 $0x108;
	s8 =	sld [smem:$0x3FAB]  }
0x2e: {  	s3 =	simm.s32 @!p0 $0x1082;
	s9 =	sld [smem:$0x3FAC]  }
0x2f: {  	lr =	sadd.s32 s0, s3;
	s0 =	sld [smem:$0x3FA3]  }
0x30: {  	s3 =	sld [smem:$0x3FA6]  }
0x31: {  	[smem:$0x3FAF] =	sst s10  }
0x32: {  	s10 =	sld [smem:$0x3FAD];
	_ =	sdelay $0x3  }
0x33: {  	p0 =	seq.s32 s10, $0x1;
	s10 =	sld [smem:$0x3FAF];
	_ =	sdelay $0x3  }
0x34: {  	[smem:$0x3FAF] =	sst s10  }
0x35: {  	s10 =	sld [smem:$0x3FAE];
	_ =	sdelay $0x3  }
0x36: {  	p1 =	seq.s32 s10, $0x1;
	s10 =	sld [smem:$0x3FAF];
	_ =	sdelay $0x3  }
0x37: {  	[smem:$0x3FAF] =	sst s10  }
0x38: {  	s10 =	sld [smem:$0x3FB0]  }
0x39: {  	_ = 	snop;
	(pc) =	sbr.ind lr, $3  }
0x3a: {  	_ = 	snop  }
0x3b: {  	_ = 	snop  }
0x3c: {  	p2 =	seq.s32 s10, $0x1;
	s10 =	sld [smem:$0x3FAF]  }
0x3d: {  	_ =	shalt  }
0x3e: {  	_ =	shalt  }
0x3f: {  	_ =	shalt  }
0x40: {  	_ =	shalt  }
0x41: {  	_ =	shalt  }
0x42: {  	_ =	shalt  }
0x43: {  	_ =	shalt  }
0x44: {  	_ =	shalt  }
0x45: {  	_ =	shalt  }
0x46: {  	_ =	shalt  }
0x47: {  	_ =	shalt  }
0x48: {  	_ =	shalt  }
0x49: {  	_ =	shalt  }
0x4a: {  	_ =	shalt  }
0x4b: {  	_ =	shalt  }
0x4c: {  	_ =	shalt  }
0x4d: {  	_ =	shalt  }
0x4e: {  	_ =	shalt  }
0x4f: {  	_ =	shalt  }
0x50: {  	_ =	shalt  }
0x51: {  	_ =	shalt  }
0x52: {  	_ =	shalt  }
0x53: {  	_ =	shalt  }
0x54: {  	_ =	shalt  }
0x55: {  	_ =	shalt  }
0x56: {  	_ =	shalt  }
0x57: {  	_ =	shalt  }
0x58: {  	_ =	shalt  }
0x59: {  	_ =	shalt  }
0x5a: {  	_ =	shalt  }
0x5b: {  	_ =	shalt  }
0x5c: {  	_ =	shalt  }
0x5d: {  	_ =	shalt  }
0x5e: {  	_ =	shalt  }
0x5f: {  	_ =	shalt  }
0x60: {  	_ =	shalt  }
0x61: {  	_ =	shalt  }
0x62: {  	_ =	shalt  }
0x63: {  	_ =	shalt  }
0x64: {  	_ =	shalt  }
0x65: {  	_ =	shalt  }
0x66: {  	_ =	shalt  }
0x67: {  	_ =	shalt  }
0x68: {  	_ =	shalt  }
0x69: {  	_ =	shalt  }
0x6a: {  	_ =	shalt  }
0x6b: {  	_ =	shalt  }
0x6c: {  	_ =	shalt  }
0x6d: {  	_ =	shalt  }
0x6e: {  	_ =	shalt  }
0x6f: {  	_ =	shalt  }
0x70: {  	_ =	shalt  }
0x71: {  	_ =	shalt  }
0x72: {  	_ =	shalt  }
0x73: {  	_ =	shalt  }
0x74: {  	_ =	shalt  }
0x75: {  	_ =	shalt  }
0x76: {  	_ =	shalt  }
0x77: {  	_ =	shalt  }
0x78: {  	_ =	shalt  }
0x79: {  	_ =	shalt  }
0x7a: {  	_ =	shalt  }
0x7b: {  	_ =	shalt  }
0x7c: {  	_ =	shalt  }
0x7d: {  	_ =	shalt  }
0x7e: {  	_ =	shalt  }
0x7f: {  	_ =	shalt  }
0x80: {  	_ =	shalt  }
0x81: {  	_ =	shalt  }
0x82: {  	_ =	shalt  }
0x83: {  	_ =	shalt  }
0x84: {  	_ =	shalt  }
0x85: {  	_ =	shalt  }
0x86: {  	_ =	shalt  }
0x87: {  	_ =	shalt  }
.Lfunc_end0:
.L_simem_size_0:
called_computation.6_lowered:
.L_overlay_start_0:
0x88: {  	s2 =	sld [smem:$0x3FD9]  }
0x89: {  	s3 =	sld [smem:$0x3FFE];
	_ =	sdelay $0x1  }
0x8a: {  	s1 =	srdreg.scid  }
0x8b: {  	s0 =	sand.u32 $0x1, s1  }
0x8c: {  	s16 =	sshll.u32 s0, $0xA;
	s2 =	sadd.s32 s3, s2  }
0x8d: {  	s2 =	sadd.s32 s2, s16  }
0x8e: {  	[smem:$0x3FBB] =	sst s2  }
0x8f: {  	_ = 	snop  }
0x90: {  	(tm) =	ssettm $0x1  }
0x91: {  	s17 =	sld [smem:$0x3FFB];
	_ =	sdelay $0x3  }
0x92: {  	_ =	strace s17  }
0x93: {  	s2 =	sld [smem:$0x3FFC];
	_ =	sdelay $0x3  }
0x94: {  	_ =	strace s2  }
0x95: {  	s2 =	sld [smem:$0x3FFD];
	_ =	sdelay $0x3  }
0x96: {  	_ =	strace s2  }
0x97: {  	_ =	strace $0x8FFFFFFF  }
0x98: {  	s18 =	sld [smem:$0x3FDB];
	_ =	sdelay $0x1  }
0x99: {  	s19 =	simm.s32 $_scs_section_size  }
0x9a: {  	s4 =	simm.s32 $_size__tile_overlayer_lowered;
	s5 =	simm.s32 $_tile_overlayer_lowered  }
0x9b: {  	s22 =	simm.s32 $0x1BFF;
	s21 =	sshll.u32 s5, $0x1;
	s2 =	sadd.s32 s19, s18  }
0x9c: {  	s6 =	simm.s32 $0x0;
	s20 =	sshll.u32 s4, $0x1;
	s4 =	sadd.s32 s21, s2  }
0x9d: {  	[timem:s6], [sflag:s22] =	dma.local [hbm:s4], s20  }
0x9e: {  	_ =	swait.ge [sflag:s22], s20  }
0x9f: {  	s3 =	ssub.s32 $0x0, s20;
	[sflag:s22] =	ssyncset.done $0x0  }
0xa0: {  	[sflag:s22] =	ssyncadd.s32 s3;
	_ =	sdelay $0x1  }
0xa1: {  	s23 =	simm.s32 $0x1B8B  }
0xa2: {  	_ =	swait.ge [sflag:s23], $0x1  }
0xa3: {  	[sflag:s23] =	ssyncset.done $0x0  }
0xa4: {  	s25 =	simm.s32 $0x1B8E;
	s24 =	sld [smem:$0x3FFE];
	[sflag:s23] =	ssyncadd.s32 $0xFFFFFFFF  }
0xa5: {  	s26 =	simm.s32 $execute0_lowered;
	[smem:$0x3FD2] =	sst s25  }
0xa6: {  	s4 =	sshll.u32 s26, $0x1;
	_ =	strace $0x80000058;
	[dreg:$0x1] =	wrdreg $0xFFFFFFFF  }
0xa7: {  	s28 =	simm.s32 $_size_execute0_lowered;
	s2 =	sadd.s32 s2, s4;
	[dreg:$0x0] =	wrdreg $0x0  }
0xa8: {  	s4 =	sshll.u32 s28, $0x1;
	[dreg:$0x2] =	wrdreg s2  }
0xa9: {  	[dreg:$0x3] =	wrdreg s4  }
0xaa: {  	[dreg:$0x4] =	wrdreg $0xC0  }
0xab: {  	_ =	task [dreg:s6], $0x5FFFF  }
0xac: {  	[dreg:$0x1] =	wrdreg $0xFFFFFFFF  }
0xad: {  	[dreg:$0x0] =	wrdreg $0x60  }
0xae: {  	[dreg:$0x2] =	wrdreg s24  }
0xaf: {  	[dreg:$0x3] =	wrdreg $0x78000  }
0xb0: {  	[dreg:$0x4] =	wrdreg $0x9  }
0xb1: {  	_ =	task.clear_ibuf [dreg:s6], $0x5FFFF;
	_ =	strace $0x90000058  }
0xb2: {  	s29 =	simm.s32 $0x9;
	_ =	strace $0x8000005A  }
0xb3: {  	_ =	swait.ge [sflag:s29], $0x1  }
0xb4: {  	[sflag:s29] =	ssyncadd.s32 $0xFFFFFFFF  }
0xb5: {  	_ =	strace $0x9000005A  }
0xb6: {  	_ =	sfence  }
0xb7: {  	s30 =	sld [smem:$0x0];
	_ =	sdelay $0x2  }
0xb8: {  	s31 =	sshll.u32 s1, $0xD;
	s1 =	sshrl.u32 s1, $0x2  }
0xb9: {  	s3 =	sand.u32 $0x4000, s31;
	s1 =	sadd.s32 s1, s30  }
0xba: {  	s0 =	sor.u32 s3, s0;
	s1 =	sshll.u32 s1, $0x11  }
0xbb: {  	s0 =	sor.u32 s1, s0  }
0xbc: {  	s0 =	sadd.s32 $0x8F2B, s0  }
0xbd: {  	[sflag:s0] =	ssyncadd.remote.s32 $0x1  }
0xbe: {  	_ =	sfence.sel $0xFFFF  }
0xbf: {  	[dreg:$0x0] =	wrdreg $0xFFFFFFFF;
	(pc) =	sbr.abs _section_cstart, $3  }
0xc0: {  	[dreg:$0x1] =	wrdreg $0xFFFFFFFF  }
0xc1: {  	_ =	task.clear_ibuf [dreg:s6], $0x2FFFF;
	_ =	strace $0x9FFFFFFF  }
0xc2: {  	(tm) =	ssettm $0x7FFFFFFF  }
0xc3: {  	_ =	shalt  }
tec
execute0_lowered:
.L_overlay_start_1:
0x0: {  	(tag) =	ssettag $0x1  }
0x1: {  	s6 =	rddreg [dreg:$0x0]  }
0x2: {  	s0 =	srdreg.scid;
	s2 =	rddreg [dreg:$0x1];
	s3 =	simm.s32 $0x0  }
0x3: {  	s14 =	simm.s32 $0x80;
	s15 =	simm.s32 $0x5000;
	s16 =	simm.s32 $0x6400  }
0x4: {  	s17 =	simm.s32 $0x1;
	s18 =	simm.s32 $0x2;
	s19 =	simm.s32 $0x4F00  }
0x5: {  	s20 =	simm.s32 $0x4F80;
	s5 =	sand.u32 $0x1, s0;
	s0 =	stileid.u32  }
0x6: {  	s21 =	simm.s32 $0x0;
	[smem:$0x7FF] =	sst s3;
	s7 =	smul.u32 $0x6400, s0  }
0x7: {  	s1 =	sshll.u32 s5, $0x4;
	s8 =	smul.u32 $0x64000, s5;
	s5 =	ssub.s32 $0x2, s5  }
0x8: {  	s31 =	sshll.u32 s0, $0x6;
	s1 =	sor.u32 s0, s1;
	s11 =	sshrl.u32 s5, $0x1  }
0x9: {  	s4 =	smul.u32 $0x500, s1;
	s1 =	rddreg [dreg:$0x2];
	_ =	strace $0x80000059  }
0xa: {  	s10 =	sshrl.u32 s7, $0x3;
	s8 =	sadd.s32 s7, s8;
	s11 =	ssub.s32 s5, s11  }
0xb: {  	s13 =	sadd.s32 s7, s2;
	s10 =	sadd.s32 s10, s6;
	s8 =	sshrl.u32 s8, $0x3  }
0xc: {  	s9 =	sadd.s32 s4, s6;
	s4 =	sadd.s32 $0x73000, s6;
	s12 =	sadd.s32 s8, s6  }
0xd: {  	s5 =	sadd.s32 $0xA7800, s10;
	s6 =	sor.u32 $0x1C03, s31;
	s10 =	smax.u32 s11, $0x1  }
0xe: {  	s11 =	sshrl.u32 s13, $0x3;
	s13 =	simm.s32 $0x2800;
	s7 =	sadd.s32 $0x19000, s9  }
0xf: {  	s8 =	sadd.s32 $0xF000, s9;
	s9 =	sadd.s32 $0x7F800, s12;
	s12 =	simm.s32 $0x3  }
.LBB2_1:
0x10: {  	[spmem:s11], [sflag:s6] =	dma.local [hbm:s5], $0xC80  }
0x11: {  	_ =	swait.ge [sflag:s12], $0xC80  }
0x12: {  	[sflag:s12] =	ssyncset.done $0x0  }
0x13: {  	[sflag:s12] =	ssyncadd.s32 $0xFFFFF380  }
0x14: {  	[bflag:$0x0] =	sbarrier.arrive $0xFFFF  }
0x15: {  	[tilespmem:s3], [sflag:$0x3] =	stream.linear.gather [hbm4b:s7+s3], $0x2800, $0x38;
	[tilespmem:$0xDC00] =	vst v63  }
0x16: {  	_ =	swait.ge [sflag:s12], $0x2800  }
0x17: {  	[sflag:s12] =	ssyncset.done $0x0  }
0x18: {  	[sflag:s12] =	ssyncadd.s32 $0xFFFFD800  }
0x19: {  	[tilespmem:s13], [sflag:$0x3] =	stream.linear.gather [hbm4b:s8+s3], $0x2800, $0x38;
	[tilespmem:$0xDC00] =	vst v63  }
0x1a: {  	_ =	swait.ge [sflag:s12], $0x2800  }
0x1b: {  	[sflag:s12] =	ssyncset.done $0x0  }
0x1c: {  	[sflag:s12] =	ssyncadd.s32 $0xFFFFD800  }
0x1d: {  	[tilespmem:s15], [sflag:$0x1] =	stream.indirect.gather [hbm4b:s4+s14], $0x28, s3, s14, $0xb8;
	[tilespmem:$0xDC00] =	vst v63  }
0x1e: {  	_ = 	snop  }
0x1f: {  	[tilespmem:s16], [sflag:$0x2] =	stream.indirect.gather [hbm4b:s4+s14], $0x28, s14, s14, $0xb8;
	[tilespmem:$0xDC00] =	vst v63  }
0x20: {  	_ =	swait.ge [sflag:s17], $0x1400  }
0x21: {  	[sflag:s17] =	ssyncset.done $0x0  }
0x22: {  	s22 =	simm.s32 $0x2800;
	[sflag:s17] =	ssyncadd.s32 $0xFFFFEC00  }
0x23: {  	[spmem:s2] =	stream.indirect.scatter.add.f32 [tilespmem:s15], [sflag:$0x3], $0x28, s22, s14, $0xb8;
	[tilespmem:$0xDC00] =	vst v63  }
0x24: {  	_ =	swait.ge [sflag:s12], $0x1400  }
0x25: {  	[sflag:s12] =	ssyncset.done $0x0  }
0x26: {  	s30 =	simm.s32 $0x100;
	[sflag:s12] =	ssyncadd.s32 $0xFFFFEC00  }
0x27: {  	[tilespmem:s15], [sflag:$0x1] =	stream.indirect.gather [hbm4b:s4+s14], $0x28, s30, s14, $0xb8;
	[tilespmem:$0xDC00] =	vst v63  }
0x28: {  	_ =	swait.ge [sflag:s18], $0x1400  }
0x29: {  	[sflag:s18] =	ssyncset.done $0x0  }
0x2a: {  	s31 =	simm.s32 $0x2880;
	[sflag:s18] =	ssyncadd.s32 $0xFFFFEC00  }
0x2b: {  	[spmem:s2] =	stream.indirect.scatter.add.f32 [tilespmem:s16], [sflag:$0x3], $0x28, s31, s14, $0xb8;
	[tilespmem:$0xDC00] =	vst v63  }
0x2c: {  	_ =	swait.ge [sflag:s12], $0x1400  }
0x2d: {  	[sflag:s12] =	ssyncset.done $0x0  }
0x2e: {  	s23 =	simm.s32 $0x180;
	s22 =	simm.s32 $0x400;
	[sflag:s12] =	ssyncadd.s32 $0xFFFFEC00  }
.LBB2_2:
0x2f: {  	[tilespmem:s16], [sflag:$0x2] =	stream.indirect.gather [hbm4b:s4+s14], $0x28, s23, s14, $0xb8;
	[tilespmem:$0xDC00] =	vst v63  }
0x30: {  	s23 =	smov.u32 s22  }
0x31: {  	p0 =	sne.s32 s22, $0x9800;
	s22 =	sadd.s32 $0x400, s22;
	_ =	swait.ge [sflag:s17], $0x1400  }
0x32: {  	s23 =	sshra.s32 s23, $0x2;
	[sflag:s17] =	ssyncset.done $0x0  }
0x33: {  	s24 =	sadd.s32 $0x2800, s23;
	[sflag:s17] =	ssyncadd.s32 $0xFFFFEC00  }
0x34: {  	[spmem:s2] =	stream.indirect.scatter.add.f32 [tilespmem:s15], [sflag:$0x3], $0x28, s24, s14, $0xb8;
	[tilespmem:$0xDC00] =	vst v63  }
0x35: {  	_ =	swait.ge [sflag:s12], $0x1400  }
0x36: {  	[sflag:s12] =	ssyncset.done $0x0  }
0x37: {  	s24 =	sadd.s32 $0x100, s23;
	[sflag:s12] =	ssyncadd.s32 $0xFFFFEC00  }
0x38: {  	[tilespmem:s15], [sflag:$0x1] =	stream.indirect.gather [hbm4b:s4+s14], $0x28, s24, s14, $0xb8;
	[tilespmem:$0xDC00] =	vst v63  }
0x39: {  	_ =	swait.ge [sflag:s18], $0x1400  }
0x3a: {  	[sflag:s18] =	ssyncset.done $0x0  }
.Ltmp0:
0x3b: {  	s24 =	sadd.s32 $0x2880, s23;
	[sflag:s18] =	ssyncadd.s32 $0xFFFFEC00;
	(pc) =	sbr.rel @p0 .LBB2_2-.Ltmp0, $4  }
0x3c: {  	[spmem:s2] =	stream.indirect.scatter.add.f32 [tilespmem:s16], [sflag:$0x3], $0x28, s24, s14, $0xb8;
	[tilespmem:$0xDC00] =	vst v63  }
0x3d: {  	_ =	swait.ge [sflag:s12], $0x1400  }
0x3e: {  	[sflag:s12] =	ssyncset.done $0x0  }
0x3f: {  	s23 =	sadd.s32 $0x180, s23;
	[sflag:s12] =	ssyncadd.s32 $0xFFFFEC00  }
0x40: {  	[tilespmem:s16], [sflag:$0x2] =	stream.indirect.gather [hbm4b:s4+s14], $0x28, s23, s14, $0xb8;
	[tilespmem:$0xDC00] =	vst v63  }
0x41: {  	_ =	swait.ge [sflag:s17], $0x1400  }
0x42: {  	[sflag:s17] =	ssyncset.done $0x0  }
0x43: {  	[sflag:s17] =	ssyncadd.s32 $0xFFFFEC00  }
0x44: {  	[spmem:s2] =	stream.indirect.scatter.add.f32 [tilespmem:s15], [sflag:$0x3], $0x28, s19, s14, $0xb8;
	[tilespmem:$0xDC00] =	vst v63  }
0x45: {  	_ =	swait.ge [sflag:s12], $0x1400  }
0x46: {  	[sflag:s12] =	ssyncset.done $0x0  }
0x47: {  	[sflag:s12] =	ssyncadd.s32 $0xFFFFEC00  }
0x48: {  	_ =	swait.ge [sflag:s18], $0x1400  }
0x49: {  	[sflag:s18] =	ssyncset.done $0x0  }
0x4a: {  	[sflag:s18] =	ssyncadd.s32 $0xFFFFEC00  }
0x4b: {  	[spmem:s2] =	stream.indirect.scatter.add.f32 [tilespmem:s16], [sflag:$0x3], $0x28, s20, s14, $0xb8;
	[tilespmem:$0xDC00] =	vst v63  }
0x4c: {  	_ =	swait.ge [sflag:s12], $0x1400  }
0x4d: {  	s21 =	sadd.s32 $0x1, s21;
	[sflag:s12] =	ssyncset.done $0x0  }
0x4e: {  	p0 =	sne.s32 s21, s10;
	[sflag:s12] =	ssyncadd.s32 $0xFFFFEC00  }
.Ltmp1:
0x4f: {  	[bflag:$0x0] =	sbarrier.arrive $0xFFFF;
	(pc) =	sbr.rel @p0 .LBB2_1-.Ltmp1, $4  }
0x50: {  	[hbm:s9], [sflag:s6] =	dma.local [spmem:s11], $0xC80  }
0x51: {  	_ =	swait.ge [sflag:s12], $0xC80  }
0x52: {  	[sflag:s12] =	ssyncset.done $0x0  }
0x53: {  	[sflag:s12] =	ssyncadd.s32 $0xFFFFF380  }
0x54: {  	_ =	sfence.sel $0x180000  }
0x55: {  	[bflag:$0x0] =	sbarrier.arrive $0xFFFF  }
0x56: {  	p0 =	sne.s32 s0, $0x0;
	_ =	strace $0x90000059  }
0x57: {  	s0 =	sadd.s32 @!p0 $0x100000, s1;
	[bflag:$0x2] =	sbarrier.arrive $0xFFFF  }
0x58: {  	[sflag:s0] =	ssyncadd.tile.s32 @!p0 $0x1;
	_ =	shalt  }
.Lfunc_end2:
_tile_overlayer_lowered:
.L_overlay_start_2:
0x59: {  	(tag) =	ssettag $0x2  }
0x5a: {  	s0 =	rddreg [dreg:$0x0];
	s2 =	stileid.u32  }
0x5b: {  	s1 =	rddreg [dreg:$0x1];
	p0 =	sne.s32 s2, $0x0  }
0x5c: {  	s3 =	rddreg [dreg:$0x2];
	[bflag:$0x3] =	sbarrier.arrive $0xFFFF;
	s2 =	simm.s32 @!p0 $0x1C03  }
0x5d: {  	[timem:s3], [sflag:s2] =	dma.local @!p0 [hbm:s0], s1  }
0x5e: {  	s0 =	simm.s32 @!p0 $0x3  }
0x5f: {  	_ =	swait.ge @!p0 [sflag:s0], s1  }
0x60: {  	s1 =	ssub.s32 @!p0 $0x0, s1;
	[sflag:s0] =	ssyncset.done @!p0 $0x0  }
0x61: {  	[sflag:s0] =	ssyncadd.s32 @!p0 s1  }
0x62: {  	[bflag:$0x3] =	sbarrier.arrive $0xFFFF  }
0x63: {  	_ =	shalt  }

</sc_bundles>
